<compile_context>
chip_gen: v7x
topology: tpu7x:2x2x1
jax: 0.10.2.dev20260603
libtpu: 0.0.44.dev20260713+nightly
codegen_flags: <defaults>
</compile_context>

<pallas_src>
import jax
import jax.numpy as jnp
from jax import lax
from jax.experimental import pallas as pl
from jax.experimental.pallas import tpu as pltpu
from jax.experimental.pallas import tpu_sc as plsc

N_NODES = 10000
N_EDGES = 320000
D = 128

NC = 2
NS = 16
NW = NC * NS
K = 128
CHUNK = 32
S0 = 128
S1 = 32
NCHUNK0 = S0 // CHUNK
NCHUNK1 = S1 // CHUNK
ROWS = NS * (S0 + S1)
E_PAD = ROWS * K
N_ACC = 10112
RPT = N_ACC // NS

ROW_BLK = 1000
DEG_BLK = 3200
DEG_Q = 80



def _make_sc_agg(s0, s1):
    two = s1 > 0
    nout = 2 if two else 1
    nchunk0 = s0 // CHUNK

    def body(table, srcs, dsts, zrows, out_acc,
             acc_sh, src_a, dst_b, rows0, rows1,
             isem, sem0, sem1, dsem0, dsem1):
        c = lax.axis_index("c")
        s = lax.axis_index("s")

        if two:
            base = jnp.where(c == 0, s * s0, NS * s0 + s * s1)
            nchunk = jnp.where(c == 0, nchunk0, s1 // CHUNK)
        else:
            base = s * s0
            nchunk = nchunk0

        def work():
            pltpu.sync_copy(zrows.at[pl.ds(s * RPT, RPT)],
                            acc_sh.at[pl.ds(s * RPT, RPT)])
            plsc.subcore_barrier()

            for ch in range(nchunk0):
                @pl.when(ch < nchunk)
                def _():
                    off = base + ch * CHUNK
                    pltpu.async_copy(srcs.at[pl.ds(off, CHUNK)], src_a, isem)
                    pltpu.make_async_copy(srcs.at[pl.ds(off, CHUNK)], src_a,
                                          isem).wait()

                    pltpu.async_copy(table.at[src_a.at[0]], rows0, sem0)
                    pltpu.async_copy(dsts.at[off], dst_b.at[0], dsem0)

                    def step2(g, carry):
                        i0 = g * 2
                        pltpu.async_copy(table.at[src_a.at[i0 + 1]], rows1,
                                         sem1)
                        pltpu.async_copy(dsts.at[off + i0 + 1], dst_b.at[1],
                                         dsem1)
                        pltpu.make_async_copy(table.at[src_a.at[i0]], rows0,
                                              sem0).wait()
                        pltpu.make_async_copy(dsts.at[off], dst_b.at[0],
                                              dsem0).wait()
                        pltpu.sync_copy(rows0, acc_sh.at[dst_b.at[0]],
                                        add=True)

                        @pl.when(g + 1 < CHUNK // 2)
                        def _():
                            pltpu.async_copy(table.at[src_a.at[i0 + 2]],
                                             rows0, sem0)
                            pltpu.async_copy(dsts.at[off + i0 + 2],
                                             dst_b.at[0], dsem0)

                        pltpu.make_async_copy(table.at[src_a.at[i0 + 1]],
                                              rows1, sem1).wait()
                        pltpu.make_async_copy(dsts.at[off], dst_b.at[1],
                                              dsem1).wait()
                        pltpu.sync_copy(rows1, acc_sh.at[dst_b.at[1]],
                                        add=True)
                        return carry

                    lax.fori_loop(0, CHUNK // 2, step2, 0)

            plsc.subcore_barrier()

            oc = c if two else 0
            pltpu.sync_copy(acc_sh.at[pl.ds(s * RPT, RPT)],
                            out_acc.at[oc, pl.ds(s * RPT, RPT)])

        if two:
            work()
        else:
            @pl.when(c == 0)
            def _():
                work()

    mesh = plsc.VectorSubcoreMesh(core_axis_name="c", subcore_axis_name="s",
                                  num_cores=NC)
    return pl.kernel(
        body,
        out_type=jax.ShapeDtypeStruct((nout, N_ACC, D), jnp.float32),
        mesh=mesh,
        scratch_types=[
            pltpu.VMEM_SHARED((N_ACC, D), jnp.float32),
            pltpu.VMEM((CHUNK, K), jnp.int32),
            pltpu.VMEM((2, K), jnp.int32),
            pltpu.VMEM((K, D), jnp.float32),
            pltpu.VMEM((K, D), jnp.float32),
        ] + [pltpu.SemaphoreType.DMA] * 5,
    )



def _deg_body(dst_ref, inv_ref):
    i = pl.program_id(0)
    d = dst_ref[0, 0, :]
    q = jax.lax.shift_right_logical(d, 7)
    r = jax.lax.bitwise_and(d, 127)
    qcols = jax.lax.broadcasted_iota(jnp.int32, (DEG_BLK, DEG_Q), 1)
    rcols = jax.lax.broadcasted_iota(jnp.int32, (DEG_BLK, D), 1)
    conehot = (q[:, None] == qcols).astype(jnp.float32)
    ronehot = (r[:, None] == rcols).astype(jnp.float32)
    partial = jax.lax.dot_general(
        conehot, ronehot, (((0,), (0,)), ((), ())),
        preferred_element_type=jnp.float32)

    @pl.when(i == 0)
    def _():
        inv_ref[...] = jnp.zeros_like(inv_ref)

    inv_ref[...] += partial

    @pl.when(i == pl.num_programs(0) - 1)
    def _():
        inv_ref[...] = 1.0 / jnp.maximum(inv_ref[...], 1.0)


def _tc_inv_deg(dst):
    dst3 = dst.reshape(N_EDGES // DEG_BLK, 1, DEG_BLK)
    return pl.pallas_call(
        _deg_body,
        grid=(N_EDGES // DEG_BLK,),
        in_specs=[pl.BlockSpec((1, 1, DEG_BLK), lambda i: (i, 0, 0))],
        out_specs=pl.BlockSpec((DEG_Q, D), lambda i: (0, 0)),
        out_shape=jax.ShapeDtypeStruct((DEG_Q, D), jnp.float32),
    )(dst3)


def _mm2_body(x_ref, wl_ref, wr_ref, y_ref, z_ref):
    x = x_ref[...]
    y_ref[...] = jnp.dot(x, wl_ref[...], preferred_element_type=jnp.float32)
    z_ref[...] = jnp.dot(x, wr_ref[...], preferred_element_type=jnp.float32)


def _tc_dual_matmul(x, wl, wr):
    return pl.pallas_call(
        _mm2_body,
        grid=(N_NODES // ROW_BLK,),
        in_specs=[
            pl.BlockSpec((ROW_BLK, D), lambda i: (i, 0)),
            pl.BlockSpec((D, D), lambda i: (0, 0)),
            pl.BlockSpec((D, D), lambda i: (0, 0)),
        ],
        out_specs=[
            pl.BlockSpec((ROW_BLK, D), lambda i: (i, 0)),
            pl.BlockSpec((ROW_BLK, D), lambda i: (i, 0)),
        ],
        out_shape=[
            jax.ShapeDtypeStruct((N_NODES, D), jnp.float32),
            jax.ShapeDtypeStruct((N_NODES, D), jnp.float32),
        ],
    )(x, wl, wr)


def _combine1_body(acc_ref, inv_ref, z_ref, b_ref, wl_ref, wr_ref,
                   y2_ref, z2_ref):
    agg = jnp.sum(acc_ref[...], axis=0)
    inv = inv_ref[...]
    h = jnp.maximum(agg * inv + z_ref[...] + b_ref[...], 0.0)
    y2_ref[...] = jnp.dot(h, wl_ref[...], preferred_element_type=jnp.float32)
    z2_ref[...] = jnp.dot(h, wr_ref[...], preferred_element_type=jnp.float32)


def _tc_combine1(acc, inv, z1, b1, wl2, wr2):
    return pl.pallas_call(
        _combine1_body,
        grid=(N_NODES // ROW_BLK,),
        in_specs=[
            pl.BlockSpec((NC, ROW_BLK, D), lambda i: (0, i, 0)),
            pl.BlockSpec((ROW_BLK, 1), lambda i: (i, 0)),
            pl.BlockSpec((ROW_BLK, D), lambda i: (i, 0)),
            pl.BlockSpec((1, D), lambda i: (0, 0)),
            pl.BlockSpec((D, D), lambda i: (0, 0)),
            pl.BlockSpec((D, D), lambda i: (0, 0)),
        ],
        out_specs=[
            pl.BlockSpec((ROW_BLK, D), lambda i: (i, 0)),
            pl.BlockSpec((ROW_BLK, D), lambda i: (i, 0)),
        ],
        out_shape=[
            jax.ShapeDtypeStruct((N_NODES, D), jnp.float32),
            jax.ShapeDtypeStruct((N_NODES, D), jnp.float32),
        ],
    )(acc, inv, z1, b1, wl2, wr2)


def _combine2_body(acc_ref, inv_ref, z_ref, b_ref, out_ref):
    agg = jnp.sum(acc_ref[...], axis=0)
    out_ref[...] = agg * inv_ref[...] + z_ref[...] + b_ref[...]


def _tc_combine2(acc, inv, z2, b2):
    return pl.pallas_call(
        _combine2_body,
        grid=(N_NODES // ROW_BLK,),
        in_specs=[
            pl.BlockSpec((NC, ROW_BLK, D), lambda i: (0, i, 0)),
            pl.BlockSpec((ROW_BLK, 1), lambda i: (i, 0)),
            pl.BlockSpec((ROW_BLK, D), lambda i: (i, 0)),
            pl.BlockSpec((1, D), lambda i: (0, 0)),
        ],
        out_specs=pl.BlockSpec((ROW_BLK, D), lambda i: (i, 0)),
        out_shape=jax.ShapeDtypeStruct((N_NODES, D), jnp.float32),
    )(acc, inv, z2, b2)



def kernel(x, edge_index, W_l1, W_r1, b1, W_l2, W_r2, b2):
    ei = edge_index.astype(jnp.int32)
    pad = E_PAD - N_EDGES
    src_p = jnp.concatenate(
        [ei[0], jnp.zeros((pad,), jnp.int32)]).reshape(ROWS, K)
    dst_p = jnp.concatenate(
        [ei[1], jnp.full((pad,), N_NODES, jnp.int32)]).reshape(ROWS, K)

    inv = _tc_inv_deg(ei[1]).reshape(-1)[:N_NODES].reshape(N_NODES, 1)

    zrows = jnp.zeros((N_ACC, D), jnp.float32)
    y1, z1 = _tc_dual_matmul(x, W_l1, W_r1)
    acc1 = _make_sc_agg(S0, S1)(y1, src_p, dst_p, zrows)
    y2, z2 = _tc_combine1(acc1, inv, z1, b1.reshape(1, D), W_l2, W_r2)
    acc2 = _make_sc_agg(S0, S1)(y2, src_p, dst_p, zrows)
    return _tc_combine2(acc2, inv, z2, b2.reshape(1, D))

# --- scband reference (transcript-rebuilt; emitter-appended) ---
"""Pipeline reference for scband-gnnencoder-46703474376723 (READ-ONLY COPY).

The authoritative reference and input builder live on the scoring server;
editing this copy changes nothing except your own understanding.
"""

import jax, jax.numpy as jnp
import numpy as np

N_NODES = 10000
N_EDGES = 320000
D_IN = 128
D_HID = 128
D_OUT = 128


def setup_inputs(seed: int = 0) -> dict:
    key = jax.random.key(seed)
    ks = jax.random.split(key, 8)
    x = jax.random.normal(ks[0], (N_NODES, D_IN), dtype=jnp.float32)
    edge_index = jax.random.randint(ks[1], (2, N_EDGES), 0, N_NODES, dtype=jnp.int64)
    s1 = 1.0 / np.sqrt(D_IN)
    s2 = 1.0 / np.sqrt(D_HID)
    W_l1 = jax.random.uniform(ks[2], (D_IN, D_HID), jnp.float32, -s1, s1)
    W_r1 = jax.random.uniform(ks[3], (D_IN, D_HID), jnp.float32, -s1, s1)
    b1 = jnp.zeros((D_HID,), jnp.float32)
    W_l2 = jax.random.uniform(ks[4], (D_HID, D_OUT), jnp.float32, -s2, s2)
    W_r2 = jax.random.uniform(ks[5], (D_HID, D_OUT), jnp.float32, -s2, s2)
    b2 = jnp.zeros((D_OUT,), jnp.float32)
    return {"x": x, "edge_index": edge_index, "W_l1": W_l1, "W_r1": W_r1, "b1": b1,
            "W_l2": W_l2, "W_r2": W_r2, "b2": b2}


def _sage_conv(x, edge_index, W_l, W_r, b):
    # PyG SAGEConv with mean aggregation:
    # out = lin_l(mean_{j in N(i)} x_j) + lin_r(x_i)
    src = edge_index[0]
    dst = edge_index[1]
    msgs = jnp.take(x, src, axis=0)                      # gather (SparseCore)
    agg = jax.ops.segment_sum(msgs, dst, num_segments=N_NODES)   # scatter-add
    deg = jax.ops.segment_sum(jnp.ones((edge_index.shape[1],), x.dtype), dst,
                              num_segments=N_NODES)
    agg = agg / jnp.clip(deg, 1.0, None)[:, None]        # mean aggregation
    return agg @ W_l + b + x @ W_r


def reference(x, edge_index, W_l1, W_r1, b1, W_l2, W_r2, b2):
    h = _sage_conv(x, edge_index, W_l1, W_r1, b1)
    h = jax.nn.relu(h)
    # dropout is identity at inference (eval mode)
    out = _sage_conv(h, edge_index, W_l2, W_r2, b2)
    return out

if __name__ == "__main__":
    import jax
    _d = setup_inputs()
    print(jax.jit(kernel)(*tuple(_d.values())))

</pallas_src>

<mosaic_0001>
#map = affine_map<(d0, d1) -> (0, 0)>
#map1 = affine_map<(d0, d1) -> (0, 0, 0)>
module attributes {stable_mosaic.version = 14 : i64} {
  func.func @body(%arg0: i32, %arg1: i32, %arg2: memref<10000x128xf32, #tpu.memory_space<hbm>>, %arg3: memref<2560x128xi32, #tpu.memory_space<hbm>>, %arg4: memref<2560x128xi32, #tpu.memory_space<hbm>>, %arg5: memref<10112x128xf32, #tpu.memory_space<hbm>>, %arg6: memref<2x10112x128xf32, #tpu.memory_space<hbm>>, %arg7: memref<10112x128xf32, #tpu.memory_space<vmem_shared>>, %arg8: memref<32x128xi32, #tpu.memory_space<vmem>>, %arg9: memref<2x128xi32, #tpu.memory_space<vmem>>, %arg10: memref<128x128xf32, #tpu.memory_space<vmem>>, %arg11: memref<128x128xf32, #tpu.memory_space<vmem>>, %arg12: memref<!tpu.dma_semaphore, #tpu.memory_space<semaphore_mem>>, %arg13: memref<!tpu.dma_semaphore, #tpu.memory_space<semaphore_mem>>, %arg14: memref<!tpu.dma_semaphore, #tpu.memory_space<semaphore_mem>>, %arg15: memref<!tpu.dma_semaphore, #tpu.memory_space<semaphore_mem>>, %arg16: memref<!tpu.dma_semaphore, #tpu.memory_space<semaphore_mem>>) attributes {dimension_semantics = [#tpu.dimension_semantics<core_parallel>, #tpu.dimension_semantics<subcore_parallel>], iteration_bounds = array<i64: 2, 16>, scalar_prefetch = 0 : i64, scratch_operands = 10 : i64, tpu.core_type = #tpu.core_type<sc_vector_subcore>, window_params = [{transform_indices = #map}, {transform_indices = #map}, {transform_indices = #map}, {transform_indices = #map}, {transform_indices = #map1}]} {
    %eq3A = arith.constant 0 : i32
    %eq3A_0 = arith.cmpi eq, %arg0, %eq3A : i32
    %mul3A = arith.constant 128 : i32
    %mul3A_1 = arith.muli %arg1, %mul3A : i32
    %mul3A_2 = arith.constant 32 : i32
    %mul3A_3 = arith.muli %arg1, %mul3A_2 : i32
    %add3A = arith.constant 2048 : i32
    %add3A_4 = arith.addi %add3A, %mul3A_3 : i32
    %select_n3A = arith.select %eq3A_0, %mul3A_1, %add3A_4 : i32
    %eq3A_5 = arith.constant 0 : i32
    %eq3A_6 = arith.cmpi eq, %arg0, %eq3A_5 : i32
    %jit3A = arith.constant 4 : i32
    %jit3A_7 = arith.constant 1 : i32
    %select_n3A_8 = arith.select %eq3A_6, %jit3A, %jit3A_7 : i32
    %mul3A_9 = arith.constant 632 : i32
    %mul3A_10 = arith.muli %arg1, %mul3A_9 : i32
    %mul3A_11 = arith.constant 632 : i32
    %mul3A_12 = arith.muli %arg1, %mul3A_11 : i32
    "tpu.region"() ({
      %run_scoped3A = tpu.sem_alloc : memref<!tpu.dma_semaphore, #tpu.memory_space<semaphore_mem>>
      %dma_start3A = arith.constant 0 : i32
      %dma_start3A_35 = tpu.memref_slice %arg7[%mul3A_12, %dma_start3A] : memref<10112x128xf32, #tpu.memory_space<vmem_shared>> -> memref<632x128xf32, #tpu.memory_space<vmem_shared>>
      %dma_start3A_36 = arith.constant 0 : i32
      %dma_start3A_37 = tpu.memref_slice %arg5[%mul3A_10, %dma_start3A_36] : memref<10112x128xf32, #tpu.memory_space<hbm>> -> memref<632x128xf32, #tpu.memory_space<hbm>>
      tpu.enqueue_dma source(%dma_start3A_37 : memref<632x128xf32, #tpu.memory_space<hbm>>) target(%dma_start3A_35 : memref<632x128xf32, #tpu.memory_space<vmem_shared>>) target_semaphore(%run_scoped3A : memref<!tpu.dma_semaphore, #tpu.memory_space<semaphore_mem>>)
      %dma_wait3A = arith.constant 0 : i32
      %dma_wait3A_38 = tpu.memref_slice %arg7[%mul3A_12, %dma_wait3A] : memref<10112x128xf32, #tpu.memory_space<vmem_shared>> -> memref<632x128xf32, #tpu.memory_space<vmem_shared>>
      %dma_wait3A_39 = arith.constant 0 : i32
      %dma_wait3A_40 = tpu.memref_slice %arg5[%mul3A_10, %dma_wait3A_39] : memref<10112x128xf32, #tpu.memory_space<hbm>> -> memref<632x128xf32, #tpu.memory_space<hbm>>
      tpu.wait_dma2 semaphore(%run_scoped3A : memref<!tpu.dma_semaphore, #tpu.memory_space<semaphore_mem>>) src(%dma_wait3A_40 : memref<632x128xf32, #tpu.memory_space<hbm>>) dst(%dma_wait3A_38 : memref<632x128xf32, #tpu.memory_space<vmem_shared>>)
      tpu.yield
    }) : () -> ()
    %barrier3A = arith.constant 0 : index
    tpu.barrier barrier_id(%barrier3A)
    %gt3A = arith.constant 0 : i32
    %gt3A_13 = arith.cmpi sgt, %select_n3A_8, %gt3A : i32
    %convert_element_type3A = arith.extui %gt3A_13 : i1 to i32
    %cond3A = arith.constant 0 : i32
    %cond3A_14 = arith.cmpi ne, %convert_element_type3A, %cond3A : i32
    scf.if %cond3A_14 {
      %add3A_35 = arith.constant 0 : i32
      %add3A_36 = arith.addi %select_n3A, %add3A_35 : i32
      %dma_start3A = arith.constant 0 : i32
      %dma_start3A_37 = tpu.memref_slice %arg3[%add3A_36, %dma_start3A] : memref<2560x128xi32, #tpu.memory_space<hbm>> -> memref<32x128xi32, #tpu.memory_space<hbm>>
      %dma_start3A_38 = arith.constant 0 : i32
      %dma_start3A_39 = tpu.memref_slice %arg3[%add3A_36, %dma_start3A_38] : memref<2560x128xi32, #tpu.memory_space<hbm>> -> memref<32x128xi32, #tpu.memory_space<hbm>>
      tpu.enqueue_dma source(%dma_start3A_39 : memref<32x128xi32, #tpu.memory_space<hbm>>) target(%arg8 : memref<32x128xi32, #tpu.memory_space<vmem>>) target_semaphore(%arg12 : memref<!tpu.dma_semaphore, #tpu.memory_space<semaphore_mem>>)
      %dma_wait3A = arith.constant 0 : i32
      %dma_wait3A_40 = tpu.memref_slice %arg3[%add3A_36, %dma_wait3A] : memref<2560x128xi32, #tpu.memory_space<hbm>> -> memref<32x128xi32, #tpu.memory_space<hbm>>
      %dma_wait3A_41 = arith.constant 0 : i32
      %dma_wait3A_42 = tpu.memref_slice %arg3[%add3A_36, %dma_wait3A_41] : memref<2560x128xi32, #tpu.memory_space<hbm>> -> memref<32x128xi32, #tpu.memory_space<hbm>>
      tpu.wait_dma2 semaphore(%arg12 : memref<!tpu.dma_semaphore, #tpu.memory_space<semaphore_mem>>) src(%dma_wait3A_42 : memref<32x128xi32, #tpu.memory_space<hbm>>) dst(%arg8 : memref<32x128xi32, #tpu.memory_space<vmem>>)
      %dma_start3A_43 = arith.constant 0 : i32
      %dma_start3A_44 = arith.constant 0 : i32
      %dma_start3A_45 = tpu.memref_slice %arg8[%dma_start3A_43, %dma_start3A_44] : memref<32x128xi32, #tpu.memory_space<vmem>> -> memref<1x128xi32, #tpu.memory_space<vmem>>
      %dma_start3A_46 = tpu.memref_squeeze %dma_start3A_45 : memref<1x128xi32, #tpu.memory_space<vmem>> -> memref<128xi32, #tpu.memory_space<vmem>>
      %dma_start3A_47 = arith.constant 0 : i32
      %dma_start3A_48 = arith.constant 0 : i32
      %dma_start3A_49 = tpu.memref_slice %arg2[%dma_start3A_47, %dma_start3A_48] : memref<10000x128xf32, #tpu.memory_space<hbm>> -> memref<10000x128xf32, #tpu.memory_space<hbm>>
      tpu.enqueue_indirect_dma source(%dma_start3A_49 : memref<10000x128xf32, #tpu.memory_space<hbm>>) target(%arg10 : memref<128x128xf32, #tpu.memory_space<vmem>>) offsets(%dma_start3A_46 : memref<128xi32, #tpu.memory_space<vmem>>) semaphore(%arg13 : memref<!tpu.dma_semaphore, #tpu.memory_space<semaphore_mem>>)
      %dma_start3A_50 = arith.constant 0 : i32
      %dma_start3A_51 = arith.constant 0 : i32
      %dma_start3A_52 = tpu.memref_slice %arg9[%dma_start3A_50, %dma_start3A_51] : memref<2x128xi32, #tpu.memory_space<vmem>> -> memref<1x128xi32, #tpu.memory_space<vmem>>
      %dma_start3A_53 = tpu.memref_squeeze %dma_start3A_52 : memref<1x128xi32, #tpu.memory_space<vmem>> -> memref<128xi32, #tpu.memory_space<vmem>>
      %dma_start3A_54 = arith.constant 0 : i32
      %dma_start3A_55 = tpu.memref_slice %arg4[%add3A_36, %dma_start3A_54] : memref<2560x128xi32, #tpu.memory_space<hbm>> -> memref<1x128xi32, #tpu.memory_space<hbm>>
      %dma_start3A_56 = tpu.memref_squeeze %dma_start3A_55 : memref<1x128xi32, #tpu.memory_space<hbm>> -> memref<128xi32, #tpu.memory_space<hbm>>
      %dma_start3A_57 = arith.constant 0 : i32
      %dma_start3A_58 = tpu.memref_slice %arg9[%dma_start3A_50, %dma_start3A_57] : memref<2x128xi32, #tpu.memory_space<vmem>> -> memref<1x128xi32, #tpu.memory_space<vmem>>
      %dma_start3A_59 = tpu.memref_squeeze %dma_start3A_58 : memref<1x128xi32, #tpu.memory_space<vmem>> -> memref<128xi32, #tpu.memory_space<vmem>>
      %dma_start3A_60 = arith.constant 0 : i32
      %dma_start3A_61 = tpu.memref_slice %arg4[%add3A_36, %dma_start3A_60] : memref<2560x128xi32, #tpu.memory_space<hbm>> -> memref<1x128xi32, #tpu.memory_space<hbm>>
      %dma_start3A_62 = tpu.memref_squeeze %dma_start3A_61 : memref<1x128xi32, #tpu.memory_space<hbm>> -> memref<128xi32, #tpu.memory_space<hbm>>
      tpu.enqueue_dma source(%dma_start3A_62 : memref<128xi32, #tpu.memory_space<hbm>>) target(%dma_start3A_59 : memref<128xi32, #tpu.memory_space<vmem>>) target_semaphore(%arg15 : memref<!tpu.dma_semaphore, #tpu.memory_space<semaphore_mem>>)
      %scan3A = arith.constant 0 : i32
      %scan3A_63 = arith.constant 0 : i32
      %scan3A_64 = arith.constant 16 : i32
      %scan3A_65 = arith.addi %scan3A_63, %scan3A_64 : i32
      %scan3A_66 = arith.constant 1 : i32
      scf.for %scan3A_68 = %scan3A_63 to %scan3A_65 step %scan3A_66  : i32 {
        %mul3A_69 = arith.constant 2 : i32
        %mul3A_70 = arith.muli %scan3A_68, %mul3A_69 : i32
        %add3A_71 = arith.constant 1 : i32
        %add3A_72 = arith.addi %mul3A_70, %add3A_71 : i32
        %dma_start3A_73 = arith.constant 0 : i32
        %dma_start3A_74 = tpu.memref_slice %arg8[%add3A_72, %dma_start3A_73] : memref<32x128xi32, #tpu.memory_space<vmem>> -> memref<1x128xi32, #tpu.memory_space<vmem>>
        %dma_start3A_75 = tpu.memref_squeeze %dma_start3A_74 : memref<1x128xi32, #tpu.memory_space<vmem>> -> memref<128xi32, #tpu.memory_space<vmem>>
        %dma_start3A_76 = arith.constant 0 : i32
        %dma_start3A_77 = arith.constant 0 : i32
        %dma_start3A_78 = tpu.memref_slice %arg2[%dma_start3A_76, %dma_start3A_77] : memref<10000x128xf32, #tpu.memory_space<hbm>> -> memref<10000x128xf32, #tpu.memory_space<hbm>>
        tpu.enqueue_indirect_dma source(%dma_start3A_78 : memref<10000x128xf32, #tpu.memory_space<hbm>>) target(%arg11 : memref<128x128xf32, #tpu.memory_space<vmem>>) offsets(%dma_start3A_75 : memref<128xi32, #tpu.memory_space<vmem>>) semaphore(%arg14 : memref<!tpu.dma_semaphore, #tpu.memory_space<semaphore_mem>>)
        %add3A_79 = arith.addi %add3A_36, %mul3A_70 : i32
        %add3A_80 = arith.constant 1 : i32
        %add3A_81 = arith.addi %add3A_79, %add3A_80 : i32
        %dma_start3A_82 = arith.constant 1 : i32
        %dma_start3A_83 = arith.constant 0 : i32
        %dma_start3A_84 = tpu.memref_slice %arg9[%dma_start3A_82, %dma_start3A_83] : memref<2x128xi32, #tpu.memory_space<vmem>> -> memref<1x128xi32, #tpu.memory_space<vmem>>
        %dma_start3A_85 = tpu.memref_squeeze %dma_start3A_84 : memref<1x128xi32, #tpu.memory_space<vmem>> -> memref<128xi32, #tpu.memory_space<vmem>>
        %dma_start3A_86 = arith.constant 0 : i32
        %dma_start3A_87 = tpu.memref_slice %arg4[%add3A_81, %dma_start3A_86] : memref<2560x128xi32, #tpu.memory_space<hbm>> -> memref<1x128xi32, #tpu.memory_space<hbm>>
        %dma_start3A_88 = tpu.memref_squeeze %dma_start3A_87 : memref<1x128xi32, #tpu.memory_space<hbm>> -> memref<128xi32, #tpu.memory_space<hbm>>
        %dma_start3A_89 = arith.constant 0 : i32
        %dma_start3A_90 = tpu.memref_slice %arg9[%dma_start3A_82, %dma_start3A_89] : memref<2x128xi32, #tpu.memory_space<vmem>> -> memref<1x128xi32, #tpu.memory_space<vmem>>
        %dma_start3A_91 = tpu.memref_squeeze %dma_start3A_90 : memref<1x128xi32, #tpu.memory_space<vmem>> -> memref<128xi32, #tpu.memory_space<vmem>>
        %dma_start3A_92 = arith.constant 0 : i32
        %dma_start3A_93 = tpu.memref_slice %arg4[%add3A_81, %dma_start3A_92] : memref<2560x128xi32, #tpu.memory_space<hbm>> -> memref<1x128xi32, #tpu.memory_space<hbm>>
        %dma_start3A_94 = tpu.memref_squeeze %dma_start3A_93 : memref<1x128xi32, #tpu.memory_space<hbm>> -> memref<128xi32, #tpu.memory_space<hbm>>
        tpu.enqueue_dma source(%dma_start3A_94 : memref<128xi32, #tpu.memory_space<hbm>>) target(%dma_start3A_91 : memref<128xi32, #tpu.memory_space<vmem>>) target_semaphore(%arg16 : memref<!tpu.dma_semaphore, #tpu.memory_space<semaphore_mem>>)
        %dma_wait3A_95 = arith.constant 0 : i32
        %dma_wait3A_96 = tpu.memref_slice %arg8[%mul3A_70, %dma_wait3A_95] : memref<32x128xi32, #tpu.memory_space<vmem>> -> memref<1x128xi32, #tpu.memory_space<vmem>>
        %dma_wait3A_97 = tpu.memref_squeeze %dma_wait3A_96 : memref<1x128xi32, #tpu.memory_space<vmem>> -> memref<128xi32, #tpu.memory_space<vmem>>
        %dma_wait3A_98 = arith.constant 0 : i32
        %dma_wait3A_99 = arith.constant 0 : i32
        %dma_wait3A_100 = tpu.memref_slice %arg2[%dma_wait3A_98, %dma_wait3A_99] : memref<10000x128xf32, #tpu.memory_space<hbm>> -> memref<10000x128xf32, #tpu.memory_space<hbm>>
        tpu.wait_indirect_dma semaphore(%arg13 : memref<!tpu.dma_semaphore, #tpu.memory_space<semaphore_mem>>) src(%dma_wait3A_100 : memref<10000x128xf32, #tpu.memory_space<hbm>>) dst(%arg10 : memref<128x128xf32, #tpu.memory_space<vmem>>)
        %dma_wait3A_101 = arith.constant 0 : i32
        %dma_wait3A_102 = arith.constant 0 : i32
        %dma_wait3A_103 = tpu.memref_slice %arg9[%dma_wait3A_101, %dma_wait3A_102] : memref<2x128xi32, #tpu.memory_space<vmem>> -> memref<1x128xi32, #tpu.memory_space<vmem>>
        %dma_wait3A_104 = tpu.memref_squeeze %dma_wait3A_103 : memref<1x128xi32, #tpu.memory_space<vmem>> -> memref<128xi32, #tpu.memory_space<vmem>>
        %dma_wait3A_105 = arith.constant 0 : i32
        %dma_wait3A_106 = tpu.memref_slice %arg4[%add3A_36, %dma_wait3A_105] : memref<2560x128xi32, #tpu.memory_space<hbm>> -> memref<1x128xi32, #tpu.memory_space<hbm>>
        %dma_wait3A_107 = tpu.memref_squeeze %dma_wait3A_106 : memref<1x128xi32, #tpu.memory_space<hbm>> -> memref<128xi32, #tpu.memory_space<hbm>>
        %dma_wait3A_108 = arith.constant 0 : i32
        %dma_wait3A_109 = tpu.memref_slice %arg9[%dma_wait3A_101, %dma_wait3A_108] : memref<2x128xi32, #tpu.memory_space<vmem>> -> memref<1x128xi32, #tpu.memory_space<vmem>>
        %dma_wait3A_110 = tpu.memref_squeeze %dma_wait3A_109 : memref<1x128xi32, #tpu.memory_space<vmem>> -> memref<128xi32, #tpu.memory_space<vmem>>
        %dma_wait3A_111 = arith.constant 0 : i32
        %dma_wait3A_112 = tpu.memref_slice %arg4[%add3A_36, %dma_wait3A_111] : memref<2560x128xi32, #tpu.memory_space<hbm>> -> memref<1x128xi32, #tpu.memory_space<hbm>>
        %dma_wait3A_113 = tpu.memref_squeeze %dma_wait3A_112 : memref<1x128xi32, #tpu.memory_space<hbm>> -> memref<128xi32, #tpu.memory_space<hbm>>
        tpu.wait_dma2 semaphore(%arg15 : memref<!tpu.dma_semaphore, #tpu.memory_space<semaphore_mem>>) src(%dma_wait3A_113 : memref<128xi32, #tpu.memory_space<hbm>>) dst(%dma_wait3A_110 : memref<128xi32, #tpu.memory_space<vmem>>)
        %run_scoped3A = arith.constant 0 : i32
        "tpu.region"() ({
          %run_scoped3A_142 = tpu.sem_alloc : memref<!tpu.dma_semaphore, #tpu.memory_space<semaphore_mem>>
          %dma_start3A_143 = arith.constant 0 : i32
          %dma_start3A_144 = tpu.memref_slice %arg9[%run_scoped3A, %dma_start3A_143] : memref<2x128xi32, #tpu.memory_space<vmem>> -> memref<1x128xi32, #tpu.memory_space<vmem>>
          %dma_start3A_145 = tpu.memref_squeeze %dma_start3A_144 : memref<1x128xi32, #tpu.memory_space<vmem>> -> memref<128xi32, #tpu.memory_space<vmem>>
          %dma_start3A_146 = arith.constant 0 : i32
          %dma_start3A_147 = arith.constant 0 : i32
          %dma_start3A_148 = tpu.memref_slice %arg7[%dma_start3A_146, %dma_start3A_147] : memref<10112x128xf32, #tpu.memory_space<vmem_shared>> -> memref<10112x128xf32, #tpu.memory_space<vmem_shared>>
          tpu.enqueue_indirect_dma source(%arg10 : memref<128x128xf32, #tpu.memory_space<vmem>>) target(%dma_start3A_148 : memref<10112x128xf32, #tpu.memory_space<vmem_shared>>) offsets(%dma_start3A_145 : memref<128xi32, #tpu.memory_space<vmem>>) semaphore(%run_scoped3A_142 : memref<!tpu.dma_semaphore, #tpu.memory_space<semaphore_mem>>) {add = true}
          %dma_wait3A_149 = arith.constant 0 : i32
          %dma_wait3A_150 = tpu.memref_slice %arg9[%run_scoped3A, %dma_wait3A_149] : memref<2x128xi32, #tpu.memory_space<vmem>> -> memref<1x128xi32, #tpu.memory_space<vmem>>
          %dma_wait3A_151 = tpu.memref_squeeze %dma_wait3A_150 : memref<1x128xi32, #tpu.memory_space<vmem>> -> memref<128xi32, #tpu.memory_space<vmem>>
          %dma_wait3A_152 = arith.constant 0 : i32
          %dma_wait3A_153 = arith.constant 0 : i32
          %dma_wait3A_154 = tpu.memref_slice %arg7[%dma_wait3A_152, %dma_wait3A_153] : memref<10112x128xf32, #tpu.memory_space<vmem_shared>> -> memref<10112x128xf32, #tpu.memory_space<vmem_shared>>
          tpu.wait_indirect_dma semaphore(%run_scoped3A_142 : memref<!tpu.dma_semaphore, #tpu.memory_space<semaphore_mem>>) src(%arg10 : memref<128x128xf32, #tpu.memory_space<vmem>>) dst(%dma_wait3A_154 : memref<10112x128xf32, #tpu.memory_space<vmem_shared>>)
          tpu.yield
        }) : () -> ()
        %add3A_114 = arith.constant 1 : i32
        %add3A_115 = arith.addi %scan3A_68, %add3A_114 : i32
        %lt3A = arith.constant 16 : i32
        %lt3A_116 = arith.cmpi slt, %add3A_115, %lt3A : i32
        %convert_element_type3A_117 = arith.extui %lt3A_116 : i1 to i32
        %cond3A_118 = arith.constant 0 : i32
        %cond3A_119 = arith.cmpi ne, %convert_element_type3A_117, %cond3A_118 : i32
        scf.if %cond3A_119 {
          %add3A_142 = arith.constant 2 : i32
          %add3A_143 = arith.addi %mul3A_70, %add3A_142 : i32
          %dma_start3A_144 = arith.constant 0 : i32
          %dma_start3A_145 = tpu.memref_slice %arg8[%add3A_143, %dma_start3A_144] : memref<32x128xi32, #tpu.memory_space<vmem>> -> memref<1x128xi32, #tpu.memory_space<vmem>>
          %dma_start3A_146 = tpu.memref_squeeze %dma_start3A_145 : memref<1x128xi32, #tpu.memory_space<vmem>> -> memref<128xi32, #tpu.memory_space<vmem>>
          %dma_start3A_147 = arith.constant 0 : i32
          %dma_start3A_148 = arith.constant 0 : i32
          %dma_start3A_149 = tpu.memref_slice %arg2[%dma_start3A_147, %dma_start3A_148] : memref<10000x128xf32, #tpu.memory_space<hbm>> -> memref<10000x128xf32, #tpu.memory_space<hbm>>
          tpu.enqueue_indirect_dma source(%dma_start3A_149 : memref<10000x128xf32, #tpu.memory_space<hbm>>) target(%arg10 : memref<128x128xf32, #tpu.memory_space<vmem>>) offsets(%dma_start3A_146 : memref<128xi32, #tpu.memory_space<vmem>>) semaphore(%arg13 : memref<!tpu.dma_semaphore, #tpu.memory_space<semaphore_mem>>)
          %add3A_150 = arith.addi %add3A_36, %mul3A_70 : i32
          %add3A_151 = arith.constant 2 : i32
          %add3A_152 = arith.addi %add3A_150, %add3A_151 : i32
          %dma_start3A_153 = arith.constant 0 : i32
          %dma_start3A_154 = arith.constant 0 : i32
          %dma_start3A_155 = tpu.memref_slice %arg9[%dma_start3A_153, %dma_start3A_154] : memref<2x128xi32, #tpu.memory_space<vmem>> -> memref<1x128xi32, #tpu.memory_space<vmem>>
          %dma_start3A_156 = tpu.memref_squeeze %dma_start3A_155 : memref<1x128xi32, #tpu.memory_space<vmem>> -> memref<128xi32, #tpu.memory_space<vmem>>
          %dma_start3A_157 = arith.constant 0 : i32
          %dma_start3A_158 = tpu.memref_slice %arg4[%add3A_152, %dma_start3A_157] : memref<2560x128xi32, #tpu.memory_space<hbm>> -> memref<1x128xi32, #tpu.memory_space<hbm>>
          %dma_start3A_159 = tpu.memref_squeeze %dma_start3A_158 : memref<1x128xi32, #tpu.memory_space<hbm>> -> memref<128xi32, #tpu.memory_space<hbm>>
          %dma_start3A_160 = arith.constant 0 : i32
          %dma_start3A_161 = tpu.memref_slice %arg9[%dma_start3A_153, %dma_start3A_160] : memref<2x128xi32, #tpu.memory_space<vmem>> -> memref<1x128xi32, #tpu.memory_space<vmem>>
          %dma_start3A_162 = tpu.memref_squeeze %dma_start3A_161 : memref<1x128xi32, #tpu.memory_space<vmem>> -> memref<128xi32, #tpu.memory_space<vmem>>
          %dma_start3A_163 = arith.constant 0 : i32
          %dma_start3A_164 = tpu.memref_slice %arg4[%add3A_152, %dma_start3A_163] : memref<2560x128xi32, #tpu.memory_space<hbm>> -> memref<1x128xi32, #tpu.memory_space<hbm>>
          %dma_start3A_165 = tpu.memref_squeeze %dma_start3A_164 : memref<1x128xi32, #tpu.memory_space<hbm>> -> memref<128xi32, #tpu.memory_space<hbm>>
          tpu.enqueue_dma source(%dma_start3A_165 : memref<128xi32, #tpu.memory_space<hbm>>) target(%dma_start3A_162 : memref<128xi32, #tpu.memory_space<vmem>>) target_semaphore(%arg15 : memref<!tpu.dma_semaphore, #tpu.memory_space<semaphore_mem>>)
        } else {
        }
        %add3A_120 = arith.constant 1 : i32
        %add3A_121 = arith.addi %mul3A_70, %add3A_120 : i32
        %dma_wait3A_122 = arith.constant 0 : i32
        %dma_wait3A_123 = tpu.memref_slice %arg8[%add3A_121, %dma_wait3A_122] : memref<32x128xi32, #tpu.memory_space<vmem>> -> memref<1x128xi32, #tpu.memory_space<vmem>>
        %dma_wait3A_124 = tpu.memref_squeeze %dma_wait3A_123 : memref<1x128xi32, #tpu.memory_space<vmem>> -> memref<128xi32, #tpu.memory_space<vmem>>
        %dma_wait3A_125 = arith.constant 0 : i32
        %dma_wait3A_126 = arith.constant 0 : i32
        %dma_wait3A_127 = tpu.memref_slice %arg2[%dma_wait3A_125, %dma_wait3A_126] : memref<10000x128xf32, #tpu.memory_space<hbm>> -> memref<10000x128xf32, #tpu.memory_space<hbm>>
        tpu.wait_indirect_dma semaphore(%arg14 : memref<!tpu.dma_semaphore, #tpu.memory_space<semaphore_mem>>) src(%dma_wait3A_127 : memref<10000x128xf32, #tpu.memory_space<hbm>>) dst(%arg11 : memref<128x128xf32, #tpu.memory_space<vmem>>)
        %dma_wait3A_128 = arith.constant 1 : i32
        %dma_wait3A_129 = arith.constant 0 : i32
        %dma_wait3A_130 = tpu.memref_slice %arg9[%dma_wait3A_128, %dma_wait3A_129] : memref<2x128xi32, #tpu.memory_space<vmem>> -> memref<1x128xi32, #tpu.memory_space<vmem>>
        %dma_wait3A_131 = tpu.memref_squeeze %dma_wait3A_130 : memref<1x128xi32, #tpu.memory_space<vmem>> -> memref<128xi32, #tpu.memory_space<vmem>>
        %dma_wait3A_132 = arith.constant 0 : i32
        %dma_wait3A_133 = tpu.memref_slice %arg4[%add3A_36, %dma_wait3A_132] : memref<2560x128xi32, #tpu.memory_space<hbm>> -> memref<1x128xi32, #tpu.memory_space<hbm>>
        %dma_wait3A_134 = tpu.memref_squeeze %dma_wait3A_133 : memref<1x128xi32, #tpu.memory_space<hbm>> -> memref<128xi32, #tpu.memory_space<hbm>>
        %dma_wait3A_135 = arith.constant 0 : i32
        %dma_wait3A_136 = tpu.memref_slice %arg9[%dma_wait3A_128, %dma_wait3A_135] : memref<2x128xi32, #tpu.memory_space<vmem>> -> memref<1x128xi32, #tpu.memory_space<vmem>>
        %dma_wait3A_137 = tpu.memref_squeeze %dma_wait3A_136 : memref<1x128xi32, #tpu.memory_space<vmem>> -> memref<128xi32, #tpu.memory_space<vmem>>
        %dma_wait3A_138 = arith.constant 0 : i32
        %dma_wait3A_139 = tpu.memref_slice %arg4[%add3A_36, %dma_wait3A_138] : memref<2560x128xi32, #tpu.memory_space<hbm>> -> memref<1x128xi32, #tpu.memory_space<hbm>>
        %dma_wait3A_140 = tpu.memref_squeeze %dma_wait3A_139 : memref<1x128xi32, #tpu.memory_space<hbm>> -> memref<128xi32, #tpu.memory_space<hbm>>
        tpu.wait_dma2 semaphore(%arg16 : memref<!tpu.dma_semaphore, #tpu.memory_space<semaphore_mem>>) src(%dma_wait3A_140 : memref<128xi32, #tpu.memory_space<hbm>>) dst(%dma_wait3A_137 : memref<128xi32, #tpu.memory_space<vmem>>)
        %run_scoped3A_141 = arith.constant 1 : i32
        "tpu.region"() ({
          %run_scoped3A_142 = tpu.sem_alloc : memref<!tpu.dma_semaphore, #tpu.memory_space<semaphore_mem>>
          %dma_start3A_143 = arith.constant 0 : i32
          %dma_start3A_144 = tpu.memref_slice %arg9[%run_scoped3A_141, %dma_start3A_143] : memref<2x128xi32, #tpu.memory_space<vmem>> -> memref<1x128xi32, #tpu.memory_space<vmem>>
          %dma_start3A_145 = tpu.memref_squeeze %dma_start3A_144 : memref<1x128xi32, #tpu.memory_space<vmem>> -> memref<128xi32, #tpu.memory_space<vmem>>
          %dma_start3A_146 = arith.constant 0 : i32
          %dma_start3A_147 = arith.constant 0 : i32
          %dma_start3A_148 = tpu.memref_slice %arg7[%dma_start3A_146, %dma_start3A_147] : memref<10112x128xf32, #tpu.memory_space<vmem_shared>> -> memref<10112x128xf32, #tpu.memory_space<vmem_shared>>
          tpu.enqueue_indirect_dma source(%arg11 : memref<128x128xf32, #tpu.memory_space<vmem>>) target(%dma_start3A_148 : memref<10112x128xf32, #tpu.memory_space<vmem_shared>>) offsets(%dma_start3A_145 : memref<128xi32, #tpu.memory_space<vmem>>) semaphore(%run_scoped3A_142 : memref<!tpu.dma_semaphore, #tpu.memory_space<semaphore_mem>>) {add = true}
          %dma_wait3A_149 = arith.constant 0 : i32
          %dma_wait3A_150 = tpu.memref_slice %arg9[%run_scoped3A_141, %dma_wait3A_149] : memref<2x128xi32, #tpu.memory_space<vmem>> -> memref<1x128xi32, #tpu.memory_space<vmem>>
          %dma_wait3A_151 = tpu.memref_squeeze %dma_wait3A_150 : memref<1x128xi32, #tpu.memory_space<vmem>> -> memref<128xi32, #tpu.memory_space<vmem>>
          %dma_wait3A_152 = arith.constant 0 : i32
          %dma_wait3A_153 = arith.constant 0 : i32
          %dma_wait3A_154 = tpu.memref_slice %arg7[%dma_wait3A_152, %dma_wait3A_153] : memref<10112x128xf32, #tpu.memory_space<vmem_shared>> -> memref<10112x128xf32, #tpu.memory_space<vmem_shared>>
          tpu.wait_indirect_dma semaphore(%run_scoped3A_142 : memref<!tpu.dma_semaphore, #tpu.memory_space<semaphore_mem>>) src(%arg11 : memref<128x128xf32, #tpu.memory_space<vmem>>) dst(%dma_wait3A_154 : memref<10112x128xf32, #tpu.memory_space<vmem_shared>>)
          tpu.yield
        }) : () -> ()
      }
      %scan3A_67 = arith.constant 16 : i32
    } else {
    }
    %gt3A_15 = arith.constant 1 : i32
    %gt3A_16 = arith.cmpi sgt, %select_n3A_8, %gt3A_15 : i32
    %convert_element_type3A_17 = arith.extui %gt3A_16 : i1 to i32
    %cond3A_18 = arith.constant 0 : i32
    %cond3A_19 = arith.cmpi ne, %convert_element_type3A_17, %cond3A_18 : i32
    scf.if %cond3A_19 {
      %add3A_35 = arith.constant 32 : i32
      %add3A_36 = arith.addi %select_n3A, %add3A_35 : i32
      %dma_start3A = arith.constant 0 : i32
      %dma_start3A_37 = tpu.memref_slice %arg3[%add3A_36, %dma_start3A] : memref<2560x128xi32, #tpu.memory_space<hbm>> -> memref<32x128xi32, #tpu.memory_space<hbm>>
      %dma_start3A_38 = arith.constant 0 : i32
      %dma_start3A_39 = tpu.memref_slice %arg3[%add3A_36, %dma_start3A_38] : memref<2560x128xi32, #tpu.memory_space<hbm>> -> memref<32x128xi32, #tpu.memory_space<hbm>>
      tpu.enqueue_dma source(%dma_start3A_39 : memref<32x128xi32, #tpu.memory_space<hbm>>) target(%arg8 : memref<32x128xi32, #tpu.memory_space<vmem>>) target_semaphore(%arg12 : memref<!tpu.dma_semaphore, #tpu.memory_space<semaphore_mem>>)
      %dma_wait3A = arith.constant 0 : i32
      %dma_wait3A_40 = tpu.memref_slice %arg3[%add3A_36, %dma_wait3A] : memref<2560x128xi32, #tpu.memory_space<hbm>> -> memref<32x128xi32, #tpu.memory_space<hbm>>
      %dma_wait3A_41 = arith.constant 0 : i32
      %dma_wait3A_42 = tpu.memref_slice %arg3[%add3A_36, %dma_wait3A_41] : memref<2560x128xi32, #tpu.memory_space<hbm>> -> memref<32x128xi32, #tpu.memory_space<hbm>>
      tpu.wait_dma2 semaphore(%arg12 : memref<!tpu.dma_semaphore, #tpu.memory_space<semaphore_mem>>) src(%dma_wait3A_42 : memref<32x128xi32, #tpu.memory_space<hbm>>) dst(%arg8 : memref<32x128xi32, #tpu.memory_space<vmem>>)
      %dma_start3A_43 = arith.constant 0 : i32
      %dma_start3A_44 = arith.constant 0 : i32
      %dma_start3A_45 = tpu.memref_slice %arg8[%dma_start3A_43, %dma_start3A_44] : memref<32x128xi32, #tpu.memory_space<vmem>> -> memref<1x128xi32, #tpu.memory_space<vmem>>
      %dma_start3A_46 = tpu.memref_squeeze %dma_start3A_45 : memref<1x128xi32, #tpu.memory_space<vmem>> -> memref<128xi32, #tpu.memory_space<vmem>>
      %dma_start3A_47 = arith.constant 0 : i32
      %dma_start3A_48 = arith.constant 0 : i32
      %dma_start3A_49 = tpu.memref_slice %arg2[%dma_start3A_47, %dma_start3A_48] : memref<10000x128xf32, #tpu.memory_space<hbm>> -> memref<10000x128xf32, #tpu.memory_space<hbm>>
      tpu.enqueue_indirect_dma source(%dma_start3A_49 : memref<10000x128xf32, #tpu.memory_space<hbm>>) target(%arg10 : memref<128x128xf32, #tpu.memory_space<vmem>>) offsets(%dma_start3A_46 : memref<128xi32, #tpu.memory_space<vmem>>) semaphore(%arg13 : memref<!tpu.dma_semaphore, #tpu.memory_space<semaphore_mem>>)
      %dma_start3A_50 = arith.constant 0 : i32
      %dma_start3A_51 = arith.constant 0 : i32
      %dma_start3A_52 = tpu.memref_slice %arg9[%dma_start3A_50, %dma_start3A_51] : memref<2x128xi32, #tpu.memory_space<vmem>> -> memref<1x128xi32, #tpu.memory_space<vmem>>
      %dma_start3A_53 = tpu.memref_squeeze %dma_start3A_52 : memref<1x128xi32, #tpu.memory_space<vmem>> -> memref<128xi32, #tpu.memory_space<vmem>>
      %dma_start3A_54 = arith.constant 0 : i32
      %dma_start3A_55 = tpu.memref_slice %arg4[%add3A_36, %dma_start3A_54] : memref<2560x128xi32, #tpu.memory_space<hbm>> -> memref<1x128xi32, #tpu.memory_space<hbm>>
      %dma_start3A_56 = tpu.memref_squeeze %dma_start3A_55 : memref<1x128xi32, #tpu.memory_space<hbm>> -> memref<128xi32, #tpu.memory_space<hbm>>
      %dma_start3A_57 = arith.constant 0 : i32
      %dma_start3A_58 = tpu.memref_slice %arg9[%dma_start3A_50, %dma_start3A_57] : memref<2x128xi32, #tpu.memory_space<vmem>> -> memref<1x128xi32, #tpu.memory_space<vmem>>
      %dma_start3A_59 = tpu.memref_squeeze %dma_start3A_58 : memref<1x128xi32, #tpu.memory_space<vmem>> -> memref<128xi32, #tpu.memory_space<vmem>>
      %dma_start3A_60 = arith.constant 0 : i32
      %dma_start3A_61 = tpu.memref_slice %arg4[%add3A_36, %dma_start3A_60] : memref<2560x128xi32, #tpu.memory_space<hbm>> -> memref<1x128xi32, #tpu.memory_space<hbm>>
      %dma_start3A_62 = tpu.memref_squeeze %dma_start3A_61 : memref<1x128xi32, #tpu.memory_space<hbm>> -> memref<128xi32, #tpu.memory_space<hbm>>
      tpu.enqueue_dma source(%dma_start3A_62 : memref<128xi32, #tpu.memory_space<hbm>>) target(%dma_start3A_59 : memref<128xi32, #tpu.memory_space<vmem>>) target_semaphore(%arg15 : memref<!tpu.dma_semaphore, #tpu.memory_space<semaphore_mem>>)
      %scan3A = arith.constant 0 : i32
      %scan3A_63 = arith.constant 0 : i32
      %scan3A_64 = arith.constant 16 : i32
      %scan3A_65 = arith.addi %scan3A_63, %scan3A_64 : i32
      %scan3A_66 = arith.constant 1 : i32
      scf.for %scan3A_68 = %scan3A_63 to %scan3A_65 step %scan3A_66  : i32 {
        %mul3A_69 = arith.constant 2 : i32
        %mul3A_70 = arith.muli %scan3A_68, %mul3A_69 : i32
        %add3A_71 = arith.constant 1 : i32
        %add3A_72 = arith.addi %mul3A_70, %add3A_71 : i32
        %dma_start3A_73 = arith.constant 0 : i32
        %dma_start3A_74 = tpu.memref_slice %arg8[%add3A_72, %dma_start3A_73] : memref<32x128xi32, #tpu.memory_space<vmem>> -> memref<1x128xi32, #tpu.memory_space<vmem>>
        %dma_start3A_75 = tpu.memref_squeeze %dma_start3A_74 : memref<1x128xi32, #tpu.memory_space<vmem>> -> memref<128xi32, #tpu.memory_space<vmem>>
        %dma_start3A_76 = arith.constant 0 : i32
        %dma_start3A_77 = arith.constant 0 : i32
        %dma_start3A_78 = tpu.memref_slice %arg2[%dma_start3A_76, %dma_start3A_77] : memref<10000x128xf32, #tpu.memory_space<hbm>> -> memref<10000x128xf32, #tpu.memory_space<hbm>>
        tpu.enqueue_indirect_dma source(%dma_start3A_78 : memref<10000x128xf32, #tpu.memory_space<hbm>>) target(%arg11 : memref<128x128xf32, #tpu.memory_space<vmem>>) offsets(%dma_start3A_75 : memref<128xi32, #tpu.memory_space<vmem>>) semaphore(%arg14 : memref<!tpu.dma_semaphore, #tpu.memory_space<semaphore_mem>>)
        %add3A_79 = arith.addi %add3A_36, %mul3A_70 : i32
        %add3A_80 = arith.constant 1 : i32
        %add3A_81 = arith.addi %add3A_79, %add3A_80 : i32
        %dma_start3A_82 = arith.constant 1 : i32
        %dma_start3A_83 = arith.constant 0 : i32
        %dma_start3A_84 = tpu.memref_slice %arg9[%dma_start3A_82, %dma_start3A_83] : memref<2x128xi32, #tpu.memory_space<vmem>> -> memref<1x128xi32, #tpu.memory_space<vmem>>
        %dma_start3A_85 = tpu.memref_squeeze %dma_start3A_84 : memref<1x128xi32, #tpu.memory_space<vmem>> -> memref<128xi32, #tpu.memory_space<vmem>>
        %dma_start3A_86 = arith.constant 0 : i32
        %dma_start3A_87 = tpu.memref_slice %arg4[%add3A_81, %dma_start3A_86] : memref<2560x128xi32, #tpu.memory_space<hbm>> -> memref<1x128xi32, #tpu.memory_space<hbm>>
        %dma_start3A_88 = tpu.memref_squeeze %dma_start3A_87 : memref<1x128xi32, #tpu.memory_space<hbm>> -> memref<128xi32, #tpu.memory_space<hbm>>
        %dma_start3A_89 = arith.constant 0 : i32
        %dma_start3A_90 = tpu.memref_slice %arg9[%dma_start3A_82, %dma_start3A_89] : memref<2x128xi32, #tpu.memory_space<vmem>> -> memref<1x128xi32, #tpu.memory_space<vmem>>
        %dma_start3A_91 = tpu.memref_squeeze %dma_start3A_90 : memref<1x128xi32, #tpu.memory_space<vmem>> -> memref<128xi32, #tpu.memory_space<vmem>>
        %dma_start3A_92 = arith.constant 0 : i32
        %dma_start3A_93 = tpu.memref_slice %arg4[%add3A_81, %dma_start3A_92] : memref<2560x128xi32, #tpu.memory_space<hbm>> -> memref<1x128xi32, #tpu.memory_space<hbm>>
        %dma_start3A_94 = tpu.memref_squeeze %dma_start3A_93 : memref<1x128xi32, #tpu.memory_space<hbm>> -> memref<128xi32, #tpu.memory_space<hbm>>
        tpu.enqueue_dma source(%dma_start3A_94 : memref<128xi32, #tpu.memory_space<hbm>>) target(%dma_start3A_91 : memref<128xi32, #tpu.memory_space<vmem>>) target_semaphore(%arg16 : memref<!tpu.dma_semaphore, #tpu.memory_space<semaphore_mem>>)
        %dma_wait3A_95 = arith.constant 0 : i32
        %dma_wait3A_96 = tpu.memref_slice %arg8[%mul3A_70, %dma_wait3A_95] : memref<32x128xi32, #tpu.memory_space<vmem>> -> memref<1x128xi32, #tpu.memory_space<vmem>>
        %dma_wait3A_97 = tpu.memref_squeeze %dma_wait3A_96 : memref<1x128xi32, #tpu.memory_space<vmem>> -> memref<128xi32, #tpu.memory_space<vmem>>
        %dma_wait3A_98 = arith.constant 0 : i32
        %dma_wait3A_99 = arith.constant 0 : i32
        %dma_wait3A_100 = tpu.memref_slice %arg2[%dma_wait3A_98, %dma_wait3A_99] : memref<10000x128xf32, #tpu.memory_space<hbm>> -> memref<10000x128xf32, #tpu.memory_space<hbm>>
        tpu.wait_indirect_dma semaphore(%arg13 : memref<!tpu.dma_semaphore, #tpu.memory_space<semaphore_mem>>) src(%dma_wait3A_100 : memref<10000x128xf32, #tpu.memory_space<hbm>>) dst(%arg10 : memref<128x128xf32, #tpu.memory_space<vmem>>)
        %dma_wait3A_101 = arith.constant 0 : i32
        %dma_wait3A_102 = arith.constant 0 : i32
        %dma_wait3A_103 = tpu.memref_slice %arg9[%dma_wait3A_101, %dma_wait3A_102] : memref<2x128xi32, #tpu.memory_space<vmem>> -> memref<1x128xi32, #tpu.memory_space<vmem>>
        %dma_wait3A_104 = tpu.memref_squeeze %dma_wait3A_103 : memref<1x128xi32, #tpu.memory_space<vmem>> -> memref<128xi32, #tpu.memory_space<vmem>>
        %dma_wait3A_105 = arith.constant 0 : i32
        %dma_wait3A_106 = tpu.memref_slice %arg4[%add3A_36, %dma_wait3A_105] : memref<2560x128xi32, #tpu.memory_space<hbm>> -> memref<1x128xi32, #tpu.memory_space<hbm>>
        %dma_wait3A_107 = tpu.memref_squeeze %dma_wait3A_106 : memref<1x128xi32, #tpu.memory_space<hbm>> -> memref<128xi32, #tpu.memory_space<hbm>>
        %dma_wait3A_108 = arith.constant 0 : i32
        %dma_wait3A_109 = tpu.memref_slice %arg9[%dma_wait3A_101, %dma_wait3A_108] : memref<2x128xi32, #tpu.memory_space<vmem>> -> memref<1x128xi32, #tpu.memory_space<vmem>>
        %dma_wait3A_110 = tpu.memref_squeeze %dma_wait3A_109 : memref<1x128xi32, #tpu.memory_space<vmem>> -> memref<128xi32, #tpu.memory_space<vmem>>
        %dma_wait3A_111 = arith.constant 0 : i32
        %dma_wait3A_112 = tpu.memref_slice %arg4[%add3A_36, %dma_wait3A_111] : memref<2560x128xi32, #tpu.memory_space<hbm>> -> memref<1x128xi32, #tpu.memory_space<hbm>>
        %dma_wait3A_113 = tpu.memref_squeeze %dma_wait3A_112 : memref<1x128xi32, #tpu.memory_space<hbm>> -> memref<128xi32, #tpu.memory_space<hbm>>
        tpu.wait_dma2 semaphore(%arg15 : memref<!tpu.dma_semaphore, #tpu.memory_space<semaphore_mem>>) src(%dma_wait3A_113 : memref<128xi32, #tpu.memory_space<hbm>>) dst(%dma_wait3A_110 : memref<128xi32, #tpu.memory_space<vmem>>)
        %run_scoped3A = arith.constant 0 : i32
        "tpu.region"() ({
          %run_scoped3A_142 = tpu.sem_alloc : memref<!tpu.dma_semaphore, #tpu.memory_space<semaphore_mem>>
          %dma_start3A_143 = arith.constant 0 : i32
          %dma_start3A_144 = tpu.memref_slice %arg9[%run_scoped3A, %dma_start3A_143] : memref<2x128xi32, #tpu.memory_space<vmem>> -> memref<1x128xi32, #tpu.memory_space<vmem>>
          %dma_start3A_145 = tpu.memref_squeeze %dma_start3A_144 : memref<1x128xi32, #tpu.memory_space<vmem>> -> memref<128xi32, #tpu.memory_space<vmem>>
          %dma_start3A_146 = arith.constant 0 : i32
          %dma_start3A_147 = arith.constant 0 : i32
          %dma_start3A_148 = tpu.memref_slice %arg7[%dma_start3A_146, %dma_start3A_147] : memref<10112x128xf32, #tpu.memory_space<vmem_shared>> -> memref<10112x128xf32, #tpu.memory_space<vmem_shared>>
          tpu.enqueue_indirect_dma source(%arg10 : memref<128x128xf32, #tpu.memory_space<vmem>>) target(%dma_start3A_148 : memref<10112x128xf32, #tpu.memory_space<vmem_shared>>) offsets(%dma_start3A_145 : memref<128xi32, #tpu.memory_space<vmem>>) semaphore(%run_scoped3A_142 : memref<!tpu.dma_semaphore, #tpu.memory_space<semaphore_mem>>) {add = true}
          %dma_wait3A_149 = arith.constant 0 : i32
          %dma_wait3A_150 = tpu.memref_slice %arg9[%run_scoped3A, %dma_wait3A_149] : memref<2x128xi32, #tpu.memory_space<vmem>> -> memref<1x128xi32, #tpu.memory_space<vmem>>
          %dma_wait3A_151 = tpu.memref_squeeze %dma_wait3A_150 : memref<1x128xi32, #tpu.memory_space<vmem>> -> memref<128xi32, #tpu.memory_space<vmem>>
          %dma_wait3A_152 = arith.constant 0 : i32
          %dma_wait3A_153 = arith.constant 0 : i32
          %dma_wait3A_154 = tpu.memref_slice %arg7[%dma_wait3A_152, %dma_wait3A_153] : memref<10112x128xf32, #tpu.memory_space<vmem_shared>> -> memref<10112x128xf32, #tpu.memory_space<vmem_shared>>
          tpu.wait_indirect_dma semaphore(%run_scoped3A_142 : memref<!tpu.dma_semaphore, #tpu.memory_space<semaphore_mem>>) src(%arg10 : memref<128x128xf32, #tpu.memory_space<vmem>>) dst(%dma_wait3A_154 : memref<10112x128xf32, #tpu.memory_space<vmem_shared>>)
          tpu.yield
        }) : () -> ()
        %add3A_114 = arith.constant 1 : i32
        %add3A_115 = arith.addi %scan3A_68, %add3A_114 : i32
        %lt3A = arith.constant 16 : i32
        %lt3A_116 = arith.cmpi slt, %add3A_115, %lt3A : i32
        %convert_element_type3A_117 = arith.extui %lt3A_116 : i1 to i32
        %cond3A_118 = arith.constant 0 : i32
        %cond3A_119 = arith.cmpi ne, %convert_element_type3A_117, %cond3A_118 : i32
        scf.if %cond3A_119 {
          %add3A_142 = arith.constant 2 : i32
          %add3A_143 = arith.addi %mul3A_70, %add3A_142 : i32
          %dma_start3A_144 = arith.constant 0 : i32
          %dma_start3A_145 = tpu.memref_slice %arg8[%add3A_143, %dma_start3A_144] : memref<32x128xi32, #tpu.memory_space<vmem>> -> memref<1x128xi32, #tpu.memory_space<vmem>>
          %dma_start3A_146 = tpu.memref_squeeze %dma_start3A_145 : memref<1x128xi32, #tpu.memory_space<vmem>> -> memref<128xi32, #tpu.memory_space<vmem>>
          %dma_start3A_147 = arith.constant 0 : i32
          %dma_start3A_148 = arith.constant 0 : i32
          %dma_start3A_149 = tpu.memref_slice %arg2[%dma_start3A_147, %dma_start3A_148] : memref<10000x128xf32, #tpu.memory_space<hbm>> -> memref<10000x128xf32, #tpu.memory_space<hbm>>
          tpu.enqueue_indirect_dma source(%dma_start3A_149 : memref<10000x128xf32, #tpu.memory_space<hbm>>) target(%arg10 : memref<128x128xf32, #tpu.memory_space<vmem>>) offsets(%dma_start3A_146 : memref<128xi32, #tpu.memory_space<vmem>>) semaphore(%arg13 : memref<!tpu.dma_semaphore, #tpu.memory_space<semaphore_mem>>)
          %add3A_150 = arith.addi %add3A_36, %mul3A_70 : i32
          %add3A_151 = arith.constant 2 : i32
          %add3A_152 = arith.addi %add3A_150, %add3A_151 : i32
          %dma_start3A_153 = arith.constant 0 : i32
          %dma_start3A_154 = arith.constant 0 : i32
          %dma_start3A_155 = tpu.memref_slice %arg9[%dma_start3A_153, %dma_start3A_154] : memref<2x128xi32, #tpu.memory_space<vmem>> -> memref<1x128xi32, #tpu.memory_space<vmem>>
          %dma_start3A_156 = tpu.memref_squeeze %dma_start3A_155 : memref<1x128xi32, #tpu.memory_space<vmem>> -> memref<128xi32, #tpu.memory_space<vmem>>
          %dma_start3A_157 = arith.constant 0 : i32
          %dma_start3A_158 = tpu.memref_slice %arg4[%add3A_152, %dma_start3A_157] : memref<2560x128xi32, #tpu.memory_space<hbm>> -> memref<1x128xi32, #tpu.memory_space<hbm>>
          %dma_start3A_159 = tpu.memref_squeeze %dma_start3A_158 : memref<1x128xi32, #tpu.memory_space<hbm>> -> memref<128xi32, #tpu.memory_space<hbm>>
          %dma_start3A_160 = arith.constant 0 : i32
          %dma_start3A_161 = tpu.memref_slice %arg9[%dma_start3A_153, %dma_start3A_160] : memref<2x128xi32, #tpu.memory_space<vmem>> -> memref<1x128xi32, #tpu.memory_space<vmem>>
          %dma_start3A_162 = tpu.memref_squeeze %dma_start3A_161 : memref<1x128xi32, #tpu.memory_space<vmem>> -> memref<128xi32, #tpu.memory_space<vmem>>
          %dma_start3A_163 = arith.constant 0 : i32
          %dma_start3A_164 = tpu.memref_slice %arg4[%add3A_152, %dma_start3A_163] : memref<2560x128xi32, #tpu.memory_space<hbm>> -> memref<1x128xi32, #tpu.memory_space<hbm>>
          %dma_start3A_165 = tpu.memref_squeeze %dma_start3A_164 : memref<1x128xi32, #tpu.memory_space<hbm>> -> memref<128xi32, #tpu.memory_space<hbm>>
          tpu.enqueue_dma source(%dma_start3A_165 : memref<128xi32, #tpu.memory_space<hbm>>) target(%dma_start3A_162 : memref<128xi32, #tpu.memory_space<vmem>>) target_semaphore(%arg15 : memref<!tpu.dma_semaphore, #tpu.memory_space<semaphore_mem>>)
        } else {
        }
        %add3A_120 = arith.constant 1 : i32
        %add3A_121 = arith.addi %mul3A_70, %add3A_120 : i32
        %dma_wait3A_122 = arith.constant 0 : i32
        %dma_wait3A_123 = tpu.memref_slice %arg8[%add3A_121, %dma_wait3A_122] : memref<32x128xi32, #tpu.memory_space<vmem>> -> memref<1x128xi32, #tpu.memory_space<vmem>>
        %dma_wait3A_124 = tpu.memref_squeeze %dma_wait3A_123 : memref<1x128xi32, #tpu.memory_space<vmem>> -> memref<128xi32, #tpu.memory_space<vmem>>
        %dma_wait3A_125 = arith.constant 0 : i32
        %dma_wait3A_126 = arith.constant 0 : i32
        %dma_wait3A_127 = tpu.memref_slice %arg2[%dma_wait3A_125, %dma_wait3A_126] : memref<10000x128xf32, #tpu.memory_space<hbm>> -> memref<10000x128xf32, #tpu.memory_space<hbm>>
        tpu.wait_indirect_dma semaphore(%arg14 : memref<!tpu.dma_semaphore, #tpu.memory_space<semaphore_mem>>) src(%dma_wait3A_127 : memref<10000x128xf32, #tpu.memory_space<hbm>>) dst(%arg11 : memref<128x128xf32, #tpu.memory_space<vmem>>)
        %dma_wait3A_128 = arith.constant 1 : i32
        %dma_wait3A_129 = arith.constant 0 : i32
        %dma_wait3A_130 = tpu.memref_slice %arg9[%dma_wait3A_128, %dma_wait3A_129] : memref<2x128xi32, #tpu.memory_space<vmem>> -> memref<1x128xi32, #tpu.memory_space<vmem>>
        %dma_wait3A_131 = tpu.memref_squeeze %dma_wait3A_130 : memref<1x128xi32, #tpu.memory_space<vmem>> -> memref<128xi32, #tpu.memory_space<vmem>>
        %dma_wait3A_132 = arith.constant 0 : i32
        %dma_wait3A_133 = tpu.memref_slice %arg4[%add3A_36, %dma_wait3A_132] : memref<2560x128xi32, #tpu.memory_space<hbm>> -> memref<1x128xi32, #tpu.memory_space<hbm>>
        %dma_wait3A_134 = tpu.memref_squeeze %dma_wait3A_133 : memref<1x128xi32, #tpu.memory_space<hbm>> -> memref<128xi32, #tpu.memory_space<hbm>>
        %dma_wait3A_135 = arith.constant 0 : i32
        %dma_wait3A_136 = tpu.memref_slice %arg9[%dma_wait3A_128, %dma_wait3A_135] : memref<2x128xi32, #tpu.memory_space<vmem>> -> memref<1x128xi32, #tpu.memory_space<vmem>>
        %dma_wait3A_137 = tpu.memref_squeeze %dma_wait3A_136 : memref<1x128xi32, #tpu.memory_space<vmem>> -> memref<128xi32, #tpu.memory_space<vmem>>
        %dma_wait3A_138 = arith.constant 0 : i32
        %dma_wait3A_139 = tpu.memref_slice %arg4[%add3A_36, %dma_wait3A_138] : memref<2560x128xi32, #tpu.memory_space<hbm>> -> memref<1x128xi32, #tpu.memory_space<hbm>>
        %dma_wait3A_140 = tpu.memref_squeeze %dma_wait3A_139 : memref<1x128xi32, #tpu.memory_space<hbm>> -> memref<128xi32, #tpu.memory_space<hbm>>
        tpu.wait_dma2 semaphore(%arg16 : memref<!tpu.dma_semaphore, #tpu.memory_space<semaphore_mem>>) src(%dma_wait3A_140 : memref<128xi32, #tpu.memory_space<hbm>>) dst(%dma_wait3A_137 : memref<128xi32, #tpu.memory_space<vmem>>)
        %run_scoped3A_141 = arith.constant 1 : i32
        "tpu.region"() ({
          %run_scoped3A_142 = tpu.sem_alloc : memref<!tpu.dma_semaphore, #tpu.memory_space<semaphore_mem>>
          %dma_start3A_143 = arith.constant 0 : i32
          %dma_start3A_144 = tpu.memref_slice %arg9[%run_scoped3A_141, %dma_start3A_143] : memref<2x128xi32, #tpu.memory_space<vmem>> -> memref<1x128xi32, #tpu.memory_space<vmem>>
          %dma_start3A_145 = tpu.memref_squeeze %dma_start3A_144 : memref<1x128xi32, #tpu.memory_space<vmem>> -> memref<128xi32, #tpu.memory_space<vmem>>
          %dma_start3A_146 = arith.constant 0 : i32
          %dma_start3A_147 = arith.constant 0 : i32
          %dma_start3A_148 = tpu.memref_slice %arg7[%dma_start3A_146, %dma_start3A_147] : memref<10112x128xf32, #tpu.memory_space<vmem_shared>> -> memref<10112x128xf32, #tpu.memory_space<vmem_shared>>
          tpu.enqueue_indirect_dma source(%arg11 : memref<128x128xf32, #tpu.memory_space<vmem>>) target(%dma_start3A_148 : memref<10112x128xf32, #tpu.memory_space<vmem_shared>>) offsets(%dma_start3A_145 : memref<128xi32, #tpu.memory_space<vmem>>) semaphore(%run_scoped3A_142 : memref<!tpu.dma_semaphore, #tpu.memory_space<semaphore_mem>>) {add = true}
          %dma_wait3A_149 = arith.constant 0 : i32
          %dma_wait3A_150 = tpu.memref_slice %arg9[%run_scoped3A_141, %dma_wait3A_149] : memref<2x128xi32, #tpu.memory_space<vmem>> -> memref<1x128xi32, #tpu.memory_space<vmem>>
          %dma_wait3A_151 = tpu.memref_squeeze %dma_wait3A_150 : memref<1x128xi32, #tpu.memory_space<vmem>> -> memref<128xi32, #tpu.memory_space<vmem>>
          %dma_wait3A_152 = arith.constant 0 : i32
          %dma_wait3A_153 = arith.constant 0 : i32
          %dma_wait3A_154 = tpu.memref_slice %arg7[%dma_wait3A_152, %dma_wait3A_153] : memref<10112x128xf32, #tpu.memory_space<vmem_shared>> -> memref<10112x128xf32, #tpu.memory_space<vmem_shared>>
          tpu.wait_indirect_dma semaphore(%run_scoped3A_142 : memref<!tpu.dma_semaphore, #tpu.memory_space<semaphore_mem>>) src(%arg11 : memref<128x128xf32, #tpu.memory_space<vmem>>) dst(%dma_wait3A_154 : memref<10112x128xf32, #tpu.memory_space<vmem_shared>>)
          tpu.yield
        }) : () -> ()
      }
      %scan3A_67 = arith.constant 16 : i32
    } else {
    }
    %gt3A_20 = arith.constant 2 : i32
    %gt3A_21 = arith.cmpi sgt, %select_n3A_8, %gt3A_20 : i32
    %convert_element_type3A_22 = arith.extui %gt3A_21 : i1 to i32
    %cond3A_23 = arith.constant 0 : i32
    %cond3A_24 = arith.cmpi ne, %convert_element_type3A_22, %cond3A_23 : i32
    scf.if %cond3A_24 {
      %add3A_35 = arith.constant 64 : i32
      %add3A_36 = arith.addi %select_n3A, %add3A_35 : i32
      %dma_start3A = arith.constant 0 : i32
      %dma_start3A_37 = tpu.memref_slice %arg3[%add3A_36, %dma_start3A] : memref<2560x128xi32, #tpu.memory_space<hbm>> -> memref<32x128xi32, #tpu.memory_space<hbm>>
      %dma_start3A_38 = arith.constant 0 : i32
      %dma_start3A_39 = tpu.memref_slice %arg3[%add3A_36, %dma_start3A_38] : memref<2560x128xi32, #tpu.memory_space<hbm>> -> memref<32x128xi32, #tpu.memory_space<hbm>>
      tpu.enqueue_dma source(%dma_start3A_39 : memref<32x128xi32, #tpu.memory_space<hbm>>) target(%arg8 : memref<32x128xi32, #tpu.memory_space<vmem>>) target_semaphore(%arg12 : memref<!tpu.dma_semaphore, #tpu.memory_space<semaphore_mem>>)
      %dma_wait3A = arith.constant 0 : i32
      %dma_wait3A_40 = tpu.memref_slice %arg3[%add3A_36, %dma_wait3A] : memref<2560x128xi32, #tpu.memory_space<hbm>> -> memref<32x128xi32, #tpu.memory_space<hbm>>
      %dma_wait3A_41 = arith.constant 0 : i32
      %dma_wait3A_42 = tpu.memref_slice %arg3[%add3A_36, %dma_wait3A_41] : memref<2560x128xi32, #tpu.memory_space<hbm>> -> memref<32x128xi32, #tpu.memory_space<hbm>>
      tpu.wait_dma2 semaphore(%arg12 : memref<!tpu.dma_semaphore, #tpu.memory_space<semaphore_mem>>) src(%dma_wait3A_42 : memref<32x128xi32, #tpu.memory_space<hbm>>) dst(%arg8 : memref<32x128xi32, #tpu.memory_space<vmem>>)
      %dma_start3A_43 = arith.constant 0 : i32
      %dma_start3A_44 = arith.constant 0 : i32
      %dma_start3A_45 = tpu.memref_slice %arg8[%dma_start3A_43, %dma_start3A_44] : memref<32x128xi32, #tpu.memory_space<vmem>> -> memref<1x128xi32, #tpu.memory_space<vmem>>
      %dma_start3A_46 = tpu.memref_squeeze %dma_start3A_45 : memref<1x128xi32, #tpu.memory_space<vmem>> -> memref<128xi32, #tpu.memory_space<vmem>>
      %dma_start3A_47 = arith.constant 0 : i32
      %dma_start3A_48 = arith.constant 0 : i32
      %dma_start3A_49 = tpu.memref_slice %arg2[%dma_start3A_47, %dma_start3A_48] : memref<10000x128xf32, #tpu.memory_space<hbm>> -> memref<10000x128xf32, #tpu.memory_space<hbm>>
      tpu.enqueue_indirect_dma source(%dma_start3A_49 : memref<10000x128xf32, #tpu.memory_space<hbm>>) target(%arg10 : memref<128x128xf32, #tpu.memory_space<vmem>>) offsets(%dma_start3A_46 : memref<128xi32, #tpu.memory_space<vmem>>) semaphore(%arg13 : memref<!tpu.dma_semaphore, #tpu.memory_space<semaphore_mem>>)
      %dma_start3A_50 = arith.constant 0 : i32
      %dma_start3A_51 = arith.constant 0 : i32
      %dma_start3A_52 = tpu.memref_slice %arg9[%dma_start3A_50, %dma_start3A_51] : memref<2x128xi32, #tpu.memory_space<vmem>> -> memref<1x128xi32, #tpu.memory_space<vmem>>
      %dma_start3A_53 = tpu.memref_squeeze %dma_start3A_52 : memref<1x128xi32, #tpu.memory_space<vmem>> -> memref<128xi32, #tpu.memory_space<vmem>>
      %dma_start3A_54 = arith.constant 0 : i32
      %dma_start3A_55 = tpu.memref_slice %arg4[%add3A_36, %dma_start3A_54] : memref<2560x128xi32, #tpu.memory_space<hbm>> -> memref<1x128xi32, #tpu.memory_space<hbm>>
      %dma_start3A_56 = tpu.memref_squeeze %dma_start3A_55 : memref<1x128xi32, #tpu.memory_space<hbm>> -> memref<128xi32, #tpu.memory_space<hbm>>
      %dma_start3A_57 = arith.constant 0 : i32
      %dma_start3A_58 = tpu.memref_slice %arg9[%dma_start3A_50, %dma_start3A_57] : memref<2x128xi32, #tpu.memory_space<vmem>> -> memref<1x128xi32, #tpu.memory_space<vmem>>
      %dma_start3A_59 = tpu.memref_squeeze %dma_start3A_58 : memref<1x128xi32, #tpu.memory_space<vmem>> -> memref<128xi32, #tpu.memory_space<vmem>>
      %dma_start3A_60 = arith.constant 0 : i32
      %dma_start3A_61 = tpu.memref_slice %arg4[%add3A_36, %dma_start3A_60] : memref<2560x128xi32, #tpu.memory_space<hbm>> -> memref<1x128xi32, #tpu.memory_space<hbm>>
      %dma_start3A_62 = tpu.memref_squeeze %dma_start3A_61 : memref<1x128xi32, #tpu.memory_space<hbm>> -> memref<128xi32, #tpu.memory_space<hbm>>
      tpu.enqueue_dma source(%dma_start3A_62 : memref<128xi32, #tpu.memory_space<hbm>>) target(%dma_start3A_59 : memref<128xi32, #tpu.memory_space<vmem>>) target_semaphore(%arg15 : memref<!tpu.dma_semaphore, #tpu.memory_space<semaphore_mem>>)
      %scan3A = arith.constant 0 : i32
      %scan3A_63 = arith.constant 0 : i32
      %scan3A_64 = arith.constant 16 : i32
      %scan3A_65 = arith.addi %scan3A_63, %scan3A_64 : i32
      %scan3A_66 = arith.constant 1 : i32
      scf.for %scan3A_68 = %scan3A_63 to %scan3A_65 step %scan3A_66  : i32 {
        %mul3A_69 = arith.constant 2 : i32
        %mul3A_70 = arith.muli %scan3A_68, %mul3A_69 : i32
        %add3A_71 = arith.constant 1 : i32
        %add3A_72 = arith.addi %mul3A_70, %add3A_71 : i32
        %dma_start3A_73 = arith.constant 0 : i32
        %dma_start3A_74 = tpu.memref_slice %arg8[%add3A_72, %dma_start3A_73] : memref<32x128xi32, #tpu.memory_space<vmem>> -> memref<1x128xi32, #tpu.memory_space<vmem>>
        %dma_start3A_75 = tpu.memref_squeeze %dma_start3A_74 : memref<1x128xi32, #tpu.memory_space<vmem>> -> memref<128xi32, #tpu.memory_space<vmem>>
        %dma_start3A_76 = arith.constant 0 : i32
        %dma_start3A_77 = arith.constant 0 : i32
        %dma_start3A_78 = tpu.memref_slice %arg2[%dma_start3A_76, %dma_start3A_77] : memref<10000x128xf32, #tpu.memory_space<hbm>> -> memref<10000x128xf32, #tpu.memory_space<hbm>>
        tpu.enqueue_indirect_dma source(%dma_start3A_78 : memref<10000x128xf32, #tpu.memory_space<hbm>>) target(%arg11 : memref<128x128xf32, #tpu.memory_space<vmem>>) offsets(%dma_start3A_75 : memref<128xi32, #tpu.memory_space<vmem>>) semaphore(%arg14 : memref<!tpu.dma_semaphore, #tpu.memory_space<semaphore_mem>>)
        %add3A_79 = arith.addi %add3A_36, %mul3A_70 : i32
        %add3A_80 = arith.constant 1 : i32
        %add3A_81 = arith.addi %add3A_79, %add3A_80 : i32
        %dma_start3A_82 = arith.constant 1 : i32
        %dma_start3A_83 = arith.constant 0 : i32
        %dma_start3A_84 = tpu.memref_slice %arg9[%dma_start3A_82, %dma_start3A_83] : memref<2x128xi32, #tpu.memory_space<vmem>> -> memref<1x128xi32, #tpu.memory_space<vmem>>
        %dma_start3A_85 = tpu.memref_squeeze %dma_start3A_84 : memref<1x128xi32, #tpu.memory_space<vmem>> -> memref<128xi32, #tpu.memory_space<vmem>>
        %dma_start3A_86 = arith.constant 0 : i32
        %dma_start3A_87 = tpu.memref_slice %arg4[%add3A_81, %dma_start3A_86] : memref<2560x128xi32, #tpu.memory_space<hbm>> -> memref<1x128xi32, #tpu.memory_space<hbm>>
        %dma_start3A_88 = tpu.memref_squeeze %dma_start3A_87 : memref<1x128xi32, #tpu.memory_space<hbm>> -> memref<128xi32, #tpu.memory_space<hbm>>
        %dma_start3A_89 = arith.constant 0 : i32
        %dma_start3A_90 = tpu.memref_slice %arg9[%dma_start3A_82, %dma_start3A_89] : memref<2x128xi32, #tpu.memory_space<vmem>> -> memref<1x128xi32, #tpu.memory_space<vmem>>
        %dma_start3A_91 = tpu.memref_squeeze %dma_start3A_90 : memref<1x128xi32, #tpu.memory_space<vmem>> -> memref<128xi32, #tpu.memory_space<vmem>>
        %dma_start3A_92 = arith.constant 0 : i32
        %dma_start3A_93 = tpu.memref_slice %arg4[%add3A_81, %dma_start3A_92] : memref<2560x128xi32, #tpu.memory_space<hbm>> -> memref<1x128xi32, #tpu.memory_space<hbm>>
        %dma_start3A_94 = tpu.memref_squeeze %dma_start3A_93 : memref<1x128xi32, #tpu.memory_space<hbm>> -> memref<128xi32, #tpu.memory_space<hbm>>
        tpu.enqueue_dma source(%dma_start3A_94 : memref<128xi32, #tpu.memory_space<hbm>>) target(%dma_start3A_91 : memref<128xi32, #tpu.memory_space<vmem>>) target_semaphore(%arg16 : memref<!tpu.dma_semaphore, #tpu.memory_space<semaphore_mem>>)
        %dma_wait3A_95 = arith.constant 0 : i32
        %dma_wait3A_96 = tpu.memref_slice %arg8[%mul3A_70, %dma_wait3A_95] : memref<32x128xi32, #tpu.memory_space<vmem>> -> memref<1x128xi32, #tpu.memory_space<vmem>>
        %dma_wait3A_97 = tpu.memref_squeeze %dma_wait3A_96 : memref<1x128xi32, #tpu.memory_space<vmem>> -> memref<128xi32, #tpu.memory_space<vmem>>
        %dma_wait3A_98 = arith.constant 0 : i32
        %dma_wait3A_99 = arith.constant 0 : i32
        %dma_wait3A_100 = tpu.memref_slice %arg2[%dma_wait3A_98, %dma_wait3A_99] : memref<10000x128xf32, #tpu.memory_space<hbm>> -> memref<10000x128xf32, #tpu.memory_space<hbm>>
        tpu.wait_indirect_dma semaphore(%arg13 : memref<!tpu.dma_semaphore, #tpu.memory_space<semaphore_mem>>) src(%dma_wait3A_100 : memref<10000x128xf32, #tpu.memory_space<hbm>>) dst(%arg10 : memref<128x128xf32, #tpu.memory_space<vmem>>)
        %dma_wait3A_101 = arith.constant 0 : i32
        %dma_wait3A_102 = arith.constant 0 : i32
        %dma_wait3A_103 = tpu.memref_slice %arg9[%dma_wait3A_101, %dma_wait3A_102] : memref<2x128xi32, #tpu.memory_space<vmem>> -> memref<1x128xi32, #tpu.memory_space<vmem>>
        %dma_wait3A_104 = tpu.memref_squeeze %dma_wait3A_103 : memref<1x128xi32, #tpu.memory_space<vmem>> -> memref<128xi32, #tpu.memory_space<vmem>>
        %dma_wait3A_105 = arith.constant 0 : i32
        %dma_wait3A_106 = tpu.memref_slice %arg4[%add3A_36, %dma_wait3A_105] : memref<2560x128xi32, #tpu.memory_space<hbm>> -> memref<1x128xi32, #tpu.memory_space<hbm>>
        %dma_wait3A_107 = tpu.memref_squeeze %dma_wait3A_106 : memref<1x128xi32, #tpu.memory_space<hbm>> -> memref<128xi32, #tpu.memory_space<hbm>>
        %dma_wait3A_108 = arith.constant 0 : i32
        %dma_wait3A_109 = tpu.memref_slice %arg9[%dma_wait3A_101, %dma_wait3A_108] : memref<2x128xi32, #tpu.memory_space<vmem>> -> memref<1x128xi32, #tpu.memory_space<vmem>>
        %dma_wait3A_110 = tpu.memref_squeeze %dma_wait3A_109 : memref<1x128xi32, #tpu.memory_space<vmem>> -> memref<128xi32, #tpu.memory_space<vmem>>
        %dma_wait3A_111 = arith.constant 0 : i32
        %dma_wait3A_112 = tpu.memref_slice %arg4[%add3A_36, %dma_wait3A_111] : memref<2560x128xi32, #tpu.memory_space<hbm>> -> memref<1x128xi32, #tpu.memory_space<hbm>>
        %dma_wait3A_113 = tpu.memref_squeeze %dma_wait3A_112 : memref<1x128xi32, #tpu.memory_space<hbm>> -> memref<128xi32, #tpu.memory_space<hbm>>
        tpu.wait_dma2 semaphore(%arg15 : memref<!tpu.dma_semaphore, #tpu.memory_space<semaphore_mem>>) src(%dma_wait3A_113 : memref<128xi32, #tpu.memory_space<hbm>>) dst(%dma_wait3A_110 : memref<128xi32, #tpu.memory_space<vmem>>)
        %run_scoped3A = arith.constant 0 : i32
        "tpu.region"() ({
          %run_scoped3A_142 = tpu.sem_alloc : memref<!tpu.dma_semaphore, #tpu.memory_space<semaphore_mem>>
          %dma_start3A_143 = arith.constant 0 : i32
          %dma_start3A_144 = tpu.memref_slice %arg9[%run_scoped3A, %dma_start3A_143] : memref<2x128xi32, #tpu.memory_space<vmem>> -> memref<1x128xi32, #tpu.memory_space<vmem>>
          %dma_start3A_145 = tpu.memref_squeeze %dma_start3A_144 : memref<1x128xi32, #tpu.memory_space<vmem>> -> memref<128xi32, #tpu.memory_space<vmem>>
          %dma_start3A_146 = arith.constant 0 : i32
          %dma_start3A_147 = arith.constant 0 : i32
          %dma_start3A_148 = tpu.memref_slice %arg7[%dma_start3A_146, %dma_start3A_147] : memref<10112x128xf32, #tpu.memory_space<vmem_shared>> -> memref<10112x128xf32, #tpu.memory_space<vmem_shared>>
          tpu.enqueue_indirect_dma source(%arg10 : memref<128x128xf32, #tpu.memory_space<vmem>>) target(%dma_start3A_148 : memref<10112x128xf32, #tpu.memory_space<vmem_shared>>) offsets(%dma_start3A_145 : memref<128xi32, #tpu.memory_space<vmem>>) semaphore(%run_scoped3A_142 : memref<!tpu.dma_semaphore, #tpu.memory_space<semaphore_mem>>) {add = true}
          %dma_wait3A_149 = arith.constant 0 : i32
          %dma_wait3A_150 = tpu.memref_slice %arg9[%run_scoped3A, %dma_wait3A_149] : memref<2x128xi32, #tpu.memory_space<vmem>> -> memref<1x128xi32, #tpu.memory_space<vmem>>
          %dma_wait3A_151 = tpu.memref_squeeze %dma_wait3A_150 : memref<1x128xi32, #tpu.memory_space<vmem>> -> memref<128xi32, #tpu.memory_space<vmem>>
          %dma_wait3A_152 = arith.constant 0 : i32
          %dma_wait3A_153 = arith.constant 0 : i32
          %dma_wait3A_154 = tpu.memref_slice %arg7[%dma_wait3A_152, %dma_wait3A_153] : memref<10112x128xf32, #tpu.memory_space<vmem_shared>> -> memref<10112x128xf32, #tpu.memory_space<vmem_shared>>
          tpu.wait_indirect_dma semaphore(%run_scoped3A_142 : memref<!tpu.dma_semaphore, #tpu.memory_space<semaphore_mem>>) src(%arg10 : memref<128x128xf32, #tpu.memory_space<vmem>>) dst(%dma_wait3A_154 : memref<10112x128xf32, #tpu.memory_space<vmem_shared>>)
          tpu.yield
        }) : () -> ()
        %add3A_114 = arith.constant 1 : i32
        %add3A_115 = arith.addi %scan3A_68, %add3A_114 : i32
        %lt3A = arith.constant 16 : i32
        %lt3A_116 = arith.cmpi slt, %add3A_115, %lt3A : i32
        %convert_element_type3A_117 = arith.extui %lt3A_116 : i1 to i32
        %cond3A_118 = arith.constant 0 : i32
        %cond3A_119 = arith.cmpi ne, %convert_element_type3A_117, %cond3A_118 : i32
        scf.if %cond3A_119 {
          %add3A_142 = arith.constant 2 : i32
          %add3A_143 = arith.addi %mul3A_70, %add3A_142 : i32
          %dma_start3A_144 = arith.constant 0 : i32
          %dma_start3A_145 = tpu.memref_slice %arg8[%add3A_143, %dma_start3A_144] : memref<32x128xi32, #tpu.memory_space<vmem>> -> memref<1x128xi32, #tpu.memory_space<vmem>>
          %dma_start3A_146 = tpu.memref_squeeze %dma_start3A_145 : memref<1x128xi32, #tpu.memory_space<vmem>> -> memref<128xi32, #tpu.memory_space<vmem>>
          %dma_start3A_147 = arith.constant 0 : i32
          %dma_start3A_148 = arith.constant 0 : i32
          %dma_start3A_149 = tpu.memref_slice %arg2[%dma_start3A_147, %dma_start3A_148] : memref<10000x128xf32, #tpu.memory_space<hbm>> -> memref<10000x128xf32, #tpu.memory_space<hbm>>
          tpu.enqueue_indirect_dma source(%dma_start3A_149 : memref<10000x128xf32, #tpu.memory_space<hbm>>) target(%arg10 : memref<128x128xf32, #tpu.memory_space<vmem>>) offsets(%dma_start3A_146 : memref<128xi32, #tpu.memory_space<vmem>>) semaphore(%arg13 : memref<!tpu.dma_semaphore, #tpu.memory_space<semaphore_mem>>)
          %add3A_150 = arith.addi %add3A_36, %mul3A_70 : i32
          %add3A_151 = arith.constant 2 : i32
          %add3A_152 = arith.addi %add3A_150, %add3A_151 : i32
          %dma_start3A_153 = arith.constant 0 : i32
          %dma_start3A_154 = arith.constant 0 : i32
          %dma_start3A_155 = tpu.memref_slice %arg9[%dma_start3A_153, %dma_start3A_154] : memref<2x128xi32, #tpu.memory_space<vmem>> -> memref<1x128xi32, #tpu.memory_space<vmem>>
          %dma_start3A_156 = tpu.memref_squeeze %dma_start3A_155 : memref<1x128xi32, #tpu.memory_space<vmem>> -> memref<128xi32, #tpu.memory_space<vmem>>
          %dma_start3A_157 = arith.constant 0 : i32
          %dma_start3A_158 = tpu.memref_slice %arg4[%add3A_152, %dma_start3A_157] : memref<2560x128xi32, #tpu.memory_space<hbm>> -> memref<1x128xi32, #tpu.memory_space<hbm>>
          %dma_start3A_159 = tpu.memref_squeeze %dma_start3A_158 : memref<1x128xi32, #tpu.memory_space<hbm>> -> memref<128xi32, #tpu.memory_space<hbm>>
          %dma_start3A_160 = arith.constant 0 : i32
          %dma_start3A_161 = tpu.memref_slice %arg9[%dma_start3A_153, %dma_start3A_160] : memref<2x128xi32, #tpu.memory_space<vmem>> -> memref<1x128xi32, #tpu.memory_space<vmem>>
          %dma_start3A_162 = tpu.memref_squeeze %dma_start3A_161 : memref<1x128xi32, #tpu.memory_space<vmem>> -> memref<128xi32, #tpu.memory_space<vmem>>
          %dma_start3A_163 = arith.constant 0 : i32
          %dma_start3A_164 = tpu.memref_slice %arg4[%add3A_152, %dma_start3A_163] : memref<2560x128xi32, #tpu.memory_space<hbm>> -> memref<1x128xi32, #tpu.memory_space<hbm>>
          %dma_start3A_165 = tpu.memref_squeeze %dma_start3A_164 : memref<1x128xi32, #tpu.memory_space<hbm>> -> memref<128xi32, #tpu.memory_space<hbm>>
          tpu.enqueue_dma source(%dma_start3A_165 : memref<128xi32, #tpu.memory_space<hbm>>) target(%dma_start3A_162 : memref<128xi32, #tpu.memory_space<vmem>>) target_semaphore(%arg15 : memref<!tpu.dma_semaphore, #tpu.memory_space<semaphore_mem>>)
        } else {
        }
        %add3A_120 = arith.constant 1 : i32
        %add3A_121 = arith.addi %mul3A_70, %add3A_120 : i32
        %dma_wait3A_122 = arith.constant 0 : i32
        %dma_wait3A_123 = tpu.memref_slice %arg8[%add3A_121, %dma_wait3A_122] : memref<32x128xi32, #tpu.memory_space<vmem>> -> memref<1x128xi32, #tpu.memory_space<vmem>>
        %dma_wait3A_124 = tpu.memref_squeeze %dma_wait3A_123 : memref<1x128xi32, #tpu.memory_space<vmem>> -> memref<128xi32, #tpu.memory_space<vmem>>
        %dma_wait3A_125 = arith.constant 0 : i32
        %dma_wait3A_126 = arith.constant 0 : i32
        %dma_wait3A_127 = tpu.memref_slice %arg2[%dma_wait3A_125, %dma_wait3A_126] : memref<10000x128xf32, #tpu.memory_space<hbm>> -> memref<10000x128xf32, #tpu.memory_space<hbm>>
        tpu.wait_indirect_dma semaphore(%arg14 : memref<!tpu.dma_semaphore, #tpu.memory_space<semaphore_mem>>) src(%dma_wait3A_127 : memref<10000x128xf32, #tpu.memory_space<hbm>>) dst(%arg11 : memref<128x128xf32, #tpu.memory_space<vmem>>)
        %dma_wait3A_128 = arith.constant 1 : i32
        %dma_wait3A_129 = arith.constant 0 : i32
        %dma_wait3A_130 = tpu.memref_slice %arg9[%dma_wait3A_128, %dma_wait3A_129] : memref<2x128xi32, #tpu.memory_space<vmem>> -> memref<1x128xi32, #tpu.memory_space<vmem>>
        %dma_wait3A_131 = tpu.memref_squeeze %dma_wait3A_130 : memref<1x128xi32, #tpu.memory_space<vmem>> -> memref<128xi32, #tpu.memory_space<vmem>>
        %dma_wait3A_132 = arith.constant 0 : i32
        %dma_wait3A_133 = tpu.memref_slice %arg4[%add3A_36, %dma_wait3A_132] : memref<2560x128xi32, #tpu.memory_space<hbm>> -> memref<1x128xi32, #tpu.memory_space<hbm>>
        %dma_wait3A_134 = tpu.memref_squeeze %dma_wait3A_133 : memref<1x128xi32, #tpu.memory_space<hbm>> -> memref<128xi32, #tpu.memory_space<hbm>>
        %dma_wait3A_135 = arith.constant 0 : i32
        %dma_wait3A_136 = tpu.memref_slice %arg9[%dma_wait3A_128, %dma_wait3A_135] : memref<2x128xi32, #tpu.memory_space<vmem>> -> memref<1x128xi32, #tpu.memory_space<vmem>>
        %dma_wait3A_137 = tpu.memref_squeeze %dma_wait3A_136 : memref<1x128xi32, #tpu.memory_space<vmem>> -> memref<128xi32, #tpu.memory_space<vmem>>
        %dma_wait3A_138 = arith.constant 0 : i32
        %dma_wait3A_139 = tpu.memref_slice %arg4[%add3A_36, %dma_wait3A_138] : memref<2560x128xi32, #tpu.memory_space<hbm>> -> memref<1x128xi32, #tpu.memory_space<hbm>>
        %dma_wait3A_140 = tpu.memref_squeeze %dma_wait3A_139 : memref<1x128xi32, #tpu.memory_space<hbm>> -> memref<128xi32, #tpu.memory_space<hbm>>
        tpu.wait_dma2 semaphore(%arg16 : memref<!tpu.dma_semaphore, #tpu.memory_space<semaphore_mem>>) src(%dma_wait3A_140 : memref<128xi32, #tpu.memory_space<hbm>>) dst(%dma_wait3A_137 : memref<128xi32, #tpu.memory_space<vmem>>)
        %run_scoped3A_141 = arith.constant 1 : i32
        "tpu.region"() ({
          %run_scoped3A_142 = tpu.sem_alloc : memref<!tpu.dma_semaphore, #tpu.memory_space<semaphore_mem>>
          %dma_start3A_143 = arith.constant 0 : i32
          %dma_start3A_144 = tpu.memref_slice %arg9[%run_scoped3A_141, %dma_start3A_143] : memref<2x128xi32, #tpu.memory_space<vmem>> -> memref<1x128xi32, #tpu.memory_space<vmem>>
          %dma_start3A_145 = tpu.memref_squeeze %dma_start3A_144 : memref<1x128xi32, #tpu.memory_space<vmem>> -> memref<128xi32, #tpu.memory_space<vmem>>
          %dma_start3A_146 = arith.constant 0 : i32
          %dma_start3A_147 = arith.constant 0 : i32
          %dma_start3A_148 = tpu.memref_slice %arg7[%dma_start3A_146, %dma_start3A_147] : memref<10112x128xf32, #tpu.memory_space<vmem_shared>> -> memref<10112x128xf32, #tpu.memory_space<vmem_shared>>
          tpu.enqueue_indirect_dma source(%arg11 : memref<128x128xf32, #tpu.memory_space<vmem>>) target(%dma_start3A_148 : memref<10112x128xf32, #tpu.memory_space<vmem_shared>>) offsets(%dma_start3A_145 : memref<128xi32, #tpu.memory_space<vmem>>) semaphore(%run_scoped3A_142 : memref<!tpu.dma_semaphore, #tpu.memory_space<semaphore_mem>>) {add = true}
          %dma_wait3A_149 = arith.constant 0 : i32
          %dma_wait3A_150 = tpu.memref_slice %arg9[%run_scoped3A_141, %dma_wait3A_149] : memref<2x128xi32, #tpu.memory_space<vmem>> -> memref<1x128xi32, #tpu.memory_space<vmem>>
          %dma_wait3A_151 = tpu.memref_squeeze %dma_wait3A_150 : memref<1x128xi32, #tpu.memory_space<vmem>> -> memref<128xi32, #tpu.memory_space<vmem>>
          %dma_wait3A_152 = arith.constant 0 : i32
          %dma_wait3A_153 = arith.constant 0 : i32
          %dma_wait3A_154 = tpu.memref_slice %arg7[%dma_wait3A_152, %dma_wait3A_153] : memref<10112x128xf32, #tpu.memory_space<vmem_shared>> -> memref<10112x128xf32, #tpu.memory_space<vmem_shared>>
          tpu.wait_indirect_dma semaphore(%run_scoped3A_142 : memref<!tpu.dma_semaphore, #tpu.memory_space<semaphore_mem>>) src(%arg11 : memref<128x128xf32, #tpu.memory_space<vmem>>) dst(%dma_wait3A_154 : memref<10112x128xf32, #tpu.memory_space<vmem_shared>>)
          tpu.yield
        }) : () -> ()
      }
      %scan3A_67 = arith.constant 16 : i32
    } else {
    }
    %gt3A_25 = arith.constant 3 : i32
    %gt3A_26 = arith.cmpi sgt, %select_n3A_8, %gt3A_25 : i32
    %convert_element_type3A_27 = arith.extui %gt3A_26 : i1 to i32
    %cond3A_28 = arith.constant 0 : i32
    %cond3A_29 = arith.cmpi ne, %convert_element_type3A_27, %cond3A_28 : i32
    scf.if %cond3A_29 {
      %add3A_35 = arith.constant 96 : i32
      %add3A_36 = arith.addi %select_n3A, %add3A_35 : i32
      %dma_start3A = arith.constant 0 : i32
      %dma_start3A_37 = tpu.memref_slice %arg3[%add3A_36, %dma_start3A] : memref<2560x128xi32, #tpu.memory_space<hbm>> -> memref<32x128xi32, #tpu.memory_space<hbm>>
      %dma_start3A_38 = arith.constant 0 : i32
      %dma_start3A_39 = tpu.memref_slice %arg3[%add3A_36, %dma_start3A_38] : memref<2560x128xi32, #tpu.memory_space<hbm>> -> memref<32x128xi32, #tpu.memory_space<hbm>>
      tpu.enqueue_dma source(%dma_start3A_39 : memref<32x128xi32, #tpu.memory_space<hbm>>) target(%arg8 : memref<32x128xi32, #tpu.memory_space<vmem>>) target_semaphore(%arg12 : memref<!tpu.dma_semaphore, #tpu.memory_space<semaphore_mem>>)
      %dma_wait3A = arith.constant 0 : i32
      %dma_wait3A_40 = tpu.memref_slice %arg3[%add3A_36, %dma_wait3A] : memref<2560x128xi32, #tpu.memory_space<hbm>> -> memref<32x128xi32, #tpu.memory_space<hbm>>
      %dma_wait3A_41 = arith.constant 0 : i32
      %dma_wait3A_42 = tpu.memref_slice %arg3[%add3A_36, %dma_wait3A_41] : memref<2560x128xi32, #tpu.memory_space<hbm>> -> memref<32x128xi32, #tpu.memory_space<hbm>>
      tpu.wait_dma2 semaphore(%arg12 : memref<!tpu.dma_semaphore, #tpu.memory_space<semaphore_mem>>) src(%dma_wait3A_42 : memref<32x128xi32, #tpu.memory_space<hbm>>) dst(%arg8 : memref<32x128xi32, #tpu.memory_space<vmem>>)
      %dma_start3A_43 = arith.constant 0 : i32
      %dma_start3A_44 = arith.constant 0 : i32
      %dma_start3A_45 = tpu.memref_slice %arg8[%dma_start3A_43, %dma_start3A_44] : memref<32x128xi32, #tpu.memory_space<vmem>> -> memref<1x128xi32, #tpu.memory_space<vmem>>
      %dma_start3A_46 = tpu.memref_squeeze %dma_start3A_45 : memref<1x128xi32, #tpu.memory_space<vmem>> -> memref<128xi32, #tpu.memory_space<vmem>>
      %dma_start3A_47 = arith.constant 0 : i32
      %dma_start3A_48 = arith.constant 0 : i32
      %dma_start3A_49 = tpu.memref_slice %arg2[%dma_start3A_47, %dma_start3A_48] : memref<10000x128xf32, #tpu.memory_space<hbm>> -> memref<10000x128xf32, #tpu.memory_space<hbm>>
      tpu.enqueue_indirect_dma source(%dma_start3A_49 : memref<10000x128xf32, #tpu.memory_space<hbm>>) target(%arg10 : memref<128x128xf32, #tpu.memory_space<vmem>>) offsets(%dma_start3A_46 : memref<128xi32, #tpu.memory_space<vmem>>) semaphore(%arg13 : memref<!tpu.dma_semaphore, #tpu.memory_space<semaphore_mem>>)
      %dma_start3A_50 = arith.constant 0 : i32
      %dma_start3A_51 = arith.constant 0 : i32
      %dma_start3A_52 = tpu.memref_slice %arg9[%dma_start3A_50, %dma_start3A_51] : memref<2x128xi32, #tpu.memory_space<vmem>> -> memref<1x128xi32, #tpu.memory_space<vmem>>
      %dma_start3A_53 = tpu.memref_squeeze %dma_start3A_52 : memref<1x128xi32, #tpu.memory_space<vmem>> -> memref<128xi32, #tpu.memory_space<vmem>>
      %dma_start3A_54 = arith.constant 0 : i32
      %dma_start3A_55 = tpu.memref_slice %arg4[%add3A_36, %dma_start3A_54] : memref<2560x128xi32, #tpu.memory_space<hbm>> -> memref<1x128xi32, #tpu.memory_space<hbm>>
      %dma_start3A_56 = tpu.memref_squeeze %dma_start3A_55 : memref<1x128xi32, #tpu.memory_space<hbm>> -> memref<128xi32, #tpu.memory_space<hbm>>
      %dma_start3A_57 = arith.constant 0 : i32
      %dma_start3A_58 = tpu.memref_slice %arg9[%dma_start3A_50, %dma_start3A_57] : memref<2x128xi32, #tpu.memory_space<vmem>> -> memref<1x128xi32, #tpu.memory_space<vmem>>
      %dma_start3A_59 = tpu.memref_squeeze %dma_start3A_58 : memref<1x128xi32, #tpu.memory_space<vmem>> -> memref<128xi32, #tpu.memory_space<vmem>>
      %dma_start3A_60 = arith.constant 0 : i32
      %dma_start3A_61 = tpu.memref_slice %arg4[%add3A_36, %dma_start3A_60] : memref<2560x128xi32, #tpu.memory_space<hbm>> -> memref<1x128xi32, #tpu.memory_space<hbm>>
      %dma_start3A_62 = tpu.memref_squeeze %dma_start3A_61 : memref<1x128xi32, #tpu.memory_space<hbm>> -> memref<128xi32, #tpu.memory_space<hbm>>
      tpu.enqueue_dma source(%dma_start3A_62 : memref<128xi32, #tpu.memory_space<hbm>>) target(%dma_start3A_59 : memref<128xi32, #tpu.memory_space<vmem>>) target_semaphore(%arg15 : memref<!tpu.dma_semaphore, #tpu.memory_space<semaphore_mem>>)
      %scan3A = arith.constant 0 : i32
      %scan3A_63 = arith.constant 0 : i32
      %scan3A_64 = arith.constant 16 : i32
      %scan3A_65 = arith.addi %scan3A_63, %scan3A_64 : i32
      %scan3A_66 = arith.constant 1 : i32
      scf.for %scan3A_68 = %scan3A_63 to %scan3A_65 step %scan3A_66  : i32 {
        %mul3A_69 = arith.constant 2 : i32
        %mul3A_70 = arith.muli %scan3A_68, %mul3A_69 : i32
        %add3A_71 = arith.constant 1 : i32
        %add3A_72 = arith.addi %mul3A_70, %add3A_71 : i32
        %dma_start3A_73 = arith.constant 0 : i32
        %dma_start3A_74 = tpu.memref_slice %arg8[%add3A_72, %dma_start3A_73] : memref<32x128xi32, #tpu.memory_space<vmem>> -> memref<1x128xi32, #tpu.memory_space<vmem>>
        %dma_start3A_75 = tpu.memref_squeeze %dma_start3A_74 : memref<1x128xi32, #tpu.memory_space<vmem>> -> memref<128xi32, #tpu.memory_space<vmem>>
        %dma_start3A_76 = arith.constant 0 : i32
        %dma_start3A_77 = arith.constant 0 : i32
        %dma_start3A_78 = tpu.memref_slice %arg2[%dma_start3A_76, %dma_start3A_77] : memref<10000x128xf32, #tpu.memory_space<hbm>> -> memref<10000x128xf32, #tpu.memory_space<hbm>>
        tpu.enqueue_indirect_dma source(%dma_start3A_78 : memref<10000x128xf32, #tpu.memory_space<hbm>>) target(%arg11 : memref<128x128xf32, #tpu.memory_space<vmem>>) offsets(%dma_start3A_75 : memref<128xi32, #tpu.memory_space<vmem>>) semaphore(%arg14 : memref<!tpu.dma_semaphore, #tpu.memory_space<semaphore_mem>>)
        %add3A_79 = arith.addi %add3A_36, %mul3A_70 : i32
        %add3A_80 = arith.constant 1 : i32
        %add3A_81 = arith.addi %add3A_79, %add3A_80 : i32
        %dma_start3A_82 = arith.constant 1 : i32
        %dma_start3A_83 = arith.constant 0 : i32
        %dma_start3A_84 = tpu.memref_slice %arg9[%dma_start3A_82, %dma_start3A_83] : memref<2x128xi32, #tpu.memory_space<vmem>> -> memref<1x128xi32, #tpu.memory_space<vmem>>
        %dma_start3A_85 = tpu.memref_squeeze %dma_start3A_84 : memref<1x128xi32, #tpu.memory_space<vmem>> -> memref<128xi32, #tpu.memory_space<vmem>>
        %dma_start3A_86 = arith.constant 0 : i32
        %dma_start3A_87 = tpu.memref_slice %arg4[%add3A_81, %dma_start3A_86] : memref<2560x128xi32, #tpu.memory_space<hbm>> -> memref<1x128xi32, #tpu.memory_space<hbm>>
        %dma_start3A_88 = tpu.memref_squeeze %dma_start3A_87 : memref<1x128xi32, #tpu.memory_space<hbm>> -> memref<128xi32, #tpu.memory_space<hbm>>
        %dma_start3A_89 = arith.constant 0 : i32
        %dma_start3A_90 = tpu.memref_slice %arg9[%dma_start3A_82, %dma_start3A_89] : memref<2x128xi32, #tpu.memory_space<vmem>> -> memref<1x128xi32, #tpu.memory_space<vmem>>
        %dma_start3A_91 = tpu.memref_squeeze %dma_start3A_90 : memref<1x128xi32, #tpu.memory_space<vmem>> -> memref<128xi32, #tpu.memory_space<vmem>>
        %dma_start3A_92 = arith.constant 0 : i32
        %dma_start3A_93 = tpu.memref_slice %arg4[%add3A_81, %dma_start3A_92] : memref<2560x128xi32, #tpu.memory_space<hbm>> -> memref<1x128xi32, #tpu.memory_space<hbm>>
        %dma_start3A_94 = tpu.memref_squeeze %dma_start3A_93 : memref<1x128xi32, #tpu.memory_space<hbm>> -> memref<128xi32, #tpu.memory_space<hbm>>
        tpu.enqueue_dma source(%dma_start3A_94 : memref<128xi32, #tpu.memory_space<hbm>>) target(%dma_start3A_91 : memref<128xi32, #tpu.memory_space<vmem>>) target_semaphore(%arg16 : memref<!tpu.dma_semaphore, #tpu.memory_space<semaphore_mem>>)
        %dma_wait3A_95 = arith.constant 0 : i32
        %dma_wait3A_96 = tpu.memref_slice %arg8[%mul3A_70, %dma_wait3A_95] : memref<32x128xi32, #tpu.memory_space<vmem>> -> memref<1x128xi32, #tpu.memory_space<vmem>>
        %dma_wait3A_97 = tpu.memref_squeeze %dma_wait3A_96 : memref<1x128xi32, #tpu.memory_space<vmem>> -> memref<128xi32, #tpu.memory_space<vmem>>
        %dma_wait3A_98 = arith.constant 0 : i32
        %dma_wait3A_99 = arith.constant 0 : i32
        %dma_wait3A_100 = tpu.memref_slice %arg2[%dma_wait3A_98, %dma_wait3A_99] : memref<10000x128xf32, #tpu.memory_space<hbm>> -> memref<10000x128xf32, #tpu.memory_space<hbm>>
        tpu.wait_indirect_dma semaphore(%arg13 : memref<!tpu.dma_semaphore, #tpu.memory_space<semaphore_mem>>) src(%dma_wait3A_100 : memref<10000x128xf32, #tpu.memory_space<hbm>>) dst(%arg10 : memref<128x128xf32, #tpu.memory_space<vmem>>)
        %dma_wait3A_101 = arith.constant 0 : i32
        %dma_wait3A_102 = arith.constant 0 : i32
        %dma_wait3A_103 = tpu.memref_slice %arg9[%dma_wait3A_101, %dma_wait3A_102] : memref<2x128xi32, #tpu.memory_space<vmem>> -> memref<1x128xi32, #tpu.memory_space<vmem>>
        %dma_wait3A_104 = tpu.memref_squeeze %dma_wait3A_103 : memref<1x128xi32, #tpu.memory_space<vmem>> -> memref<128xi32, #tpu.memory_space<vmem>>
        %dma_wait3A_105 = arith.constant 0 : i32
        %dma_wait3A_106 = tpu.memref_slice %arg4[%add3A_36, %dma_wait3A_105] : memref<2560x128xi32, #tpu.memory_space<hbm>> -> memref<1x128xi32, #tpu.memory_space<hbm>>
        %dma_wait3A_107 = tpu.memref_squeeze %dma_wait3A_106 : memref<1x128xi32, #tpu.memory_space<hbm>> -> memref<128xi32, #tpu.memory_space<hbm>>
        %dma_wait3A_108 = arith.constant 0 : i32
        %dma_wait3A_109 = tpu.memref_slice %arg9[%dma_wait3A_101, %dma_wait3A_108] : memref<2x128xi32, #tpu.memory_space<vmem>> -> memref<1x128xi32, #tpu.memory_space<vmem>>
        %dma_wait3A_110 = tpu.memref_squeeze %dma_wait3A_109 : memref<1x128xi32, #tpu.memory_space<vmem>> -> memref<128xi32, #tpu.memory_space<vmem>>
        %dma_wait3A_111 = arith.constant 0 : i32
        %dma_wait3A_112 = tpu.memref_slice %arg4[%add3A_36, %dma_wait3A_111] : memref<2560x128xi32, #tpu.memory_space<hbm>> -> memref<1x128xi32, #tpu.memory_space<hbm>>
        %dma_wait3A_113 = tpu.memref_squeeze %dma_wait3A_112 : memref<1x128xi32, #tpu.memory_space<hbm>> -> memref<128xi32, #tpu.memory_space<hbm>>
        tpu.wait_dma2 semaphore(%arg15 : memref<!tpu.dma_semaphore, #tpu.memory_space<semaphore_mem>>) src(%dma_wait3A_113 : memref<128xi32, #tpu.memory_space<hbm>>) dst(%dma_wait3A_110 : memref<128xi32, #tpu.memory_space<vmem>>)
        %run_scoped3A = arith.constant 0 : i32
        "tpu.region"() ({
          %run_scoped3A_142 = tpu.sem_alloc : memref<!tpu.dma_semaphore, #tpu.memory_space<semaphore_mem>>
          %dma_start3A_143 = arith.constant 0 : i32
          %dma_start3A_144 = tpu.memref_slice %arg9[%run_scoped3A, %dma_start3A_143] : memref<2x128xi32, #tpu.memory_space<vmem>> -> memref<1x128xi32, #tpu.memory_space<vmem>>
          %dma_start3A_145 = tpu.memref_squeeze %dma_start3A_144 : memref<1x128xi32, #tpu.memory_space<vmem>> -> memref<128xi32, #tpu.memory_space<vmem>>
          %dma_start3A_146 = arith.constant 0 : i32
          %dma_start3A_147 = arith.constant 0 : i32
          %dma_start3A_148 = tpu.memref_slice %arg7[%dma_start3A_146, %dma_start3A_147] : memref<10112x128xf32, #tpu.memory_space<vmem_shared>> -> memref<10112x128xf32, #tpu.memory_space<vmem_shared>>
          tpu.enqueue_indirect_dma source(%arg10 : memref<128x128xf32, #tpu.memory_space<vmem>>) target(%dma_start3A_148 : memref<10112x128xf32, #tpu.memory_space<vmem_shared>>) offsets(%dma_start3A_145 : memref<128xi32, #tpu.memory_space<vmem>>) semaphore(%run_scoped3A_142 : memref<!tpu.dma_semaphore, #tpu.memory_space<semaphore_mem>>) {add = true}
          %dma_wait3A_149 = arith.constant 0 : i32
          %dma_wait3A_150 = tpu.memref_slice %arg9[%run_scoped3A, %dma_wait3A_149] : memref<2x128xi32, #tpu.memory_space<vmem>> -> memref<1x128xi32, #tpu.memory_space<vmem>>
          %dma_wait3A_151 = tpu.memref_squeeze %dma_wait3A_150 : memref<1x128xi32, #tpu.memory_space<vmem>> -> memref<128xi32, #tpu.memory_space<vmem>>
          %dma_wait3A_152 = arith.constant 0 : i32
          %dma_wait3A_153 = arith.constant 0 : i32
          %dma_wait3A_154 = tpu.memref_slice %arg7[%dma_wait3A_152, %dma_wait3A_153] : memref<10112x128xf32, #tpu.memory_space<vmem_shared>> -> memref<10112x128xf32, #tpu.memory_space<vmem_shared>>
          tpu.wait_indirect_dma semaphore(%run_scoped3A_142 : memref<!tpu.dma_semaphore, #tpu.memory_space<semaphore_mem>>) src(%arg10 : memref<128x128xf32, #tpu.memory_space<vmem>>) dst(%dma_wait3A_154 : memref<10112x128xf32, #tpu.memory_space<vmem_shared>>)
          tpu.yield
        }) : () -> ()
        %add3A_114 = arith.constant 1 : i32
        %add3A_115 = arith.addi %scan3A_68, %add3A_114 : i32
        %lt3A = arith.constant 16 : i32
        %lt3A_116 = arith.cmpi slt, %add3A_115, %lt3A : i32
        %convert_element_type3A_117 = arith.extui %lt3A_116 : i1 to i32
        %cond3A_118 = arith.constant 0 : i32
        %cond3A_119 = arith.cmpi ne, %convert_element_type3A_117, %cond3A_118 : i32
        scf.if %cond3A_119 {
          %add3A_142 = arith.constant 2 : i32
          %add3A_143 = arith.addi %mul3A_70, %add3A_142 : i32
          %dma_start3A_144 = arith.constant 0 : i32
          %dma_start3A_145 = tpu.memref_slice %arg8[%add3A_143, %dma_start3A_144] : memref<32x128xi32, #tpu.memory_space<vmem>> -> memref<1x128xi32, #tpu.memory_space<vmem>>
          %dma_start3A_146 = tpu.memref_squeeze %dma_start3A_145 : memref<1x128xi32, #tpu.memory_space<vmem>> -> memref<128xi32, #tpu.memory_space<vmem>>
          %dma_start3A_147 = arith.constant 0 : i32
          %dma_start3A_148 = arith.constant 0 : i32
          %dma_start3A_149 = tpu.memref_slice %arg2[%dma_start3A_147, %dma_start3A_148] : memref<10000x128xf32, #tpu.memory_space<hbm>> -> memref<10000x128xf32, #tpu.memory_space<hbm>>
          tpu.enqueue_indirect_dma source(%dma_start3A_149 : memref<10000x128xf32, #tpu.memory_space<hbm>>) target(%arg10 : memref<128x128xf32, #tpu.memory_space<vmem>>) offsets(%dma_start3A_146 : memref<128xi32, #tpu.memory_space<vmem>>) semaphore(%arg13 : memref<!tpu.dma_semaphore, #tpu.memory_space<semaphore_mem>>)
          %add3A_150 = arith.addi %add3A_36, %mul3A_70 : i32
          %add3A_151 = arith.constant 2 : i32
          %add3A_152 = arith.addi %add3A_150, %add3A_151 : i32
          %dma_start3A_153 = arith.constant 0 : i32
          %dma_start3A_154 = arith.constant 0 : i32
          %dma_start3A_155 = tpu.memref_slice %arg9[%dma_start3A_153, %dma_start3A_154] : memref<2x128xi32, #tpu.memory_space<vmem>> -> memref<1x128xi32, #tpu.memory_space<vmem>>
          %dma_start3A_156 = tpu.memref_squeeze %dma_start3A_155 : memref<1x128xi32, #tpu.memory_space<vmem>> -> memref<128xi32, #tpu.memory_space<vmem>>
          %dma_start3A_157 = arith.constant 0 : i32
          %dma_start3A_158 = tpu.memref_slice %arg4[%add3A_152, %dma_start3A_157] : memref<2560x128xi32, #tpu.memory_space<hbm>> -> memref<1x128xi32, #tpu.memory_space<hbm>>
          %dma_start3A_159 = tpu.memref_squeeze %dma_start3A_158 : memref<1x128xi32, #tpu.memory_space<hbm>> -> memref<128xi32, #tpu.memory_space<hbm>>
          %dma_start3A_160 = arith.constant 0 : i32
          %dma_start3A_161 = tpu.memref_slice %arg9[%dma_start3A_153, %dma_start3A_160] : memref<2x128xi32, #tpu.memory_space<vmem>> -> memref<1x128xi32, #tpu.memory_space<vmem>>
          %dma_start3A_162 = tpu.memref_squeeze %dma_start3A_161 : memref<1x128xi32, #tpu.memory_space<vmem>> -> memref<128xi32, #tpu.memory_space<vmem>>
          %dma_start3A_163 = arith.constant 0 : i32
          %dma_start3A_164 = tpu.memref_slice %arg4[%add3A_152, %dma_start3A_163] : memref<2560x128xi32, #tpu.memory_space<hbm>> -> memref<1x128xi32, #tpu.memory_space<hbm>>
          %dma_start3A_165 = tpu.memref_squeeze %dma_start3A_164 : memref<1x128xi32, #tpu.memory_space<hbm>> -> memref<128xi32, #tpu.memory_space<hbm>>
          tpu.enqueue_dma source(%dma_start3A_165 : memref<128xi32, #tpu.memory_space<hbm>>) target(%dma_start3A_162 : memref<128xi32, #tpu.memory_space<vmem>>) target_semaphore(%arg15 : memref<!tpu.dma_semaphore, #tpu.memory_space<semaphore_mem>>)
        } else {
        }
        %add3A_120 = arith.constant 1 : i32
        %add3A_121 = arith.addi %mul3A_70, %add3A_120 : i32
        %dma_wait3A_122 = arith.constant 0 : i32
        %dma_wait3A_123 = tpu.memref_slice %arg8[%add3A_121, %dma_wait3A_122] : memref<32x128xi32, #tpu.memory_space<vmem>> -> memref<1x128xi32, #tpu.memory_space<vmem>>
        %dma_wait3A_124 = tpu.memref_squeeze %dma_wait3A_123 : memref<1x128xi32, #tpu.memory_space<vmem>> -> memref<128xi32, #tpu.memory_space<vmem>>
        %dma_wait3A_125 = arith.constant 0 : i32
        %dma_wait3A_126 = arith.constant 0 : i32
        %dma_wait3A_127 = tpu.memref_slice %arg2[%dma_wait3A_125, %dma_wait3A_126] : memref<10000x128xf32, #tpu.memory_space<hbm>> -> memref<10000x128xf32, #tpu.memory_space<hbm>>
        tpu.wait_indirect_dma semaphore(%arg14 : memref<!tpu.dma_semaphore, #tpu.memory_space<semaphore_mem>>) src(%dma_wait3A_127 : memref<10000x128xf32, #tpu.memory_space<hbm>>) dst(%arg11 : memref<128x128xf32, #tpu.memory_space<vmem>>)
        %dma_wait3A_128 = arith.constant 1 : i32
        %dma_wait3A_129 = arith.constant 0 : i32
        %dma_wait3A_130 = tpu.memref_slice %arg9[%dma_wait3A_128, %dma_wait3A_129] : memref<2x128xi32, #tpu.memory_space<vmem>> -> memref<1x128xi32, #tpu.memory_space<vmem>>
        %dma_wait3A_131 = tpu.memref_squeeze %dma_wait3A_130 : memref<1x128xi32, #tpu.memory_space<vmem>> -> memref<128xi32, #tpu.memory_space<vmem>>
        %dma_wait3A_132 = arith.constant 0 : i32
        %dma_wait3A_133 = tpu.memref_slice %arg4[%add3A_36, %dma_wait3A_132] : memref<2560x128xi32, #tpu.memory_space<hbm>> -> memref<1x128xi32, #tpu.memory_space<hbm>>
        %dma_wait3A_134 = tpu.memref_squeeze %dma_wait3A_133 : memref<1x128xi32, #tpu.memory_space<hbm>> -> memref<128xi32, #tpu.memory_space<hbm>>
        %dma_wait3A_135 = arith.constant 0 : i32
        %dma_wait3A_136 = tpu.memref_slice %arg9[%dma_wait3A_128, %dma_wait3A_135] : memref<2x128xi32, #tpu.memory_space<vmem>> -> memref<1x128xi32, #tpu.memory_space<vmem>>
        %dma_wait3A_137 = tpu.memref_squeeze %dma_wait3A_136 : memref<1x128xi32, #tpu.memory_space<vmem>> -> memref<128xi32, #tpu.memory_space<vmem>>
        %dma_wait3A_138 = arith.constant 0 : i32
        %dma_wait3A_139 = tpu.memref_slice %arg4[%add3A_36, %dma_wait3A_138] : memref<2560x128xi32, #tpu.memory_space<hbm>> -> memref<1x128xi32, #tpu.memory_space<hbm>>
        %dma_wait3A_140 = tpu.memref_squeeze %dma_wait3A_139 : memref<1x128xi32, #tpu.memory_space<hbm>> -> memref<128xi32, #tpu.memory_space<hbm>>
        tpu.wait_dma2 semaphore(%arg16 : memref<!tpu.dma_semaphore, #tpu.memory_space<semaphore_mem>>) src(%dma_wait3A_140 : memref<128xi32, #tpu.memory_space<hbm>>) dst(%dma_wait3A_137 : memref<128xi32, #tpu.memory_space<vmem>>)
        %run_scoped3A_141 = arith.constant 1 : i32
        "tpu.region"() ({
          %run_scoped3A_142 = tpu.sem_alloc : memref<!tpu.dma_semaphore, #tpu.memory_space<semaphore_mem>>
          %dma_start3A_143 = arith.constant 0 : i32
          %dma_start3A_144 = tpu.memref_slice %arg9[%run_scoped3A_141, %dma_start3A_143] : memref<2x128xi32, #tpu.memory_space<vmem>> -> memref<1x128xi32, #tpu.memory_space<vmem>>
          %dma_start3A_145 = tpu.memref_squeeze %dma_start3A_144 : memref<1x128xi32, #tpu.memory_space<vmem>> -> memref<128xi32, #tpu.memory_space<vmem>>
          %dma_start3A_146 = arith.constant 0 : i32
          %dma_start3A_147 = arith.constant 0 : i32
          %dma_start3A_148 = tpu.memref_slice %arg7[%dma_start3A_146, %dma_start3A_147] : memref<10112x128xf32, #tpu.memory_space<vmem_shared>> -> memref<10112x128xf32, #tpu.memory_space<vmem_shared>>
          tpu.enqueue_indirect_dma source(%arg11 : memref<128x128xf32, #tpu.memory_space<vmem>>) target(%dma_start3A_148 : memref<10112x128xf32, #tpu.memory_space<vmem_shared>>) offsets(%dma_start3A_145 : memref<128xi32, #tpu.memory_space<vmem>>) semaphore(%run_scoped3A_142 : memref<!tpu.dma_semaphore, #tpu.memory_space<semaphore_mem>>) {add = true}
          %dma_wait3A_149 = arith.constant 0 : i32
          %dma_wait3A_150 = tpu.memref_slice %arg9[%run_scoped3A_141, %dma_wait3A_149] : memref<2x128xi32, #tpu.memory_space<vmem>> -> memref<1x128xi32, #tpu.memory_space<vmem>>
          %dma_wait3A_151 = tpu.memref_squeeze %dma_wait3A_150 : memref<1x128xi32, #tpu.memory_space<vmem>> -> memref<128xi32, #tpu.memory_space<vmem>>
          %dma_wait3A_152 = arith.constant 0 : i32
          %dma_wait3A_153 = arith.constant 0 : i32
          %dma_wait3A_154 = tpu.memref_slice %arg7[%dma_wait3A_152, %dma_wait3A_153] : memref<10112x128xf32, #tpu.memory_space<vmem_shared>> -> memref<10112x128xf32, #tpu.memory_space<vmem_shared>>
          tpu.wait_indirect_dma semaphore(%run_scoped3A_142 : memref<!tpu.dma_semaphore, #tpu.memory_space<semaphore_mem>>) src(%arg11 : memref<128x128xf32, #tpu.memory_space<vmem>>) dst(%dma_wait3A_154 : memref<10112x128xf32, #tpu.memory_space<vmem_shared>>)
          tpu.yield
        }) : () -> ()
      }
      %scan3A_67 = arith.constant 16 : i32
    } else {
    }
    %barrier3A_30 = arith.constant 0 : index
    tpu.barrier barrier_id(%barrier3A_30)
    %mul3A_31 = arith.constant 632 : i32
    %mul3A_32 = arith.muli %arg1, %mul3A_31 : i32
    %mul3A_33 = arith.constant 632 : i32
    %mul3A_34 = arith.muli %arg1, %mul3A_33 : i32
    "tpu.region"() ({
      %run_scoped3A = tpu.sem_alloc : memref<!tpu.dma_semaphore, #tpu.memory_space<semaphore_mem>>
      %dma_start3A = arith.constant 0 : i32
      %dma_start3A_35 = tpu.memref_slice %arg6[%arg0, %mul3A_34, %dma_start3A] : memref<2x10112x128xf32, #tpu.memory_space<hbm>> -> memref<1x632x128xf32, #tpu.memory_space<hbm>>
      %dma_start3A_36 = tpu.memref_squeeze %dma_start3A_35 : memref<1x632x128xf32, #tpu.memory_space<hbm>> -> memref<632x128xf32, #tpu.memory_space<hbm>>
      %dma_start3A_37 = arith.constant 0 : i32
      %dma_start3A_38 = tpu.memref_slice %arg7[%mul3A_32, %dma_start3A_37] : memref<10112x128xf32, #tpu.memory_space<vmem_shared>> -> memref<632x128xf32, #tpu.memory_space<vmem_shared>>
      tpu.enqueue_dma source(%dma_start3A_38 : memref<632x128xf32, #tpu.memory_space<vmem_shared>>) target(%dma_start3A_36 : memref<632x128xf32, #tpu.memory_space<hbm>>) target_semaphore(%run_scoped3A : memref<!tpu.dma_semaphore, #tpu.memory_space<semaphore_mem>>)
      %dma_wait3A = arith.constant 0 : i32
      %dma_wait3A_39 = tpu.memref_slice %arg6[%arg0, %mul3A_34, %dma_wait3A] : memref<2x10112x128xf32, #tpu.memory_space<hbm>> -> memref<1x632x128xf32, #tpu.memory_space<hbm>>
      %dma_wait3A_40 = tpu.memref_squeeze %dma_wait3A_39 : memref<1x632x128xf32, #tpu.memory_space<hbm>> -> memref<632x128xf32, #tpu.memory_space<hbm>>
      %dma_wait3A_41 = arith.constant 0 : i32
      %dma_wait3A_42 = tpu.memref_slice %arg7[%mul3A_32, %dma_wait3A_41] : memref<10112x128xf32, #tpu.memory_space<vmem_shared>> -> memref<632x128xf32, #tpu.memory_space<vmem_shared>>
      tpu.wait_dma2 semaphore(%run_scoped3A : memref<!tpu.dma_semaphore, #tpu.memory_space<semaphore_mem>>) src(%dma_wait3A_42 : memref<632x128xf32, #tpu.memory_space<vmem_shared>>) dst(%dma_wait3A_40 : memref<632x128xf32, #tpu.memory_space<hbm>>)
      tpu.yield
    }) : () -> ()
    return
  }
}

#map = affine_map<(d0, d1) -> (0, 0)>
#map1 = affine_map<(d0, d1) -> (0, 0, 0)>
module attributes {stable_mosaic.version = 14 : i64} {
  func.func @body(%arg0: i32, %arg1: i32, %arg2: memref<10000x128xf32, #tpu.memory_space<hbm>>, %arg3: memref<2560x128xi32, #tpu.memory_space<hbm>>, %arg4: memref<2560x128xi32, #tpu.memory_space<hbm>>, %arg5: memref<10112x128xf32, #tpu.memory_space<hbm>>, %arg6: memref<2x10112x128xf32, #tpu.memory_space<hbm>>, %arg7: memref<10112x128xf32, #tpu.memory_space<vmem_shared>>, %arg8: memref<32x128xi32, #tpu.memory_space<vmem>>, %arg9: memref<2x128xi32, #tpu.memory_space<vmem>>, %arg10: memref<128x128xf32, #tpu.memory_space<vmem>>, %arg11: memref<128x128xf32, #tpu.memory_space<vmem>>, %arg12: memref<!tpu.dma_semaphore, #tpu.memory_space<semaphore_mem>>, %arg13: memref<!tpu.dma_semaphore, #tpu.memory_space<semaphore_mem>>, %arg14: memref<!tpu.dma_semaphore, #tpu.memory_space<semaphore_mem>>, %arg15: memref<!tpu.dma_semaphore, #tpu.memory_space<semaphore_mem>>, %arg16: memref<!tpu.dma_semaphore, #tpu.memory_space<semaphore_mem>>) attributes {dimension_semantics = [#tpu.dimension_semantics<core_parallel>, #tpu.dimension_semantics<subcore_parallel>], iteration_bounds = array<i64: 2, 16>, scalar_prefetch = 0 : i64, scratch_operands = 10 : i64, tpu.core_type = #tpu.core_type<sc_vector_subcore>, window_params = [{transform_indices = #map}, {transform_indices = #map}, {transform_indices = #map}, {transform_indices = #map}, {transform_indices = #map1}]} {
    %eq3A = arith.constant 0 : i32
    %eq3A_0 = arith.cmpi eq, %arg0, %eq3A : i32
    %mul3A = arith.constant 128 : i32
    %mul3A_1 = arith.muli %arg1, %mul3A : i32
    %mul3A_2 = arith.constant 32 : i32
    %mul3A_3 = arith.muli %arg1, %mul3A_2 : i32
    %add3A = arith.constant 2048 : i32
    %add3A_4 = arith.addi %add3A, %mul3A_3 : i32
    %select_n3A = arith.select %eq3A_0, %mul3A_1, %add3A_4 : i32
    %eq3A_5 = arith.constant 0 : i32
    %eq3A_6 = arith.cmpi eq, %arg0, %eq3A_5 : i32
    %jit3A = arith.constant 4 : i32
    %jit3A_7 = arith.constant 1 : i32
    %select_n3A_8 = arith.select %eq3A_6, %jit3A, %jit3A_7 : i32
    %mul3A_9 = arith.constant 632 : i32
    %mul3A_10 = arith.muli %arg1, %mul3A_9 : i32
    %mul3A_11 = arith.constant 632 : i32
    %mul3A_12 = arith.muli %arg1, %mul3A_11 : i32
    "tpu.region"() ({
      %run_scoped3A = tpu.sem_alloc : memref<!tpu.dma_semaphore, #tpu.memory_space<semaphore_mem>>
      %dma_start3A = arith.constant 0 : i32
      %dma_start3A_35 = tpu.memref_slice %arg7[%mul3A_12, %dma_start3A] : memref<10112x128xf32, #tpu.memory_space<vmem_shared>> -> memref<632x128xf32, #tpu.memory_space<vmem_shared>>
      %dma_start3A_36 = arith.constant 0 : i32
      %dma_start3A_37 = tpu.memref_slice %arg5[%mul3A_10, %dma_start3A_36] : memref<10112x128xf32, #tpu.memory_space<hbm>> -> memref<632x128xf32, #tpu.memory_space<hbm>>
      tpu.enqueue_dma source(%dma_start3A_37 : memref<632x128xf32, #tpu.memory_space<hbm>>) target(%dma_start3A_35 : memref<632x128xf32, #tpu.memory_space<vmem_shared>>) target_semaphore(%run_scoped3A : memref<!tpu.dma_semaphore, #tpu.memory_space<semaphore_mem>>)
      %dma_wait3A = arith.constant 0 : i32
      %dma_wait3A_38 = tpu.memref_slice %arg7[%mul3A_12, %dma_wait3A] : memref<10112x128xf32, #tpu.memory_space<vmem_shared>> -> memref<632x128xf32, #tpu.memory_space<vmem_shared>>
      %dma_wait3A_39 = arith.constant 0 : i32
      %dma_wait3A_40 = tpu.memref_slice %arg5[%mul3A_10, %dma_wait3A_39] : memref<10112x128xf32, #tpu.memory_space<hbm>> -> memref<632x128xf32, #tpu.memory_space<hbm>>
      tpu.wait_dma2 semaphore(%run_scoped3A : memref<!tpu.dma_semaphore, #tpu.memory_space<semaphore_mem>>) src(%dma_wait3A_40 : memref<632x128xf32, #tpu.memory_space<hbm>>) dst(%dma_wait3A_38 : memref<632x128xf32, #tpu.memory_space<vmem_shared>>)
      tpu.yield
    }) : () -> ()
    %barrier3A = arith.constant 0 : index
    tpu.barrier barrier_id(%barrier3A)
    %gt3A = arith.constant 0 : i32
    %gt3A_13 = arith.cmpi sgt, %select_n3A_8, %gt3A : i32
    %convert_element_type3A = arith.extui %gt3A_13 : i1 to i32
    %cond3A = arith.constant 0 : i32
    %cond3A_14 = arith.cmpi ne, %convert_element_type3A, %cond3A : i32
    scf.if %cond3A_14 {
      %add3A_35 = arith.constant 0 : i32
      %add3A_36 = arith.addi %select_n3A, %add3A_35 : i32
      %dma_start3A = arith.constant 0 : i32
      %dma_start3A_37 = tpu.memref_slice %arg3[%add3A_36, %dma_start3A] : memref<2560x128xi32, #tpu.memory_space<hbm>> -> memref<32x128xi32, #tpu.memory_space<hbm>>
      %dma_start3A_38 = arith.constant 0 : i32
      %dma_start3A_39 = tpu.memref_slice %arg3[%add3A_36, %dma_start3A_38] : memref<2560x128xi32, #tpu.memory_space<hbm>> -> memref<32x128xi32, #tpu.memory_space<hbm>>
      tpu.enqueue_dma source(%dma_start3A_39 : memref<32x128xi32, #tpu.memory_space<hbm>>) target(%arg8 : memref<32x128xi32, #tpu.memory_space<vmem>>) target_semaphore(%arg12 : memref<!tpu.dma_semaphore, #tpu.memory_space<semaphore_mem>>)
      %dma_wait3A = arith.constant 0 : i32
      %dma_wait3A_40 = tpu.memref_slice %arg3[%add3A_36, %dma_wait3A] : memref<2560x128xi32, #tpu.memory_space<hbm>> -> memref<32x128xi32, #tpu.memory_space<hbm>>
      %dma_wait3A_41 = arith.constant 0 : i32
      %dma_wait3A_42 = tpu.memref_slice %arg3[%add3A_36, %dma_wait3A_41] : memref<2560x128xi32, #tpu.memory_space<hbm>> -> memref<32x128xi32, #tpu.memory_space<hbm>>
      tpu.wait_dma2 semaphore(%arg12 : memref<!tpu.dma_semaphore, #tpu.memory_space<semaphore_mem>>) src(%dma_wait3A_42 : memref<32x128xi32, #tpu.memory_space<hbm>>) dst(%arg8 : memref<32x128xi32, #tpu.memory_space<vmem>>)
      %dma_start3A_43 = arith.constant 0 : i32
      %dma_start3A_44 = arith.constant 0 : i32
      %dma_start3A_45 = tpu.memref_slice %arg8[%dma_start3A_43, %dma_start3A_44] : memref<32x128xi32, #tpu.memory_space<vmem>> -> memref<1x128xi32, #tpu.memory_space<vmem>>
      %dma_start3A_46 = tpu.memref_squeeze %dma_start3A_45 : memref<1x128xi32, #tpu.memory_space<vmem>> -> memref<128xi32, #tpu.memory_space<vmem>>
      %dma_start3A_47 = arith.constant 0 : i32
      %dma_start3A_48 = arith.constant 0 : i32
      %dma_start3A_49 = tpu.memref_slice %arg2[%dma_start3A_47, %dma_start3A_48] : memref<10000x128xf32, #tpu.memory_space<hbm>> -> memref<10000x128xf32, #tpu.memory_space<hbm>>
      tpu.enqueue_indirect_dma source(%dma_start3A_49 : memref<10000x128xf32, #tpu.memory_space<hbm>>) target(%arg10 : memref<128x128xf32, #tpu.memory_space<vmem>>) offsets(%dma_start3A_46 : memref<128xi32, #tpu.memory_space<vmem>>) semaphore(%arg13 : memref<!tpu.dma_semaphore, #tpu.memory_space<semaphore_mem>>)
      %dma_start3A_50 = arith.constant 0 : i32
      %dma_start3A_51 = arith.constant 0 : i32
      %dma_start3A_52 = tpu.memref_slice %arg9[%dma_start3A_50, %dma_start3A_51] : memref<2x128xi32, #tpu.memory_space<vmem>> -> memref<1x128xi32, #tpu.memory_space<vmem>>
      %dma_start3A_53 = tpu.memref_squeeze %dma_start3A_52 : memref<1x128xi32, #tpu.memory_space<vmem>> -> memref<128xi32, #tpu.memory_space<vmem>>
      %dma_start3A_54 = arith.constant 0 : i32
      %dma_start3A_55 = tpu.memref_slice %arg4[%add3A_36, %dma_start3A_54] : memref<2560x128xi32, #tpu.memory_space<hbm>> -> memref<1x128xi32, #tpu.memory_space<hbm>>
      %dma_start3A_56 = tpu.memref_squeeze %dma_start3A_55 : memref<1x128xi32, #tpu.memory_space<hbm>> -> memref<128xi32, #tpu.memory_space<hbm>>
      %dma_start3A_57 = arith.constant 0 : i32
      %dma_start3A_58 = tpu.memref_slice %arg9[%dma_start3A_50, %dma_start3A_57] : memref<2x128xi32, #tpu.memory_space<vmem>> -> memref<1x128xi32, #tpu.memory_space<vmem>>
      %dma_start3A_59 = tpu.memref_squeeze %dma_start3A_58 : memref<1x128xi32, #tpu.memory_space<vmem>> -> memref<128xi32, #tpu.memory_space<vmem>>
      %dma_start3A_60 = arith.constant 0 : i32
      %dma_start3A_61 = tpu.memref_slice %arg4[%add3A_36, %dma_start3A_60] : memref<2560x128xi32, #tpu.memory_space<hbm>> -> memref<1x128xi32, #tpu.memory_space<hbm>>
      %dma_start3A_62 = tpu.memref_squeeze %dma_start3A_61 : memref<1x128xi32, #tpu.memory_space<hbm>> -> memref<128xi32, #tpu.memory_space<hbm>>
      tpu.enqueue_dma source(%dma_start3A_62 : memref<128xi32, #tpu.memory_space<hbm>>) target(%dma_start3A_59 : memref<128xi32, #tpu.memory_space<vmem>>) target_semaphore(%arg15 : memref<!tpu.dma_semaphore, #tpu.memory_space<semaphore_mem>>)
      %scan3A = arith.constant 0 : i32
      %scan3A_63 = arith.constant 0 : i32
      %scan3A_64 = arith.constant 16 : i32
      %scan3A_65 = arith.addi %scan3A_63, %scan3A_64 : i32
      %scan3A_66 = arith.constant 1 : i32
      scf.for %scan3A_68 = %scan3A_63 to %scan3A_65 step %scan3A_66  : i32 {
        %mul3A_69 = arith.constant 2 : i32
        %mul3A_70 = arith.muli %scan3A_68, %mul3A_69 : i32
        %add3A_71 = arith.constant 1 : i32
        %add3A_72 = arith.addi %mul3A_70, %add3A_71 : i32
        %dma_start3A_73 = arith.constant 0 : i32
        %dma_start3A_74 = tpu.memref_slice %arg8[%add3A_72, %dma_start3A_73] : memref<32x128xi32, #tpu.memory_space<vmem>> -> memref<1x128xi32, #tpu.memory_space<vmem>>
        %dma_start3A_75 = tpu.memref_squeeze %dma_start3A_74 : memref<1x128xi32, #tpu.memory_space<vmem>> -> memref<128xi32, #tpu.memory_space<vmem>>
        %dma_start3A_76 = arith.constant 0 : i32
        %dma_start3A_77 = arith.constant 0 : i32
        %dma_start3A_78 = tpu.memref_slice %arg2[%dma_start3A_76, %dma_start3A_77] : memref<10000x128xf32, #tpu.memory_space<hbm>> -> memref<10000x128xf32, #tpu.memory_space<hbm>>
        tpu.enqueue_indirect_dma source(%dma_start3A_78 : memref<10000x128xf32, #tpu.memory_space<hbm>>) target(%arg11 : memref<128x128xf32, #tpu.memory_space<vmem>>) offsets(%dma_start3A_75 : memref<128xi32, #tpu.memory_space<vmem>>) semaphore(%arg14 : memref<!tpu.dma_semaphore, #tpu.memory_space<semaphore_mem>>)
        %add3A_79 = arith.addi %add3A_36, %mul3A_70 : i32
        %add3A_80 = arith.constant 1 : i32
        %add3A_81 = arith.addi %add3A_79, %add3A_80 : i32
        %dma_start3A_82 = arith.constant 1 : i32
        %dma_start3A_83 = arith.constant 0 : i32
        %dma_start3A_84 = tpu.memref_slice %arg9[%dma_start3A_82, %dma_start3A_83] : memref<2x128xi32, #tpu.memory_space<vmem>> -> memref<1x128xi32, #tpu.memory_space<vmem>>
        %dma_start3A_85 = tpu.memref_squeeze %dma_start3A_84 : memref<1x128xi32, #tpu.memory_space<vmem>> -> memref<128xi32, #tpu.memory_space<vmem>>
        %dma_start3A_86 = arith.constant 0 : i32
        %dma_start3A_87 = tpu.memref_slice %arg4[%add3A_81, %dma_start3A_86] : memref<2560x128xi32, #tpu.memory_space<hbm>> -> memref<1x128xi32, #tpu.memory_space<hbm>>
        %dma_start3A_88 = tpu.memref_squeeze %dma_start3A_87 : memref<1x128xi32, #tpu.memory_space<hbm>> -> memref<128xi32, #tpu.memory_space<hbm>>
        %dma_start3A_89 = arith.constant 0 : i32
        %dma_start3A_90 = tpu.memref_slice %arg9[%dma_start3A_82, %dma_start3A_89] : memref<2x128xi32, #tpu.memory_space<vmem>> -> memref<1x128xi32, #tpu.memory_space<vmem>>
        %dma_start3A_91 = tpu.memref_squeeze %dma_start3A_90 : memref<1x128xi32, #tpu.memory_space<vmem>> -> memref<128xi32, #tpu.memory_space<vmem>>
        %dma_start3A_92 = arith.constant 0 : i32
        %dma_start3A_93 = tpu.memref_slice %arg4[%add3A_81, %dma_start3A_92] : memref<2560x128xi32, #tpu.memory_space<hbm>> -> memref<1x128xi32, #tpu.memory_space<hbm>>
        %dma_start3A_94 = tpu.memref_squeeze %dma_start3A_93 : memref<1x128xi32, #tpu.memory_space<hbm>> -> memref<128xi32, #tpu.memory_space<hbm>>
        tpu.enqueue_dma source(%dma_start3A_94 : memref<128xi32, #tpu.memory_space<hbm>>) target(%dma_start3A_91 : memref<128xi32, #tpu.memory_space<vmem>>) target_semaphore(%arg16 : memref<!tpu.dma_semaphore, #tpu.memory_space<semaphore_mem>>)
        %dma_wait3A_95 = arith.constant 0 : i32
        %dma_wait3A_96 = tpu.memref_slice %arg8[%mul3A_70, %dma_wait3A_95] : memref<32x128xi32, #tpu.memory_space<vmem>> -> memref<1x128xi32, #tpu.memory_space<vmem>>
        %dma_wait3A_97 = tpu.memref_squeeze %dma_wait3A_96 : memref<1x128xi32, #tpu.memory_space<vmem>> -> memref<128xi32, #tpu.memory_space<vmem>>
        %dma_wait3A_98 = arith.constant 0 : i32
        %dma_wait3A_99 = arith.constant 0 : i32
        %dma_wait3A_100 = tpu.memref_slice %arg2[%dma_wait3A_98, %dma_wait3A_99] : memref<10000x128xf32, #tpu.memory_space<hbm>> -> memref<10000x128xf32, #tpu.memory_space<hbm>>
        tpu.wait_indirect_dma semaphore(%arg13 : memref<!tpu.dma_semaphore, #tpu.memory_space<semaphore_mem>>) src(%dma_wait3A_100 : memref<10000x128xf32, #tpu.memory_space<hbm>>) dst(%arg10 : memref<128x128xf32, #tpu.memory_space<vmem>>)
        %dma_wait3A_101 = arith.constant 0 : i32
        %dma_wait3A_102 = arith.constant 0 : i32
        %dma_wait3A_103 = tpu.memref_slice %arg9[%dma_wait3A_101, %dma_wait3A_102] : memref<2x128xi32, #tpu.memory_space<vmem>> -> memref<1x128xi32, #tpu.memory_space<vmem>>
        %dma_wait3A_104 = tpu.memref_squeeze %dma_wait3A_103 : memref<1x128xi32, #tpu.memory_space<vmem>> -> memref<128xi32, #tpu.memory_space<vmem>>
        %dma_wait3A_105 = arith.constant 0 : i32
        %dma_wait3A_106 = tpu.memref_slice %arg4[%add3A_36, %dma_wait3A_105] : memref<2560x128xi32, #tpu.memory_space<hbm>> -> memref<1x128xi32, #tpu.memory_space<hbm>>
        %dma_wait3A_107 = tpu.memref_squeeze %dma_wait3A_106 : memref<1x128xi32, #tpu.memory_space<hbm>> -> memref<128xi32, #tpu.memory_space<hbm>>
        %dma_wait3A_108 = arith.constant 0 : i32
        %dma_wait3A_109 = tpu.memref_slice %arg9[%dma_wait3A_101, %dma_wait3A_108] : memref<2x128xi32, #tpu.memory_space<vmem>> -> memref<1x128xi32, #tpu.memory_space<vmem>>
        %dma_wait3A_110 = tpu.memref_squeeze %dma_wait3A_109 : memref<1x128xi32, #tpu.memory_space<vmem>> -> memref<128xi32, #tpu.memory_space<vmem>>
        %dma_wait3A_111 = arith.constant 0 : i32
        %dma_wait3A_112 = tpu.memref_slice %arg4[%add3A_36, %dma_wait3A_111] : memref<2560x128xi32, #tpu.memory_space<hbm>> -> memref<1x128xi32, #tpu.memory_space<hbm>>
        %dma_wait3A_113 = tpu.memref_squeeze %dma_wait3A_112 : memref<1x128xi32, #tpu.memory_space<hbm>> -> memref<128xi32, #tpu.memory_space<hbm>>
        tpu.wait_dma2 semaphore(%arg15 : memref<!tpu.dma_semaphore, #tpu.memory_space<semaphore_mem>>) src(%dma_wait3A_113 : memref<128xi32, #tpu.memory_space<hbm>>) dst(%dma_wait3A_110 : memref<128xi32, #tpu.memory_space<vmem>>)
        %run_scoped3A = arith.constant 0 : i32
        "tpu.region"() ({
          %run_scoped3A_142 = tpu.sem_alloc : memref<!tpu.dma_semaphore, #tpu.memory_space<semaphore_mem>>
          %dma_start3A_143 = arith.constant 0 : i32
          %dma_start3A_144 = tpu.memref_slice %arg9[%run_scoped3A, %dma_start3A_143] : memref<2x128xi32, #tpu.memory_space<vmem>> -> memref<1x128xi32, #tpu.memory_space<vmem>>
          %dma_start3A_145 = tpu.memref_squeeze %dma_start3A_144 : memref<1x128xi32, #tpu.memory_space<vmem>> -> memref<128xi32, #tpu.memory_space<vmem>>
          %dma_start3A_146 = arith.constant 0 : i32
          %dma_start3A_147 = arith.constant 0 : i32
          %dma_start3A_148 = tpu.memref_slice %arg7[%dma_start3A_146, %dma_start3A_147] : memref<10112x128xf32, #tpu.memory_space<vmem_shared>> -> memref<10112x128xf32, #tpu.memory_space<vmem_shared>>
          tpu.enqueue_indirect_dma source(%arg10 : memref<128x128xf32, #tpu.memory_space<vmem>>) target(%dma_start3A_148 : memref<10112x128xf32, #tpu.memory_space<vmem_shared>>) offsets(%dma_start3A_145 : memref<128xi32, #tpu.memory_space<vmem>>) semaphore(%run_scoped3A_142 : memref<!tpu.dma_semaphore, #tpu.memory_space<semaphore_mem>>) {add = true}
          %dma_wait3A_149 = arith.constant 0 : i32
          %dma_wait3A_150 = tpu.memref_slice %arg9[%run_scoped3A, %dma_wait3A_149] : memref<2x128xi32, #tpu.memory_space<vmem>> -> memref<1x128xi32, #tpu.memory_space<vmem>>
          %dma_wait3A_151 = tpu.memref_squeeze %dma_wait3A_150 : memref<1x128xi32, #tpu.memory_space<vmem>> -> memref<128xi32, #tpu.memory_space<vmem>>
          %dma_wait3A_152 = arith.constant 0 : i32
          %dma_wait3A_153 = arith.constant 0 : i32
          %dma_wait3A_154 = tpu.memref_slice %arg7[%dma_wait3A_152, %dma_wait3A_153] : memref<10112x128xf32, #tpu.memory_space<vmem_shared>> -> memref<10112x128xf32, #tpu.memory_space<vmem_shared>>
          tpu.wait_indirect_dma semaphore(%run_scoped3A_142 : memref<!tpu.dma_semaphore, #tpu.memory_space<semaphore_mem>>) src(%arg10 : memref<128x128xf32, #tpu.memory_space<vmem>>) dst(%dma_wait3A_154 : memref<10112x128xf32, #tpu.memory_space<vmem_shared>>)
          tpu.yield
        }) : () -> ()
        %add3A_114 = arith.constant 1 : i32
        %add3A_115 = arith.addi %scan3A_68, %add3A_114 : i32
        %lt3A = arith.constant 16 : i32
        %lt3A_116 = arith.cmpi slt, %add3A_115, %lt3A : i32
        %convert_element_type3A_117 = arith.extui %lt3A_116 : i1 to i32
        %cond3A_118 = arith.constant 0 : i32
        %cond3A_119 = arith.cmpi ne, %convert_element_type3A_117, %cond3A_118 : i32
        scf.if %cond3A_119 {
          %add3A_142 = arith.constant 2 : i32
          %add3A_143 = arith.addi %mul3A_70, %add3A_142 : i32
          %dma_start3A_144 = arith.constant 0 : i32
          %dma_start3A_145 = tpu.memref_slice %arg8[%add3A_143, %dma_start3A_144] : memref<32x128xi32, #tpu.memory_space<vmem>> -> memref<1x128xi32, #tpu.memory_space<vmem>>
          %dma_start3A_146 = tpu.memref_squeeze %dma_start3A_145 : memref<1x128xi32, #tpu.memory_space<vmem>> -> memref<128xi32, #tpu.memory_space<vmem>>
          %dma_start3A_147 = arith.constant 0 : i32
          %dma_start3A_148 = arith.constant 0 : i32
          %dma_start3A_149 = tpu.memref_slice %arg2[%dma_start3A_147, %dma_start3A_148] : memref<10000x128xf32, #tpu.memory_space<hbm>> -> memref<10000x128xf32, #tpu.memory_space<hbm>>
          tpu.enqueue_indirect_dma source(%dma_start3A_149 : memref<10000x128xf32, #tpu.memory_space<hbm>>) target(%arg10 : memref<128x128xf32, #tpu.memory_space<vmem>>) offsets(%dma_start3A_146 : memref<128xi32, #tpu.memory_space<vmem>>) semaphore(%arg13 : memref<!tpu.dma_semaphore, #tpu.memory_space<semaphore_mem>>)
          %add3A_150 = arith.addi %add3A_36, %mul3A_70 : i32
          %add3A_151 = arith.constant 2 : i32
          %add3A_152 = arith.addi %add3A_150, %add3A_151 : i32
          %dma_start3A_153 = arith.constant 0 : i32
          %dma_start3A_154 = arith.constant 0 : i32
          %dma_start3A_155 = tpu.memref_slice %arg9[%dma_start3A_153, %dma_start3A_154] : memref<2x128xi32, #tpu.memory_space<vmem>> -> memref<1x128xi32, #tpu.memory_space<vmem>>
          %dma_start3A_156 = tpu.memref_squeeze %dma_start3A_155 : memref<1x128xi32, #tpu.memory_space<vmem>> -> memref<128xi32, #tpu.memory_space<vmem>>
          %dma_start3A_157 = arith.constant 0 : i32
          %dma_start3A_158 = tpu.memref_slice %arg4[%add3A_152, %dma_start3A_157] : memref<2560x128xi32, #tpu.memory_space<hbm>> -> memref<1x128xi32, #tpu.memory_space<hbm>>
          %dma_start3A_159 = tpu.memref_squeeze %dma_start3A_158 : memref<1x128xi32, #tpu.memory_space<hbm>> -> memref<128xi32, #tpu.memory_space<hbm>>
          %dma_start3A_160 = arith.constant 0 : i32
          %dma_start3A_161 = tpu.memref_slice %arg9[%dma_start3A_153, %dma_start3A_160] : memref<2x128xi32, #tpu.memory_space<vmem>> -> memref<1x128xi32, #tpu.memory_space<vmem>>
          %dma_start3A_162 = tpu.memref_squeeze %dma_start3A_161 : memref<1x128xi32, #tpu.memory_space<vmem>> -> memref<128xi32, #tpu.memory_space<vmem>>
          %dma_start3A_163 = arith.constant 0 : i32
          %dma_start3A_164 = tpu.memref_slice %arg4[%add3A_152, %dma_start3A_163] : memref<2560x128xi32, #tpu.memory_space<hbm>> -> memref<1x128xi32, #tpu.memory_space<hbm>>
          %dma_start3A_165 = tpu.memref_squeeze %dma_start3A_164 : memref<1x128xi32, #tpu.memory_space<hbm>> -> memref<128xi32, #tpu.memory_space<hbm>>
          tpu.enqueue_dma source(%dma_start3A_165 : memref<128xi32, #tpu.memory_space<hbm>>) target(%dma_start3A_162 : memref<128xi32, #tpu.memory_space<vmem>>) target_semaphore(%arg15 : memref<!tpu.dma_semaphore, #tpu.memory_space<semaphore_mem>>)
        } else {
        }
        %add3A_120 = arith.constant 1 : i32
        %add3A_121 = arith.addi %mul3A_70, %add3A_120 : i32
        %dma_wait3A_122 = arith.constant 0 : i32
        %dma_wait3A_123 = tpu.memref_slice %arg8[%add3A_121, %dma_wait3A_122] : memref<32x128xi32, #tpu.memory_space<vmem>> -> memref<1x128xi32, #tpu.memory_space<vmem>>
        %dma_wait3A_124 = tpu.memref_squeeze %dma_wait3A_123 : memref<1x128xi32, #tpu.memory_space<vmem>> -> memref<128xi32, #tpu.memory_space<vmem>>
        %dma_wait3A_125 = arith.constant 0 : i32
        %dma_wait3A_126 = arith.constant 0 : i32
        %dma_wait3A_127 = tpu.memref_slice %arg2[%dma_wait3A_125, %dma_wait3A_126] : memref<10000x128xf32, #tpu.memory_space<hbm>> -> memref<10000x128xf32, #tpu.memory_space<hbm>>
        tpu.wait_indirect_dma semaphore(%arg14 : memref<!tpu.dma_semaphore, #tpu.memory_space<semaphore_mem>>) src(%dma_wait3A_127 : memref<10000x128xf32, #tpu.memory_space<hbm>>) dst(%arg11 : memref<128x128xf32, #tpu.memory_space<vmem>>)
        %dma_wait3A_128 = arith.constant 1 : i32
        %dma_wait3A_129 = arith.constant 0 : i32
        %dma_wait3A_130 = tpu.memref_slice %arg9[%dma_wait3A_128, %dma_wait3A_129] : memref<2x128xi32, #tpu.memory_space<vmem>> -> memref<1x128xi32, #tpu.memory_space<vmem>>
        %dma_wait3A_131 = tpu.memref_squeeze %dma_wait3A_130 : memref<1x128xi32, #tpu.memory_space<vmem>> -> memref<128xi32, #tpu.memory_space<vmem>>
        %dma_wait3A_132 = arith.constant 0 : i32
        %dma_wait3A_133 = tpu.memref_slice %arg4[%add3A_36, %dma_wait3A_132] : memref<2560x128xi32, #tpu.memory_space<hbm>> -> memref<1x128xi32, #tpu.memory_space<hbm>>
        %dma_wait3A_134 = tpu.memref_squeeze %dma_wait3A_133 : memref<1x128xi32, #tpu.memory_space<hbm>> -> memref<128xi32, #tpu.memory_space<hbm>>
        %dma_wait3A_135 = arith.constant 0 : i32
        %dma_wait3A_136 = tpu.memref_slice %arg9[%dma_wait3A_128, %dma_wait3A_135] : memref<2x128xi32, #tpu.memory_space<vmem>> -> memref<1x128xi32, #tpu.memory_space<vmem>>
        %dma_wait3A_137 = tpu.memref_squeeze %dma_wait3A_136 : memref<1x128xi32, #tpu.memory_space<vmem>> -> memref<128xi32, #tpu.memory_space<vmem>>
        %dma_wait3A_138 = arith.constant 0 : i32
        %dma_wait3A_139 = tpu.memref_slice %arg4[%add3A_36, %dma_wait3A_138] : memref<2560x128xi32, #tpu.memory_space<hbm>> -> memref<1x128xi32, #tpu.memory_space<hbm>>
        %dma_wait3A_140 = tpu.memref_squeeze %dma_wait3A_139 : memref<1x128xi32, #tpu.memory_space<hbm>> -> memref<128xi32, #tpu.memory_space<hbm>>
        tpu.wait_dma2 semaphore(%arg16 : memref<!tpu.dma_semaphore, #tpu.memory_space<semaphore_mem>>) src(%dma_wait3A_140 : memref<128xi32, #tpu.memory_space<hbm>>) dst(%dma_wait3A_137 : memref<128xi32, #tpu.memory_space<vmem>>)
        %run_scoped3A_141 = arith.constant 1 : i32
        "tpu.region"() ({
          %run_scoped3A_142 = tpu.sem_alloc : memref<!tpu.dma_semaphore, #tpu.memory_space<semaphore_mem>>
          %dma_start3A_143 = arith.constant 0 : i32
          %dma_start3A_144 = tpu.memref_slice %arg9[%run_scoped3A_141, %dma_start3A_143] : memref<2x128xi32, #tpu.memory_space<vmem>> -> memref<1x128xi32, #tpu.memory_space<vmem>>
          %dma_start3A_145 = tpu.memref_squeeze %dma_start3A_144 : memref<1x128xi32, #tpu.memory_space<vmem>> -> memref<128xi32, #tpu.memory_space<vmem>>
          %dma_start3A_146 = arith.constant 0 : i32
          %dma_start3A_147 = arith.constant 0 : i32
          %dma_start3A_148 = tpu.memref_slice %arg7[%dma_start3A_146, %dma_start3A_147] : memref<10112x128xf32, #tpu.memory_space<vmem_shared>> -> memref<10112x128xf32, #tpu.memory_space<vmem_shared>>
          tpu.enqueue_indirect_dma source(%arg11 : memref<128x128xf32, #tpu.memory_space<vmem>>) target(%dma_start3A_148 : memref<10112x128xf32, #tpu.memory_space<vmem_shared>>) offsets(%dma_start3A_145 : memref<128xi32, #tpu.memory_space<vmem>>) semaphore(%run_scoped3A_142 : memref<!tpu.dma_semaphore, #tpu.memory_space<semaphore_mem>>) {add = true}
          %dma_wait3A_149 = arith.constant 0 : i32
          %dma_wait3A_150 = tpu.memref_slice %arg9[%run_scoped3A_141, %dma_wait3A_149] : memref<2x128xi32, #tpu.memory_space<vmem>> -> memref<1x128xi32, #tpu.memory_space<vmem>>
          %dma_wait3A_151 = tpu.memref_squeeze %dma_wait3A_150 : memref<1x128xi32, #tpu.memory_space<vmem>> -> memref<128xi32, #tpu.memory_space<vmem>>
          %dma_wait3A_152 = arith.constant 0 : i32
          %dma_wait3A_153 = arith.constant 0 : i32
          %dma_wait3A_154 = tpu.memref_slice %arg7[%dma_wait3A_152, %dma_wait3A_153] : memref<10112x128xf32, #tpu.memory_space<vmem_shared>> -> memref<10112x128xf32, #tpu.memory_space<vmem_shared>>
          tpu.wait_indirect_dma semaphore(%run_scoped3A_142 : memref<!tpu.dma_semaphore, #tpu.memory_space<semaphore_mem>>) src(%arg11 : memref<128x128xf32, #tpu.memory_space<vmem>>) dst(%dma_wait3A_154 : memref<10112x128xf32, #tpu.memory_space<vmem_shared>>)
          tpu.yield
        }) : () -> ()
      }
      %scan3A_67 = arith.constant 16 : i32
    } else {
    }
    %gt3A_15 = arith.constant 1 : i32
    %gt3A_16 = arith.cmpi sgt, %select_n3A_8, %gt3A_15 : i32
    %convert_element_type3A_17 = arith.extui %gt3A_16 : i1 to i32
    %cond3A_18 = arith.constant 0 : i32
    %cond3A_19 = arith.cmpi ne, %convert_element_type3A_17, %cond3A_18 : i32
    scf.if %cond3A_19 {
      %add3A_35 = arith.constant 32 : i32
      %add3A_36 = arith.addi %select_n3A, %add3A_35 : i32
      %dma_start3A = arith.constant 0 : i32
      %dma_start3A_37 = tpu.memref_slice %arg3[%add3A_36, %dma_start3A] : memref<2560x128xi32, #tpu.memory_space<hbm>> -> memref<32x128xi32, #tpu.memory_space<hbm>>
      %dma_start3A_38 = arith.constant 0 : i32
      %dma_start3A_39 = tpu.memref_slice %arg3[%add3A_36, %dma_start3A_38] : memref<2560x128xi32, #tpu.memory_space<hbm>> -> memref<32x128xi32, #tpu.memory_space<hbm>>
      tpu.enqueue_dma source(%dma_start3A_39 : memref<32x128xi32, #tpu.memory_space<hbm>>) target(%arg8 : memref<32x128xi32, #tpu.memory_space<vmem>>) target_semaphore(%arg12 : memref<!tpu.dma_semaphore, #tpu.memory_space<semaphore_mem>>)
      %dma_wait3A = arith.constant 0 : i32
      %dma_wait3A_40 = tpu.memref_slice %arg3[%add3A_36, %dma_wait3A] : memref<2560x128xi32, #tpu.memory_space<hbm>> -> memref<32x128xi32, #tpu.memory_space<hbm>>
      %dma_wait3A_41 = arith.constant 0 : i32
      %dma_wait3A_42 = tpu.memref_slice %arg3[%add3A_36, %dma_wait3A_41] : memref<2560x128xi32, #tpu.memory_space<hbm>> -> memref<32x128xi32, #tpu.memory_space<hbm>>
      tpu.wait_dma2 semaphore(%arg12 : memref<!tpu.dma_semaphore, #tpu.memory_space<semaphore_mem>>) src(%dma_wait3A_42 : memref<32x128xi32, #tpu.memory_space<hbm>>) dst(%arg8 : memref<32x128xi32, #tpu.memory_space<vmem>>)
      %dma_start3A_43 = arith.constant 0 : i32
      %dma_start3A_44 = arith.constant 0 : i32
      %dma_start3A_45 = tpu.memref_slice %arg8[%dma_start3A_43, %dma_start3A_44] : memref<32x128xi32, #tpu.memory_space<vmem>> -> memref<1x128xi32, #tpu.memory_space<vmem>>
      %dma_start3A_46 = tpu.memref_squeeze %dma_start3A_45 : memref<1x128xi32, #tpu.memory_space<vmem>> -> memref<128xi32, #tpu.memory_space<vmem>>
      %dma_start3A_47 = arith.constant 0 : i32
      %dma_start3A_48 = arith.constant 0 : i32
      %dma_start3A_49 = tpu.memref_slice %arg2[%dma_start3A_47, %dma_start3A_48] : memref<10000x128xf32, #tpu.memory_space<hbm>> -> memref<10000x128xf32, #tpu.memory_space<hbm>>
      tpu.enqueue_indirect_dma source(%dma_start3A_49 : memref<10000x128xf32, #tpu.memory_space<hbm>>) target(%arg10 : memref<128x128xf32, #tpu.memory_space<vmem>>) offsets(%dma_start3A_46 : memref<128xi32, #tpu.memory_space<vmem>>) semaphore(%arg13 : memref<!tpu.dma_semaphore, #tpu.memory_space<semaphore_mem>>)
      %dma_start3A_50 = arith.constant 0 : i32
      %dma_start3A_51 = arith.constant 0 : i32
      %dma_start3A_52 = tpu.memref_slice %arg9[%dma_start3A_50, %dma_start3A_51] : memref<2x128xi32, #tpu.memory_space<vmem>> -> memref<1x128xi32, #tpu.memory_space<vmem>>
      %dma_start3A_53 = tpu.memref_squeeze %dma_start3A_52 : memref<1x128xi32, #tpu.memory_space<vmem>> -> memref<128xi32, #tpu.memory_space<vmem>>
      %dma_start3A_54 = arith.constant 0 : i32
      %dma_start3A_55 = tpu.memref_slice %arg4[%add3A_36, %dma_start3A_54] : memref<2560x128xi32, #tpu.memory_space<hbm>> -> memref<1x128xi32, #tpu.memory_space<hbm>>
      %dma_start3A_56 = tpu.memref_squeeze %dma_start3A_55 : memref<1x128xi32, #tpu.memory_space<hbm>> -> memref<128xi32, #tpu.memory_space<hbm>>
      %dma_start3A_57 = arith.constant 0 : i32
      %dma_start3A_58 = tpu.memref_slice %arg9[%dma_start3A_50, %dma_start3A_57] : memref<2x128xi32, #tpu.memory_space<vmem>> -> memref<1x128xi32, #tpu.memory_space<vmem>>
      %dma_start3A_59 = tpu.memref_squeeze %dma_start3A_58 : memref<1x128xi32, #tpu.memory_space<vmem>> -> memref<128xi32, #tpu.memory_space<vmem>>
      %dma_start3A_60 = arith.constant 0 : i32
      %dma_start3A_61 = tpu.memref_slice %arg4[%add3A_36, %dma_start3A_60] : memref<2560x128xi32, #tpu.memory_space<hbm>> -> memref<1x128xi32, #tpu.memory_space<hbm>>
      %dma_start3A_62 = tpu.memref_squeeze %dma_start3A_61 : memref<1x128xi32, #tpu.memory_space<hbm>> -> memref<128xi32, #tpu.memory_space<hbm>>
      tpu.enqueue_dma source(%dma_start3A_62 : memref<128xi32, #tpu.memory_space<hbm>>) target(%dma_start3A_59 : memref<128xi32, #tpu.memory_space<vmem>>) target_semaphore(%arg15 : memref<!tpu.dma_semaphore, #tpu.memory_space<semaphore_mem>>)
      %scan3A = arith.constant 0 : i32
      %scan3A_63 = arith.constant 0 : i32
      %scan3A_64 = arith.constant 16 : i32
      %scan3A_65 = arith.addi %scan3A_63, %scan3A_64 : i32
      %scan3A_66 = arith.constant 1 : i32
      scf.for %scan3A_68 = %scan3A_63 to %scan3A_65 step %scan3A_66  : i32 {
        %mul3A_69 = arith.constant 2 : i32
        %mul3A_70 = arith.muli %scan3A_68, %mul3A_69 : i32
        %add3A_71 = arith.constant 1 : i32
        %add3A_72 = arith.addi %mul3A_70, %add3A_71 : i32
        %dma_start3A_73 = arith.constant 0 : i32
        %dma_start3A_74 = tpu.memref_slice %arg8[%add3A_72, %dma_start3A_73] : memref<32x128xi32, #tpu.memory_space<vmem>> -> memref<1x128xi32, #tpu.memory_space<vmem>>
        %dma_start3A_75 = tpu.memref_squeeze %dma_start3A_74 : memref<1x128xi32, #tpu.memory_space<vmem>> -> memref<128xi32, #tpu.memory_space<vmem>>
        %dma_start3A_76 = arith.constant 0 : i32
        %dma_start3A_77 = arith.constant 0 : i32
        %dma_start3A_78 = tpu.memref_slice %arg2[%dma_start3A_76, %dma_start3A_77] : memref<10000x128xf32, #tpu.memory_space<hbm>> -> memref<10000x128xf32, #tpu.memory_space<hbm>>
        tpu.enqueue_indirect_dma source(%dma_start3A_78 : memref<10000x128xf32, #tpu.memory_space<hbm>>) target(%arg11 : memref<128x128xf32, #tpu.memory_space<vmem>>) offsets(%dma_start3A_75 : memref<128xi32, #tpu.memory_space<vmem>>) semaphore(%arg14 : memref<!tpu.dma_semaphore, #tpu.memory_space<semaphore_mem>>)
        %add3A_79 = arith.addi %add3A_36, %mul3A_70 : i32
        %add3A_80 = arith.constant 1 : i32
        %add3A_81 = arith.addi %add3A_79, %add3A_80 : i32
        %dma_start3A_82 = arith.constant 1 : i32
        %dma_start3A_83 = arith.constant 0 : i32
        %dma_start3A_84 = tpu.memref_slice %arg9[%dma_start3A_82, %dma_start3A_83] : memref<2x128xi32, #tpu.memory_space<vmem>> -> memref<1x128xi32, #tpu.memory_space<vmem>>
        %dma_start3A_85 = tpu.memref_squeeze %dma_start3A_84 : memref<1x128xi32, #tpu.memory_space<vmem>> -> memref<128xi32, #tpu.memory_space<vmem>>
        %dma_start3A_86 = arith.constant 0 : i32
        %dma_start3A_87 = tpu.memref_slice %arg4[%add3A_81, %dma_start3A_86] : memref<2560x128xi32, #tpu.memory_space<hbm>> -> memref<1x128xi32, #tpu.memory_space<hbm>>
        %dma_start3A_88 = tpu.memref_squeeze %dma_start3A_87 : memref<1x128xi32, #tpu.memory_space<hbm>> -> memref<128xi32, #tpu.memory_space<hbm>>
        %dma_start3A_89 = arith.constant 0 : i32
        %dma_start3A_90 = tpu.memref_slice %arg9[%dma_start3A_82, %dma_start3A_89] : memref<2x128xi32, #tpu.memory_space<vmem>> -> memref<1x128xi32, #tpu.memory_space<vmem>>
        %dma_start3A_91 = tpu.memref_squeeze %dma_start3A_90 : memref<1x128xi32, #tpu.memory_space<vmem>> -> memref<128xi32, #tpu.memory_space<vmem>>
        %dma_start3A_92 = arith.constant 0 : i32
        %dma_start3A_93 = tpu.memref_slice %arg4[%add3A_81, %dma_start3A_92] : memref<2560x128xi32, #tpu.memory_space<hbm>> -> memref<1x128xi32, #tpu.memory_space<hbm>>
        %dma_start3A_94 = tpu.memref_squeeze %dma_start3A_93 : memref<1x128xi32, #tpu.memory_space<hbm>> -> memref<128xi32, #tpu.memory_space<hbm>>
        tpu.enqueue_dma source(%dma_start3A_94 : memref<128xi32, #tpu.memory_space<hbm>>) target(%dma_start3A_91 : memref<128xi32, #tpu.memory_space<vmem>>) target_semaphore(%arg16 : memref<!tpu.dma_semaphore, #tpu.memory_space<semaphore_mem>>)
        %dma_wait3A_95 = arith.constant 0 : i32
        %dma_wait3A_96 = tpu.memref_slice %arg8[%mul3A_70, %dma_wait3A_95] : memref<32x128xi32, #tpu.memory_space<vmem>> -> memref<1x128xi32, #tpu.memory_space<vmem>>
        %dma_wait3A_97 = tpu.memref_squeeze %dma_wait3A_96 : memref<1x128xi32, #tpu.memory_space<vmem>> -> memref<128xi32, #tpu.memory_space<vmem>>
        %dma_wait3A_98 = arith.constant 0 : i32
        %dma_wait3A_99 = arith.constant 0 : i32
        %dma_wait3A_100 = tpu.memref_slice %arg2[%dma_wait3A_98, %dma_wait3A_99] : memref<10000x128xf32, #tpu.memory_space<hbm>> -> memref<10000x128xf32, #tpu.memory_space<hbm>>
        tpu.wait_indirect_dma semaphore(%arg13 : memref<!tpu.dma_semaphore, #tpu.memory_space<semaphore_mem>>) src(%dma_wait3A_100 : memref<10000x128xf32, #tpu.memory_space<hbm>>) dst(%arg10 : memref<128x128xf32, #tpu.memory_space<vmem>>)
        %dma_wait3A_101 = arith.constant 0 : i32
        %dma_wait3A_102 = arith.constant 0 : i32
        %dma_wait3A_103 = tpu.memref_slice %arg9[%dma_wait3A_101, %dma_wait3A_102] : memref<2x128xi32, #tpu.memory_space<vmem>> -> memref<1x128xi32, #tpu.memory_space<vmem>>
        %dma_wait3A_104 = tpu.memref_squeeze %dma_wait3A_103 : memref<1x128xi32, #tpu.memory_space<vmem>> -> memref<128xi32, #tpu.memory_space<vmem>>
        %dma_wait3A_105 = arith.constant 0 : i32
        %dma_wait3A_106 = tpu.memref_slice %arg4[%add3A_36, %dma_wait3A_105] : memref<2560x128xi32, #tpu.memory_space<hbm>> -> memref<1x128xi32, #tpu.memory_space<hbm>>
        %dma_wait3A_107 = tpu.memref_squeeze %dma_wait3A_106 : memref<1x128xi32, #tpu.memory_space<hbm>> -> memref<128xi32, #tpu.memory_space<hbm>>
        %dma_wait3A_108 = arith.constant 0 : i32
        %dma_wait3A_109 = tpu.memref_slice %arg9[%dma_wait3A_101, %dma_wait3A_108] : memref<2x128xi32, #tpu.memory_space<vmem>> -> memref<1x128xi32, #tpu.memory_space<vmem>>
        %dma_wait3A_110 = tpu.memref_squeeze %dma_wait3A_109 : memref<1x128xi32, #tpu.memory_space<vmem>> -> memref<128xi32, #tpu.memory_space<vmem>>
        %dma_wait3A_111 = arith.constant 0 : i32
        %dma_wait3A_112 = tpu.memref_slice %arg4[%add3A_36, %dma_wait3A_111] : memref<2560x128xi32, #tpu.memory_space<hbm>> -> memref<1x128xi32, #tpu.memory_space<hbm>>
        %dma_wait3A_113 = tpu.memref_squeeze %dma_wait3A_112 : memref<1x128xi32, #tpu.memory_space<hbm>> -> memref<128xi32, #tpu.memory_space<hbm>>
        tpu.wait_dma2 semaphore(%arg15 : memref<!tpu.dma_semaphore, #tpu.memory_space<semaphore_mem>>) src(%dma_wait3A_113 : memref<128xi32, #tpu.memory_space<hbm>>) dst(%dma_wait3A_110 : memref<128xi32, #tpu.memory_space<vmem>>)
        %run_scoped3A = arith.constant 0 : i32
        "tpu.region"() ({
          %run_scoped3A_142 = tpu.sem_alloc : memref<!tpu.dma_semaphore, #tpu.memory_space<semaphore_mem>>
          %dma_start3A_143 = arith.constant 0 : i32
          %dma_start3A_144 = tpu.memref_slice %arg9[%run_scoped3A, %dma_start3A_143] : memref<2x128xi32, #tpu.memory_space<vmem>> -> memref<1x128xi32, #tpu.memory_space<vmem>>
          %dma_start3A_145 = tpu.memref_squeeze %dma_start3A_144 : memref<1x128xi32, #tpu.memory_space<vmem>> -> memref<128xi32, #tpu.memory_space<vmem>>
          %dma_start3A_146 = arith.constant 0 : i32
          %dma_start3A_147 = arith.constant 0 : i32
          %dma_start3A_148 = tpu.memref_slice %arg7[%dma_start3A_146, %dma_start3A_147] : memref<10112x128xf32, #tpu.memory_space<vmem_shared>> -> memref<10112x128xf32, #tpu.memory_space<vmem_shared>>
          tpu.enqueue_indirect_dma source(%arg10 : memref<128x128xf32, #tpu.memory_space<vmem>>) target(%dma_start3A_148 : memref<10112x128xf32, #tpu.memory_space<vmem_shared>>) offsets(%dma_start3A_145 : memref<128xi32, #tpu.memory_space<vmem>>) semaphore(%run_scoped3A_142 : memref<!tpu.dma_semaphore, #tpu.memory_space<semaphore_mem>>) {add = true}
          %dma_wait3A_149 = arith.constant 0 : i32
          %dma_wait3A_150 = tpu.memref_slice %arg9[%run_scoped3A, %dma_wait3A_149] : memref<2x128xi32, #tpu.memory_space<vmem>> -> memref<1x128xi32, #tpu.memory_space<vmem>>
          %dma_wait3A_151 = tpu.memref_squeeze %dma_wait3A_150 : memref<1x128xi32, #tpu.memory_space<vmem>> -> memref<128xi32, #tpu.memory_space<vmem>>
          %dma_wait3A_152 = arith.constant 0 : i32
          %dma_wait3A_153 = arith.constant 0 : i32
          %dma_wait3A_154 = tpu.memref_slice %arg7[%dma_wait3A_152, %dma_wait3A_153] : memref<10112x128xf32, #tpu.memory_space<vmem_shared>> -> memref<10112x128xf32, #tpu.memory_space<vmem_shared>>
          tpu.wait_indirect_dma semaphore(%run_scoped3A_142 : memref<!tpu.dma_semaphore, #tpu.memory_space<semaphore_mem>>) src(%arg10 : memref<128x128xf32, #tpu.memory_space<vmem>>) dst(%dma_wait3A_154 : memref<10112x128xf32, #tpu.memory_space<vmem_shared>>)
          tpu.yield
        }) : () -> ()
        %add3A_114 = arith.constant 1 : i32
        %add3A_115 = arith.addi %scan3A_68, %add3A_114 : i32
        %lt3A = arith.constant 16 : i32
        %lt3A_116 = arith.cmpi slt, %add3A_115, %lt3A : i32
        %convert_element_type3A_117 = arith.extui %lt3A_116 : i1 to i32
        %cond3A_118 = arith.constant 0 : i32
        %cond3A_119 = arith.cmpi ne, %convert_element_type3A_117, %cond3A_118 : i32
        scf.if %cond3A_119 {
          %add3A_142 = arith.constant 2 : i32
          %add3A_143 = arith.addi %mul3A_70, %add3A_142 : i32
          %dma_start3A_144 = arith.constant 0 : i32
          %dma_start3A_145 = tpu.memref_slice %arg8[%add3A_143, %dma_start3A_144] : memref<32x128xi32, #tpu.memory_space<vmem>> -> memref<1x128xi32, #tpu.memory_space<vmem>>
          %dma_start3A_146 = tpu.memref_squeeze %dma_start3A_145 : memref<1x128xi32, #tpu.memory_space<vmem>> -> memref<128xi32, #tpu.memory_space<vmem>>
          %dma_start3A_147 = arith.constant 0 : i32
          %dma_start3A_148 = arith.constant 0 : i32
          %dma_start3A_149 = tpu.memref_slice %arg2[%dma_start3A_147, %dma_start3A_148] : memref<10000x128xf32, #tpu.memory_space<hbm>> -> memref<10000x128xf32, #tpu.memory_space<hbm>>
          tpu.enqueue_indirect_dma source(%dma_start3A_149 : memref<10000x128xf32, #tpu.memory_space<hbm>>) target(%arg10 : memref<128x128xf32, #tpu.memory_space<vmem>>) offsets(%dma_start3A_146 : memref<128xi32, #tpu.memory_space<vmem>>) semaphore(%arg13 : memref<!tpu.dma_semaphore, #tpu.memory_space<semaphore_mem>>)
          %add3A_150 = arith.addi %add3A_36, %mul3A_70 : i32
          %add3A_151 = arith.constant 2 : i32
          %add3A_152 = arith.addi %add3A_150, %add3A_151 : i32
          %dma_start3A_153 = arith.constant 0 : i32
          %dma_start3A_154 = arith.constant 0 : i32
          %dma_start3A_155 = tpu.memref_slice %arg9[%dma_start3A_153, %dma_start3A_154] : memref<2x128xi32, #tpu.memory_space<vmem>> -> memref<1x128xi32, #tpu.memory_space<vmem>>
          %dma_start3A_156 = tpu.memref_squeeze %dma_start3A_155 : memref<1x128xi32, #tpu.memory_space<vmem>> -> memref<128xi32, #tpu.memory_space<vmem>>
          %dma_start3A_157 = arith.constant 0 : i32
          %dma_start3A_158 = tpu.memref_slice %arg4[%add3A_152, %dma_start3A_157] : memref<2560x128xi32, #tpu.memory_space<hbm>> -> memref<1x128xi32, #tpu.memory_space<hbm>>
          %dma_start3A_159 = tpu.memref_squeeze %dma_start3A_158 : memref<1x128xi32, #tpu.memory_space<hbm>> -> memref<128xi32, #tpu.memory_space<hbm>>
          %dma_start3A_160 = arith.constant 0 : i32
          %dma_start3A_161 = tpu.memref_slice %arg9[%dma_start3A_153, %dma_start3A_160] : memref<2x128xi32, #tpu.memory_space<vmem>> -> memref<1x128xi32, #tpu.memory_space<vmem>>
          %dma_start3A_162 = tpu.memref_squeeze %dma_start3A_161 : memref<1x128xi32, #tpu.memory_space<vmem>> -> memref<128xi32, #tpu.memory_space<vmem>>
          %dma_start3A_163 = arith.constant 0 : i32
          %dma_start3A_164 = tpu.memref_slice %arg4[%add3A_152, %dma_start3A_163] : memref<2560x128xi32, #tpu.memory_space<hbm>> -> memref<1x128xi32, #tpu.memory_space<hbm>>
          %dma_start3A_165 = tpu.memref_squeeze %dma_start3A_164 : memref<1x128xi32, #tpu.memory_space<hbm>> -> memref<128xi32, #tpu.memory_space<hbm>>
          tpu.enqueue_dma source(%dma_start3A_165 : memref<128xi32, #tpu.memory_space<hbm>>) target(%dma_start3A_162 : memref<128xi32, #tpu.memory_space<vmem>>) target_semaphore(%arg15 : memref<!tpu.dma_semaphore, #tpu.memory_space<semaphore_mem>>)
        } else {
        }
        %add3A_120 = arith.constant 1 : i32
        %add3A_121 = arith.addi %mul3A_70, %add3A_120 : i32
        %dma_wait3A_122 = arith.constant 0 : i32
        %dma_wait3A_123 = tpu.memref_slice %arg8[%add3A_121, %dma_wait3A_122] : memref<32x128xi32, #tpu.memory_space<vmem>> -> memref<1x128xi32, #tpu.memory_space<vmem>>
        %dma_wait3A_124 = tpu.memref_squeeze %dma_wait3A_123 : memref<1x128xi32, #tpu.memory_space<vmem>> -> memref<128xi32, #tpu.memory_space<vmem>>
        %dma_wait3A_125 = arith.constant 0 : i32
        %dma_wait3A_126 = arith.constant 0 : i32
        %dma_wait3A_127 = tpu.memref_slice %arg2[%dma_wait3A_125, %dma_wait3A_126] : memref<10000x128xf32, #tpu.memory_space<hbm>> -> memref<10000x128xf32, #tpu.memory_space<hbm>>
        tpu.wait_indirect_dma semaphore(%arg14 : memref<!tpu.dma_semaphore, #tpu.memory_space<semaphore_mem>>) src(%dma_wait3A_127 : memref<10000x128xf32, #tpu.memory_space<hbm>>) dst(%arg11 : memref<128x128xf32, #tpu.memory_space<vmem>>)
        %dma_wait3A_128 = arith.constant 1 : i32
        %dma_wait3A_129 = arith.constant 0 : i32
        %dma_wait3A_130 = tpu.memref_slice %arg9[%dma_wait3A_128, %dma_wait3A_129] : memref<2x128xi32, #tpu.memory_space<vmem>> -> memref<1x128xi32, #tpu.memory_space<vmem>>
        %dma_wait3A_131 = tpu.memref_squeeze %dma_wait3A_130 : memref<1x128xi32, #tpu.memory_space<vmem>> -> memref<128xi32, #tpu.memory_space<vmem>>
        %dma_wait3A_132 = arith.constant 0 : i32
        %dma_wait3A_133 = tpu.memref_slice %arg4[%add3A_36, %dma_wait3A_132] : memref<2560x128xi32, #tpu.memory_space<hbm>> -> memref<1x128xi32, #tpu.memory_space<hbm>>
        %dma_wait3A_134 = tpu.memref_squeeze %dma_wait3A_133 : memref<1x128xi32, #tpu.memory_space<hbm>> -> memref<128xi32, #tpu.memory_space<hbm>>
        %dma_wait3A_135 = arith.constant 0 : i32
        %dma_wait3A_136 = tpu.memref_slice %arg9[%dma_wait3A_128, %dma_wait3A_135] : memref<2x128xi32, #tpu.memory_space<vmem>> -> memref<1x128xi32, #tpu.memory_space<vmem>>
        %dma_wait3A_137 = tpu.memref_squeeze %dma_wait3A_136 : memref<1x128xi32, #tpu.memory_space<vmem>> -> memref<128xi32, #tpu.memory_space<vmem>>
        %dma_wait3A_138 = arith.constant 0 : i32
        %dma_wait3A_139 = tpu.memref_slice %arg4[%add3A_36, %dma_wait3A_138] : memref<2560x128xi32, #tpu.memory_space<hbm>> -> memref<1x128xi32, #tpu.memory_space<hbm>>
        %dma_wait3A_140 = tpu.memref_squeeze %dma_wait3A_139 : memref<1x128xi32, #tpu.memory_space<hbm>> -> memref<128xi32, #tpu.memory_space<hbm>>
        tpu.wait_dma2 semaphore(%arg16 : memref<!tpu.dma_semaphore, #tpu.memory_space<semaphore_mem>>) src(%dma_wait3A_140 : memref<128xi32, #tpu.memory_space<hbm>>) dst(%dma_wait3A_137 : memref<128xi32, #tpu.memory_space<vmem>>)
        %run_scoped3A_141 = arith.constant 1 : i32
        "tpu.region"() ({
          %run_scoped3A_142 = tpu.sem_alloc : memref<!tpu.dma_semaphore, #tpu.memory_space<semaphore_mem>>
          %dma_start3A_143 = arith.constant 0 : i32
          %dma_start3A_144 = tpu.memref_slice %arg9[%run_scoped3A_141, %dma_start3A_143] : memref<2x128xi32, #tpu.memory_space<vmem>> -> memref<1x128xi32, #tpu.memory_space<vmem>>
          %dma_start3A_145 = tpu.memref_squeeze %dma_start3A_144 : memref<1x128xi32, #tpu.memory_space<vmem>> -> memref<128xi32, #tpu.memory_space<vmem>>
          %dma_start3A_146 = arith.constant 0 : i32
          %dma_start3A_147 = arith.constant 0 : i32
          %dma_start3A_148 = tpu.memref_slice %arg7[%dma_start3A_146, %dma_start3A_147] : memref<10112x128xf32, #tpu.memory_space<vmem_shared>> -> memref<10112x128xf32, #tpu.memory_space<vmem_shared>>
          tpu.enqueue_indirect_dma source(%arg11 : memref<128x128xf32, #tpu.memory_space<vmem>>) target(%dma_start3A_148 : memref<10112x128xf32, #tpu.memory_space<vmem_shared>>) offsets(%dma_start3A_145 : memref<128xi32, #tpu.memory_space<vmem>>) semaphore(%run_scoped3A_142 : memref<!tpu.dma_semaphore, #tpu.memory_space<semaphore_mem>>) {add = true}
          %dma_wait3A_149 = arith.constant 0 : i32
          %dma_wait3A_150 = tpu.memref_slice %arg9[%run_scoped3A_141, %dma_wait3A_149] : memref<2x128xi32, #tpu.memory_space<vmem>> -> memref<1x128xi32, #tpu.memory_space<vmem>>
          %dma_wait3A_151 = tpu.memref_squeeze %dma_wait3A_150 : memref<1x128xi32, #tpu.memory_space<vmem>> -> memref<128xi32, #tpu.memory_space<vmem>>
          %dma_wait3A_152 = arith.constant 0 : i32
          %dma_wait3A_153 = arith.constant 0 : i32
          %dma_wait3A_154 = tpu.memref_slice %arg7[%dma_wait3A_152, %dma_wait3A_153] : memref<10112x128xf32, #tpu.memory_space<vmem_shared>> -> memref<10112x128xf32, #tpu.memory_space<vmem_shared>>
          tpu.wait_indirect_dma semaphore(%run_scoped3A_142 : memref<!tpu.dma_semaphore, #tpu.memory_space<semaphore_mem>>) src(%arg11 : memref<128x128xf32, #tpu.memory_space<vmem>>) dst(%dma_wait3A_154 : memref<10112x128xf32, #tpu.memory_space<vmem_shared>>)
          tpu.yield
        }) : () -> ()
      }
      %scan3A_67 = arith.constant 16 : i32
    } else {
    }
    %gt3A_20 = arith.constant 2 : i32
    %gt3A_21 = arith.cmpi sgt, %select_n3A_8, %gt3A_20 : i32
    %convert_element_type3A_22 = arith.extui %gt3A_21 : i1 to i32
    %cond3A_23 = arith.constant 0 : i32
    %cond3A_24 = arith.cmpi ne, %convert_element_type3A_22, %cond3A_23 : i32
    scf.if %cond3A_24 {
      %add3A_35 = arith.constant 64 : i32
      %add3A_36 = arith.addi %select_n3A, %add3A_35 : i32
      %dma_start3A = arith.constant 0 : i32
      %dma_start3A_37 = tpu.memref_slice %arg3[%add3A_36, %dma_start3A] : memref<2560x128xi32, #tpu.memory_space<hbm>> -> memref<32x128xi32, #tpu.memory_space<hbm>>
      %dma_start3A_38 = arith.constant 0 : i32
      %dma_start3A_39 = tpu.memref_slice %arg3[%add3A_36, %dma_start3A_38] : memref<2560x128xi32, #tpu.memory_space<hbm>> -> memref<32x128xi32, #tpu.memory_space<hbm>>
      tpu.enqueue_dma source(%dma_start3A_39 : memref<32x128xi32, #tpu.memory_space<hbm>>) target(%arg8 : memref<32x128xi32, #tpu.memory_space<vmem>>) target_semaphore(%arg12 : memref<!tpu.dma_semaphore, #tpu.memory_space<semaphore_mem>>)
      %dma_wait3A = arith.constant 0 : i32
      %dma_wait3A_40 = tpu.memref_slice %arg3[%add3A_36, %dma_wait3A] : memref<2560x128xi32, #tpu.memory_space<hbm>> -> memref<32x128xi32, #tpu.memory_space<hbm>>
      %dma_wait3A_41 = arith.constant 0 : i32
      %dma_wait3A_42 = tpu.memref_slice %arg3[%add3A_36, %dma_wait3A_41] : memref<2560x128xi32, #tpu.memory_space<hbm>> -> memref<32x128xi32, #tpu.memory_space<hbm>>
      tpu.wait_dma2 semaphore(%arg12 : memref<!tpu.dma_semaphore, #tpu.memory_space<semaphore_mem>>) src(%dma_wait3A_42 : memref<32x128xi32, #tpu.memory_space<hbm>>) dst(%arg8 : memref<32x128xi32, #tpu.memory_space<vmem>>)
      %dma_start3A_43 = arith.constant 0 : i32
      %dma_start3A_44 = arith.constant 0 : i32
      %dma_start3A_45 = tpu.memref_slice %arg8[%dma_start3A_43, %dma_start3A_44] : memref<32x128xi32, #tpu.memory_space<vmem>> -> memref<1x128xi32, #tpu.memory_space<vmem>>
      %dma_start3A_46 = tpu.memref_squeeze %dma_start3A_45 : memref<1x128xi32, #tpu.memory_space<vmem>> -> memref<128xi32, #tpu.memory_space<vmem>>
      %dma_start3A_47 = arith.constant 0 : i32
      %dma_start3A_48 = arith.constant 0 : i32
      %dma_start3A_49 = tpu.memref_slice %arg2[%dma_start3A_47, %dma_start3A_48] : memref<10000x128xf32, #tpu.memory_space<hbm>> -> memref<10000x128xf32, #tpu.memory_space<hbm>>
      tpu.enqueue_indirect_dma source(%dma_start3A_49 : memref<10000x128xf32, #tpu.memory_space<hbm>>) target(%arg10 : memref<128x128xf32, #tpu.memory_space<vmem>>) offsets(%dma_start3A_46 : memref<128xi32, #tpu.memory_space<vmem>>) semaphore(%arg13 : memref<!tpu.dma_semaphore, #tpu.memory_space<semaphore_mem>>)
      %dma_start3A_50 = arith.constant 0 : i32
      %dma_start3A_51 = arith.constant 0 : i32
      %dma_start3A_52 = tpu.memref_slice %arg9[%dma_start3A_50, %dma_start3A_51] : memref<2x128xi32, #tpu.memory_space<vmem>> -> memref<1x128xi32, #tpu.memory_space<vmem>>
      %dma_start3A_53 = tpu.memref_squeeze %dma_start3A_52 : memref<1x128xi32, #tpu.memory_space<vmem>> -> memref<128xi32, #tpu.memory_space<vmem>>
      %dma_start3A_54 = arith.constant 0 : i32
      %dma_start3A_55 = tpu.memref_slice %arg4[%add3A_36, %dma_start3A_54] : memref<2560x128xi32, #tpu.memory_space<hbm>> -> memref<1x128xi32, #tpu.memory_space<hbm>>
      %dma_start3A_56 = tpu.memref_squeeze %dma_start3A_55 : memref<1x128xi32, #tpu.memory_space<hbm>> -> memref<128xi32, #tpu.memory_space<hbm>>
      %dma_start3A_57 = arith.constant 0 : i32
      %dma_start3A_58 = tpu.memref_slice %arg9[%dma_start3A_50, %dma_start3A_57] : memref<2x128xi32, #tpu.memory_space<vmem>> -> memref<1x128xi32, #tpu.memory_space<vmem>>
      %dma_start3A_59 = tpu.memref_squeeze %dma_start3A_58 : memref<1x128xi32, #tpu.memory_space<vmem>> -> memref<128xi32, #tpu.memory_space<vmem>>
      %dma_start3A_60 = arith.constant 0 : i32
      %dma_start3A_61 = tpu.memref_slice %arg4[%add3A_36, %dma_start3A_60] : memref<2560x128xi32, #tpu.memory_space<hbm>> -> memref<1x128xi32, #tpu.memory_space<hbm>>
      %dma_start3A_62 = tpu.memref_squeeze %dma_start3A_61 : memref<1x128xi32, #tpu.memory_space<hbm>> -> memref<128xi32, #tpu.memory_space<hbm>>
      tpu.enqueue_dma source(%dma_start3A_62 : memref<128xi32, #tpu.memory_space<hbm>>) target(%dma_start3A_59 : memref<128xi32, #tpu.memory_space<vmem>>) target_semaphore(%arg15 : memref<!tpu.dma_semaphore, #tpu.memory_space<semaphore_mem>>)
      %scan3A = arith.constant 0 : i32
      %scan3A_63 = arith.constant 0 : i32
      %scan3A_64 = arith.constant 16 : i32
      %scan3A_65 = arith.addi %scan3A_63, %scan3A_64 : i32
      %scan3A_66 = arith.constant 1 : i32
      scf.for %scan3A_68 = %scan3A_63 to %scan3A_65 step %scan3A_66  : i32 {
        %mul3A_69 = arith.constant 2 : i32
        %mul3A_70 = arith.muli %scan3A_68, %mul3A_69 : i32
        %add3A_71 = arith.constant 1 : i32
        %add3A_72 = arith.addi %mul3A_70, %add3A_71 : i32
        %dma_start3A_73 = arith.constant 0 : i32
        %dma_start3A_74 = tpu.memref_slice %arg8[%add3A_72, %dma_start3A_73] : memref<32x128xi32, #tpu.memory_space<vmem>> -> memref<1x128xi32, #tpu.memory_space<vmem>>
        %dma_start3A_75 = tpu.memref_squeeze %dma_start3A_74 : memref<1x128xi32, #tpu.memory_space<vmem>> -> memref<128xi32, #tpu.memory_space<vmem>>
        %dma_start3A_76 = arith.constant 0 : i32
        %dma_start3A_77 = arith.constant 0 : i32
        %dma_start3A_78 = tpu.memref_slice %arg2[%dma_start3A_76, %dma_start3A_77] : memref<10000x128xf32, #tpu.memory_space<hbm>> -> memref<10000x128xf32, #tpu.memory_space<hbm>>
        tpu.enqueue_indirect_dma source(%dma_start3A_78 : memref<10000x128xf32, #tpu.memory_space<hbm>>) target(%arg11 : memref<128x128xf32, #tpu.memory_space<vmem>>) offsets(%dma_start3A_75 : memref<128xi32, #tpu.memory_space<vmem>>) semaphore(%arg14 : memref<!tpu.dma_semaphore, #tpu.memory_space<semaphore_mem>>)
        %add3A_79 = arith.addi %add3A_36, %mul3A_70 : i32
        %add3A_80 = arith.constant 1 : i32
        %add3A_81 = arith.addi %add3A_79, %add3A_80 : i32
        %dma_start3A_82 = arith.constant 1 : i32
        %dma_start3A_83 = arith.constant 0 : i32
        %dma_start3A_84 = tpu.memref_slice %arg9[%dma_start3A_82, %dma_start3A_83] : memref<2x128xi32, #tpu.memory_space<vmem>> -> memref<1x128xi32, #tpu.memory_space<vmem>>
        %dma_start3A_85 = tpu.memref_squeeze %dma_start3A_84 : memref<1x128xi32, #tpu.memory_space<vmem>> -> memref<128xi32, #tpu.memory_space<vmem>>
        %dma_start3A_86 = arith.constant 0 : i32
        %dma_start3A_87 = tpu.memref_slice %arg4[%add3A_81, %dma_start3A_86] : memref<2560x128xi32, #tpu.memory_space<hbm>> -> memref<1x128xi32, #tpu.memory_space<hbm>>
        %dma_start3A_88 = tpu.memref_squeeze %dma_start3A_87 : memref<1x128xi32, #tpu.memory_space<hbm>> -> memref<128xi32, #tpu.memory_space<hbm>>
        %dma_start3A_89 = arith.constant 0 : i32
        %dma_start3A_90 = tpu.memref_slice %arg9[%dma_start3A_82, %dma_start3A_89] : memref<2x128xi32, #tpu.memory_space<vmem>> -> memref<1x128xi32, #tpu.memory_space<vmem>>
        %dma_start3A_91 = tpu.memref_squeeze %dma_start3A_90 : memref<1x128xi32, #tpu.memory_space<vmem>> -> memref<128xi32, #tpu.memory_space<vmem>>
        %dma_start3A_92 = arith.constant 0 : i32
        %dma_start3A_93 = tpu.memref_slice %arg4[%add3A_81, %dma_start3A_92] : memref<2560x128xi32, #tpu.memory_space<hbm>> -> memref<1x128xi32, #tpu.memory_space<hbm>>
        %dma_start3A_94 = tpu.memref_squeeze %dma_start3A_93 : memref<1x128xi32, #tpu.memory_space<hbm>> -> memref<128xi32, #tpu.memory_space<hbm>>
        tpu.enqueue_dma source(%dma_start3A_94 : memref<128xi32, #tpu.memory_space<hbm>>) target(%dma_start3A_91 : memref<128xi32, #tpu.memory_space<vmem>>) target_semaphore(%arg16 : memref<!tpu.dma_semaphore, #tpu.memory_space<semaphore_mem>>)
        %dma_wait3A_95 = arith.constant 0 : i32
        %dma_wait3A_96 = tpu.memref_slice %arg8[%mul3A_70, %dma_wait3A_95] : memref<32x128xi32, #tpu.memory_space<vmem>> -> memref<1x128xi32, #tpu.memory_space<vmem>>
        %dma_wait3A_97 = tpu.memref_squeeze %dma_wait3A_96 : memref<1x128xi32, #tpu.memory_space<vmem>> -> memref<128xi32, #tpu.memory_space<vmem>>
        %dma_wait3A_98 = arith.constant 0 : i32
        %dma_wait3A_99 = arith.constant 0 : i32
        %dma_wait3A_100 = tpu.memref_slice %arg2[%dma_wait3A_98, %dma_wait3A_99] : memref<10000x128xf32, #tpu.memory_space<hbm>> -> memref<10000x128xf32, #tpu.memory_space<hbm>>
        tpu.wait_indirect_dma semaphore(%arg13 : memref<!tpu.dma_semaphore, #tpu.memory_space<semaphore_mem>>) src(%dma_wait3A_100 : memref<10000x128xf32, #tpu.memory_space<hbm>>) dst(%arg10 : memref<128x128xf32, #tpu.memory_space<vmem>>)
        %dma_wait3A_101 = arith.constant 0 : i32
        %dma_wait3A_102 = arith.constant 0 : i32
        %dma_wait3A_103 = tpu.memref_slice %arg9[%dma_wait3A_101, %dma_wait3A_102] : memref<2x128xi32, #tpu.memory_space<vmem>> -> memref<1x128xi32, #tpu.memory_space<vmem>>
        %dma_wait3A_104 = tpu.memref_squeeze %dma_wait3A_103 : memref<1x128xi32, #tpu.memory_space<vmem>> -> memref<128xi32, #tpu.memory_space<vmem>>
        %dma_wait3A_105 = arith.constant 0 : i32
        %dma_wait3A_106 = tpu.memref_slice %arg4[%add3A_36, %dma_wait3A_105] : memref<2560x128xi32, #tpu.memory_space<hbm>> -> memref<1x128xi32, #tpu.memory_space<hbm>>
        %dma_wait3A_107 = tpu.memref_squeeze %dma_wait3A_106 : memref<1x128xi32, #tpu.memory_space<hbm>> -> memref<128xi32, #tpu.memory_space<hbm>>
        %dma_wait3A_108 = arith.constant 0 : i32
        %dma_wait3A_109 = tpu.memref_slice %arg9[%dma_wait3A_101, %dma_wait3A_108] : memref<2x128xi32, #tpu.memory_space<vmem>> -> memref<1x128xi32, #tpu.memory_space<vmem>>
        %dma_wait3A_110 = tpu.memref_squeeze %dma_wait3A_109 : memref<1x128xi32, #tpu.memory_space<vmem>> -> memref<128xi32, #tpu.memory_space<vmem>>
        %dma_wait3A_111 = arith.constant 0 : i32
        %dma_wait3A_112 = tpu.memref_slice %arg4[%add3A_36, %dma_wait3A_111] : memref<2560x128xi32, #tpu.memory_space<hbm>> -> memref<1x128xi32, #tpu.memory_space<hbm>>
        %dma_wait3A_113 = tpu.memref_squeeze %dma_wait3A_112 : memref<1x128xi32, #tpu.memory_space<hbm>> -> memref<128xi32, #tpu.memory_space<hbm>>
        tpu.wait_dma2 semaphore(%arg15 : memref<!tpu.dma_semaphore, #tpu.memory_space<semaphore_mem>>) src(%dma_wait3A_113 : memref<128xi32, #tpu.memory_space<hbm>>) dst(%dma_wait3A_110 : memref<128xi32, #tpu.memory_space<vmem>>)
        %run_scoped3A = arith.constant 0 : i32
        "tpu.region"() ({
          %run_scoped3A_142 = tpu.sem_alloc : memref<!tpu.dma_semaphore, #tpu.memory_space<semaphore_mem>>
          %dma_start3A_143 = arith.constant 0 : i32
          %dma_start3A_144 = tpu.memref_slice %arg9[%run_scoped3A, %dma_start3A_143] : memref<2x128xi32, #tpu.memory_space<vmem>> -> memref<1x128xi32, #tpu.memory_space<vmem>>
          %dma_start3A_145 = tpu.memref_squeeze %dma_start3A_144 : memref<1x128xi32, #tpu.memory_space<vmem>> -> memref<128xi32, #tpu.memory_space<vmem>>
          %dma_start3A_146 = arith.constant 0 : i32
          %dma_start3A_147 = arith.constant 0 : i32
          %dma_start3A_148 = tpu.memref_slice %arg7[%dma_start3A_146, %dma_start3A_147] : memref<10112x128xf32, #tpu.memory_space<vmem_shared>> -> memref<10112x128xf32, #tpu.memory_space<vmem_shared>>
          tpu.enqueue_indirect_dma source(%arg10 : memref<128x128xf32, #tpu.memory_space<vmem>>) target(%dma_start3A_148 : memref<10112x128xf32, #tpu.memory_space<vmem_shared>>) offsets(%dma_start3A_145 : memref<128xi32, #tpu.memory_space<vmem>>) semaphore(%run_scoped3A_142 : memref<!tpu.dma_semaphore, #tpu.memory_space<semaphore_mem>>) {add = true}
          %dma_wait3A_149 = arith.constant 0 : i32
          %dma_wait3A_150 = tpu.memref_slice %arg9[%run_scoped3A, %dma_wait3A_149] : memref<2x128xi32, #tpu.memory_space<vmem>> -> memref<1x128xi32, #tpu.memory_space<vmem>>
          %dma_wait3A_151 = tpu.memref_squeeze %dma_wait3A_150 : memref<1x128xi32, #tpu.memory_space<vmem>> -> memref<128xi32, #tpu.memory_space<vmem>>
          %dma_wait3A_152 = arith.constant 0 : i32
          %dma_wait3A_153 = arith.constant 0 : i32
          %dma_wait3A_154 = tpu.memref_slice %arg7[%dma_wait3A_152, %dma_wait3A_153] : memref<10112x128xf32, #tpu.memory_space<vmem_shared>> -> memref<10112x128xf32, #tpu.memory_space<vmem_shared>>
          tpu.wait_indirect_dma semaphore(%run_scoped3A_142 : memref<!tpu.dma_semaphore, #tpu.memory_space<semaphore_mem>>) src(%arg10 : memref<128x128xf32, #tpu.memory_space<vmem>>) dst(%dma_wait3A_154 : memref<10112x128xf32, #tpu.memory_space<vmem_shared>>)
          tpu.yield
        }) : () -> ()
        %add3A_114 = arith.constant 1 : i32
        %add3A_115 = arith.addi %scan3A_68, %add3A_114 : i32
        %lt3A = arith.constant 16 : i32
        %lt3A_116 = arith.cmpi slt, %add3A_115, %lt3A : i32
        %convert_element_type3A_117 = arith.extui %lt3A_116 : i1 to i32
        %cond3A_118 = arith.constant 0 : i32
        %cond3A_119 = arith.cmpi ne, %convert_element_type3A_117, %cond3A_118 : i32
        scf.if %cond3A_119 {
          %add3A_142 = arith.constant 2 : i32
          %add3A_143 = arith.addi %mul3A_70, %add3A_142 : i32
          %dma_start3A_144 = arith.constant 0 : i32
          %dma_start3A_145 = tpu.memref_slice %arg8[%add3A_143, %dma_start3A_144] : memref<32x128xi32, #tpu.memory_space<vmem>> -> memref<1x128xi32, #tpu.memory_space<vmem>>
          %dma_start3A_146 = tpu.memref_squeeze %dma_start3A_145 : memref<1x128xi32, #tpu.memory_space<vmem>> -> memref<128xi32, #tpu.memory_space<vmem>>
          %dma_start3A_147 = arith.constant 0 : i32
          %dma_start3A_148 = arith.constant 0 : i32
          %dma_start3A_149 = tpu.memref_slice %arg2[%dma_start3A_147, %dma_start3A_148] : memref<10000x128xf32, #tpu.memory_space<hbm>> -> memref<10000x128xf32, #tpu.memory_space<hbm>>
          tpu.enqueue_indirect_dma source(%dma_start3A_149 : memref<10000x128xf32, #tpu.memory_space<hbm>>) target(%arg10 : memref<128x128xf32, #tpu.memory_space<vmem>>) offsets(%dma_start3A_146 : memref<128xi32, #tpu.memory_space<vmem>>) semaphore(%arg13 : memref<!tpu.dma_semaphore, #tpu.memory_space<semaphore_mem>>)
          %add3A_150 = arith.addi %add3A_36, %mul3A_70 : i32
          %add3A_151 = arith.constant 2 : i32
          %add3A_152 = arith.addi %add3A_150, %add3A_151 : i32
          %dma_start3A_153 = arith.constant 0 : i32
          %dma_start3A_154 = arith.constant 0 : i32
          %dma_start3A_155 = tpu.memref_slice %arg9[%dma_start3A_153, %dma_start3A_154] : memref<2x128xi32, #tpu.memory_space<vmem>> -> memref<1x128xi32, #tpu.memory_space<vmem>>
          %dma_start3A_156 = tpu.memref_squeeze %dma_start3A_155 : memref<1x128xi32, #tpu.memory_space<vmem>> -> memref<128xi32, #tpu.memory_space<vmem>>
          %dma_start3A_157 = arith.constant 0 : i32
          %dma_start3A_158 = tpu.memref_slice %arg4[%add3A_152, %dma_start3A_157] : memref<2560x128xi32, #tpu.memory_space<hbm>> -> memref<1x128xi32, #tpu.memory_space<hbm>>
          %dma_start3A_159 = tpu.memref_squeeze %dma_start3A_158 : memref<1x128xi32, #tpu.memory_space<hbm>> -> memref<128xi32, #tpu.memory_space<hbm>>
          %dma_start3A_160 = arith.constant 0 : i32
          %dma_start3A_161 = tpu.memref_slice %arg9[%dma_start3A_153, %dma_start3A_160] : memref<2x128xi32, #tpu.memory_space<vmem>> -> memref<1x128xi32, #tpu.memory_space<vmem>>
          %dma_start3A_162 = tpu.memref_squeeze %dma_start3A_161 : memref<1x128xi32, #tpu.memory_space<vmem>> -> memref<128xi32, #tpu.memory_space<vmem>>
          %dma_start3A_163 = arith.constant 0 : i32
          %dma_start3A_164 = tpu.memref_slice %arg4[%add3A_152, %dma_start3A_163] : memref<2560x128xi32, #tpu.memory_space<hbm>> -> memref<1x128xi32, #tpu.memory_space<hbm>>
          %dma_start3A_165 = tpu.memref_squeeze %dma_start3A_164 : memref<1x128xi32, #tpu.memory_space<hbm>> -> memref<128xi32, #tpu.memory_space<hbm>>
          tpu.enqueue_dma source(%dma_start3A_165 : memref<128xi32, #tpu.memory_space<hbm>>) target(%dma_start3A_162 : memref<128xi32, #tpu.memory_space<vmem>>) target_semaphore(%arg15 : memref<!tpu.dma_semaphore, #tpu.memory_space<semaphore_mem>>)
        } else {
        }
        %add3A_120 = arith.constant 1 : i32
        %add3A_121 = arith.addi %mul3A_70, %add3A_120 : i32
        %dma_wait3A_122 = arith.constant 0 : i32
        %dma_wait3A_123 = tpu.memref_slice %arg8[%add3A_121, %dma_wait3A_122] : memref<32x128xi32, #tpu.memory_space<vmem>> -> memref<1x128xi32, #tpu.memory_space<vmem>>
        %dma_wait3A_124 = tpu.memref_squeeze %dma_wait3A_123 : memref<1x128xi32, #tpu.memory_space<vmem>> -> memref<128xi32, #tpu.memory_space<vmem>>
        %dma_wait3A_125 = arith.constant 0 : i32
        %dma_wait3A_126 = arith.constant 0 : i32
        %dma_wait3A_127 = tpu.memref_slice %arg2[%dma_wait3A_125, %dma_wait3A_126] : memref<10000x128xf32, #tpu.memory_space<hbm>> -> memref<10000x128xf32, #tpu.memory_space<hbm>>
        tpu.wait_indirect_dma semaphore(%arg14 : memref<!tpu.dma_semaphore, #tpu.memory_space<semaphore_mem>>) src(%dma_wait3A_127 : memref<10000x128xf32, #tpu.memory_space<hbm>>) dst(%arg11 : memref<128x128xf32, #tpu.memory_space<vmem>>)
        %dma_wait3A_128 = arith.constant 1 : i32
        %dma_wait3A_129 = arith.constant 0 : i32
        %dma_wait3A_130 = tpu.memref_slice %arg9[%dma_wait3A_128, %dma_wait3A_129] : memref<2x128xi32, #tpu.memory_space<vmem>> -> memref<1x128xi32, #tpu.memory_space<vmem>>
        %dma_wait3A_131 = tpu.memref_squeeze %dma_wait3A_130 : memref<1x128xi32, #tpu.memory_space<vmem>> -> memref<128xi32, #tpu.memory_space<vmem>>
        %dma_wait3A_132 = arith.constant 0 : i32
        %dma_wait3A_133 = tpu.memref_slice %arg4[%add3A_36, %dma_wait3A_132] : memref<2560x128xi32, #tpu.memory_space<hbm>> -> memref<1x128xi32, #tpu.memory_space<hbm>>
        %dma_wait3A_134 = tpu.memref_squeeze %dma_wait3A_133 : memref<1x128xi32, #tpu.memory_space<hbm>> -> memref<128xi32, #tpu.memory_space<hbm>>
        %dma_wait3A_135 = arith.constant 0 : i32
        %dma_wait3A_136 = tpu.memref_slice %arg9[%dma_wait3A_128, %dma_wait3A_135] : memref<2x128xi32, #tpu.memory_space<vmem>> -> memref<1x128xi32, #tpu.memory_space<vmem>>
        %dma_wait3A_137 = tpu.memref_squeeze %dma_wait3A_136 : memref<1x128xi32, #tpu.memory_space<vmem>> -> memref<128xi32, #tpu.memory_space<vmem>>
        %dma_wait3A_138 = arith.constant 0 : i32
        %dma_wait3A_139 = tpu.memref_slice %arg4[%add3A_36, %dma_wait3A_138] : memref<2560x128xi32, #tpu.memory_space<hbm>> -> memref<1x128xi32, #tpu.memory_space<hbm>>
        %dma_wait3A_140 = tpu.memref_squeeze %dma_wait3A_139 : memref<1x128xi32, #tpu.memory_space<hbm>> -> memref<128xi32, #tpu.memory_space<hbm>>
        tpu.wait_dma2 semaphore(%arg16 : memref<!tpu.dma_semaphore, #tpu.memory_space<semaphore_mem>>) src(%dma_wait3A_140 : memref<128xi32, #tpu.memory_space<hbm>>) dst(%dma_wait3A_137 : memref<128xi32, #tpu.memory_space<vmem>>)
        %run_scoped3A_141 = arith.constant 1 : i32
        "tpu.region"() ({
          %run_scoped3A_142 = tpu.sem_alloc : memref<!tpu.dma_semaphore, #tpu.memory_space<semaphore_mem>>
          %dma_start3A_143 = arith.constant 0 : i32
          %dma_start3A_144 = tpu.memref_slice %arg9[%run_scoped3A_141, %dma_start3A_143] : memref<2x128xi32, #tpu.memory_space<vmem>> -> memref<1x128xi32, #tpu.memory_space<vmem>>
          %dma_start3A_145 = tpu.memref_squeeze %dma_start3A_144 : memref<1x128xi32, #tpu.memory_space<vmem>> -> memref<128xi32, #tpu.memory_space<vmem>>
          %dma_start3A_146 = arith.constant 0 : i32
          %dma_start3A_147 = arith.constant 0 : i32
          %dma_start3A_148 = tpu.memref_slice %arg7[%dma_start3A_146, %dma_start3A_147] : memref<10112x128xf32, #tpu.memory_space<vmem_shared>> -> memref<10112x128xf32, #tpu.memory_space<vmem_shared>>
          tpu.enqueue_indirect_dma source(%arg11 : memref<128x128xf32, #tpu.memory_space<vmem>>) target(%dma_start3A_148 : memref<10112x128xf32, #tpu.memory_space<vmem_shared>>) offsets(%dma_start3A_145 : memref<128xi32, #tpu.memory_space<vmem>>) semaphore(%run_scoped3A_142 : memref<!tpu.dma_semaphore, #tpu.memory_space<semaphore_mem>>) {add = true}
          %dma_wait3A_149 = arith.constant 0 : i32
          %dma_wait3A_150 = tpu.memref_slice %arg9[%run_scoped3A_141, %dma_wait3A_149] : memref<2x128xi32, #tpu.memory_space<vmem>> -> memref<1x128xi32, #tpu.memory_space<vmem>>
          %dma_wait3A_151 = tpu.memref_squeeze %dma_wait3A_150 : memref<1x128xi32, #tpu.memory_space<vmem>> -> memref<128xi32, #tpu.memory_space<vmem>>
          %dma_wait3A_152 = arith.constant 0 : i32
          %dma_wait3A_153 = arith.constant 0 : i32
          %dma_wait3A_154 = tpu.memref_slice %arg7[%dma_wait3A_152, %dma_wait3A_153] : memref<10112x128xf32, #tpu.memory_space<vmem_shared>> -> memref<10112x128xf32, #tpu.memory_space<vmem_shared>>
          tpu.wait_indirect_dma semaphore(%run_scoped3A_142 : memref<!tpu.dma_semaphore, #tpu.memory_space<semaphore_mem>>) src(%arg11 : memref<128x128xf32, #tpu.memory_space<vmem>>) dst(%dma_wait3A_154 : memref<10112x128xf32, #tpu.memory_space<vmem_shared>>)
          tpu.yield
        }) : () -> ()
      }
      %scan3A_67 = arith.constant 16 : i32
    } else {
    }
    %gt3A_25 = arith.constant 3 : i32
    %gt3A_26 = arith.cmpi sgt, %select_n3A_8, %gt3A_25 : i32
    %convert_element_type3A_27 = arith.extui %gt3A_26 : i1 to i32
    %cond3A_28 = arith.constant 0 : i32
    %cond3A_29 = arith.cmpi ne, %convert_element_type3A_27, %cond3A_28 : i32
    scf.if %cond3A_29 {
      %add3A_35 = arith.constant 96 : i32
      %add3A_36 = arith.addi %select_n3A, %add3A_35 : i32
      %dma_start3A = arith.constant 0 : i32
      %dma_start3A_37 = tpu.memref_slice %arg3[%add3A_36, %dma_start3A] : memref<2560x128xi32, #tpu.memory_space<hbm>> -> memref<32x128xi32, #tpu.memory_space<hbm>>
      %dma_start3A_38 = arith.constant 0 : i32
      %dma_start3A_39 = tpu.memref_slice %arg3[%add3A_36, %dma_start3A_38] : memref<2560x128xi32, #tpu.memory_space<hbm>> -> memref<32x128xi32, #tpu.memory_space<hbm>>
      tpu.enqueue_dma source(%dma_start3A_39 : memref<32x128xi32, #tpu.memory_space<hbm>>) target(%arg8 : memref<32x128xi32, #tpu.memory_space<vmem>>) target_semaphore(%arg12 : memref<!tpu.dma_semaphore, #tpu.memory_space<semaphore_mem>>)
      %dma_wait3A = arith.constant 0 : i32
      %dma_wait3A_40 = tpu.memref_slice %arg3[%add3A_36, %dma_wait3A] : memref<2560x128xi32, #tpu.memory_space<hbm>> -> memref<32x128xi32, #tpu.memory_space<hbm>>
      %dma_wait3A_41 = arith.constant 0 : i32
      %dma_wait3A_42 = tpu.memref_slice %arg3[%add3A_36, %dma_wait3A_41] : memref<2560x128xi32, #tpu.memory_space<hbm>> -> memref<32x128xi32, #tpu.memory_space<hbm>>
      tpu.wait_dma2 semaphore(%arg12 : memref<!tpu.dma_semaphore, #tpu.memory_space<semaphore_mem>>) src(%dma_wait3A_42 : memref<32x128xi32, #tpu.memory_space<hbm>>) dst(%arg8 : memref<32x128xi32, #tpu.memory_space<vmem>>)
      %dma_start3A_43 = arith.constant 0 : i32
      %dma_start3A_44 = arith.constant 0 : i32
      %dma_start3A_45 = tpu.memref_slice %arg8[%dma_start3A_43, %dma_start3A_44] : memref<32x128xi32, #tpu.memory_space<vmem>> -> memref<1x128xi32, #tpu.memory_space<vmem>>
      %dma_start3A_46 = tpu.memref_squeeze %dma_start3A_45 : memref<1x128xi32, #tpu.memory_space<vmem>> -> memref<128xi32, #tpu.memory_space<vmem>>
      %dma_start3A_47 = arith.constant 0 : i32
      %dma_start3A_48 = arith.constant 0 : i32
      %dma_start3A_49 = tpu.memref_slice %arg2[%dma_start3A_47, %dma_start3A_48] : memref<10000x128xf32, #tpu.memory_space<hbm>> -> memref<10000x128xf32, #tpu.memory_space<hbm>>
      tpu.enqueue_indirect_dma source(%dma_start3A_49 : memref<10000x128xf32, #tpu.memory_space<hbm>>) target(%arg10 : memref<128x128xf32, #tpu.memory_space<vmem>>) offsets(%dma_start3A_46 : memref<128xi32, #tpu.memory_space<vmem>>) semaphore(%arg13 : memref<!tpu.dma_semaphore, #tpu.memory_space<semaphore_mem>>)
      %dma_start3A_50 = arith.constant 0 : i32
      %dma_start3A_51 = arith.constant 0 : i32
      %dma_start3A_52 = tpu.memref_slice %arg9[%dma_start3A_50, %dma_start3A_51] : memref<2x128xi32, #tpu.memory_space<vmem>> -> memref<1x128xi32, #tpu.memory_space<vmem>>
      %dma_start3A_53 = tpu.memref_squeeze %dma_start3A_52 : memref<1x128xi32, #tpu.memory_space<vmem>> -> memref<128xi32, #tpu.memory_space<vmem>>
      %dma_start3A_54 = arith.constant 0 : i32
      %dma_start3A_55 = tpu.memref_slice %arg4[%add3A_36, %dma_start3A_54] : memref<2560x128xi32, #tpu.memory_space<hbm>> -> memref<1x128xi32, #tpu.memory_space<hbm>>
      %dma_start3A_56 = tpu.memref_squeeze %dma_start3A_55 : memref<1x128xi32, #tpu.memory_space<hbm>> -> memref<128xi32, #tpu.memory_space<hbm>>
      %dma_start3A_57 = arith.constant 0 : i32
      %dma_start3A_58 = tpu.memref_slice %arg9[%dma_start3A_50, %dma_start3A_57] : memref<2x128xi32, #tpu.memory_space<vmem>> -> memref<1x128xi32, #tpu.memory_space<vmem>>
      %dma_start3A_59 = tpu.memref_squeeze %dma_start3A_58 : memref<1x128xi32, #tpu.memory_space<vmem>> -> memref<128xi32, #tpu.memory_space<vmem>>
      %dma_start3A_60 = arith.constant 0 : i32
      %dma_start3A_61 = tpu.memref_slice %arg4[%add3A_36, %dma_start3A_60] : memref<2560x128xi32, #tpu.memory_space<hbm>> -> memref<1x128xi32, #tpu.memory_space<hbm>>
      %dma_start3A_62 = tpu.memref_squeeze %dma_start3A_61 : memref<1x128xi32, #tpu.memory_space<hbm>> -> memref<128xi32, #tpu.memory_space<hbm>>
      tpu.enqueue_dma source(%dma_start3A_62 : memref<128xi32, #tpu.memory_space<hbm>>) target(%dma_start3A_59 : memref<128xi32, #tpu.memory_space<vmem>>) target_semaphore(%arg15 : memref<!tpu.dma_semaphore, #tpu.memory_space<semaphore_mem>>)
      %scan3A = arith.constant 0 : i32
      %scan3A_63 = arith.constant 0 : i32
      %scan3A_64 = arith.constant 16 : i32
      %scan3A_65 = arith.addi %scan3A_63, %scan3A_64 : i32
      %scan3A_66 = arith.constant 1 : i32
      scf.for %scan3A_68 = %scan3A_63 to %scan3A_65 step %scan3A_66  : i32 {
        %mul3A_69 = arith.constant 2 : i32
        %mul3A_70 = arith.muli %scan3A_68, %mul3A_69 : i32
        %add3A_71 = arith.constant 1 : i32
        %add3A_72 = arith.addi %mul3A_70, %add3A_71 : i32
        %dma_start3A_73 = arith.constant 0 : i32
        %dma_start3A_74 = tpu.memref_slice %arg8[%add3A_72, %dma_start3A_73] : memref<32x128xi32, #tpu.memory_space<vmem>> -> memref<1x128xi32, #tpu.memory_space<vmem>>
        %dma_start3A_75 = tpu.memref_squeeze %dma_start3A_74 : memref<1x128xi32, #tpu.memory_space<vmem>> -> memref<128xi32, #tpu.memory_space<vmem>>
        %dma_start3A_76 = arith.constant 0 : i32
        %dma_start3A_77 = arith.constant 0 : i32
        %dma_start3A_78 = tpu.memref_slice %arg2[%dma_start3A_76, %dma_start3A_77] : memref<10000x128xf32, #tpu.memory_space<hbm>> -> memref<10000x128xf32, #tpu.memory_space<hbm>>
        tpu.enqueue_indirect_dma source(%dma_start3A_78 : memref<10000x128xf32, #tpu.memory_space<hbm>>) target(%arg11 : memref<128x128xf32, #tpu.memory_space<vmem>>) offsets(%dma_start3A_75 : memref<128xi32, #tpu.memory_space<vmem>>) semaphore(%arg14 : memref<!tpu.dma_semaphore, #tpu.memory_space<semaphore_mem>>)
        %add3A_79 = arith.addi %add3A_36, %mul3A_70 : i32
        %add3A_80 = arith.constant 1 : i32
        %add3A_81 = arith.addi %add3A_79, %add3A_80 : i32
        %dma_start3A_82 = arith.constant 1 : i32
        %dma_start3A_83 = arith.constant 0 : i32
        %dma_start3A_84 = tpu.memref_slice %arg9[%dma_start3A_82, %dma_start3A_83] : memref<2x128xi32, #tpu.memory_space<vmem>> -> memref<1x128xi32, #tpu.memory_space<vmem>>
        %dma_start3A_85 = tpu.memref_squeeze %dma_start3A_84 : memref<1x128xi32, #tpu.memory_space<vmem>> -> memref<128xi32, #tpu.memory_space<vmem>>
        %dma_start3A_86 = arith.constant 0 : i32
        %dma_start3A_87 = tpu.memref_slice %arg4[%add3A_81, %dma_start3A_86] : memref<2560x128xi32, #tpu.memory_space<hbm>> -> memref<1x128xi32, #tpu.memory_space<hbm>>
        %dma_start3A_88 = tpu.memref_squeeze %dma_start3A_87 : memref<1x128xi32, #tpu.memory_space<hbm>> -> memref<128xi32, #tpu.memory_space<hbm>>
        %dma_start3A_89 = arith.constant 0 : i32
        %dma_start3A_90 = tpu.memref_slice %arg9[%dma_start3A_82, %dma_start3A_89] : memref<2x128xi32, #tpu.memory_space<vmem>> -> memref<1x128xi32, #tpu.memory_space<vmem>>
        %dma_start3A_91 = tpu.memref_squeeze %dma_start3A_90 : memref<1x128xi32, #tpu.memory_space<vmem>> -> memref<128xi32, #tpu.memory_space<vmem>>
        %dma_start3A_92 = arith.constant 0 : i32
        %dma_start3A_93 = tpu.memref_slice %arg4[%add3A_81, %dma_start3A_92] : memref<2560x128xi32, #tpu.memory_space<hbm>> -> memref<1x128xi32, #tpu.memory_space<hbm>>
        %dma_start3A_94 = tpu.memref_squeeze %dma_start3A_93 : memref<1x128xi32, #tpu.memory_space<hbm>> -> memref<128xi32, #tpu.memory_space<hbm>>
        tpu.enqueue_dma source(%dma_start3A_94 : memref<128xi32, #tpu.memory_space<hbm>>) target(%dma_start3A_91 : memref<128xi32, #tpu.memory_space<vmem>>) target_semaphore(%arg16 : memref<!tpu.dma_semaphore, #tpu.memory_space<semaphore_mem>>)
        %dma_wait3A_95 = arith.constant 0 : i32
        %dma_wait3A_96 = tpu.memref_slice %arg8[%mul3A_70, %dma_wait3A_95] : memref<32x128xi32, #tpu.memory_space<vmem>> -> memref<1x128xi32, #tpu.memory_space<vmem>>
        %dma_wait3A_97 = tpu.memref_squeeze %dma_wait3A_96 : memref<1x128xi32, #tpu.memory_space<vmem>> -> memref<128xi32, #tpu.memory_space<vmem>>
        %dma_wait3A_98 = arith.constant 0 : i32
        %dma_wait3A_99 = arith.constant 0 : i32
        %dma_wait3A_100 = tpu.memref_slice %arg2[%dma_wait3A_98, %dma_wait3A_99] : memref<10000x128xf32, #tpu.memory_space<hbm>> -> memref<10000x128xf32, #tpu.memory_space<hbm>>
        tpu.wait_indirect_dma semaphore(%arg13 : memref<!tpu.dma_semaphore, #tpu.memory_space<semaphore_mem>>) src(%dma_wait3A_100 : memref<10000x128xf32, #tpu.memory_space<hbm>>) dst(%arg10 : memref<128x128xf32, #tpu.memory_space<vmem>>)
        %dma_wait3A_101 = arith.constant 0 : i32
        %dma_wait3A_102 = arith.constant 0 : i32
        %dma_wait3A_103 = tpu.memref_slice %arg9[%dma_wait3A_101, %dma_wait3A_102] : memref<2x128xi32, #tpu.memory_space<vmem>> -> memref<1x128xi32, #tpu.memory_space<vmem>>
        %dma_wait3A_104 = tpu.memref_squeeze %dma_wait3A_103 : memref<1x128xi32, #tpu.memory_space<vmem>> -> memref<128xi32, #tpu.memory_space<vmem>>
        %dma_wait3A_105 = arith.constant 0 : i32
        %dma_wait3A_106 = tpu.memref_slice %arg4[%add3A_36, %dma_wait3A_105] : memref<2560x128xi32, #tpu.memory_space<hbm>> -> memref<1x128xi32, #tpu.memory_space<hbm>>
        %dma_wait3A_107 = tpu.memref_squeeze %dma_wait3A_106 : memref<1x128xi32, #tpu.memory_space<hbm>> -> memref<128xi32, #tpu.memory_space<hbm>>
        %dma_wait3A_108 = arith.constant 0 : i32
        %dma_wait3A_109 = tpu.memref_slice %arg9[%dma_wait3A_101, %dma_wait3A_108] : memref<2x128xi32, #tpu.memory_space<vmem>> -> memref<1x128xi32, #tpu.memory_space<vmem>>
        %dma_wait3A_110 = tpu.memref_squeeze %dma_wait3A_109 : memref<1x128xi32, #tpu.memory_space<vmem>> -> memref<128xi32, #tpu.memory_space<vmem>>
        %dma_wait3A_111 = arith.constant 0 : i32
        %dma_wait3A_112 = tpu.memref_slice %arg4[%add3A_36, %dma_wait3A_111] : memref<2560x128xi32, #tpu.memory_space<hbm>> -> memref<1x128xi32, #tpu.memory_space<hbm>>
        %dma_wait3A_113 = tpu.memref_squeeze %dma_wait3A_112 : memref<1x128xi32, #tpu.memory_space<hbm>> -> memref<128xi32, #tpu.memory_space<hbm>>
        tpu.wait_dma2 semaphore(%arg15 : memref<!tpu.dma_semaphore, #tpu.memory_space<semaphore_mem>>) src(%dma_wait3A_113 : memref<128xi32, #tpu.memory_space<hbm>>) dst(%dma_wait3A_110 : memref<128xi32, #tpu.memory_space<vmem>>)
        %run_scoped3A = arith.constant 0 : i32
        "tpu.region"() ({
          %run_scoped3A_142 = tpu.sem_alloc : memref<!tpu.dma_semaphore, #tpu.memory_space<semaphore_mem>>
          %dma_start3A_143 = arith.constant 0 : i32
          %dma_start3A_144 = tpu.memref_slice %arg9[%run_scoped3A, %dma_start3A_143] : memref<2x128xi32, #tpu.memory_space<vmem>> -> memref<1x128xi32, #tpu.memory_space<vmem>>
          %dma_start3A_145 = tpu.memref_squeeze %dma_start3A_144 : memref<1x128xi32, #tpu.memory_space<vmem>> -> memref<128xi32, #tpu.memory_space<vmem>>
          %dma_start3A_146 = arith.constant 0 : i32
          %dma_start3A_147 = arith.constant 0 : i32
          %dma_start3A_148 = tpu.memref_slice %arg7[%dma_start3A_146, %dma_start3A_147] : memref<10112x128xf32, #tpu.memory_space<vmem_shared>> -> memref<10112x128xf32, #tpu.memory_space<vmem_shared>>
          tpu.enqueue_indirect_dma source(%arg10 : memref<128x128xf32, #tpu.memory_space<vmem>>) target(%dma_start3A_148 : memref<10112x128xf32, #tpu.memory_space<vmem_shared>>) offsets(%dma_start3A_145 : memref<128xi32, #tpu.memory_space<vmem>>) semaphore(%run_scoped3A_142 : memref<!tpu.dma_semaphore, #tpu.memory_space<semaphore_mem>>) {add = true}
          %dma_wait3A_149 = arith.constant 0 : i32
          %dma_wait3A_150 = tpu.memref_slice %arg9[%run_scoped3A, %dma_wait3A_149] : memref<2x128xi32, #tpu.memory_space<vmem>> -> memref<1x128xi32, #tpu.memory_space<vmem>>
          %dma_wait3A_151 = tpu.memref_squeeze %dma_wait3A_150 : memref<1x128xi32, #tpu.memory_space<vmem>> -> memref<128xi32, #tpu.memory_space<vmem>>
          %dma_wait3A_152 = arith.constant 0 : i32
          %dma_wait3A_153 = arith.constant 0 : i32
          %dma_wait3A_154 = tpu.memref_slice %arg7[%dma_wait3A_152, %dma_wait3A_153] : memref<10112x128xf32, #tpu.memory_space<vmem_shared>> -> memref<10112x128xf32, #tpu.memory_space<vmem_shared>>
          tpu.wait_indirect_dma semaphore(%run_scoped3A_142 : memref<!tpu.dma_semaphore, #tpu.memory_space<semaphore_mem>>) src(%arg10 : memref<128x128xf32, #tpu.memory_space<vmem>>) dst(%dma_wait3A_154 : memref<10112x128xf32, #tpu.memory_space<vmem_shared>>)
          tpu.yield
        }) : () -> ()
        %add3A_114 = arith.constant 1 : i32
        %add3A_115 = arith.addi %scan3A_68, %add3A_114 : i32
        %lt3A = arith.constant 16 : i32
        %lt3A_116 = arith.cmpi slt, %add3A_115, %lt3A : i32
        %convert_element_type3A_117 = arith.extui %lt3A_116 : i1 to i32
        %cond3A_118 = arith.constant 0 : i32
        %cond3A_119 = arith.cmpi ne, %convert_element_type3A_117, %cond3A_118 : i32
        scf.if %cond3A_119 {
          %add3A_142 = arith.constant 2 : i32
          %add3A_143 = arith.addi %mul3A_70, %add3A_142 : i32
          %dma_start3A_144 = arith.constant 0 : i32
          %dma_start3A_145 = tpu.memref_slice %arg8[%add3A_143, %dma_start3A_144] : memref<32x128xi32, #tpu.memory_space<vmem>> -> memref<1x128xi32, #tpu.memory_space<vmem>>
          %dma_start3A_146 = tpu.memref_squeeze %dma_start3A_145 : memref<1x128xi32, #tpu.memory_space<vmem>> -> memref<128xi32, #tpu.memory_space<vmem>>
          %dma_start3A_147 = arith.constant 0 : i32
          %dma_start3A_148 = arith.constant 0 : i32
          %dma_start3A_149 = tpu.memref_slice %arg2[%dma_start3A_147, %dma_start3A_148] : memref<10000x128xf32, #tpu.memory_space<hbm>> -> memref<10000x128xf32, #tpu.memory_space<hbm>>
          tpu.enqueue_indirect_dma source(%dma_start3A_149 : memref<10000x128xf32, #tpu.memory_space<hbm>>) target(%arg10 : memref<128x128xf32, #tpu.memory_space<vmem>>) offsets(%dma_start3A_146 : memref<128xi32, #tpu.memory_space<vmem>>) semaphore(%arg13 : memref<!tpu.dma_semaphore, #tpu.memory_space<semaphore_mem>>)
          %add3A_150 = arith.addi %add3A_36, %mul3A_70 : i32
          %add3A_151 = arith.constant 2 : i32
          %add3A_152 = arith.addi %add3A_150, %add3A_151 : i32
          %dma_start3A_153 = arith.constant 0 : i32
          %dma_start3A_154 = arith.constant 0 : i32
          %dma_start3A_155 = tpu.memref_slice %arg9[%dma_start3A_153, %dma_start3A_154] : memref<2x128xi32, #tpu.memory_space<vmem>> -> memref<1x128xi32, #tpu.memory_space<vmem>>
          %dma_start3A_156 = tpu.memref_squeeze %dma_start3A_155 : memref<1x128xi32, #tpu.memory_space<vmem>> -> memref<128xi32, #tpu.memory_space<vmem>>
          %dma_start3A_157 = arith.constant 0 : i32
          %dma_start3A_158 = tpu.memref_slice %arg4[%add3A_152, %dma_start3A_157] : memref<2560x128xi32, #tpu.memory_space<hbm>> -> memref<1x128xi32, #tpu.memory_space<hbm>>
          %dma_start3A_159 = tpu.memref_squeeze %dma_start3A_158 : memref<1x128xi32, #tpu.memory_space<hbm>> -> memref<128xi32, #tpu.memory_space<hbm>>
          %dma_start3A_160 = arith.constant 0 : i32
          %dma_start3A_161 = tpu.memref_slice %arg9[%dma_start3A_153, %dma_start3A_160] : memref<2x128xi32, #tpu.memory_space<vmem>> -> memref<1x128xi32, #tpu.memory_space<vmem>>
          %dma_start3A_162 = tpu.memref_squeeze %dma_start3A_161 : memref<1x128xi32, #tpu.memory_space<vmem>> -> memref<128xi32, #tpu.memory_space<vmem>>
          %dma_start3A_163 = arith.constant 0 : i32
          %dma_start3A_164 = tpu.memref_slice %arg4[%add3A_152, %dma_start3A_163] : memref<2560x128xi32, #tpu.memory_space<hbm>> -> memref<1x128xi32, #tpu.memory_space<hbm>>
          %dma_start3A_165 = tpu.memref_squeeze %dma_start3A_164 : memref<1x128xi32, #tpu.memory_space<hbm>> -> memref<128xi32, #tpu.memory_space<hbm>>
          tpu.enqueue_dma source(%dma_start3A_165 : memref<128xi32, #tpu.memory_space<hbm>>) target(%dma_start3A_162 : memref<128xi32, #tpu.memory_space<vmem>>) target_semaphore(%arg15 : memref<!tpu.dma_semaphore, #tpu.memory_space<semaphore_mem>>)
        } else {
        }
        %add3A_120 = arith.constant 1 : i32
        %add3A_121 = arith.addi %mul3A_70, %add3A_120 : i32
        %dma_wait3A_122 = arith.constant 0 : i32
        %dma_wait3A_123 = tpu.memref_slice %arg8[%add3A_121, %dma_wait3A_122] : memref<32x128xi32, #tpu.memory_space<vmem>> -> memref<1x128xi32, #tpu.memory_space<vmem>>
        %dma_wait3A_124 = tpu.memref_squeeze %dma_wait3A_123 : memref<1x128xi32, #tpu.memory_space<vmem>> -> memref<128xi32, #tpu.memory_space<vmem>>
        %dma_wait3A_125 = arith.constant 0 : i32
        %dma_wait3A_126 = arith.constant 0 : i32
        %dma_wait3A_127 = tpu.memref_slice %arg2[%dma_wait3A_125, %dma_wait3A_126] : memref<10000x128xf32, #tpu.memory_space<hbm>> -> memref<10000x128xf32, #tpu.memory_space<hbm>>
        tpu.wait_indirect_dma semaphore(%arg14 : memref<!tpu.dma_semaphore, #tpu.memory_space<semaphore_mem>>) src(%dma_wait3A_127 : memref<10000x128xf32, #tpu.memory_space<hbm>>) dst(%arg11 : memref<128x128xf32, #tpu.memory_space<vmem>>)
        %dma_wait3A_128 = arith.constant 1 : i32
        %dma_wait3A_129 = arith.constant 0 : i32
        %dma_wait3A_130 = tpu.memref_slice %arg9[%dma_wait3A_128, %dma_wait3A_129] : memref<2x128xi32, #tpu.memory_space<vmem>> -> memref<1x128xi32, #tpu.memory_space<vmem>>
        %dma_wait3A_131 = tpu.memref_squeeze %dma_wait3A_130 : memref<1x128xi32, #tpu.memory_space<vmem>> -> memref<128xi32, #tpu.memory_space<vmem>>
        %dma_wait3A_132 = arith.constant 0 : i32
        %dma_wait3A_133 = tpu.memref_slice %arg4[%add3A_36, %dma_wait3A_132] : memref<2560x128xi32, #tpu.memory_space<hbm>> -> memref<1x128xi32, #tpu.memory_space<hbm>>
        %dma_wait3A_134 = tpu.memref_squeeze %dma_wait3A_133 : memref<1x128xi32, #tpu.memory_space<hbm>> -> memref<128xi32, #tpu.memory_space<hbm>>
        %dma_wait3A_135 = arith.constant 0 : i32
        %dma_wait3A_136 = tpu.memref_slice %arg9[%dma_wait3A_128, %dma_wait3A_135] : memref<2x128xi32, #tpu.memory_space<vmem>> -> memref<1x128xi32, #tpu.memory_space<vmem>>
        %dma_wait3A_137 = tpu.memref_squeeze %dma_wait3A_136 : memref<1x128xi32, #tpu.memory_space<vmem>> -> memref<128xi32, #tpu.memory_space<vmem>>
        %dma_wait3A_138 = arith.constant 0 : i32
        %dma_wait3A_139 = tpu.memref_slice %arg4[%add3A_36, %dma_wait3A_138] : memref<2560x128xi32, #tpu.memory_space<hbm>> -> memref<1x128xi32, #tpu.memory_space<hbm>>
        %dma_wait3A_140 = tpu.memref_squeeze %dma_wait3A_139 : memref<1x128xi32, #tpu.memory_space<hbm>> -> memref<128xi32, #tpu.memory_space<hbm>>
        tpu.wait_dma2 semaphore(%arg16 : memref<!tpu.dma_semaphore, #tpu.memory_space<semaphore_mem>>) src(%dma_wait3A_140 : memref<128xi32, #tpu.memory_space<hbm>>) dst(%dma_wait3A_137 : memref<128xi32, #tpu.memory_space<vmem>>)
        %run_scoped3A_141 = arith.constant 1 : i32
        "tpu.region"() ({
          %run_scoped3A_142 = tpu.sem_alloc : memref<!tpu.dma_semaphore, #tpu.memory_space<semaphore_mem>>
          %dma_start3A_143 = arith.constant 0 : i32
          %dma_start3A_144 = tpu.memref_slice %arg9[%run_scoped3A_141, %dma_start3A_143] : memref<2x128xi32, #tpu.memory_space<vmem>> -> memref<1x128xi32, #tpu.memory_space<vmem>>
          %dma_start3A_145 = tpu.memref_squeeze %dma_start3A_144 : memref<1x128xi32, #tpu.memory_space<vmem>> -> memref<128xi32, #tpu.memory_space<vmem>>
          %dma_start3A_146 = arith.constant 0 : i32
          %dma_start3A_147 = arith.constant 0 : i32
          %dma_start3A_148 = tpu.memref_slice %arg7[%dma_start3A_146, %dma_start3A_147] : memref<10112x128xf32, #tpu.memory_space<vmem_shared>> -> memref<10112x128xf32, #tpu.memory_space<vmem_shared>>
          tpu.enqueue_indirect_dma source(%arg11 : memref<128x128xf32, #tpu.memory_space<vmem>>) target(%dma_start3A_148 : memref<10112x128xf32, #tpu.memory_space<vmem_shared>>) offsets(%dma_start3A_145 : memref<128xi32, #tpu.memory_space<vmem>>) semaphore(%run_scoped3A_142 : memref<!tpu.dma_semaphore, #tpu.memory_space<semaphore_mem>>) {add = true}
          %dma_wait3A_149 = arith.constant 0 : i32
          %dma_wait3A_150 = tpu.memref_slice %arg9[%run_scoped3A_141, %dma_wait3A_149] : memref<2x128xi32, #tpu.memory_space<vmem>> -> memref<1x128xi32, #tpu.memory_space<vmem>>
          %dma_wait3A_151 = tpu.memref_squeeze %dma_wait3A_150 : memref<1x128xi32, #tpu.memory_space<vmem>> -> memref<128xi32, #tpu.memory_space<vmem>>
          %dma_wait3A_152 = arith.constant 0 : i32
          %dma_wait3A_153 = arith.constant 0 : i32
          %dma_wait3A_154 = tpu.memref_slice %arg7[%dma_wait3A_152, %dma_wait3A_153] : memref<10112x128xf32, #tpu.memory_space<vmem_shared>> -> memref<10112x128xf32, #tpu.memory_space<vmem_shared>>
          tpu.wait_indirect_dma semaphore(%run_scoped3A_142 : memref<!tpu.dma_semaphore, #tpu.memory_space<semaphore_mem>>) src(%arg11 : memref<128x128xf32, #tpu.memory_space<vmem>>) dst(%dma_wait3A_154 : memref<10112x128xf32, #tpu.memory_space<vmem_shared>>)
          tpu.yield
        }) : () -> ()
      }
      %scan3A_67 = arith.constant 16 : i32
    } else {
    }
    %barrier3A_30 = arith.constant 0 : index
    tpu.barrier barrier_id(%barrier3A_30)
    %mul3A_31 = arith.constant 632 : i32
    %mul3A_32 = arith.muli %arg1, %mul3A_31 : i32
    %mul3A_33 = arith.constant 632 : i32
    %mul3A_34 = arith.muli %arg1, %mul3A_33 : i32
    "tpu.region"() ({
      %run_scoped3A = tpu.sem_alloc : memref<!tpu.dma_semaphore, #tpu.memory_space<semaphore_mem>>
      %dma_start3A = arith.constant 0 : i32
      %dma_start3A_35 = tpu.memref_slice %arg6[%arg0, %mul3A_34, %dma_start3A] : memref<2x10112x128xf32, #tpu.memory_space<hbm>> -> memref<1x632x128xf32, #tpu.memory_space<hbm>>
      %dma_start3A_36 = tpu.memref_squeeze %dma_start3A_35 : memref<1x632x128xf32, #tpu.memory_space<hbm>> -> memref<632x128xf32, #tpu.memory_space<hbm>>
      %dma_start3A_37 = arith.constant 0 : i32
      %dma_start3A_38 = tpu.memref_slice %arg7[%mul3A_32, %dma_start3A_37] : memref<10112x128xf32, #tpu.memory_space<vmem_shared>> -> memref<632x128xf32, #tpu.memory_space<vmem_shared>>
      tpu.enqueue_dma source(%dma_start3A_38 : memref<632x128xf32, #tpu.memory_space<vmem_shared>>) target(%dma_start3A_36 : memref<632x128xf32, #tpu.memory_space<hbm>>) target_semaphore(%run_scoped3A : memref<!tpu.dma_semaphore, #tpu.memory_space<semaphore_mem>>)
      %dma_wait3A = arith.constant 0 : i32
      %dma_wait3A_39 = tpu.memref_slice %arg6[%arg0, %mul3A_34, %dma_wait3A] : memref<2x10112x128xf32, #tpu.memory_space<hbm>> -> memref<1x632x128xf32, #tpu.memory_space<hbm>>
      %dma_wait3A_40 = tpu.memref_squeeze %dma_wait3A_39 : memref<1x632x128xf32, #tpu.memory_space<hbm>> -> memref<632x128xf32, #tpu.memory_space<hbm>>
      %dma_wait3A_41 = arith.constant 0 : i32
      %dma_wait3A_42 = tpu.memref_slice %arg7[%mul3A_32, %dma_wait3A_41] : memref<10112x128xf32, #tpu.memory_space<vmem_shared>> -> memref<632x128xf32, #tpu.memory_space<vmem_shared>>
      tpu.wait_dma2 semaphore(%run_scoped3A : memref<!tpu.dma_semaphore, #tpu.memory_space<semaphore_mem>>) src(%dma_wait3A_42 : memref<632x128xf32, #tpu.memory_space<vmem_shared>>) dst(%dma_wait3A_40 : memref<632x128xf32, #tpu.memory_space<hbm>>)
      tpu.yield
    }) : () -> ()
    return
  }
}

module attributes {stable_mosaic.version = 14 : i64} {
  func.func @_mm2_body(%arg0: i32, %arg1: memref<1000x128xf32, #tpu.memory_space<vmem>>, %arg2: memref<128x128xf32, #tpu.memory_space<vmem>>, %arg3: memref<128x128xf32, #tpu.memory_space<vmem>>, %arg4: memref<1000x128xf32, #tpu.memory_space<vmem>>, %arg5: memref<1000x128xf32, #tpu.memory_space<vmem>>) attributes {dimension_semantics = [#tpu.dimension_semantics<arbitrary>], iteration_bounds = array<i64: 10>, scalar_prefetch = 0 : i64, scratch_operands = 0 : i64, tpu.core_type = #tpu.core_type<tc>, window_params = [{transform_indices = @transform_0, window_bounds = array<i64: 1000, 128>}, {pipeline_mode = #tpu.pipeline_mode<synchronous>, transform_indices = @transform_1, window_bounds = array<i64: 128, 128>}, {pipeline_mode = #tpu.pipeline_mode<synchronous>, transform_indices = @transform_2, window_bounds = array<i64: 128, 128>}, {transform_indices = @transform_3, window_bounds = array<i64: 1000, 128>}, {transform_indices = @transform_4, window_bounds = array<i64: 1000, 128>}]} {
    %get3A = arith.constant 0 : index
    %get3A_0 = arith.constant 0 : index
    %get3A_1 = vector.load %arg1[%get3A, %get3A_0] : memref<1000x128xf32, #tpu.memory_space<vmem>>, vector<1000x128xf32>
    %get3A_2 = arith.constant 0 : index
    %get3A_3 = arith.constant 0 : index
    %get3A_4 = vector.load %arg2[%get3A_2, %get3A_3] : memref<128x128xf32, #tpu.memory_space<vmem>>, vector<128x128xf32>
    %dot_general3A = arith.constant dense<0.000000e+00> : vector<1000x128xf32>
    %dot_general3A_5 = tpu.matmul %get3A_1, %get3A_4, %dot_general3A {dimension_numbers = #tpu.dot_dimension_numbers<[1], [0], [0], [1], [0, 0, 1, 1], [], []>, transpose_lhs_hint = false} : vector<1000x128xf32>, vector<128x128xf32>, vector<1000x128xf32> -> vector<1000x128xf32>
    %swap3A = arith.constant 0 : index
    %swap3A_6 = arith.constant 0 : index
    %swap3A_7 = vector.load %arg4[%swap3A, %swap3A_6] : memref<1000x128xf32, #tpu.memory_space<vmem>>, vector<1000x128xf32>
    tpu.vector_store %arg4[%swap3A, %swap3A_6], %dot_general3A_5 {strides = array<i32>} : memref<1000x128xf32, #tpu.memory_space<vmem>>, vector<1000x128xf32>,
    %get3A_8 = arith.constant 0 : index
    %get3A_9 = arith.constant 0 : index
    %get3A_10 = vector.load %arg3[%get3A_8, %get3A_9] : memref<128x128xf32, #tpu.memory_space<vmem>>, vector<128x128xf32>
    %dot_general3A_11 = arith.constant dense<0.000000e+00> : vector<1000x128xf32>
    %dot_general3A_12 = tpu.matmul %get3A_1, %get3A_10, %dot_general3A_11 {dimension_numbers = #tpu.dot_dimension_numbers<[1], [0], [0], [1], [0, 0, 1, 1], [], []>, transpose_lhs_hint = false} : vector<1000x128xf32>, vector<128x128xf32>, vector<1000x128xf32> -> vector<1000x128xf32>
    %swap3A_13 = arith.constant 0 : index
    %swap3A_14 = arith.constant 0 : index
    %swap3A_15 = vector.load %arg5[%swap3A_13, %swap3A_14] : memref<1000x128xf32, #tpu.memory_space<vmem>>, vector<1000x128xf32>
    tpu.vector_store %arg5[%swap3A_13, %swap3A_14], %dot_general3A_12 {strides = array<i32>} : memref<1000x128xf32, #tpu.memory_space<vmem>>, vector<1000x128xf32>,
    return
  }
  func.func @transform_0(%arg0: i32) -> (i32, i32) {
    %c0_i32 = arith.constant 0 : i32
    %c0_i32_0 = arith.constant 0 : i32
    return %arg0, %c0_i32 : i32, i32
  }
  func.func @transform_1(%arg0: i32) -> (i32, i32) {
    %c0_i32 = arith.constant 0 : i32
    %c0_i32_0 = arith.constant 0 : i32
    %c0_i32_1 = arith.constant 0 : i32
    return %c0_i32, %c0_i32_0 : i32, i32
  }
  func.func @transform_2(%arg0: i32) -> (i32, i32) {
    %c0_i32 = arith.constant 0 : i32
    %c0_i32_0 = arith.constant 0 : i32
    %c0_i32_1 = arith.constant 0 : i32
    return %c0_i32, %c0_i32_0 : i32, i32
  }
  func.func @transform_3(%arg0: i32) -> (i32, i32) {
    %c0_i32 = arith.constant 0 : i32
    %c0_i32_0 = arith.constant 0 : i32
    return %arg0, %c0_i32 : i32, i32
  }
  func.func @transform_4(%arg0: i32) -> (i32, i32) {
    %c0_i32 = arith.constant 0 : i32
    %c0_i32_0 = arith.constant 0 : i32
    return %arg0, %c0_i32 : i32, i32
  }
}

module attributes {stable_mosaic.version = 14 : i64} {
  func.func @_deg_body(%arg0: i32, %arg1: memref<1x1x3200xi32, #tpu.memory_space<vmem>>, %arg2: memref<80x128xf32, #tpu.memory_space<vmem>>) attributes {dimension_semantics = [#tpu.dimension_semantics<arbitrary>], iteration_bounds = array<i64: 100>, scalar_prefetch = 0 : i64, scratch_operands = 0 : i64, tpu.core_type = #tpu.core_type<tc>, window_params = [{transform_indices = @transform_0, window_bounds = array<i64: 1, 1, 3200>}, {pipeline_mode = #tpu.pipeline_mode<synchronous>, transform_indices = @transform_1, window_bounds = array<i64: 80, 128>}]} {
    %get3A = arith.constant 0 : index
    %get3A_0 = arith.constant 0 : index
    %get3A_1 = arith.constant 0 : index
    %get3A_2 = vector.load %arg1[%get3A, %get3A_0, %get3A_1] : memref<1x1x3200xi32, #tpu.memory_space<vmem>>, vector<1x1x3200xi32>
    %get3A_3 = vector.shape_cast %get3A_2 : vector<1x1x3200xi32> to vector<3200xi32>
    %shift_right_logical3A = arith.constant 7 : i32
    %shift_right_logical3A_4 = vector.broadcast %shift_right_logical3A : i32 to vector<3200xi32>
    %shift_right_logical3A_5 = arith.shrui %get3A_3, %shift_right_logical3A_4 : vector<3200xi32>
    %and3A = arith.constant 127 : i32
    %and3A_6 = vector.broadcast %and3A : i32 to vector<3200xi32>
    %and3A_7 = arith.andi %get3A_3, %and3A_6 : vector<3200xi32>
    %iota3A = tpu.iota {dimensions = array<i32: 1>} : vector<3200x80xi32>
    %iota3A_8 = tpu.iota {dimensions = array<i32: 1>} : vector<3200x128xi32>
    %broadcast_in_dim3A = vector.shape_cast %shift_right_logical3A_5 : vector<3200xi32> to vector<3200x1xi32>
    %eq3A = vector.broadcast %broadcast_in_dim3A : vector<3200x1xi32> to vector<3200x80xi32>
    %eq3A_9 = arith.cmpi eq, %eq3A, %iota3A : vector<3200x80xi32>
    %convert_element_type3A = arith.extui %eq3A_9 : vector<3200x80xi1> to vector<3200x80xi32>
    %convert_element_type3A_10 = arith.sitofp %convert_element_type3A : vector<3200x80xi32> to vector<3200x80xf32>
    %broadcast_in_dim3A_11 = vector.shape_cast %and3A_7 : vector<3200xi32> to vector<3200x1xi32>
    %eq3A_12 = vector.broadcast %broadcast_in_dim3A_11 : vector<3200x1xi32> to vector<3200x128xi32>
    %eq3A_13 = arith.cmpi eq, %eq3A_12, %iota3A_8 : vector<3200x128xi32>
    %convert_element_type3A_14 = arith.extui %eq3A_13 : vector<3200x128xi1> to vector<3200x128xi32>
    %convert_element_type3A_15 = arith.sitofp %convert_element_type3A_14 : vector<3200x128xi32> to vector<3200x128xf32>
    %dot_general3A = arith.constant dense<0.000000e+00> : vector<80x128xf32>
    %dot_general3A_16 = tpu.matmul %convert_element_type3A_10, %convert_element_type3A_15, %dot_general3A {dimension_numbers = #tpu.dot_dimension_numbers<[0], [0], [1], [1], [0, 1, 1, 1], [], []>, transpose_lhs_hint = false} : vector<3200x80xf32>, vector<3200x128xf32>, vector<80x128xf32> -> vector<80x128xf32>
    %eq3A_17 = arith.constant 0 : i32
    %eq3A_18 = arith.cmpi eq, %arg0, %eq3A_17 : i32
    %convert_element_type3A_19 = arith.extui %eq3A_18 : i1 to i32
    %cond3A = arith.constant 0 : i32
    %cond3A_20 = arith.cmpi ne, %convert_element_type3A_19, %cond3A : i32
    scf.if %cond3A_20 {
      %broadcast_in_dim3A_31 = arith.constant 0.000000e+00 : f32
      %broadcast_in_dim3A_32 = vector.broadcast %broadcast_in_dim3A_31 : f32 to vector<80x128xf32>
      %swap3A_33 = arith.constant 0 : index
      %swap3A_34 = arith.constant 0 : index
      %swap3A_35 = vector.load %arg2[%swap3A_33, %swap3A_34] : memref<80x128xf32, #tpu.memory_space<vmem>>, vector<80x128xf32>
      tpu.vector_store %arg2[%swap3A_33, %swap3A_34], %broadcast_in_dim3A_32 {strides = array<i32>} : memref<80x128xf32, #tpu.memory_space<vmem>>, vector<80x128xf32>,
    } else {
    }
    %get3A_21 = arith.constant 0 : index
    %get3A_22 = arith.constant 0 : index
    %get3A_23 = vector.load %arg2[%get3A_21, %get3A_22] : memref<80x128xf32, #tpu.memory_space<vmem>>, vector<80x128xf32>
    %add3A = arith.addf %get3A_23, %dot_general3A_16 : vector<80x128xf32>
    %swap3A = arith.constant 0 : index
    %swap3A_24 = arith.constant 0 : index
    %swap3A_25 = vector.load %arg2[%swap3A, %swap3A_24] : memref<80x128xf32, #tpu.memory_space<vmem>>, vector<80x128xf32>
    tpu.vector_store %arg2[%swap3A, %swap3A_24], %add3A {strides = array<i32>} : memref<80x128xf32, #tpu.memory_space<vmem>>, vector<80x128xf32>,
    %eq3A_26 = arith.constant 99 : i32
    %eq3A_27 = arith.cmpi eq, %arg0, %eq3A_26 : i32
    %convert_element_type3A_28 = arith.extui %eq3A_27 : i1 to i32
    %cond3A_29 = arith.constant 0 : i32
    %cond3A_30 = arith.cmpi ne, %convert_element_type3A_28, %cond3A_29 : i32
    scf.if %cond3A_30 {
      %get3A_31 = arith.constant 0 : index
      %get3A_32 = arith.constant 0 : index
      %get3A_33 = vector.load %arg2[%get3A_31, %get3A_32] : memref<80x128xf32, #tpu.memory_space<vmem>>, vector<80x128xf32>
      %max3A = arith.constant 1.000000e+00 : f32
      %max3A_34 = vector.broadcast %max3A : f32 to vector<80x128xf32>
      %max3A_35 = arith.maximumf %get3A_33, %max3A_34 : vector<80x128xf32>
      %div3A = arith.constant 1.000000e+00 : f32
      %div3A_36 = vector.broadcast %div3A : f32 to vector<80x128xf32>
      %div3A_37 = arith.divf %div3A_36, %max3A_35 : vector<80x128xf32>
      %swap3A_38 = arith.constant 0 : index
      %swap3A_39 = arith.constant 0 : index
      %swap3A_40 = vector.load %arg2[%swap3A_38, %swap3A_39] : memref<80x128xf32, #tpu.memory_space<vmem>>, vector<80x128xf32>
      tpu.vector_store %arg2[%swap3A_38, %swap3A_39], %div3A_37 {strides = array<i32>} : memref<80x128xf32, #tpu.memory_space<vmem>>, vector<80x128xf32>,
    } else {
    }
    return
  }
  func.func @transform_0(%arg0: i32) -> (i32, i32, i32) {
    %c0_i32 = arith.constant 0 : i32
    %c0_i32_0 = arith.constant 0 : i32
    %c0_i32_1 = arith.constant 0 : i32
    return %arg0, %c0_i32, %c0_i32_0 : i32, i32, i32
  }
  func.func @transform_1(%arg0: i32) -> (i32, i32) {
    %c0_i32 = arith.constant 0 : i32
    %c0_i32_0 = arith.constant 0 : i32
    %c0_i32_1 = arith.constant 0 : i32
    return %c0_i32, %c0_i32_0 : i32, i32
  }
}

module attributes {stable_mosaic.version = 14 : i64} {
  func.func @_combine1_body(%arg0: i32, %arg1: memref<2x1000x128xf32, #tpu.memory_space<vmem>>, %arg2: memref<1000x1xf32, #tpu.memory_space<vmem>>, %arg3: memref<1000x128xf32, #tpu.memory_space<vmem>>, %arg4: memref<1x128xf32, #tpu.memory_space<vmem>>, %arg5: memref<128x128xf32, #tpu.memory_space<vmem>>, %arg6: memref<128x128xf32, #tpu.memory_space<vmem>>, %arg7: memref<1000x128xf32, #tpu.memory_space<vmem>>, %arg8: memref<1000x128xf32, #tpu.memory_space<vmem>>) attributes {dimension_semantics = [#tpu.dimension_semantics<arbitrary>], iteration_bounds = array<i64: 10>, scalar_prefetch = 0 : i64, scratch_operands = 0 : i64, tpu.core_type = #tpu.core_type<tc>, window_params = [{transform_indices = @transform_0, window_bounds = array<i64: 2, 1000, 128>}, {transform_indices = @transform_1, window_bounds = array<i64: 1000, 1>}, {transform_indices = @transform_2, window_bounds = array<i64: 1000, 128>}, {pipeline_mode = #tpu.pipeline_mode<synchronous>, transform_indices = @transform_3, window_bounds = array<i64: 1, 128>}, {pipeline_mode = #tpu.pipeline_mode<synchronous>, transform_indices = @transform_4, window_bounds = array<i64: 128, 128>}, {pipeline_mode = #tpu.pipeline_mode<synchronous>, transform_indices = @transform_5, window_bounds = array<i64: 128, 128>}, {transform_indices = @transform_6, window_bounds = array<i64: 1000, 128>}, {transform_indices = @transform_7, window_bounds = array<i64: 1000, 128>}]} {
    %get3A = arith.constant 0 : index
    %get3A_0 = arith.constant 0 : index
    %get3A_1 = arith.constant 0 : index
    %get3A_2 = vector.load %arg1[%get3A, %get3A_0, %get3A_1] : memref<2x1000x128xf32, #tpu.memory_space<vmem>>, vector<2x1000x128xf32>
    %reduce_sum3A = arith.constant dense<0.000000e+00> : vector<1000x128xf32>
    %reduce_sum3A_3 = vector.multi_reduction <add>, %get3A_2, %reduce_sum3A [0] : vector<2x1000x128xf32> to vector<1000x128xf32>
    %get3A_4 = arith.constant 0 : index
    %get3A_5 = arith.constant 0 : index
    %get3A_6 = vector.load %arg2[%get3A_4, %get3A_5] : memref<1000x1xf32, #tpu.memory_space<vmem>>, vector<1000x1xf32>
    %mul3A = vector.broadcast %get3A_6 : vector<1000x1xf32> to vector<1000x128xf32>
    %mul3A_7 = arith.mulf %reduce_sum3A_3, %mul3A : vector<1000x128xf32>
    %get3A_8 = arith.constant 0 : index
    %get3A_9 = arith.constant 0 : index
    %get3A_10 = vector.load %arg3[%get3A_8, %get3A_9] : memref<1000x128xf32, #tpu.memory_space<vmem>>, vector<1000x128xf32>
    %add3A = arith.addf %mul3A_7, %get3A_10 : vector<1000x128xf32>
    %get3A_11 = arith.constant 0 : index
    %get3A_12 = arith.constant 0 : index
    %get3A_13 = vector.load %arg4[%get3A_11, %get3A_12] : memref<1x128xf32, #tpu.memory_space<vmem>>, vector<1x128xf32>
    %add3A_14 = vector.broadcast %get3A_13 : vector<1x128xf32> to vector<1000x128xf32>
    %add3A_15 = arith.addf %add3A, %add3A_14 : vector<1000x128xf32>
    %max3A = arith.constant 0.000000e+00 : f32
    %max3A_16 = vector.broadcast %max3A : f32 to vector<1000x128xf32>
    %max3A_17 = arith.maximumf %add3A_15, %max3A_16 : vector<1000x128xf32>
    %get3A_18 = arith.constant 0 : index
    %get3A_19 = arith.constant 0 : index
    %get3A_20 = vector.load %arg5[%get3A_18, %get3A_19] : memref<128x128xf32, #tpu.memory_space<vmem>>, vector<128x128xf32>
    %dot_general3A = arith.constant dense<0.000000e+00> : vector<1000x128xf32>
    %dot_general3A_21 = tpu.matmul %max3A_17, %get3A_20, %dot_general3A {dimension_numbers = #tpu.dot_dimension_numbers<[1], [0], [0], [1], [0, 0, 1, 1], [], []>, transpose_lhs_hint = false} : vector<1000x128xf32>, vector<128x128xf32>, vector<1000x128xf32> -> vector<1000x128xf32>
    %swap3A = arith.constant 0 : index
    %swap3A_22 = arith.constant 0 : index
    %swap3A_23 = vector.load %arg7[%swap3A, %swap3A_22] : memref<1000x128xf32, #tpu.memory_space<vmem>>, vector<1000x128xf32>
    tpu.vector_store %arg7[%swap3A, %swap3A_22], %dot_general3A_21 {strides = array<i32>} : memref<1000x128xf32, #tpu.memory_space<vmem>>, vector<1000x128xf32>,
    %get3A_24 = arith.constant 0 : index
    %get3A_25 = arith.constant 0 : index
    %get3A_26 = vector.load %arg6[%get3A_24, %get3A_25] : memref<128x128xf32, #tpu.memory_space<vmem>>, vector<128x128xf32>
    %dot_general3A_27 = arith.constant dense<0.000000e+00> : vector<1000x128xf32>
    %dot_general3A_28 = tpu.matmul %max3A_17, %get3A_26, %dot_general3A_27 {dimension_numbers = #tpu.dot_dimension_numbers<[1], [0], [0], [1], [0, 0, 1, 1], [], []>, transpose_lhs_hint = false} : vector<1000x128xf32>, vector<128x128xf32>, vector<1000x128xf32> -> vector<1000x128xf32>
    %swap3A_29 = arith.constant 0 : index
    %swap3A_30 = arith.constant 0 : index
    %swap3A_31 = vector.load %arg8[%swap3A_29, %swap3A_30] : memref<1000x128xf32, #tpu.memory_space<vmem>>, vector<1000x128xf32>
    tpu.vector_store %arg8[%swap3A_29, %swap3A_30], %dot_general3A_28 {strides = array<i32>} : memref<1000x128xf32, #tpu.memory_space<vmem>>, vector<1000x128xf32>,
    return
  }
  func.func @transform_0(%arg0: i32) -> (i32, i32, i32) {
    %c0_i32 = arith.constant 0 : i32
    %c0_i32_0 = arith.constant 0 : i32
    %c0_i32_1 = arith.constant 0 : i32
    return %c0_i32, %arg0, %c0_i32_0 : i32, i32, i32
  }
  func.func @transform_1(%arg0: i32) -> (i32, i32) {
    %c0_i32 = arith.constant 0 : i32
    %c0_i32_0 = arith.constant 0 : i32
    return %arg0, %c0_i32 : i32, i32
  }
  func.func @transform_2(%arg0: i32) -> (i32, i32) {
    %c0_i32 = arith.constant 0 : i32
    %c0_i32_0 = arith.constant 0 : i32
    return %arg0, %c0_i32 : i32, i32
  }
  func.func @transform_3(%arg0: i32) -> (i32, i32) {
    %c0_i32 = arith.constant 0 : i32
    %c0_i32_0 = arith.constant 0 : i32
    %c0_i32_1 = arith.constant 0 : i32
    return %c0_i32, %c0_i32_0 : i32, i32
  }
  func.func @transform_4(%arg0: i32) -> (i32, i32) {
    %c0_i32 = arith.constant 0 : i32
    %c0_i32_0 = arith.constant 0 : i32
    %c0_i32_1 = arith.constant 0 : i32
    return %c0_i32, %c0_i32_0 : i32, i32
  }
  func.func @transform_5(%arg0: i32) -> (i32, i32) {
    %c0_i32 = arith.constant 0 : i32
    %c0_i32_0 = arith.constant 0 : i32
    %c0_i32_1 = arith.constant 0 : i32
    return %c0_i32, %c0_i32_0 : i32, i32
  }
  func.func @transform_6(%arg0: i32) -> (i32, i32) {
    %c0_i32 = arith.constant 0 : i32
    %c0_i32_0 = arith.constant 0 : i32
    return %arg0, %c0_i32 : i32, i32
  }
  func.func @transform_7(%arg0: i32) -> (i32, i32) {
    %c0_i32 = arith.constant 0 : i32
    %c0_i32_0 = arith.constant 0 : i32
    return %arg0, %c0_i32 : i32, i32
  }
}

module attributes {stable_mosaic.version = 14 : i64} {
  func.func @_combine2_body(%arg0: i32, %arg1: memref<2x1000x128xf32, #tpu.memory_space<vmem>>, %arg2: memref<1000x1xf32, #tpu.memory_space<vmem>>, %arg3: memref<1000x128xf32, #tpu.memory_space<vmem>>, %arg4: memref<1x128xf32, #tpu.memory_space<vmem>>, %arg5: memref<1000x128xf32, #tpu.memory_space<vmem>>) attributes {dimension_semantics = [#tpu.dimension_semantics<arbitrary>], iteration_bounds = array<i64: 10>, scalar_prefetch = 0 : i64, scratch_operands = 0 : i64, tpu.core_type = #tpu.core_type<tc>, window_params = [{transform_indices = @transform_0, window_bounds = array<i64: 2, 1000, 128>}, {transform_indices = @transform_1, window_bounds = array<i64: 1000, 1>}, {transform_indices = @transform_2, window_bounds = array<i64: 1000, 128>}, {pipeline_mode = #tpu.pipeline_mode<synchronous>, transform_indices = @transform_3, window_bounds = array<i64: 1, 128>}, {transform_indices = @transform_4, window_bounds = array<i64: 1000, 128>}]} {
    %get3A = arith.constant 0 : index
    %get3A_0 = arith.constant 0 : index
    %get3A_1 = arith.constant 0 : index
    %get3A_2 = vector.load %arg1[%get3A, %get3A_0, %get3A_1] : memref<2x1000x128xf32, #tpu.memory_space<vmem>>, vector<2x1000x128xf32>
    %reduce_sum3A = arith.constant dense<0.000000e+00> : vector<1000x128xf32>
    %reduce_sum3A_3 = vector.multi_reduction <add>, %get3A_2, %reduce_sum3A [0] : vector<2x1000x128xf32> to vector<1000x128xf32>
    %get3A_4 = arith.constant 0 : index
    %get3A_5 = arith.constant 0 : index
    %get3A_6 = vector.load %arg2[%get3A_4, %get3A_5] : memref<1000x1xf32, #tpu.memory_space<vmem>>, vector<1000x1xf32>
    %mul3A = vector.broadcast %get3A_6 : vector<1000x1xf32> to vector<1000x128xf32>
    %mul3A_7 = arith.mulf %reduce_sum3A_3, %mul3A : vector<1000x128xf32>
    %get3A_8 = arith.constant 0 : index
    %get3A_9 = arith.constant 0 : index
    %get3A_10 = vector.load %arg3[%get3A_8, %get3A_9] : memref<1000x128xf32, #tpu.memory_space<vmem>>, vector<1000x128xf32>
    %add3A = arith.addf %mul3A_7, %get3A_10 : vector<1000x128xf32>
    %get3A_11 = arith.constant 0 : index
    %get3A_12 = arith.constant 0 : index
    %get3A_13 = vector.load %arg4[%get3A_11, %get3A_12] : memref<1x128xf32, #tpu.memory_space<vmem>>, vector<1x128xf32>
    %add3A_14 = vector.broadcast %get3A_13 : vector<1x128xf32> to vector<1000x128xf32>
    %add3A_15 = arith.addf %add3A, %add3A_14 : vector<1000x128xf32>
    %swap3A = arith.constant 0 : index
    %swap3A_16 = arith.constant 0 : index
    %swap3A_17 = vector.load %arg5[%swap3A, %swap3A_16] : memref<1000x128xf32, #tpu.memory_space<vmem>>, vector<1000x128xf32>
    tpu.vector_store %arg5[%swap3A, %swap3A_16], %add3A_15 {strides = array<i32>} : memref<1000x128xf32, #tpu.memory_space<vmem>>, vector<1000x128xf32>,
    return
  }
  func.func @transform_0(%arg0: i32) -> (i32, i32, i32) {
    %c0_i32 = arith.constant 0 : i32
    %c0_i32_0 = arith.constant 0 : i32
    %c0_i32_1 = arith.constant 0 : i32
    return %c0_i32, %arg0, %c0_i32_0 : i32, i32, i32
  }
  func.func @transform_1(%arg0: i32) -> (i32, i32) {
    %c0_i32 = arith.constant 0 : i32
    %c0_i32_0 = arith.constant 0 : i32
    return %arg0, %c0_i32 : i32, i32
  }
  func.func @transform_2(%arg0: i32) -> (i32, i32) {
    %c0_i32 = arith.constant 0 : i32
    %c0_i32_0 = arith.constant 0 : i32
    return %arg0, %c0_i32 : i32, i32
  }
  func.func @transform_3(%arg0: i32) -> (i32, i32) {
    %c0_i32 = arith.constant 0 : i32
    %c0_i32_0 = arith.constant 0 : i32
    %c0_i32_1 = arith.constant 0 : i32
    return %c0_i32, %c0_i32_0 : i32, i32
  }
  func.func @transform_4(%arg0: i32) -> (i32, i32) {
    %c0_i32 = arith.constant 0 : i32
    %c0_i32_0 = arith.constant 0 : i32
    return %arg0, %c0_i32 : i32, i32
  }
}

</mosaic_0001>

<sc_bundles>
// kernel: kernel.11.cloned.1.call-start
scs
__scs_entry_jumppad:
0x0: {  	(pc) =	sbr.rel $0x88, $3  }
0x1: {  	(tag) =	ssettag $0x0;
	lr =	simm.s32 $0x1  }
0x2: {  	[smem:$0x3F99] =	sst lr;
	_ =	strace $0xD0000000  }
0x3: {  	_ = 	snop  }
0x4: {  	_ = 	snop  }
0x5: {  	_ = 	snop  }
0x6: {  	_ = 	snop  }
0x7: {  	_ = 	snop  }
__scs_overlays_trampoline_lowered:
0x8: {  	[smem:$0x3FA8] =	sst s0  }
0x9: {  	[smem:$0x3FA9] =	sst s1  }
0xa: {  	[smem:$0x3FAA] =	sst s2  }
0xb: {  	[smem:$0x3FAB] =	sst s3  }
0xc: {  	[smem:$0x3FAC] =	sst s4  }
0xd: {  	[smem:$0x3FAD] =	sst s5  }
0xe: {  	[smem:$0x3FAE] =	sst s6  }
0xf: {  	[smem:$0x3FAF] =	sst s7  }
0x10: {  	[smem:$0x3FB0] =	sst s8  }
0x11: {  	[smem:$0x3FB1] =	sst s9;
	s0 =	simm.s32 @!p0 $0x0  }
0x12: {  	s1 =	sld [smem:$0x3F97];
	s0 =	simm.s32 @p0 $0x1  }
0x13: {  	[smem:$0x3FB2] =	sst s0;
	s0 =	simm.s32 @!p1 $0x0  }
0x14: {  	s2 =	sld [smem:$0x3F96];
	s0 =	simm.s32 @p1 $0x1  }
0x15: {  	[smem:$0x3FB3] =	sst s0;
	s0 =	simm.s32 @!p2 $0x0  }
0x16: {  	s3 =	sld [smem:$0x3FDB];
	s0 =	simm.s32 @p2 $0x1  }
0x17: {  	s4 =	simm.s32 $0x1BF5;
	[smem:$0x3FB5] =	sst s0  }
0x18: {  	s0 =	sld [smem:$0x3F98];
	_ =	swait.ge [sflag:s4], $0x0  }
0x19: {  	s7 =	sld [smem:$0x3F99]  }
0x1a: {  	s8 =	sadd.s32 $0xFFFFE003, lr  }
0x1b: {  	s9 =	sadd.s32 $0xFFFFFEF7, lr;
	s5 =	simm.s32 $0xFFFFFFFF;
	p2 =	slt.u32 s8, $0xFFFFF086  }
0x1c: {  	p1 =	slt.u32 s9, $0xF7A;
	s5 =	simm.s32 @!p2 $0x0  }
0x1d: {  	s5 =	simm.s32 @p1 $0x1;
	p0 =	seq.s32 s7, s2  }
0x1e: {  	s7 =	smul.u32 @!p0 $0xF7A, s2;
	p2 =	seq.s32 @!p0 s5, $0x0  }
0x1f: {  	s9 =	smul.u32 $0xF7A, s1;
	s8 =	simm.s32 @!p0 $0x1BF5;
	p2 =	por !p2, p0  }
0x20: {  	[sflag:s8] =	ssyncset.s32 @!p0 $0xFFFFF086;
	s6 =	sadd.s32 @!p0 s3, s7;
	s7 =	simm.s32 @!p0 $0x108  }
0x21: {  	s3 =	sadd.s32 s3, s9;
	s6 =	sadd.s32 @!p0 $0x88, s6;
	s7 =	simm.s32 @p2 $0x1082  }
0x22: {  	[simem:s7], [sflag:s8] =	dma.local @!p0 [hbm:s6], $0xF7A  }
0x23: {  	s9 =	sor.u32 $0xD0000000, s2;
	s6 =	simm.s32 $0x108;
	_ =	swait.ge @!p0 [sflag:s8], $0x0  }
0x24: {  	s3 =	sadd.s32 $0x88, s3;
	s6 =	simm.s32 @!p1 $0x1082;
	[sflag:s4] =	ssyncset.s32 $0xFFFFF086  }
0x25: {  	[simem:s6], [sflag:s4] =	dma.local [hbm:s3], $0xF7A  }
0x26: {  	[smem:$0x3F99] =	sst s1;
	(tag) =	ssettag s2;
	_ =	strace s9  }
0x27: {  	s1 =	sld [smem:$0x3FA9]  }
0x28: {  	s2 =	sld [smem:$0x3FAA]  }
0x29: {  	s4 =	sld [smem:$0x3FAC]  }
0x2a: {  	p0 =	seq.s32 s5, $0x0;
	s5 =	sld [smem:$0x3FAD]  }
0x2b: {  	s6 =	sld [smem:$0x3FAE]  }
0x2c: {  	s7 =	sld [smem:$0x3FAF]  }
0x2d: {  	s3 =	simm.s32 $0x108;
	s8 =	sld [smem:$0x3FB0]  }
0x2e: {  	s3 =	simm.s32 @!p0 $0x1082;
	s9 =	sld [smem:$0x3FB1]  }
0x2f: {  	lr =	sadd.s32 s0, s3;
	s0 =	sld [smem:$0x3FA8]  }
0x30: {  	s3 =	sld [smem:$0x3FAB]  }
0x31: {  	[smem:$0x3FB4] =	sst s10  }
0x32: {  	s10 =	sld [smem:$0x3FB2];
	_ =	sdelay $0x3  }
0x33: {  	p0 =	seq.s32 s10, $0x1;
	s10 =	sld [smem:$0x3FB4];
	_ =	sdelay $0x3  }
0x34: {  	[smem:$0x3FB4] =	sst s10  }
0x35: {  	s10 =	sld [smem:$0x3FB3];
	_ =	sdelay $0x3  }
0x36: {  	p1 =	seq.s32 s10, $0x1;
	s10 =	sld [smem:$0x3FB4];
	_ =	sdelay $0x3  }
0x37: {  	[smem:$0x3FB4] =	sst s10  }
0x38: {  	s10 =	sld [smem:$0x3FB5]  }
0x39: {  	_ = 	snop;
	(pc) =	sbr.ind lr, $3  }
0x3a: {  	_ = 	snop  }
0x3b: {  	_ = 	snop  }
0x3c: {  	p2 =	seq.s32 s10, $0x1;
	s10 =	sld [smem:$0x3FB4]  }
0x3d: {  	_ =	shalt  }
0x3e: {  	_ =	shalt  }
0x3f: {  	_ =	shalt  }
0x40: {  	_ =	shalt  }
0x41: {  	_ =	shalt  }
0x42: {  	_ =	shalt  }
0x43: {  	_ =	shalt  }
0x44: {  	_ =	shalt  }
0x45: {  	_ =	shalt  }
0x46: {  	_ =	shalt  }
0x47: {  	_ =	shalt  }
0x48: {  	_ =	shalt  }
0x49: {  	_ =	shalt  }
0x4a: {  	_ =	shalt  }
0x4b: {  	_ =	shalt  }
0x4c: {  	_ =	shalt  }
0x4d: {  	_ =	shalt  }
0x4e: {  	_ =	shalt  }
0x4f: {  	_ =	shalt  }
0x50: {  	_ =	shalt  }
0x51: {  	_ =	shalt  }
0x52: {  	_ =	shalt  }
0x53: {  	_ =	shalt  }
0x54: {  	_ =	shalt  }
0x55: {  	_ =	shalt  }
0x56: {  	_ =	shalt  }
0x57: {  	_ =	shalt  }
0x58: {  	_ =	shalt  }
0x59: {  	_ =	shalt  }
0x5a: {  	_ =	shalt  }
0x5b: {  	_ =	shalt  }
0x5c: {  	_ =	shalt  }
0x5d: {  	_ =	shalt  }
0x5e: {  	_ =	shalt  }
0x5f: {  	_ =	shalt  }
0x60: {  	_ =	shalt  }
0x61: {  	_ =	shalt  }
0x62: {  	_ =	shalt  }
0x63: {  	_ =	shalt  }
0x64: {  	_ =	shalt  }
0x65: {  	_ =	shalt  }
0x66: {  	_ =	shalt  }
0x67: {  	_ =	shalt  }
0x68: {  	_ =	shalt  }
0x69: {  	_ =	shalt  }
0x6a: {  	_ =	shalt  }
0x6b: {  	_ =	shalt  }
0x6c: {  	_ =	shalt  }
0x6d: {  	_ =	shalt  }
0x6e: {  	_ =	shalt  }
0x6f: {  	_ =	shalt  }
0x70: {  	_ =	shalt  }
0x71: {  	_ =	shalt  }
0x72: {  	_ =	shalt  }
0x73: {  	_ =	shalt  }
0x74: {  	_ =	shalt  }
0x75: {  	_ =	shalt  }
0x76: {  	_ =	shalt  }
0x77: {  	_ =	shalt  }
0x78: {  	_ =	shalt  }
0x79: {  	_ =	shalt  }
0x7a: {  	_ =	shalt  }
0x7b: {  	_ =	shalt  }
0x7c: {  	_ =	shalt  }
0x7d: {  	_ =	shalt  }
0x7e: {  	_ =	shalt  }
0x7f: {  	_ =	shalt  }
0x80: {  	_ =	shalt  }
0x81: {  	_ =	shalt  }
0x82: {  	_ =	shalt  }
0x83: {  	_ =	shalt  }
0x84: {  	_ =	shalt  }
0x85: {  	_ =	shalt  }
0x86: {  	_ =	shalt  }
0x87: {  	_ =	shalt  }
.Lfunc_end0:
.L_simem_size_0:
called_computation.1_lowered:
.L_overlay_start_0:
0x88: {  	s2 =	sld [smem:$0x3FD9]  }
0x89: {  	s3 =	sld [smem:$0x3FFE];
	_ =	sdelay $0x1  }
0x8a: {  	s1 =	srdreg.scid  }
0x8b: {  	s0 =	sand.u32 $0x1, s1  }
0x8c: {  	s17 =	sshll.u32 s0, $0xA;
	s2 =	sadd.s32 s3, s2  }
0x8d: {  	s2 =	sadd.s32 s2, s17  }
0x8e: {  	[smem:$0x3FC0] =	sst s2  }
0x8f: {  	_ = 	snop  }
0x90: {  	s2 =	sld [smem:$0x3FD0];
	(tm) =	ssettm $0x1  }
0x91: {  	s18 =	sld [smem:$0x3FFB];
	_ =	sdelay $0x3  }
0x92: {  	_ =	strace s18  }
0x93: {  	s3 =	sld [smem:$0x3FFC];
	_ =	sdelay $0x3  }
0x94: {  	_ =	strace s3  }
0x95: {  	s3 =	sld [smem:$0x3FFD];
	_ =	sdelay $0x3  }
0x96: {  	_ =	strace s3  }
0x97: {  	_ =	strace $0x8FFFFFFF  }
0x98: {  	s19 =	sld [smem:$0x3FDB];
	_ =	sdelay $0x1  }
0x99: {  	s4 =	simm.s32 $_scs_section_size  }
0x9a: {  	s5 =	simm.s32 $_size__tile_overlayer_lowered;
	s6 =	simm.s32 $_tile_overlayer_lowered  }
0x9b: {  	s22 =	simm.s32 $0x1BFF;
	s21 =	sshll.u32 s6, $0x1;
	s3 =	sadd.s32 s4, s19  }
0x9c: {  	s7 =	simm.s32 $0x0;
	s20 =	sshll.u32 s5, $0x1;
	s5 =	sadd.s32 s21, s3  }
0x9d: {  	[timem:s7], [sflag:s22] =	dma.local [hbm:s5], s20  }
0x9e: {  	_ =	swait.ge [sflag:s22], s20  }
0x9f: {  	s4 =	ssub.s32 $0x0, s20;
	[sflag:s22] =	ssyncset.done $0x0  }
0xa0: {  	[sflag:s22] =	ssyncadd.s32 s4;
	_ =	sdelay $0x1  }
0xa1: {  	s23 =	simm.s32 $0x1B8B  }
0xa2: {  	_ =	swait.ge [sflag:s23], $0x1  }
0xa3: {  	[sflag:s23] =	ssyncset.done $0x0  }
0xa4: {  	s25 =	simm.s32 $0x1B8E;
	s24 =	sld [smem:$0x3FFE];
	[sflag:s23] =	ssyncadd.s32 $0xFFFFFFFF  }
0xa5: {  	s26 =	simm.s32 $execute0_lowered;
	[smem:$0x3FD2] =	sst s25  }
0xa6: {  	s5 =	sshll.u32 s26, $0x1;
	_ =	strace $0x80000049;
	[dreg:$0x1] =	wrdreg $0xFFFFFFFF  }
0xa7: {  	s28 =	simm.s32 $_size_execute0_lowered;
	s3 =	sadd.s32 s3, s5;
	[dreg:$0x0] =	wrdreg $0x0  }
0xa8: {  	s5 =	sshll.u32 s28, $0x1;
	[dreg:$0x2] =	wrdreg s3  }
0xa9: {  	[dreg:$0x3] =	wrdreg s5  }
0xaa: {  	[dreg:$0x4] =	wrdreg $0xC0  }
0xab: {  	_ =	task [dreg:s7], $0x5FFFF  }
0xac: {  	[dreg:$0x1] =	wrdreg $0xFFFFFFFF  }
0xad: {  	[dreg:$0x0] =	wrdreg $0x60  }
0xae: {  	[dreg:$0x2] =	wrdreg s2  }
0xaf: {  	[dreg:$0x3] =	wrdreg s24  }
0xb0: {  	[dreg:$0x4] =	wrdreg $0x0  }
0xb1: {  	[dreg:$0x5] =	wrdreg $0x9  }
0xb2: {  	_ =	task.clear_ibuf [dreg:s7], $0x6FFFF;
	_ =	strace $0x90000049  }
0xb3: {  	s29 =	simm.s32 $0x9;
	_ =	strace $0x8000004B  }
0xb4: {  	_ =	swait.ge [sflag:s29], $0x1  }
0xb5: {  	[sflag:s29] =	ssyncadd.s32 $0xFFFFFFFF  }
0xb6: {  	_ =	strace $0x9000004B  }
0xb7: {  	_ =	sfence  }
0xb8: {  	s30 =	sld [smem:$0x0];
	_ =	sdelay $0x2  }
0xb9: {  	s31 =	sshll.u32 s1, $0xD;
	s1 =	sshrl.u32 s1, $0x2  }
0xba: {  	s3 =	sand.u32 $0x4000, s31;
	s1 =	sadd.s32 s1, s30  }
0xbb: {  	s0 =	sor.u32 s3, s0;
	s1 =	sshll.u32 s1, $0x11  }
0xbc: {  	s0 =	sor.u32 s1, s0  }
0xbd: {  	s0 =	sadd.s32 $0x8F2B, s0  }
0xbe: {  	[sflag:s0] =	ssyncadd.remote.s32 $0x1  }
0xbf: {  	_ =	sfence.sel $0xFFFF  }
0xc0: {  	[dreg:$0x0] =	wrdreg $0xFFFFFFFF;
	(pc) =	sbr.abs _section_cstart, $3  }
0xc1: {  	[dreg:$0x1] =	wrdreg $0xFFFFFFFF  }
0xc2: {  	_ =	task.clear_ibuf [dreg:s7], $0x2FFFF;
	_ =	strace $0x9FFFFFFF  }
0xc3: {  	(tm) =	ssettm $0x7FFFFFFF  }
tec
execute0_lowered:
.L_overlay_start_1:
0x0: {  	(tag) =	ssettag $0x1  }
0x1: {  	s2 =	rddreg [dreg:$0x0]  }
0x2: {  	s0 =	rddreg [dreg:$0x1]  }
0x3: {  	s3 =	rddreg [dreg:$0x2];
	s14 =	stileid.u32  }
0x4: {  	s1 =	srdreg.scid;
	s4 =	simm.s32 $0x0;
	s30 =	simm.s32 $0x6  }
0x5: {  	s28 =	simm.s32 $0x13C00;
	s5 =	smul.u32 $0x13C00, s14;
	s1 =	sand.u32 $0x1, s1  }
0x6: {  	[smem:$0x7FF] =	sst s4;
	s7 =	sadd.s32 $0xBE00, s0;
	s10 =	smul.u32 $0x4F000, s14  }
0x7: {  	s12 =	sshll.u32 s14, $0x5;
	s13 =	sshll.u32 s14, $0x7;
	s16 =	sshll.u32 s14, $0x6  }
0x8: {  	s17 =	sshll.u32 s14, $0xB;
	s14 =	simm.s32 $0x14C00;
	s6 =	smul.u32 $0x13C000, s1  }
0x9: {  	_ =	strace $0x8000004A;
	s9 =	ssub.s32 $0x2, s1;
	p0 =	seq.s32 s1, $0x0  }
0xa: {  	s12 =	sor.u32 $0x800, s12;
	s8 =	sshrl.u32 s5, $0x3;
	s11 =	sshrl.u32 s9, $0x1  }
0xb: {  	s10 =	sshrl.u32 s10, $0x2;
	s12 =	smov.u32 @p0 s13;
	p0 =	sne.s32 s1, $0x0  }
0xc: {  	s1 =	simm.s32 $0x80;
	s13 =	simm.s32 $0x14D00;
	s6 =	sadd.s32 s5, s6  }
0xd: {  	s8 =	sadd.s32 s8, s0;
	s11 =	ssub.s32 s9, s11;
	s15 =	sadd.s32 s10, s3  }
0xe: {  	s9 =	sshll.u32 s12, $0x4;
	[dreg:$0x4] =	wrdreg s15;
	s8 =	sadd.s32 $0x15E00, s8  }
0xf: {  	s5 =	sadd.s32 $0x1E00, s0;
	s12 =	sadd.s32 s7, s9;
	[dreg:$0x5] =	wrdreg s8  }
0x10: {  	s10 =	sor.u32 $0x200, s17;
	s18 =	sadd.s32 s5, s9;
	[dreg:$0x7] =	wrdreg s12  }
0x11: {  	s6 =	sshrl.u32 s6, $0x3;
	s19 =	sadd.s32 s7, s10;
	[dreg:$0x8] =	wrdreg s18  }
0x12: {  	s20 =	sadd.s32 s5, s10;
	s15 =	sadd.s32 $0x1E20, s0;
	[dreg:$0x9] =	wrdreg s19  }
0x13: {  	s23 =	smax.u32 s11, $0x1;
	s6 =	sadd.s32 s6, s0;
	[dreg:$0xa] =	wrdreg s20  }
0x14: {  	s8 =	sor.u32 $0x1C06, s16;
	s16 =	sadd.s32 $0x400, s9;
	[dreg:$0xe] =	wrdreg s23  }
0x15: {  	s18 =	sadd.s32 $0x600, s9;
	s21 =	sadd.s32 s7, s16;
	[dreg:$0x6] =	wrdreg s8  }
0x16: {  	s0 =	sadd.s32 $0x1E70, s0;
	s7 =	sadd.s32 s7, s18;
	[dreg:$0xb] =	wrdreg s21  }
0x17: {  	s29 =	sadd.s32 s9, s15;
	s6 =	sadd.s32 $0x64800, s6;
	[dreg:$0xc] =	wrdreg s7  }
0x18: {  	s19 =	simm.s32 $0x14C80;
	s26 =	sadd.s32 s5, s16;
	[dreg:$0xd] =	wrdreg s6  }
0x19: {  	s22 =	sadd.s32 s9, s0;
	s31 =	sadd.s32 s5, s18;
	[dreg:$0x13] =	wrdreg s26  }
0x1a: {  	s0 =	sadd.s32 s17, s0;
	s6 =	sadd.s32 $0x180, s22;
	[dreg:$0x14] =	wrdreg s31  }
.Ltmp0:
0x1b: {  	s24 =	sadd.s32 $0x380, s0;
	[dreg:$0xf] =	wrdreg s6;
	(pc) =	sbr.rel .LBB2_1-.Ltmp0, $4  }
0x1c: {  	s23 =	simm.s32 $0x2;
	s25 =	sadd.s32 $0x580, s0;
	[dreg:$0x10] =	wrdreg s24  }
0x1d: {  	s17 =	simm.s32 $0x18D00;
	s0 =	sadd.s32 $0x780, s0;
	[dreg:$0x11] =	wrdreg s25  }
0x1e: {  	s26 =	simm.s32 $0x5;
	[dreg:$0x12] =	wrdreg s0;
	s0 =	simm.s32 $0x1  }
0x1f: {  	s24 =	simm.s32 $0x4;
	s25 =	simm.s32 $0x3;
	s6 =	simm.s32 $0x0  }
.LBB2_10:
0x20: {  	[sflag:s26] =	ssyncadd.s32 $0xFFFFFF80  }
0x21: {  	[spmem:s3] =	stream.indirect.scatter.add.f32 [tilespmem:s17], [sflag:$0x6], $0x80, s19, s1, $0xb8;
	[tilespmem:$0x1CD00] =	vst v63  }
0x22: {  	s7 =	sand.u32 $0xFFFFF80, s11;
	_ =	swait.ge [sflag:s30], $0x4000  }
0x23: {  	s8 =	sadd.s32 s21, s5;
	s12 =	sand.u32 $0x3FFFFF00, s12;
	[sflag:s30] =	ssyncset.done $0x0  }
0x24: {  	s7 =	sadd.s32 s7, s8;
	s20 =	sadd.s32 $0x13C80, s12;
	[sflag:s30] =	ssyncadd.s32 $0xFFFFC000  }
0x25: {  	[tilespmem:s17], [sflag:$0x3] =	stream.indirect.gather [hbm4b:s2+s1], $0x80, s20, s1, $0xb8;
	[tilespmem:$0x1CD00] =	vst v63  }
0x26: {  	s7 =	sadd.s32 $0x10, s7  }
0x27: {  	[tilespmem:s19], [sflag:$0x5] =	stream.linear.gather [hbm4b:s7+s4], $0x80, $0x38;
	[tilespmem:$0x1CD00] =	vst v63  }
0x28: {  	_ =	swait.ge [sflag:s23], $0x4000  }
0x29: {  	[sflag:s23] =	ssyncset.done $0x0  }
0x2a: {  	[sflag:s23] =	ssyncadd.s32 $0xFFFFC000  }
0x2b: {  	_ =	swait.ge [sflag:s24], $0x80  }
0x2c: {  	[sflag:s24] =	ssyncset.done $0x0  }
0x2d: {  	[sflag:s24] =	ssyncadd.s32 $0xFFFFFF80  }
0x2e: {  	[spmem:s3] =	stream.indirect.scatter.add.f32 [tilespmem:s13], [sflag:$0x6], $0x80, s14, s1, $0xb8;
	[tilespmem:$0x1CD00] =	vst v63  }
0x2f: {  	_ =	swait.ge [sflag:s30], $0x4000  }
0x30: {  	[sflag:s30] =	ssyncset.done $0x0  }
0x31: {  	s21 =	sadd.s32 $0x13D00, s12;
	[sflag:s30] =	ssyncadd.s32 $0xFFFFC000  }
0x32: {  	[tilespmem:s13], [sflag:$0x2] =	stream.indirect.gather [hbm4b:s2+s1], $0x80, s21, s1, $0xb8;
	[tilespmem:$0x1CD00] =	vst v63  }
0x33: {  	s22 =	sadd.s32 s11, s15  }
0x34: {  	[tilespmem:s14], [sflag:$0x4] =	stream.linear.gather [hbm4b:s22+s4], $0x80, $0x38;
	[tilespmem:$0x1CD00] =	vst v63  }
0x35: {  	_ =	swait.ge [sflag:s25], $0x4000  }
0x36: {  	[sflag:s25] =	ssyncset.done $0x0  }
0x37: {  	[sflag:s25] =	ssyncadd.s32 $0xFFFFC000  }
0x38: {  	_ =	swait.ge [sflag:s26], $0x80  }
0x39: {  	[sflag:s26] =	ssyncset.done $0x0  }
0x3a: {  	[sflag:s26] =	ssyncadd.s32 $0xFFFFFF80  }
0x3b: {  	[spmem:s3] =	stream.indirect.scatter.add.f32 [tilespmem:s17], [sflag:$0x6], $0x80, s19, s1, $0xb8;
	[tilespmem:$0x1CD00] =	vst v63  }
0x3c: {  	_ =	swait.ge [sflag:s30], $0x4000  }
0x3d: {  	[sflag:s30] =	ssyncset.done $0x0  }
0x3e: {  	[sflag:s30] =	ssyncadd.s32 $0xFFFFC000  }
0x3f: {  	[tilespmem:s17], [sflag:$0x3] =	stream.indirect.gather [hbm4b:s2+s1], $0x80, s31, s1, $0xb8;
	[tilespmem:$0x1CD00] =	vst v63  }
0x40: {  	s31 =	rddreg [dreg:$0x12]  }
0x41: {  	[tilespmem:s19], [sflag:$0x5] =	stream.linear.gather [hbm4b:s31+s4], $0x80, $0x38;
	[tilespmem:$0x1CD00] =	vst v63  }
0x42: {  	_ =	swait.ge [sflag:s23], $0x4000  }
0x43: {  	[sflag:s23] =	ssyncset.done $0x0  }
0x44: {  	[sflag:s23] =	ssyncadd.s32 $0xFFFFC000  }
0x45: {  	_ =	swait.ge [sflag:s24], $0x80  }
0x46: {  	[sflag:s24] =	ssyncset.done $0x0  }
0x47: {  	[sflag:s24] =	ssyncadd.s32 $0xFFFFFF80  }
0x48: {  	[spmem:s3] =	stream.indirect.scatter.add.f32 [tilespmem:s13], [sflag:$0x6], $0x80, s14, s1, $0xb8;
	[tilespmem:$0x1CD00] =	vst v63  }
0x49: {  	_ =	swait.ge [sflag:s30], $0x4000  }
0x4a: {  	[sflag:s30] =	ssyncset.done $0x0  }
0x4b: {  	[sflag:s30] =	ssyncadd.s32 $0xFFFFC000  }
0x4c: {  	_ =	swait.ge [sflag:s25], $0x4000  }
0x4d: {  	[sflag:s25] =	ssyncset.done $0x0  }
0x4e: {  	[sflag:s25] =	ssyncadd.s32 $0xFFFFC000  }
0x4f: {  	_ =	swait.ge [sflag:s26], $0x80  }
0x50: {  	[sflag:s26] =	ssyncset.done $0x0  }
0x51: {  	[sflag:s26] =	ssyncadd.s32 $0xFFFFFF80  }
0x52: {  	[spmem:s3] =	stream.indirect.scatter.add.f32 [tilespmem:s17], [sflag:$0x6], $0x80, s19, s1, $0xb8;
	[tilespmem:$0x1CD00] =	vst v63  }
0x53: {  	_ =	swait.ge [sflag:s30], $0x4000  }
0x54: {  	[sflag:s30] =	ssyncset.done $0x0  }
0x55: {  	[sflag:s30] =	ssyncadd.s32 $0xFFFFC000  }
.LBB2_11:
0x56: {  	[bflag:$0x0] =	sbarrier.arrive $0xFFFF  }
0x57: {  	s8 =	rddreg [dreg:$0x6]  }
0x58: {  	s7 =	rddreg [dreg:$0xd]  }
0x59: {  	s11 =	rddreg [dreg:$0x15]  }
0x5a: {  	[hbm:s7], [sflag:s8] =	dma.local [spmem:s11], $0x2780  }
0x5b: {  	_ =	swait.ge [sflag:s30], $0x2780  }
0x5c: {  	s6 =	sadd.s32 $0x1, s6;
	s31 =	rddreg [dreg:$0xe]  }
0x5d: {  	p1 =	sne.s32 s6, s31  }
.Ltmp1:
0x5e: {  	_ = 	snop;
	(pc) =	sbr.rel @!p1 .LBB2_12-.Ltmp1, $3  }
0x5f: {  	_ =	sdelay $0x1  }
0x60: {  	[sflag:s30] =	ssyncset.done $0x0  }
0x61: {  	[sflag:s30] =	ssyncadd.s32 $0xFFFFD880  }
.LBB2_1:
0x62: {  	s7 =	rddreg [dreg:$0x4]  }
0x63: {  	s31 =	rddreg [dreg:$0x5];
	s11 =	sshrl.u32 s7, $0x3  }
0x64: {  	[dreg:$0x15] =	wrdreg s11  }
0x65: {  	[spmem:s11], [sflag:s8] =	dma.local [hbm:s31], $0x2780  }
0x66: {  	_ =	swait.ge [sflag:s30], $0x2780  }
0x67: {  	[sflag:s30] =	ssyncset.done $0x0  }
0x68: {  	[sflag:s30] =	ssyncadd.s32 $0xFFFFD880  }
0x69: {  	[bflag:$0x0] =	sbarrier.arrive $0xFFFF  }
0x6a: {  	s11 =	rddreg [dreg:$0x7]  }
0x6b: {  	[tilespmem:s28], [sflag:$0x1] =	stream.linear.gather [hbm4b:s11+s4], $0x1000, $0x38;
	[tilespmem:$0x1CD00] =	vst v63  }
0x6c: {  	_ =	swait.ge [sflag:s0], $0x1000  }
0x6d: {  	[sflag:s0] =	ssyncset.done $0x0  }
0x6e: {  	s20 =	sadd.s32 $0x0, s9;
	s21 =	sand.u32 $0x60, s4;
	[sflag:s0] =	ssyncadd.s32 $0xFFFFF000  }
0x6f: {  	[tilespmem:s13], [sflag:$0x2] =	stream.indirect.gather [hbm4b:s2+s1], $0x80, s28, s1, $0xb8;
	[tilespmem:$0x1CD00] =	vst v63  }
0x70: {  	s8 =	sand.u32 $0xFFFFF80, s20;
	s11 =	sadd.s32 s21, s5;
	s12 =	rddreg [dreg:$0x8]  }
0x71: {  	[tilespmem:s14], [sflag:$0x4] =	stream.linear.gather [hbm4b:s12+s4], $0x80, $0x38;
	[tilespmem:$0x1CD00] =	vst v63  }
0x72: {  	s8 =	sadd.s32 s8, s11;
	s12 =	simm.s32 $0x13C80  }
0x73: {  	[tilespmem:s17], [sflag:$0x3] =	stream.indirect.gather [hbm4b:s2+s1], $0x80, s12, s1, $0xb8;
	[tilespmem:$0x1CD00] =	vst v63  }
0x74: {  	s8 =	sadd.s32 $0x10, s8  }
0x75: {  	[tilespmem:s19], [sflag:$0x5] =	stream.linear.gather [hbm4b:s8+s4], $0x80, $0x38;
	[tilespmem:$0x1CD00] =	vst v63  }
0x76: {  	_ =	swait.ge [sflag:s23], $0x4000  }
0x77: {  	[sflag:s23] =	ssyncset.done $0x0  }
0x78: {  	[sflag:s23] =	ssyncadd.s32 $0xFFFFC000  }
0x79: {  	_ =	swait.ge [sflag:s24], $0x80  }
0x7a: {  	[sflag:s24] =	ssyncset.done $0x0  }
0x7b: {  	[sflag:s24] =	ssyncadd.s32 $0xFFFFFF80  }
0x7c: {  	[spmem:s3] =	stream.indirect.scatter.add.f32 [tilespmem:s13], [sflag:$0x6], $0x80, s14, s1, $0xb8;
	[tilespmem:$0x1CD00] =	vst v63  }
0x7d: {  	_ =	swait.ge [sflag:s30], $0x4000  }
0x7e: {  	[sflag:s30] =	ssyncset.done $0x0  }
0x7f: {  	s22 =	simm.s32 $0x13D00;
	[sflag:s30] =	ssyncadd.s32 $0xFFFFC000  }
0x80: {  	[tilespmem:s13], [sflag:$0x2] =	stream.indirect.gather [hbm4b:s2+s1], $0x80, s22, s1, $0xb8;
	[tilespmem:$0x1CD00] =	vst v63  }
0x81: {  	s31 =	sadd.s32 $0x0, s29  }
0x82: {  	[tilespmem:s14], [sflag:$0x4] =	stream.linear.gather [hbm4b:s31+s4], $0x80, $0x38;
	[tilespmem:$0x1CD00] =	vst v63  }
0x83: {  	_ =	swait.ge [sflag:s25], $0x4000  }
0x84: {  	[sflag:s25] =	ssyncset.done $0x0  }
0x85: {  	[sflag:s25] =	ssyncadd.s32 $0xFFFFC000  }
0x86: {  	s20 =	simm.s32 $0x40;
	_ =	swait.ge [sflag:s26], $0x80  }
0x87: {  	s21 =	simm.s32 $0x13F00;
	s11 =	simm.s32 $0x20;
	[sflag:s26] =	ssyncset.done $0x0  }
0x88: {  	s28 =	sadd.s32 $0x20, s9;
	s12 =	simm.s32 $0x13E00;
	[sflag:s26] =	ssyncadd.s32 $0xFFFFFF80  }
0x89: {  	[spmem:s3] =	stream.indirect.scatter.add.f32 [tilespmem:s17], [sflag:$0x6], $0x80, s19, s1, $0xb8;
	[tilespmem:$0x1CD00] =	vst v63  }
0x8a: {  	s8 =	sand.u32 $0x60, s11;
	s22 =	simm.s32 $0x13D80;
	_ =	swait.ge [sflag:s30], $0x4000  }
.LBB2_2:
0x8b: {  	s28 =	sand.u32 $0xFFFFF80, s28  }
0x8c: {  	s8 =	sadd.s32 s8, s5;
	[sflag:s30] =	ssyncset.done $0x0;
	s31 =	smov.u32 s20  }
0x8d: {  	s7 =	sadd.s32 $0xFFFFFF80, s21;
	s8 =	sadd.s32 s28, s8;
	[sflag:s30] =	ssyncadd.s32 $0xFFFFC000  }
0x8e: {  	[tilespmem:s17], [sflag:$0x3] =	stream.indirect.gather [hbm4b:s2+s1], $0x80, s22, s1, $0xb8;
	[tilespmem:$0x1CD00] =	vst v63  }
0x8f: {  	p1 =	sne.s32 s20, $0x1C0;
	s20 =	sadd.s32 $0x20, s20;
	s8 =	sadd.s32 $0x10, s8  }
0x90: {  	[tilespmem:s19], [sflag:$0x5] =	stream.linear.gather [hbm4b:s8+s4], $0x80, $0x38;
	[tilespmem:$0x1CD00] =	vst v63  }
0x91: {  	s22 =	smov.u32 s7;
	_ =	swait.ge [sflag:s23], $0x4000  }
0x92: {  	[sflag:s23] =	ssyncset.done $0x0  }
0x93: {  	[sflag:s23] =	ssyncadd.s32 $0xFFFFC000  }
0x94: {  	_ =	swait.ge [sflag:s24], $0x80  }
0x95: {  	[sflag:s24] =	ssyncset.done $0x0  }
0x96: {  	[sflag:s24] =	ssyncadd.s32 $0xFFFFFF80  }
0x97: {  	[spmem:s3] =	stream.indirect.scatter.add.f32 [tilespmem:s13], [sflag:$0x6], $0x80, s14, s1, $0xb8;
	[tilespmem:$0x1CD00] =	vst v63  }
0x98: {  	_ =	swait.ge [sflag:s30], $0x4000  }
0x99: {  	[sflag:s30] =	ssyncset.done $0x0  }
0x9a: {  	s7 =	sadd.s32 s11, s29;
	s11 =	smov.u32 s31;
	[sflag:s30] =	ssyncadd.s32 $0xFFFFC000  }
0x9b: {  	[tilespmem:s13], [sflag:$0x2] =	stream.indirect.gather [hbm4b:s2+s1], $0x80, s12, s1, $0xb8;
	[tilespmem:$0x1CD00] =	vst v63  }
0x9c: {  	s12 =	smov.u32 s21  }
0x9d: {  	[tilespmem:s14], [sflag:$0x4] =	stream.linear.gather [hbm4b:s7+s4], $0x80, $0x38;
	[tilespmem:$0x1CD00] =	vst v63  }
0x9e: {  	_ =	swait.ge [sflag:s25], $0x4000  }
0x9f: {  	[sflag:s25] =	ssyncset.done $0x0  }
0xa0: {  	[sflag:s25] =	ssyncadd.s32 $0xFFFFC000  }
.Ltmp2:
0xa1: {  	_ =	swait.ge [sflag:s26], $0x80;
	(pc) =	sbr.rel @p1 .LBB2_2-.Ltmp2, $4  }
0xa2: {  	[sflag:s26] =	ssyncset.done $0x0  }
0xa3: {  	s21 =	sadd.s32 $0x100, s21;
	[sflag:s26] =	ssyncadd.s32 $0xFFFFFF80  }
0xa4: {  	[spmem:s3] =	stream.indirect.scatter.add.f32 [tilespmem:s17], [sflag:$0x6], $0x80, s19, s1, $0xb8;
	[tilespmem:$0x1CD00] =	vst v63  }
0xa5: {  	s28 =	sadd.s32 s11, s9;
	s8 =	sand.u32 $0x60, s11;
	_ =	swait.ge [sflag:s30], $0x4000  }
0xa6: {  	s7 =	sand.u32 $0xFFFFF80, s28;
	s8 =	sadd.s32 s8, s5;
	[sflag:s30] =	ssyncset.done $0x0  }
0xa7: {  	s7 =	sadd.s32 s7, s8;
	[sflag:s30] =	ssyncadd.s32 $0xFFFFC000  }
0xa8: {  	[tilespmem:s17], [sflag:$0x3] =	stream.indirect.gather [hbm4b:s2+s1], $0x80, s22, s1, $0xb8;
	[tilespmem:$0x1CD00] =	vst v63  }
0xa9: {  	s7 =	sadd.s32 $0x10, s7  }
0xaa: {  	[tilespmem:s19], [sflag:$0x5] =	stream.linear.gather [hbm4b:s7+s4], $0x80, $0x38;
	[tilespmem:$0x1CD00] =	vst v63  }
0xab: {  	_ =	swait.ge [sflag:s23], $0x4000  }
0xac: {  	[sflag:s23] =	ssyncset.done $0x0  }
0xad: {  	[sflag:s23] =	ssyncadd.s32 $0xFFFFC000  }
0xae: {  	_ =	swait.ge [sflag:s24], $0x80  }
0xaf: {  	[sflag:s24] =	ssyncset.done $0x0  }
0xb0: {  	[sflag:s24] =	ssyncadd.s32 $0xFFFFFF80  }
0xb1: {  	[spmem:s3] =	stream.indirect.scatter.add.f32 [tilespmem:s13], [sflag:$0x6], $0x80, s14, s1, $0xb8;
	[tilespmem:$0x1CD00] =	vst v63  }
0xb2: {  	_ =	swait.ge [sflag:s30], $0x4000  }
0xb3: {  	[sflag:s30] =	ssyncset.done $0x0  }
0xb4: {  	[sflag:s30] =	ssyncadd.s32 $0xFFFFC000  }
0xb5: {  	[tilespmem:s13], [sflag:$0x2] =	stream.indirect.gather [hbm4b:s2+s1], $0x80, s12, s1, $0xb8;
	[tilespmem:$0x1CD00] =	vst v63  }
0xb6: {  	s21 =	sadd.s32 s11, s29  }
0xb7: {  	[tilespmem:s14], [sflag:$0x4] =	stream.linear.gather [hbm4b:s21+s4], $0x80, $0x38;
	[tilespmem:$0x1CD00] =	vst v63  }
0xb8: {  	_ =	swait.ge [sflag:s25], $0x4000  }
0xb9: {  	[sflag:s25] =	ssyncset.done $0x0  }
0xba: {  	[sflag:s25] =	ssyncadd.s32 $0xFFFFC000  }
0xbb: {  	_ =	swait.ge [sflag:s26], $0x80  }
0xbc: {  	[sflag:s26] =	ssyncset.done $0x0  }
0xbd: {  	[sflag:s26] =	ssyncadd.s32 $0xFFFFFF80  }
0xbe: {  	[spmem:s3] =	stream.indirect.scatter.add.f32 [tilespmem:s17], [sflag:$0x6], $0x80, s19, s1, $0xb8;
	[tilespmem:$0x1CD00] =	vst v63  }
0xbf: {  	_ =	swait.ge [sflag:s30], $0x4000  }
0xc0: {  	[sflag:s30] =	ssyncset.done $0x0  }
0xc1: {  	s31 =	simm.s32 $0x14B80;
	[sflag:s30] =	ssyncadd.s32 $0xFFFFC000  }
0xc2: {  	[tilespmem:s17], [sflag:$0x3] =	stream.indirect.gather [hbm4b:s2+s1], $0x80, s31, s1, $0xb8;
	[tilespmem:$0x1CD00] =	vst v63  }
0xc3: {  	s22 =	rddreg [dreg:$0xf]  }
0xc4: {  	[tilespmem:s19], [sflag:$0x5] =	stream.linear.gather [hbm4b:s22+s4], $0x80, $0x38;
	[tilespmem:$0x1CD00] =	vst v63  }
0xc5: {  	_ =	swait.ge [sflag:s23], $0x4000  }
0xc6: {  	[sflag:s23] =	ssyncset.done $0x0  }
0xc7: {  	[sflag:s23] =	ssyncadd.s32 $0xFFFFC000  }
0xc8: {  	_ =	swait.ge [sflag:s24], $0x80  }
0xc9: {  	[sflag:s24] =	ssyncset.done $0x0  }
0xca: {  	[sflag:s24] =	ssyncadd.s32 $0xFFFFFF80  }
0xcb: {  	[spmem:s3] =	stream.indirect.scatter.add.f32 [tilespmem:s13], [sflag:$0x6], $0x80, s14, s1, $0xb8;
	[tilespmem:$0x1CD00] =	vst v63  }
0xcc: {  	_ =	swait.ge [sflag:s30], $0x4000  }
0xcd: {  	[sflag:s30] =	ssyncset.done $0x0  }
0xce: {  	[sflag:s30] =	ssyncadd.s32 $0xFFFFC000  }
0xcf: {  	_ =	swait.ge [sflag:s25], $0x4000  }
0xd0: {  	[sflag:s25] =	ssyncset.done $0x0  }
0xd1: {  	[sflag:s25] =	ssyncadd.s32 $0xFFFFC000  }
0xd2: {  	_ =	swait.ge [sflag:s26], $0x80  }
0xd3: {  	[sflag:s26] =	ssyncset.done $0x0  }
.Ltmp3:
0xd4: {  	[sflag:s26] =	ssyncadd.s32 $0xFFFFFF80;
	(pc) =	sbr.rel @p0 .LBB2_11-.Ltmp3, $4  }
0xd5: {  	[spmem:s3] =	stream.indirect.scatter.add.f32 [tilespmem:s17], [sflag:$0x6], $0x80, s19, s1, $0xb8;
	[tilespmem:$0x1CD00] =	vst v63  }
0xd6: {  	_ =	swait.ge [sflag:s30], $0x4000  }
0xd7: {  	[sflag:s30] =	ssyncset.done $0x0  }
0xd8: {  	s28 =	simm.s32 $0x13C00;
	[sflag:s30] =	ssyncadd.s32 $0xFFFFC000  }
0xd9: {  	s7 =	simm.s32 $0x0;
	s8 =	rddreg [dreg:$0x9]  }
0xda: {  	[tilespmem:s28], [sflag:$0x1] =	stream.linear.gather [hbm4b:s8+s7], $0x1000, $0x38;
	[tilespmem:$0x1CD00] =	vst v63  }
0xdb: {  	_ =	swait.ge [sflag:s0], $0x1000  }
0xdc: {  	[sflag:s0] =	ssyncset.done $0x0  }
0xdd: {  	[sflag:s0] =	ssyncadd.s32 $0xFFFFF000  }
0xde: {  	[tilespmem:s13], [sflag:$0x2] =	stream.indirect.gather [hbm4b:s2+s1], $0x80, s28, s1, $0xb8;
	[tilespmem:$0x1CD00] =	vst v63  }
0xdf: {  	s20 =	simm.s32 $0x0;
	s12 =	rddreg [dreg:$0xa]  }
0xe0: {  	[tilespmem:s14], [sflag:$0x4] =	stream.linear.gather [hbm4b:s12+s7], $0x80, $0x38;
	[tilespmem:$0x1CD00] =	vst v63  }
0xe1: {  	s21 =	simm.s32 $0x0;
	s11 =	sadd.s32 $0x0, s10;
	s7 =	sand.u32 $0x60, s20  }
0xe2: {  	s8 =	sand.u32 $0x3FFFFF00, s21;
	s12 =	sand.u32 $0x7B80, s11;
	s7 =	sadd.s32 s7, s5  }
0xe3: {  	s22 =	sadd.s32 $0x13C80, s8;
	s7 =	sadd.s32 s12, s7  }
0xe4: {  	[tilespmem:s17], [sflag:$0x3] =	stream.indirect.gather [hbm4b:s2+s1], $0x80, s22, s1, $0xb8;
	[tilespmem:$0x1CD00] =	vst v63  }
0xe5: {  	s7 =	sadd.s32 $0x10, s7  }
0xe6: {  	[tilespmem:s19], [sflag:$0x5] =	stream.linear.gather [hbm4b:s7+s4], $0x80, $0x38;
	[tilespmem:$0x1CD00] =	vst v63  }
0xe7: {  	_ =	swait.ge [sflag:s23], $0x4000  }
0xe8: {  	[sflag:s23] =	ssyncset.done $0x0  }
0xe9: {  	[sflag:s23] =	ssyncadd.s32 $0xFFFFC000  }
0xea: {  	_ =	swait.ge [sflag:s24], $0x80  }
0xeb: {  	[sflag:s24] =	ssyncset.done $0x0  }
0xec: {  	[sflag:s24] =	ssyncadd.s32 $0xFFFFFF80  }
0xed: {  	[spmem:s3] =	stream.indirect.scatter.add.f32 [tilespmem:s13], [sflag:$0x6], $0x80, s14, s1, $0xb8;
	[tilespmem:$0x1CD00] =	vst v63  }
0xee: {  	_ =	swait.ge [sflag:s30], $0x4000  }
0xef: {  	[sflag:s30] =	ssyncset.done $0x0  }
0xf0: {  	s20 =	sadd.s32 $0x13D00, s8;
	[sflag:s30] =	ssyncadd.s32 $0xFFFFC000  }
0xf1: {  	[tilespmem:s13], [sflag:$0x2] =	stream.indirect.gather [hbm4b:s2+s1], $0x80, s20, s1, $0xb8;
	[tilespmem:$0x1CD00] =	vst v63  }
0xf2: {  	s21 =	sadd.s32 s11, s15  }
0xf3: {  	[tilespmem:s14], [sflag:$0x4] =	stream.linear.gather [hbm4b:s21+s4], $0x80, $0x38;
	[tilespmem:$0x1CD00] =	vst v63  }
0xf4: {  	_ =	swait.ge [sflag:s25], $0x4000  }
0xf5: {  	[sflag:s25] =	ssyncset.done $0x0  }
0xf6: {  	s11 =	sadd.s32 $0x20, s10;
	[sflag:s25] =	ssyncadd.s32 $0xFFFFC000  }
0xf7: {  	s12 =	simm.s32 $0x100;
	s22 =	simm.s32 $0x20;
	_ =	swait.ge [sflag:s26], $0x80  }
0xf8: {  	s20 =	simm.s32 $0x2;
	s21 =	sand.u32 $0x60, s22;
	[sflag:s26] =	ssyncset.done $0x0  }
.LBB2_5:
0xf9: {  	s7 =	sand.u32 $0x7B80, s11  }
0xfa: {  	s8 =	sadd.s32 s21, s5;
	[sflag:s26] =	ssyncadd.s32 $0xFFFFFF80;
	s21 =	smov.u32 s20  }
0xfb: {  	[spmem:s3] =	stream.indirect.scatter.add.f32 [tilespmem:s17], [sflag:$0x6], $0x80, s19, s1, $0xb8;
	[tilespmem:$0x1CD00] =	vst v63  }
0xfc: {  	s12 =	sand.u32 $0x3FFFFF00, s12;
	s7 =	sadd.s32 s7, s8;
	_ =	swait.ge [sflag:s30], $0x4000  }
0xfd: {  	s8 =	sadd.s32 $0x1, s20;
	s22 =	sadd.s32 $0x13C80, s12;
	[sflag:s30] =	ssyncset.done $0x0  }
0xfe: {  	p1 =	sne.s32 s20, $0xE;
	s7 =	sadd.s32 $0x10, s7;
	[sflag:s30] =	ssyncadd.s32 $0xFFFFC000  }
0xff: {  	[tilespmem:s17], [sflag:$0x3] =	stream.indirect.gather [hbm4b:s2+s1], $0x80, s22, s1, $0xb8;
	[tilespmem:$0x1CD00] =	vst v63  }
0x100: {  	_ = 	snop  }
0x101: {  	[tilespmem:s19], [sflag:$0x5] =	stream.linear.gather [hbm4b:s7+s4], $0x80, $0x38;
	[tilespmem:$0x1CD00] =	vst v63  }
0x102: {  	_ =	swait.ge [sflag:s23], $0x4000  }
0x103: {  	[sflag:s23] =	ssyncset.done $0x0  }
0x104: {  	[sflag:s23] =	ssyncadd.s32 $0xFFFFC000  }
0x105: {  	_ =	swait.ge [sflag:s24], $0x80  }
0x106: {  	[sflag:s24] =	ssyncset.done $0x0  }
0x107: {  	[sflag:s24] =	ssyncadd.s32 $0xFFFFFF80  }
0x108: {  	[spmem:s3] =	stream.indirect.scatter.add.f32 [tilespmem:s13], [sflag:$0x6], $0x80, s14, s1, $0xb8;
	[tilespmem:$0x1CD00] =	vst v63  }
0x109: {  	_ =	swait.ge [sflag:s30], $0x4000  }
0x10a: {  	[sflag:s30] =	ssyncset.done $0x0  }
0x10b: {  	s7 =	sadd.s32 $0x13D00, s12;
	[sflag:s30] =	ssyncadd.s32 $0xFFFFC000  }
0x10c: {  	[tilespmem:s13], [sflag:$0x2] =	stream.indirect.gather [hbm4b:s2+s1], $0x80, s7, s1, $0xb8;
	[tilespmem:$0x1CD00] =	vst v63  }
0x10d: {  	s7 =	sadd.s32 s11, s15  }
0x10e: {  	[tilespmem:s14], [sflag:$0x4] =	stream.linear.gather [hbm4b:s7+s4], $0x80, $0x38;
	[tilespmem:$0x1CD00] =	vst v63  }
.Ltmp4:
0x10f: {  	_ =	swait.ge [sflag:s25], $0x4000;
	(pc) =	sbr.rel @p1 .LBB2_5-.Ltmp4, $4  }
0x110: {  	[sflag:s25] =	ssyncset.done $0x0  }
0x111: {  	s20 =	smov.u32 s8;
	[sflag:s25] =	ssyncadd.s32 $0xFFFFC000  }
0x112: {  	s12 =	sshll.u32 s21, $0x8;
	s7 =	sshll.u32 s21, $0x5;
	_ =	swait.ge [sflag:s26], $0x80  }
0x113: {  	s11 =	sadd.s32 s10, s7;
	s21 =	sand.u32 $0x60, s7;
	[sflag:s26] =	ssyncset.done $0x0  }
0x114: {  	[sflag:s26] =	ssyncadd.s32 $0xFFFFFF80  }
0x115: {  	[spmem:s3] =	stream.indirect.scatter.add.f32 [tilespmem:s17], [sflag:$0x6], $0x80, s19, s1, $0xb8;
	[tilespmem:$0x1CD00] =	vst v63  }
0x116: {  	s7 =	sand.u32 $0x7B80, s11;
	_ =	swait.ge [sflag:s30], $0x4000  }
0x117: {  	s8 =	sadd.s32 s21, s5;
	s12 =	sand.u32 $0x3FFFFF00, s12;
	[sflag:s30] =	ssyncset.done $0x0  }
0x118: {  	s7 =	sadd.s32 s7, s8;
	s22 =	sadd.s32 $0x13C80, s12;
	[sflag:s30] =	ssyncadd.s32 $0xFFFFC000  }
0x119: {  	[tilespmem:s17], [sflag:$0x3] =	stream.indirect.gather [hbm4b:s2+s1], $0x80, s22, s1, $0xb8;
	[tilespmem:$0x1CD00] =	vst v63  }
0x11a: {  	s7 =	sadd.s32 $0x10, s7  }
0x11b: {  	[tilespmem:s19], [sflag:$0x5] =	stream.linear.gather [hbm4b:s7+s4], $0x80, $0x38;
	[tilespmem:$0x1CD00] =	vst v63  }
0x11c: {  	_ =	swait.ge [sflag:s23], $0x4000  }
0x11d: {  	[sflag:s23] =	ssyncset.done $0x0  }
0x11e: {  	[sflag:s23] =	ssyncadd.s32 $0xFFFFC000  }
0x11f: {  	_ =	swait.ge [sflag:s24], $0x80  }
0x120: {  	[sflag:s24] =	ssyncset.done $0x0  }
0x121: {  	[sflag:s24] =	ssyncadd.s32 $0xFFFFFF80  }
0x122: {  	[spmem:s3] =	stream.indirect.scatter.add.f32 [tilespmem:s13], [sflag:$0x6], $0x80, s14, s1, $0xb8;
	[tilespmem:$0x1CD00] =	vst v63  }
0x123: {  	_ =	swait.ge [sflag:s30], $0x4000  }
0x124: {  	[sflag:s30] =	ssyncset.done $0x0  }
0x125: {  	s8 =	sadd.s32 $0x13D00, s12;
	[sflag:s30] =	ssyncadd.s32 $0xFFFFC000  }
0x126: {  	[tilespmem:s13], [sflag:$0x2] =	stream.indirect.gather [hbm4b:s2+s1], $0x80, s8, s1, $0xb8;
	[tilespmem:$0x1CD00] =	vst v63  }
0x127: {  	s12 =	sadd.s32 s11, s15  }
0x128: {  	[tilespmem:s14], [sflag:$0x4] =	stream.linear.gather [hbm4b:s12+s4], $0x80, $0x38;
	[tilespmem:$0x1CD00] =	vst v63  }
0x129: {  	_ =	swait.ge [sflag:s25], $0x4000  }
0x12a: {  	[sflag:s25] =	ssyncset.done $0x0  }
0x12b: {  	[sflag:s25] =	ssyncadd.s32 $0xFFFFC000  }
0x12c: {  	_ =	swait.ge [sflag:s26], $0x80  }
0x12d: {  	[sflag:s26] =	ssyncset.done $0x0  }
0x12e: {  	[sflag:s26] =	ssyncadd.s32 $0xFFFFFF80  }
0x12f: {  	[spmem:s3] =	stream.indirect.scatter.add.f32 [tilespmem:s17], [sflag:$0x6], $0x80, s19, s1, $0xb8;
	[tilespmem:$0x1CD00] =	vst v63  }
0x130: {  	_ =	swait.ge [sflag:s30], $0x4000  }
0x131: {  	[sflag:s30] =	ssyncset.done $0x0  }
0x132: {  	[sflag:s30] =	ssyncadd.s32 $0xFFFFC000  }
0x133: {  	[tilespmem:s17], [sflag:$0x3] =	stream.indirect.gather [hbm4b:s2+s1], $0x80, s31, s1, $0xb8;
	[tilespmem:$0x1CD00] =	vst v63  }
0x134: {  	s20 =	simm.s32 $0x0;
	s21 =	rddreg [dreg:$0x10]  }
0x135: {  	[tilespmem:s19], [sflag:$0x5] =	stream.linear.gather [hbm4b:s21+s20], $0x80, $0x38;
	[tilespmem:$0x1CD00] =	vst v63  }
0x136: {  	_ =	swait.ge [sflag:s23], $0x4000  }
0x137: {  	[sflag:s23] =	ssyncset.done $0x0  }
0x138: {  	[sflag:s23] =	ssyncadd.s32 $0xFFFFC000  }
0x139: {  	_ =	swait.ge [sflag:s24], $0x80  }
0x13a: {  	[sflag:s24] =	ssyncset.done $0x0  }
0x13b: {  	[sflag:s24] =	ssyncadd.s32 $0xFFFFFF80  }
0x13c: {  	[spmem:s3] =	stream.indirect.scatter.add.f32 [tilespmem:s13], [sflag:$0x6], $0x80, s14, s1, $0xb8;
	[tilespmem:$0x1CD00] =	vst v63  }
0x13d: {  	_ =	swait.ge [sflag:s30], $0x4000  }
0x13e: {  	[sflag:s30] =	ssyncset.done $0x0  }
0x13f: {  	[sflag:s30] =	ssyncadd.s32 $0xFFFFC000  }
0x140: {  	_ =	swait.ge [sflag:s25], $0x4000  }
0x141: {  	[sflag:s25] =	ssyncset.done $0x0  }
0x142: {  	[sflag:s25] =	ssyncadd.s32 $0xFFFFC000  }
0x143: {  	_ =	swait.ge [sflag:s26], $0x80  }
0x144: {  	[sflag:s26] =	ssyncset.done $0x0  }
0x145: {  	[sflag:s26] =	ssyncadd.s32 $0xFFFFFF80  }
0x146: {  	[spmem:s3] =	stream.indirect.scatter.add.f32 [tilespmem:s17], [sflag:$0x6], $0x80, s19, s1, $0xb8;
	[tilespmem:$0x1CD00] =	vst v63  }
0x147: {  	_ =	swait.ge [sflag:s30], $0x4000  }
0x148: {  	[sflag:s30] =	ssyncset.done $0x0  }
0x149: {  	s22 =	rddreg [dreg:$0xb];
	[sflag:s30] =	ssyncadd.s32 $0xFFFFC000  }
0x14a: {  	[tilespmem:s28], [sflag:$0x1] =	stream.linear.gather [hbm4b:s22+s20], $0x1000, $0x38;
	[tilespmem:$0x1CD00] =	vst v63  }
0x14b: {  	_ =	swait.ge [sflag:s0], $0x1000  }
0x14c: {  	[sflag:s0] =	ssyncset.done $0x0  }
0x14d: {  	[sflag:s0] =	ssyncadd.s32 $0xFFFFF000  }
0x14e: {  	[tilespmem:s13], [sflag:$0x2] =	stream.indirect.gather [hbm4b:s2+s1], $0x80, s28, s1, $0xb8;
	[tilespmem:$0x1CD00] =	vst v63  }
0x14f: {  	s12 =	simm.s32 $0x0;
	s11 =	rddreg [dreg:$0x13]  }
0x150: {  	[tilespmem:s14], [sflag:$0x4] =	stream.linear.gather [hbm4b:s11+s20], $0x80, $0x38;
	[tilespmem:$0x1CD00] =	vst v63  }
0x151: {  	s7 =	sand.u32 $0x60, s12;
	s20 =	simm.s32 $0x0;
	s11 =	sadd.s32 $0x0, s16  }
0x152: {  	s7 =	sadd.s32 s7, s5;
	s21 =	sand.u32 $0xFFFFF80, s11;
	s8 =	sand.u32 $0x3FFFFF00, s20  }
0x153: {  	s7 =	sadd.s32 s21, s7;
	s22 =	sadd.s32 $0x13C80, s8  }
0x154: {  	[tilespmem:s17], [sflag:$0x3] =	stream.indirect.gather [hbm4b:s2+s1], $0x80, s22, s1, $0xb8;
	[tilespmem:$0x1CD00] =	vst v63  }
0x155: {  	s7 =	sadd.s32 $0x10, s7  }
0x156: {  	[tilespmem:s19], [sflag:$0x5] =	stream.linear.gather [hbm4b:s7+s4], $0x80, $0x38;
	[tilespmem:$0x1CD00] =	vst v63  }
0x157: {  	_ =	swait.ge [sflag:s23], $0x4000  }
0x158: {  	[sflag:s23] =	ssyncset.done $0x0  }
0x159: {  	[sflag:s23] =	ssyncadd.s32 $0xFFFFC000  }
0x15a: {  	_ =	swait.ge [sflag:s24], $0x80  }
0x15b: {  	[sflag:s24] =	ssyncset.done $0x0  }
0x15c: {  	[sflag:s24] =	ssyncadd.s32 $0xFFFFFF80  }
0x15d: {  	[spmem:s3] =	stream.indirect.scatter.add.f32 [tilespmem:s13], [sflag:$0x6], $0x80, s14, s1, $0xb8;
	[tilespmem:$0x1CD00] =	vst v63  }
0x15e: {  	_ =	swait.ge [sflag:s30], $0x4000  }
0x15f: {  	[sflag:s30] =	ssyncset.done $0x0  }
0x160: {  	s20 =	sadd.s32 $0x13D00, s8;
	[sflag:s30] =	ssyncadd.s32 $0xFFFFC000  }
0x161: {  	[tilespmem:s13], [sflag:$0x2] =	stream.indirect.gather [hbm4b:s2+s1], $0x80, s20, s1, $0xb8;
	[tilespmem:$0x1CD00] =	vst v63  }
0x162: {  	s21 =	sadd.s32 s11, s15  }
0x163: {  	[tilespmem:s14], [sflag:$0x4] =	stream.linear.gather [hbm4b:s21+s4], $0x80, $0x38;
	[tilespmem:$0x1CD00] =	vst v63  }
0x164: {  	_ =	swait.ge [sflag:s25], $0x4000  }
0x165: {  	[sflag:s25] =	ssyncset.done $0x0  }
0x166: {  	s12 =	simm.s32 $0x100;
	[sflag:s25] =	ssyncadd.s32 $0xFFFFC000  }
0x167: {  	s11 =	sadd.s32 $0x20, s16;
	s22 =	simm.s32 $0x20;
	_ =	swait.ge [sflag:s26], $0x80  }
0x168: {  	s20 =	simm.s32 $0x2;
	s21 =	sand.u32 $0x60, s22;
	[sflag:s26] =	ssyncset.done $0x0  }
.LBB2_7:
0x169: {  	s7 =	sand.u32 $0xFFFFF80, s11  }
0x16a: {  	s8 =	sadd.s32 s21, s5;
	[sflag:s26] =	ssyncadd.s32 $0xFFFFFF80;
	s21 =	smov.u32 s20  }
0x16b: {  	[spmem:s3] =	stream.indirect.scatter.add.f32 [tilespmem:s17], [sflag:$0x6], $0x80, s19, s1, $0xb8;
	[tilespmem:$0x1CD00] =	vst v63  }
0x16c: {  	s12 =	sand.u32 $0x3FFFFF00, s12;
	s7 =	sadd.s32 s7, s8;
	_ =	swait.ge [sflag:s30], $0x4000  }
0x16d: {  	s8 =	sadd.s32 $0x1, s20;
	s22 =	sadd.s32 $0x13C80, s12;
	[sflag:s30] =	ssyncset.done $0x0  }
0x16e: {  	p1 =	sne.s32 s20, $0xE;
	s7 =	sadd.s32 $0x10, s7;
	[sflag:s30] =	ssyncadd.s32 $0xFFFFC000  }
0x16f: {  	[tilespmem:s17], [sflag:$0x3] =	stream.indirect.gather [hbm4b:s2+s1], $0x80, s22, s1, $0xb8;
	[tilespmem:$0x1CD00] =	vst v63  }
0x170: {  	_ = 	snop  }
0x171: {  	[tilespmem:s19], [sflag:$0x5] =	stream.linear.gather [hbm4b:s7+s4], $0x80, $0x38;
	[tilespmem:$0x1CD00] =	vst v63  }
0x172: {  	_ =	swait.ge [sflag:s23], $0x4000  }
0x173: {  	[sflag:s23] =	ssyncset.done $0x0  }
0x174: {  	[sflag:s23] =	ssyncadd.s32 $0xFFFFC000  }
0x175: {  	_ =	swait.ge [sflag:s24], $0x80  }
0x176: {  	[sflag:s24] =	ssyncset.done $0x0  }
0x177: {  	[sflag:s24] =	ssyncadd.s32 $0xFFFFFF80  }
0x178: {  	[spmem:s3] =	stream.indirect.scatter.add.f32 [tilespmem:s13], [sflag:$0x6], $0x80, s14, s1, $0xb8;
	[tilespmem:$0x1CD00] =	vst v63  }
0x179: {  	_ =	swait.ge [sflag:s30], $0x4000  }
0x17a: {  	[sflag:s30] =	ssyncset.done $0x0  }
0x17b: {  	s7 =	sadd.s32 $0x13D00, s12;
	[sflag:s30] =	ssyncadd.s32 $0xFFFFC000  }
0x17c: {  	[tilespmem:s13], [sflag:$0x2] =	stream.indirect.gather [hbm4b:s2+s1], $0x80, s7, s1, $0xb8;
	[tilespmem:$0x1CD00] =	vst v63  }
0x17d: {  	s7 =	sadd.s32 s11, s15  }
0x17e: {  	[tilespmem:s14], [sflag:$0x4] =	stream.linear.gather [hbm4b:s7+s4], $0x80, $0x38;
	[tilespmem:$0x1CD00] =	vst v63  }
.Ltmp5:
0x17f: {  	_ =	swait.ge [sflag:s25], $0x4000;
	(pc) =	sbr.rel @p1 .LBB2_7-.Ltmp5, $4  }
0x180: {  	[sflag:s25] =	ssyncset.done $0x0  }
0x181: {  	s20 =	smov.u32 s8;
	[sflag:s25] =	ssyncadd.s32 $0xFFFFC000  }
0x182: {  	s12 =	sshll.u32 s21, $0x8;
	s7 =	sshll.u32 s21, $0x5;
	_ =	swait.ge [sflag:s26], $0x80  }
0x183: {  	s11 =	sadd.s32 s16, s7;
	s21 =	sand.u32 $0x60, s7;
	[sflag:s26] =	ssyncset.done $0x0  }
0x184: {  	[sflag:s26] =	ssyncadd.s32 $0xFFFFFF80  }
0x185: {  	[spmem:s3] =	stream.indirect.scatter.add.f32 [tilespmem:s17], [sflag:$0x6], $0x80, s19, s1, $0xb8;
	[tilespmem:$0x1CD00] =	vst v63  }
0x186: {  	s7 =	sand.u32 $0xFFFFF80, s11;
	_ =	swait.ge [sflag:s30], $0x4000  }
0x187: {  	s8 =	sadd.s32 s21, s5;
	s12 =	sand.u32 $0x3FFFFF00, s12;
	[sflag:s30] =	ssyncset.done $0x0  }
0x188: {  	s7 =	sadd.s32 s7, s8;
	s22 =	sadd.s32 $0x13C80, s12;
	[sflag:s30] =	ssyncadd.s32 $0xFFFFC000  }
0x189: {  	[tilespmem:s17], [sflag:$0x3] =	stream.indirect.gather [hbm4b:s2+s1], $0x80, s22, s1, $0xb8;
	[tilespmem:$0x1CD00] =	vst v63  }
0x18a: {  	s7 =	sadd.s32 $0x10, s7  }
0x18b: {  	[tilespmem:s19], [sflag:$0x5] =	stream.linear.gather [hbm4b:s7+s4], $0x80, $0x38;
	[tilespmem:$0x1CD00] =	vst v63  }
0x18c: {  	_ =	swait.ge [sflag:s23], $0x4000  }
0x18d: {  	[sflag:s23] =	ssyncset.done $0x0  }
0x18e: {  	[sflag:s23] =	ssyncadd.s32 $0xFFFFC000  }
0x18f: {  	_ =	swait.ge [sflag:s24], $0x80  }
0x190: {  	[sflag:s24] =	ssyncset.done $0x0  }
0x191: {  	[sflag:s24] =	ssyncadd.s32 $0xFFFFFF80  }
0x192: {  	[spmem:s3] =	stream.indirect.scatter.add.f32 [tilespmem:s13], [sflag:$0x6], $0x80, s14, s1, $0xb8;
	[tilespmem:$0x1CD00] =	vst v63  }
0x193: {  	_ =	swait.ge [sflag:s30], $0x4000  }
0x194: {  	[sflag:s30] =	ssyncset.done $0x0  }
0x195: {  	s8 =	sadd.s32 $0x13D00, s12;
	[sflag:s30] =	ssyncadd.s32 $0xFFFFC000  }
0x196: {  	[tilespmem:s13], [sflag:$0x2] =	stream.indirect.gather [hbm4b:s2+s1], $0x80, s8, s1, $0xb8;
	[tilespmem:$0x1CD00] =	vst v63  }
0x197: {  	s12 =	sadd.s32 s11, s15  }
0x198: {  	[tilespmem:s14], [sflag:$0x4] =	stream.linear.gather [hbm4b:s12+s4], $0x80, $0x38;
	[tilespmem:$0x1CD00] =	vst v63  }
0x199: {  	_ =	swait.ge [sflag:s25], $0x4000  }
0x19a: {  	[sflag:s25] =	ssyncset.done $0x0  }
0x19b: {  	[sflag:s25] =	ssyncadd.s32 $0xFFFFC000  }
0x19c: {  	_ =	swait.ge [sflag:s26], $0x80  }
0x19d: {  	[sflag:s26] =	ssyncset.done $0x0  }
0x19e: {  	[sflag:s26] =	ssyncadd.s32 $0xFFFFFF80  }
0x19f: {  	[spmem:s3] =	stream.indirect.scatter.add.f32 [tilespmem:s17], [sflag:$0x6], $0x80, s19, s1, $0xb8;
	[tilespmem:$0x1CD00] =	vst v63  }
0x1a0: {  	_ =	swait.ge [sflag:s30], $0x4000  }
0x1a1: {  	[sflag:s30] =	ssyncset.done $0x0  }
0x1a2: {  	[sflag:s30] =	ssyncadd.s32 $0xFFFFC000  }
0x1a3: {  	[tilespmem:s17], [sflag:$0x3] =	stream.indirect.gather [hbm4b:s2+s1], $0x80, s31, s1, $0xb8;
	[tilespmem:$0x1CD00] =	vst v63  }
0x1a4: {  	s20 =	simm.s32 $0x0;
	s21 =	rddreg [dreg:$0x11]  }
0x1a5: {  	[tilespmem:s19], [sflag:$0x5] =	stream.linear.gather [hbm4b:s21+s20], $0x80, $0x38;
	[tilespmem:$0x1CD00] =	vst v63  }
0x1a6: {  	_ =	swait.ge [sflag:s23], $0x4000  }
0x1a7: {  	[sflag:s23] =	ssyncset.done $0x0  }
0x1a8: {  	[sflag:s23] =	ssyncadd.s32 $0xFFFFC000  }
0x1a9: {  	_ =	swait.ge [sflag:s24], $0x80  }
0x1aa: {  	[sflag:s24] =	ssyncset.done $0x0  }
0x1ab: {  	[sflag:s24] =	ssyncadd.s32 $0xFFFFFF80  }
0x1ac: {  	[spmem:s3] =	stream.indirect.scatter.add.f32 [tilespmem:s13], [sflag:$0x6], $0x80, s14, s1, $0xb8;
	[tilespmem:$0x1CD00] =	vst v63  }
0x1ad: {  	_ =	swait.ge [sflag:s30], $0x4000  }
0x1ae: {  	[sflag:s30] =	ssyncset.done $0x0  }
0x1af: {  	[sflag:s30] =	ssyncadd.s32 $0xFFFFC000  }
0x1b0: {  	_ =	swait.ge [sflag:s25], $0x4000  }
0x1b1: {  	[sflag:s25] =	ssyncset.done $0x0  }
0x1b2: {  	[sflag:s25] =	ssyncadd.s32 $0xFFFFC000  }
0x1b3: {  	_ =	swait.ge [sflag:s26], $0x80  }
0x1b4: {  	[sflag:s26] =	ssyncset.done $0x0  }
0x1b5: {  	[sflag:s26] =	ssyncadd.s32 $0xFFFFFF80  }
0x1b6: {  	[spmem:s3] =	stream.indirect.scatter.add.f32 [tilespmem:s17], [sflag:$0x6], $0x80, s19, s1, $0xb8;
	[tilespmem:$0x1CD00] =	vst v63  }
0x1b7: {  	_ =	swait.ge [sflag:s30], $0x4000  }
0x1b8: {  	[sflag:s30] =	ssyncset.done $0x0  }
0x1b9: {  	s22 =	rddreg [dreg:$0xc];
	[sflag:s30] =	ssyncadd.s32 $0xFFFFC000  }
0x1ba: {  	[tilespmem:s28], [sflag:$0x1] =	stream.linear.gather [hbm4b:s22+s20], $0x1000, $0x38;
	[tilespmem:$0x1CD00] =	vst v63  }
0x1bb: {  	_ =	swait.ge [sflag:s0], $0x1000  }
0x1bc: {  	[sflag:s0] =	ssyncset.done $0x0  }
0x1bd: {  	[sflag:s0] =	ssyncadd.s32 $0xFFFFF000  }
0x1be: {  	[tilespmem:s13], [sflag:$0x2] =	stream.indirect.gather [hbm4b:s2+s1], $0x80, s28, s1, $0xb8;
	[tilespmem:$0x1CD00] =	vst v63  }
0x1bf: {  	s12 =	simm.s32 $0x0;
	s11 =	rddreg [dreg:$0x14]  }
0x1c0: {  	[tilespmem:s14], [sflag:$0x4] =	stream.linear.gather [hbm4b:s11+s20], $0x80, $0x38;
	[tilespmem:$0x1CD00] =	vst v63  }
0x1c1: {  	s7 =	sand.u32 $0x60, s12;
	s20 =	simm.s32 $0x0;
	s11 =	sadd.s32 $0x0, s18  }
0x1c2: {  	s7 =	sadd.s32 s7, s5;
	s21 =	sand.u32 $0xFFFFF80, s11;
	s8 =	sand.u32 $0x3FFFFF00, s20  }
0x1c3: {  	s7 =	sadd.s32 s21, s7;
	s22 =	sadd.s32 $0x13C80, s8  }
0x1c4: {  	[tilespmem:s17], [sflag:$0x3] =	stream.indirect.gather [hbm4b:s2+s1], $0x80, s22, s1, $0xb8;
	[tilespmem:$0x1CD00] =	vst v63  }
0x1c5: {  	s7 =	sadd.s32 $0x10, s7  }
0x1c6: {  	[tilespmem:s19], [sflag:$0x5] =	stream.linear.gather [hbm4b:s7+s4], $0x80, $0x38;
	[tilespmem:$0x1CD00] =	vst v63  }
0x1c7: {  	_ =	swait.ge [sflag:s23], $0x4000  }
0x1c8: {  	[sflag:s23] =	ssyncset.done $0x0  }
0x1c9: {  	[sflag:s23] =	ssyncadd.s32 $0xFFFFC000  }
0x1ca: {  	_ =	swait.ge [sflag:s24], $0x80  }
0x1cb: {  	[sflag:s24] =	ssyncset.done $0x0  }
0x1cc: {  	[sflag:s24] =	ssyncadd.s32 $0xFFFFFF80  }
0x1cd: {  	[spmem:s3] =	stream.indirect.scatter.add.f32 [tilespmem:s13], [sflag:$0x6], $0x80, s14, s1, $0xb8;
	[tilespmem:$0x1CD00] =	vst v63  }
0x1ce: {  	_ =	swait.ge [sflag:s30], $0x4000  }
0x1cf: {  	[sflag:s30] =	ssyncset.done $0x0  }
0x1d0: {  	s20 =	sadd.s32 $0x13D00, s8;
	[sflag:s30] =	ssyncadd.s32 $0xFFFFC000  }
0x1d1: {  	[tilespmem:s13], [sflag:$0x2] =	stream.indirect.gather [hbm4b:s2+s1], $0x80, s20, s1, $0xb8;
	[tilespmem:$0x1CD00] =	vst v63  }
0x1d2: {  	s21 =	sadd.s32 s11, s15  }
0x1d3: {  	[tilespmem:s14], [sflag:$0x4] =	stream.linear.gather [hbm4b:s21+s4], $0x80, $0x38;
	[tilespmem:$0x1CD00] =	vst v63  }
0x1d4: {  	_ =	swait.ge [sflag:s25], $0x4000  }
0x1d5: {  	[sflag:s25] =	ssyncset.done $0x0  }
0x1d6: {  	s12 =	simm.s32 $0x100;
	[sflag:s25] =	ssyncadd.s32 $0xFFFFC000  }
0x1d7: {  	s11 =	sadd.s32 $0x20, s18;
	s22 =	simm.s32 $0x20;
	_ =	swait.ge [sflag:s26], $0x80  }
0x1d8: {  	s20 =	simm.s32 $0x2;
	s21 =	sand.u32 $0x60, s22;
	[sflag:s26] =	ssyncset.done $0x0  }
.LBB2_9:
0x1d9: {  	s7 =	sand.u32 $0xFFFFF80, s11  }
0x1da: {  	s8 =	sadd.s32 s21, s5;
	[sflag:s26] =	ssyncadd.s32 $0xFFFFFF80;
	s21 =	smov.u32 s20  }
0x1db: {  	[spmem:s3] =	stream.indirect.scatter.add.f32 [tilespmem:s17], [sflag:$0x6], $0x80, s19, s1, $0xb8;
	[tilespmem:$0x1CD00] =	vst v63  }
0x1dc: {  	s12 =	sand.u32 $0x3FFFFF00, s12;
	s7 =	sadd.s32 s7, s8;
	_ =	swait.ge [sflag:s30], $0x4000  }
0x1dd: {  	s8 =	sadd.s32 $0x1, s20;
	s22 =	sadd.s32 $0x13C80, s12;
	[sflag:s30] =	ssyncset.done $0x0  }
0x1de: {  	p1 =	sne.s32 s20, $0xE;
	s7 =	sadd.s32 $0x10, s7;
	[sflag:s30] =	ssyncadd.s32 $0xFFFFC000  }
0x1df: {  	[tilespmem:s17], [sflag:$0x3] =	stream.indirect.gather [hbm4b:s2+s1], $0x80, s22, s1, $0xb8;
	[tilespmem:$0x1CD00] =	vst v63  }
0x1e0: {  	_ = 	snop  }
0x1e1: {  	[tilespmem:s19], [sflag:$0x5] =	stream.linear.gather [hbm4b:s7+s4], $0x80, $0x38;
	[tilespmem:$0x1CD00] =	vst v63  }
0x1e2: {  	_ =	swait.ge [sflag:s23], $0x4000  }
0x1e3: {  	[sflag:s23] =	ssyncset.done $0x0  }
0x1e4: {  	[sflag:s23] =	ssyncadd.s32 $0xFFFFC000  }
0x1e5: {  	_ =	swait.ge [sflag:s24], $0x80  }
0x1e6: {  	[sflag:s24] =	ssyncset.done $0x0  }
0x1e7: {  	[sflag:s24] =	ssyncadd.s32 $0xFFFFFF80  }
0x1e8: {  	[spmem:s3] =	stream.indirect.scatter.add.f32 [tilespmem:s13], [sflag:$0x6], $0x80, s14, s1, $0xb8;
	[tilespmem:$0x1CD00] =	vst v63  }
0x1e9: {  	_ =	swait.ge [sflag:s30], $0x4000  }
0x1ea: {  	[sflag:s30] =	ssyncset.done $0x0  }
0x1eb: {  	s7 =	sadd.s32 $0x13D00, s12;
	[sflag:s30] =	ssyncadd.s32 $0xFFFFC000  }
0x1ec: {  	[tilespmem:s13], [sflag:$0x2] =	stream.indirect.gather [hbm4b:s2+s1], $0x80, s7, s1, $0xb8;
	[tilespmem:$0x1CD00] =	vst v63  }
0x1ed: {  	s7 =	sadd.s32 s11, s15  }
0x1ee: {  	[tilespmem:s14], [sflag:$0x4] =	stream.linear.gather [hbm4b:s7+s4], $0x80, $0x38;
	[tilespmem:$0x1CD00] =	vst v63  }
.Ltmp6:
0x1ef: {  	_ =	swait.ge [sflag:s25], $0x4000;
	(pc) =	sbr.rel @p1 .LBB2_9-.Ltmp6, $4  }
0x1f0: {  	[sflag:s25] =	ssyncset.done $0x0  }
0x1f1: {  	s20 =	smov.u32 s8;
	[sflag:s25] =	ssyncadd.s32 $0xFFFFC000  }
0x1f2: {  	s12 =	sshll.u32 s21, $0x8;
	s7 =	sshll.u32 s21, $0x5;
	_ =	swait.ge [sflag:s26], $0x80  }
0x1f3: {  	s11 =	sadd.s32 s18, s7;
	s21 =	sand.u32 $0x60, s7;
	[sflag:s26] =	ssyncset.done $0x0  }
.Ltmp7:
0x1f4: {  	_ = 	snop;
	(pc) =	sbr.rel .LBB2_10-.Ltmp7, $1  }
0x1f5: {  	_ =	sdelay $0x3  }
.LBB2_12:
0x1f6: {  	_ =	sfence.sel $0x180000  }
0x1f7: {  	[bflag:$0x0] =	sbarrier.arrive $0xFFFF  }
0x1f8: {  	_ =	strace $0x9000004A  }
0x1f9: {  	s0 =	stileid.u32;
	[bflag:$0x2] =	sbarrier.arrive $0xFFFF  }
0x1fa: {  	p0 =	sne.s32 s0, $0x0;
	s0 =	rddreg [dreg:$0x3]  }
0x1fb: {  	s0 =	sadd.s32 @!p0 $0x100000, s0  }
0x1fc: {  	[sflag:s0] =	ssyncadd.tile.s32 @!p0 $0x1;
	_ =	shalt  }
.Lfunc_end2:
_tile_overlayer_lowered:
.L_overlay_start_2:
0x1fd: {  	(tag) =	ssettag $0x2  }
0x1fe: {  	s0 =	rddreg [dreg:$0x0];
	s2 =	stileid.u32  }
0x1ff: {  	s1 =	rddreg [dreg:$0x1];
	p0 =	sne.s32 s2, $0x0  }
0x200: {  	s3 =	rddreg [dreg:$0x2];
	[bflag:$0x3] =	sbarrier.arrive $0xFFFF;
	s2 =	simm.s32 @!p0 $0x1C06  }
0x201: {  	[timem:s3], [sflag:s2] =	dma.local @!p0 [hbm:s0], s1  }
0x202: {  	s0 =	simm.s32 @!p0 $0x6  }
0x203: {  	_ =	swait.ge @!p0 [sflag:s0], s1  }
0x204: {  	s1 =	ssub.s32 @!p0 $0x0, s1;
	[sflag:s0] =	ssyncset.done @!p0 $0x0  }
0x205: {  	[sflag:s0] =	ssyncadd.s32 @!p0 s1  }
0x206: {  	[bflag:$0x3] =	sbarrier.arrive $0xFFFF  }
0x207: {  	_ =	shalt  }

// kernel: kernel.8.cloned.1.call-start
scs
__scs_entry_jumppad:
0x0: {  	(pc) =	sbr.rel $0x88, $3  }
0x1: {  	(tag) =	ssettag $0x0;
	lr =	simm.s32 $0x1  }
0x2: {  	[smem:$0x3F99] =	sst lr;
	_ =	strace $0xD0000000  }
0x3: {  	_ = 	snop  }
0x4: {  	_ = 	snop  }
0x5: {  	_ = 	snop  }
0x6: {  	_ = 	snop  }
0x7: {  	_ = 	snop  }
__scs_overlays_trampoline_lowered:
0x8: {  	[smem:$0x3FA8] =	sst s0  }
0x9: {  	[smem:$0x3FA9] =	sst s1  }
0xa: {  	[smem:$0x3FAA] =	sst s2  }
0xb: {  	[smem:$0x3FAB] =	sst s3  }
0xc: {  	[smem:$0x3FAC] =	sst s4  }
0xd: {  	[smem:$0x3FAD] =	sst s5  }
0xe: {  	[smem:$0x3FAE] =	sst s6  }
0xf: {  	[smem:$0x3FAF] =	sst s7  }
0x10: {  	[smem:$0x3FB0] =	sst s8  }
0x11: {  	[smem:$0x3FB1] =	sst s9;
	s0 =	simm.s32 @!p0 $0x0  }
0x12: {  	s1 =	sld [smem:$0x3F97];
	s0 =	simm.s32 @p0 $0x1  }
0x13: {  	[smem:$0x3FB2] =	sst s0;
	s0 =	simm.s32 @!p1 $0x0  }
0x14: {  	s2 =	sld [smem:$0x3F96];
	s0 =	simm.s32 @p1 $0x1  }
0x15: {  	[smem:$0x3FB3] =	sst s0;
	s0 =	simm.s32 @!p2 $0x0  }
0x16: {  	s3 =	sld [smem:$0x3FDB];
	s0 =	simm.s32 @p2 $0x1  }
0x17: {  	s4 =	simm.s32 $0x1BF5;
	[smem:$0x3FB5] =	sst s0  }
0x18: {  	s0 =	sld [smem:$0x3F98];
	_ =	swait.ge [sflag:s4], $0x0  }
0x19: {  	s7 =	sld [smem:$0x3F99]  }
0x1a: {  	s8 =	sadd.s32 $0xFFFFE003, lr  }
0x1b: {  	s9 =	sadd.s32 $0xFFFFFEF7, lr;
	s5 =	simm.s32 $0xFFFFFFFF;
	p2 =	slt.u32 s8, $0xFFFFF086  }
0x1c: {  	p1 =	slt.u32 s9, $0xF7A;
	s5 =	simm.s32 @!p2 $0x0  }
0x1d: {  	s5 =	simm.s32 @p1 $0x1;
	p0 =	seq.s32 s7, s2  }
0x1e: {  	s7 =	smul.u32 @!p0 $0xF7A, s2;
	p2 =	seq.s32 @!p0 s5, $0x0  }
0x1f: {  	s9 =	smul.u32 $0xF7A, s1;
	s8 =	simm.s32 @!p0 $0x1BF5;
	p2 =	por !p2, p0  }
0x20: {  	[sflag:s8] =	ssyncset.s32 @!p0 $0xFFFFF086;
	s6 =	sadd.s32 @!p0 s3, s7;
	s7 =	simm.s32 @!p0 $0x108  }
0x21: {  	s3 =	sadd.s32 s3, s9;
	s6 =	sadd.s32 @!p0 $0x88, s6;
	s7 =	simm.s32 @p2 $0x1082  }
0x22: {  	[simem:s7], [sflag:s8] =	dma.local @!p0 [hbm:s6], $0xF7A  }
0x23: {  	s9 =	sor.u32 $0xD0000000, s2;
	s6 =	simm.s32 $0x108;
	_ =	swait.ge @!p0 [sflag:s8], $0x0  }
0x24: {  	s3 =	sadd.s32 $0x88, s3;
	s6 =	simm.s32 @!p1 $0x1082;
	[sflag:s4] =	ssyncset.s32 $0xFFFFF086  }
0x25: {  	[simem:s6], [sflag:s4] =	dma.local [hbm:s3], $0xF7A  }
0x26: {  	[smem:$0x3F99] =	sst s1;
	(tag) =	ssettag s2;
	_ =	strace s9  }
0x27: {  	s1 =	sld [smem:$0x3FA9]  }
0x28: {  	s2 =	sld [smem:$0x3FAA]  }
0x29: {  	s4 =	sld [smem:$0x3FAC]  }
0x2a: {  	p0 =	seq.s32 s5, $0x0;
	s5 =	sld [smem:$0x3FAD]  }
0x2b: {  	s6 =	sld [smem:$0x3FAE]  }
0x2c: {  	s7 =	sld [smem:$0x3FAF]  }
0x2d: {  	s3 =	simm.s32 $0x108;
	s8 =	sld [smem:$0x3FB0]  }
0x2e: {  	s3 =	simm.s32 @!p0 $0x1082;
	s9 =	sld [smem:$0x3FB1]  }
0x2f: {  	lr =	sadd.s32 s0, s3;
	s0 =	sld [smem:$0x3FA8]  }
0x30: {  	s3 =	sld [smem:$0x3FAB]  }
0x31: {  	[smem:$0x3FB4] =	sst s10  }
0x32: {  	s10 =	sld [smem:$0x3FB2];
	_ =	sdelay $0x3  }
0x33: {  	p0 =	seq.s32 s10, $0x1;
	s10 =	sld [smem:$0x3FB4];
	_ =	sdelay $0x3  }
0x34: {  	[smem:$0x3FB4] =	sst s10  }
0x35: {  	s10 =	sld [smem:$0x3FB3];
	_ =	sdelay $0x3  }
0x36: {  	p1 =	seq.s32 s10, $0x1;
	s10 =	sld [smem:$0x3FB4];
	_ =	sdelay $0x3  }
0x37: {  	[smem:$0x3FB4] =	sst s10  }
0x38: {  	s10 =	sld [smem:$0x3FB5]  }
0x39: {  	_ = 	snop;
	(pc) =	sbr.ind lr, $3  }
0x3a: {  	_ = 	snop  }
0x3b: {  	_ = 	snop  }
0x3c: {  	p2 =	seq.s32 s10, $0x1;
	s10 =	sld [smem:$0x3FB4]  }
0x3d: {  	_ =	shalt  }
0x3e: {  	_ =	shalt  }
0x3f: {  	_ =	shalt  }
0x40: {  	_ =	shalt  }
0x41: {  	_ =	shalt  }
0x42: {  	_ =	shalt  }
0x43: {  	_ =	shalt  }
0x44: {  	_ =	shalt  }
0x45: {  	_ =	shalt  }
0x46: {  	_ =	shalt  }
0x47: {  	_ =	shalt  }
0x48: {  	_ =	shalt  }
0x49: {  	_ =	shalt  }
0x4a: {  	_ =	shalt  }
0x4b: {  	_ =	shalt  }
0x4c: {  	_ =	shalt  }
0x4d: {  	_ =	shalt  }
0x4e: {  	_ =	shalt  }
0x4f: {  	_ =	shalt  }
0x50: {  	_ =	shalt  }
0x51: {  	_ =	shalt  }
0x52: {  	_ =	shalt  }
0x53: {  	_ =	shalt  }
0x54: {  	_ =	shalt  }
0x55: {  	_ =	shalt  }
0x56: {  	_ =	shalt  }
0x57: {  	_ =	shalt  }
0x58: {  	_ =	shalt  }
0x59: {  	_ =	shalt  }
0x5a: {  	_ =	shalt  }
0x5b: {  	_ =	shalt  }
0x5c: {  	_ =	shalt  }
0x5d: {  	_ =	shalt  }
0x5e: {  	_ =	shalt  }
0x5f: {  	_ =	shalt  }
0x60: {  	_ =	shalt  }
0x61: {  	_ =	shalt  }
0x62: {  	_ =	shalt  }
0x63: {  	_ =	shalt  }
0x64: {  	_ =	shalt  }
0x65: {  	_ =	shalt  }
0x66: {  	_ =	shalt  }
0x67: {  	_ =	shalt  }
0x68: {  	_ =	shalt  }
0x69: {  	_ =	shalt  }
0x6a: {  	_ =	shalt  }
0x6b: {  	_ =	shalt  }
0x6c: {  	_ =	shalt  }
0x6d: {  	_ =	shalt  }
0x6e: {  	_ =	shalt  }
0x6f: {  	_ =	shalt  }
0x70: {  	_ =	shalt  }
0x71: {  	_ =	shalt  }
0x72: {  	_ =	shalt  }
0x73: {  	_ =	shalt  }
0x74: {  	_ =	shalt  }
0x75: {  	_ =	shalt  }
0x76: {  	_ =	shalt  }
0x77: {  	_ =	shalt  }
0x78: {  	_ =	shalt  }
0x79: {  	_ =	shalt  }
0x7a: {  	_ =	shalt  }
0x7b: {  	_ =	shalt  }
0x7c: {  	_ =	shalt  }
0x7d: {  	_ =	shalt  }
0x7e: {  	_ =	shalt  }
0x7f: {  	_ =	shalt  }
0x80: {  	_ =	shalt  }
0x81: {  	_ =	shalt  }
0x82: {  	_ =	shalt  }
0x83: {  	_ =	shalt  }
0x84: {  	_ =	shalt  }
0x85: {  	_ =	shalt  }
0x86: {  	_ =	shalt  }
0x87: {  	_ =	shalt  }
.Lfunc_end0:
.L_simem_size_0:
called_computation_lowered:
.L_overlay_start_0:
0x88: {  	s2 =	sld [smem:$0x3FD9]  }
0x89: {  	s3 =	sld [smem:$0x3FFE];
	_ =	sdelay $0x1  }
0x8a: {  	s1 =	srdreg.scid  }
0x8b: {  	s0 =	sand.u32 $0x1, s1  }
0x8c: {  	s17 =	sshll.u32 s0, $0xA;
	s2 =	sadd.s32 s3, s2  }
0x8d: {  	s2 =	sadd.s32 s2, s17  }
0x8e: {  	[smem:$0x3FC0] =	sst s2  }
0x8f: {  	_ = 	snop  }
0x90: {  	s2 =	sld [smem:$0x3FD0];
	(tm) =	ssettm $0x1  }
0x91: {  	s18 =	sld [smem:$0x3FFB];
	_ =	sdelay $0x3  }
0x92: {  	_ =	strace s18  }
0x93: {  	s3 =	sld [smem:$0x3FFC];
	_ =	sdelay $0x3  }
0x94: {  	_ =	strace s3  }
0x95: {  	s3 =	sld [smem:$0x3FFD];
	_ =	sdelay $0x3  }
0x96: {  	_ =	strace s3  }
0x97: {  	_ =	strace $0x8FFFFFFF  }
0x98: {  	s19 =	sld [smem:$0x3FDB];
	_ =	sdelay $0x1  }
0x99: {  	s4 =	simm.s32 $_scs_section_size  }
0x9a: {  	s5 =	simm.s32 $_size__tile_overlayer_lowered;
	s6 =	simm.s32 $_tile_overlayer_lowered  }
0x9b: {  	s22 =	simm.s32 $0x1BFF;
	s21 =	sshll.u32 s6, $0x1;
	s3 =	sadd.s32 s4, s19  }
0x9c: {  	s7 =	simm.s32 $0x0;
	s20 =	sshll.u32 s5, $0x1;
	s5 =	sadd.s32 s21, s3  }
0x9d: {  	[timem:s7], [sflag:s22] =	dma.local [hbm:s5], s20  }
0x9e: {  	_ =	swait.ge [sflag:s22], s20  }
0x9f: {  	s4 =	ssub.s32 $0x0, s20;
	[sflag:s22] =	ssyncset.done $0x0  }
0xa0: {  	[sflag:s22] =	ssyncadd.s32 s4;
	_ =	sdelay $0x1  }
0xa1: {  	s23 =	simm.s32 $0x1B8B  }
0xa2: {  	_ =	swait.ge [sflag:s23], $0x1  }
0xa3: {  	[sflag:s23] =	ssyncset.done $0x0  }
0xa4: {  	s25 =	simm.s32 $0x1B8E;
	s24 =	sld [smem:$0x3FFE];
	[sflag:s23] =	ssyncadd.s32 $0xFFFFFFFF  }
0xa5: {  	s26 =	simm.s32 $execute0_lowered;
	[smem:$0x3FD2] =	sst s25  }
0xa6: {  	s5 =	sshll.u32 s26, $0x1;
	_ =	strace $0x80000046;
	[dreg:$0x1] =	wrdreg $0xFFFFFFFF  }
0xa7: {  	s28 =	simm.s32 $_size_execute0_lowered;
	s3 =	sadd.s32 s3, s5;
	[dreg:$0x0] =	wrdreg $0x0  }
0xa8: {  	s5 =	sshll.u32 s28, $0x1;
	[dreg:$0x2] =	wrdreg s3  }
0xa9: {  	[dreg:$0x3] =	wrdreg s5  }
0xaa: {  	[dreg:$0x4] =	wrdreg $0xC0  }
0xab: {  	_ =	task [dreg:s7], $0x5FFFF  }
0xac: {  	[dreg:$0x1] =	wrdreg $0xFFFFFFFF  }
0xad: {  	[dreg:$0x0] =	wrdreg $0x60  }
0xae: {  	[dreg:$0x2] =	wrdreg s2  }
0xaf: {  	[dreg:$0x3] =	wrdreg s24  }
0xb0: {  	[dreg:$0x4] =	wrdreg $0x0  }
0xb1: {  	[dreg:$0x5] =	wrdreg $0x9  }
0xb2: {  	_ =	task.clear_ibuf [dreg:s7], $0x6FFFF;
	_ =	strace $0x90000046  }
0xb3: {  	s29 =	simm.s32 $0x9;
	_ =	strace $0x80000048  }
0xb4: {  	_ =	swait.ge [sflag:s29], $0x1  }
0xb5: {  	[sflag:s29] =	ssyncadd.s32 $0xFFFFFFFF  }
0xb6: {  	_ =	strace $0x90000048  }
0xb7: {  	_ =	sfence  }
0xb8: {  	s30 =	sld [smem:$0x0];
	_ =	sdelay $0x2  }
0xb9: {  	s31 =	sshll.u32 s1, $0xD;
	s1 =	sshrl.u32 s1, $0x2  }
0xba: {  	s3 =	sand.u32 $0x4000, s31;
	s1 =	sadd.s32 s1, s30  }
0xbb: {  	s0 =	sor.u32 s3, s0;
	s1 =	sshll.u32 s1, $0x11  }
0xbc: {  	s0 =	sor.u32 s1, s0  }
0xbd: {  	s0 =	sadd.s32 $0x8F2B, s0  }
0xbe: {  	[sflag:s0] =	ssyncadd.remote.s32 $0x1  }
0xbf: {  	_ =	sfence.sel $0xFFFF  }
0xc0: {  	[dreg:$0x0] =	wrdreg $0xFFFFFFFF;
	(pc) =	sbr.abs _section_cstart, $3  }
0xc1: {  	[dreg:$0x1] =	wrdreg $0xFFFFFFFF  }
0xc2: {  	_ =	task.clear_ibuf [dreg:s7], $0x2FFFF;
	_ =	strace $0x9FFFFFFF  }
0xc3: {  	(tm) =	ssettm $0x7FFFFFFF  }
tec
execute0_lowered:
.L_overlay_start_1:
0x0: {  	(tag) =	ssettag $0x1  }
0x1: {  	s2 =	rddreg [dreg:$0x0]  }
0x2: {  	s0 =	rddreg [dreg:$0x1]  }
0x3: {  	s3 =	rddreg [dreg:$0x2];
	s14 =	stileid.u32  }
0x4: {  	s1 =	srdreg.scid;
	s4 =	simm.s32 $0x0;
	s30 =	simm.s32 $0x6  }
0x5: {  	s28 =	simm.s32 $0x13C00;
	s5 =	smul.u32 $0x13C00, s14;
	s1 =	sand.u32 $0x1, s1  }
0x6: {  	[smem:$0x7FF] =	sst s4;
	s7 =	sadd.s32 $0xBE00, s0;
	s10 =	smul.u32 $0x4F000, s14  }
0x7: {  	s12 =	sshll.u32 s14, $0x5;
	s13 =	sshll.u32 s14, $0x7;
	s16 =	sshll.u32 s14, $0x6  }
0x8: {  	s17 =	sshll.u32 s14, $0xB;
	s14 =	simm.s32 $0x14C00;
	s6 =	smul.u32 $0x13C000, s1  }
0x9: {  	_ =	strace $0x80000047;
	s9 =	ssub.s32 $0x2, s1;
	p0 =	seq.s32 s1, $0x0  }
0xa: {  	s12 =	sor.u32 $0x800, s12;
	s8 =	sshrl.u32 s5, $0x3;
	s11 =	sshrl.u32 s9, $0x1  }
0xb: {  	s10 =	sshrl.u32 s10, $0x2;
	s12 =	smov.u32 @p0 s13;
	p0 =	sne.s32 s1, $0x0  }
0xc: {  	s1 =	simm.s32 $0x80;
	s13 =	simm.s32 $0x14D00;
	s6 =	sadd.s32 s5, s6  }
0xd: {  	s8 =	sadd.s32 s8, s0;
	s11 =	ssub.s32 s9, s11;
	s15 =	sadd.s32 s10, s3  }
0xe: {  	s9 =	sshll.u32 s12, $0x4;
	[dreg:$0x4] =	wrdreg s15;
	s8 =	sadd.s32 $0x15E00, s8  }
0xf: {  	s5 =	sadd.s32 $0x1E00, s0;
	s12 =	sadd.s32 s7, s9;
	[dreg:$0x5] =	wrdreg s8  }
0x10: {  	s10 =	sor.u32 $0x200, s17;
	s18 =	sadd.s32 s5, s9;
	[dreg:$0x7] =	wrdreg s12  }
0x11: {  	s6 =	sshrl.u32 s6, $0x3;
	s19 =	sadd.s32 s7, s10;
	[dreg:$0x8] =	wrdreg s18  }
0x12: {  	s20 =	sadd.s32 s5, s10;
	s15 =	sadd.s32 $0x1E20, s0;
	[dreg:$0x9] =	wrdreg s19  }
0x13: {  	s23 =	smax.u32 s11, $0x1;
	s6 =	sadd.s32 s6, s0;
	[dreg:$0xa] =	wrdreg s20  }
0x14: {  	s8 =	sor.u32 $0x1C06, s16;
	s16 =	sadd.s32 $0x400, s9;
	[dreg:$0xe] =	wrdreg s23  }
0x15: {  	s18 =	sadd.s32 $0x600, s9;
	s21 =	sadd.s32 s7, s16;
	[dreg:$0x6] =	wrdreg s8  }
0x16: {  	s0 =	sadd.s32 $0x1E70, s0;
	s7 =	sadd.s32 s7, s18;
	[dreg:$0xb] =	wrdreg s21  }
0x17: {  	s29 =	sadd.s32 s9, s15;
	s6 =	sadd.s32 $0x3D600, s6;
	[dreg:$0xc] =	wrdreg s7  }
0x18: {  	s19 =	simm.s32 $0x14C80;
	s26 =	sadd.s32 s5, s16;
	[dreg:$0xd] =	wrdreg s6  }
0x19: {  	s22 =	sadd.s32 s9, s0;
	s31 =	sadd.s32 s5, s18;
	[dreg:$0x13] =	wrdreg s26  }
0x1a: {  	s0 =	sadd.s32 s17, s0;
	s6 =	sadd.s32 $0x180, s22;
	[dreg:$0x14] =	wrdreg s31  }
.Ltmp0:
0x1b: {  	s24 =	sadd.s32 $0x380, s0;
	[dreg:$0xf] =	wrdreg s6;
	(pc) =	sbr.rel .LBB2_1-.Ltmp0, $4  }
0x1c: {  	s23 =	simm.s32 $0x2;
	s25 =	sadd.s32 $0x580, s0;
	[dreg:$0x10] =	wrdreg s24  }
0x1d: {  	s17 =	simm.s32 $0x18D00;
	s0 =	sadd.s32 $0x780, s0;
	[dreg:$0x11] =	wrdreg s25  }
0x1e: {  	s26 =	simm.s32 $0x5;
	[dreg:$0x12] =	wrdreg s0;
	s0 =	simm.s32 $0x1  }
0x1f: {  	s24 =	simm.s32 $0x4;
	s25 =	simm.s32 $0x3;
	s6 =	simm.s32 $0x0  }
.LBB2_10:
0x20: {  	[sflag:s26] =	ssyncadd.s32 $0xFFFFFF80  }
0x21: {  	[spmem:s3] =	stream.indirect.scatter.add.f32 [tilespmem:s17], [sflag:$0x6], $0x80, s19, s1, $0xb8;
	[tilespmem:$0x1CD00] =	vst v63  }
0x22: {  	s7 =	sand.u32 $0xFFFFF80, s11;
	_ =	swait.ge [sflag:s30], $0x4000  }
0x23: {  	s8 =	sadd.s32 s21, s5;
	s12 =	sand.u32 $0x3FFFFF00, s12;
	[sflag:s30] =	ssyncset.done $0x0  }
0x24: {  	s7 =	sadd.s32 s7, s8;
	s20 =	sadd.s32 $0x13C80, s12;
	[sflag:s30] =	ssyncadd.s32 $0xFFFFC000  }
0x25: {  	[tilespmem:s17], [sflag:$0x3] =	stream.indirect.gather [hbm4b:s2+s1], $0x80, s20, s1, $0xb8;
	[tilespmem:$0x1CD00] =	vst v63  }
0x26: {  	s7 =	sadd.s32 $0x10, s7  }
0x27: {  	[tilespmem:s19], [sflag:$0x5] =	stream.linear.gather [hbm4b:s7+s4], $0x80, $0x38;
	[tilespmem:$0x1CD00] =	vst v63  }
0x28: {  	_ =	swait.ge [sflag:s23], $0x4000  }
0x29: {  	[sflag:s23] =	ssyncset.done $0x0  }
0x2a: {  	[sflag:s23] =	ssyncadd.s32 $0xFFFFC000  }
0x2b: {  	_ =	swait.ge [sflag:s24], $0x80  }
0x2c: {  	[sflag:s24] =	ssyncset.done $0x0  }
0x2d: {  	[sflag:s24] =	ssyncadd.s32 $0xFFFFFF80  }
0x2e: {  	[spmem:s3] =	stream.indirect.scatter.add.f32 [tilespmem:s13], [sflag:$0x6], $0x80, s14, s1, $0xb8;
	[tilespmem:$0x1CD00] =	vst v63  }
0x2f: {  	_ =	swait.ge [sflag:s30], $0x4000  }
0x30: {  	[sflag:s30] =	ssyncset.done $0x0  }
0x31: {  	s21 =	sadd.s32 $0x13D00, s12;
	[sflag:s30] =	ssyncadd.s32 $0xFFFFC000  }
0x32: {  	[tilespmem:s13], [sflag:$0x2] =	stream.indirect.gather [hbm4b:s2+s1], $0x80, s21, s1, $0xb8;
	[tilespmem:$0x1CD00] =	vst v63  }
0x33: {  	s22 =	sadd.s32 s11, s15  }
0x34: {  	[tilespmem:s14], [sflag:$0x4] =	stream.linear.gather [hbm4b:s22+s4], $0x80, $0x38;
	[tilespmem:$0x1CD00] =	vst v63  }
0x35: {  	_ =	swait.ge [sflag:s25], $0x4000  }
0x36: {  	[sflag:s25] =	ssyncset.done $0x0  }
0x37: {  	[sflag:s25] =	ssyncadd.s32 $0xFFFFC000  }
0x38: {  	_ =	swait.ge [sflag:s26], $0x80  }
0x39: {  	[sflag:s26] =	ssyncset.done $0x0  }
0x3a: {  	[sflag:s26] =	ssyncadd.s32 $0xFFFFFF80  }
0x3b: {  	[spmem:s3] =	stream.indirect.scatter.add.f32 [tilespmem:s17], [sflag:$0x6], $0x80, s19, s1, $0xb8;
	[tilespmem:$0x1CD00] =	vst v63  }
0x3c: {  	_ =	swait.ge [sflag:s30], $0x4000  }
0x3d: {  	[sflag:s30] =	ssyncset.done $0x0  }
0x3e: {  	[sflag:s30] =	ssyncadd.s32 $0xFFFFC000  }
0x3f: {  	[tilespmem:s17], [sflag:$0x3] =	stream.indirect.gather [hbm4b:s2+s1], $0x80, s31, s1, $0xb8;
	[tilespmem:$0x1CD00] =	vst v63  }
0x40: {  	s31 =	rddreg [dreg:$0x12]  }
0x41: {  	[tilespmem:s19], [sflag:$0x5] =	stream.linear.gather [hbm4b:s31+s4], $0x80, $0x38;
	[tilespmem:$0x1CD00] =	vst v63  }
0x42: {  	_ =	swait.ge [sflag:s23], $0x4000  }
0x43: {  	[sflag:s23] =	ssyncset.done $0x0  }
0x44: {  	[sflag:s23] =	ssyncadd.s32 $0xFFFFC000  }
0x45: {  	_ =	swait.ge [sflag:s24], $0x80  }
0x46: {  	[sflag:s24] =	ssyncset.done $0x0  }
0x47: {  	[sflag:s24] =	ssyncadd.s32 $0xFFFFFF80  }
0x48: {  	[spmem:s3] =	stream.indirect.scatter.add.f32 [tilespmem:s13], [sflag:$0x6], $0x80, s14, s1, $0xb8;
	[tilespmem:$0x1CD00] =	vst v63  }
0x49: {  	_ =	swait.ge [sflag:s30], $0x4000  }
0x4a: {  	[sflag:s30] =	ssyncset.done $0x0  }
0x4b: {  	[sflag:s30] =	ssyncadd.s32 $0xFFFFC000  }
0x4c: {  	_ =	swait.ge [sflag:s25], $0x4000  }
0x4d: {  	[sflag:s25] =	ssyncset.done $0x0  }
0x4e: {  	[sflag:s25] =	ssyncadd.s32 $0xFFFFC000  }
0x4f: {  	_ =	swait.ge [sflag:s26], $0x80  }
0x50: {  	[sflag:s26] =	ssyncset.done $0x0  }
0x51: {  	[sflag:s26] =	ssyncadd.s32 $0xFFFFFF80  }
0x52: {  	[spmem:s3] =	stream.indirect.scatter.add.f32 [tilespmem:s17], [sflag:$0x6], $0x80, s19, s1, $0xb8;
	[tilespmem:$0x1CD00] =	vst v63  }
0x53: {  	_ =	swait.ge [sflag:s30], $0x4000  }
0x54: {  	[sflag:s30] =	ssyncset.done $0x0  }
0x55: {  	[sflag:s30] =	ssyncadd.s32 $0xFFFFC000  }
.LBB2_11:
0x56: {  	[bflag:$0x0] =	sbarrier.arrive $0xFFFF  }
0x57: {  	s8 =	rddreg [dreg:$0x6]  }
0x58: {  	s7 =	rddreg [dreg:$0xd]  }
0x59: {  	s11 =	rddreg [dreg:$0x15]  }
0x5a: {  	[hbm:s7], [sflag:s8] =	dma.local [spmem:s11], $0x2780  }
0x5b: {  	_ =	swait.ge [sflag:s30], $0x2780  }
0x5c: {  	s6 =	sadd.s32 $0x1, s6;
	s31 =	rddreg [dreg:$0xe]  }
0x5d: {  	p1 =	sne.s32 s6, s31  }
.Ltmp1:
0x5e: {  	_ = 	snop;
	(pc) =	sbr.rel @!p1 .LBB2_12-.Ltmp1, $3  }
0x5f: {  	_ =	sdelay $0x1  }
0x60: {  	[sflag:s30] =	ssyncset.done $0x0  }
0x61: {  	[sflag:s30] =	ssyncadd.s32 $0xFFFFD880  }
.LBB2_1:
0x62: {  	s7 =	rddreg [dreg:$0x4]  }
0x63: {  	s31 =	rddreg [dreg:$0x5];
	s11 =	sshrl.u32 s7, $0x3  }
0x64: {  	[dreg:$0x15] =	wrdreg s11  }
0x65: {  	[spmem:s11], [sflag:s8] =	dma.local [hbm:s31], $0x2780  }
0x66: {  	_ =	swait.ge [sflag:s30], $0x2780  }
0x67: {  	[sflag:s30] =	ssyncset.done $0x0  }
0x68: {  	[sflag:s30] =	ssyncadd.s32 $0xFFFFD880  }
0x69: {  	[bflag:$0x0] =	sbarrier.arrive $0xFFFF  }
0x6a: {  	s11 =	rddreg [dreg:$0x7]  }
0x6b: {  	[tilespmem:s28], [sflag:$0x1] =	stream.linear.gather [hbm4b:s11+s4], $0x1000, $0x38;
	[tilespmem:$0x1CD00] =	vst v63  }
0x6c: {  	_ =	swait.ge [sflag:s0], $0x1000  }
0x6d: {  	[sflag:s0] =	ssyncset.done $0x0  }
0x6e: {  	s20 =	sadd.s32 $0x0, s9;
	s21 =	sand.u32 $0x60, s4;
	[sflag:s0] =	ssyncadd.s32 $0xFFFFF000  }
0x6f: {  	[tilespmem:s13], [sflag:$0x2] =	stream.indirect.gather [hbm4b:s2+s1], $0x80, s28, s1, $0xb8;
	[tilespmem:$0x1CD00] =	vst v63  }
0x70: {  	s8 =	sand.u32 $0xFFFFF80, s20;
	s11 =	sadd.s32 s21, s5;
	s12 =	rddreg [dreg:$0x8]  }
0x71: {  	[tilespmem:s14], [sflag:$0x4] =	stream.linear.gather [hbm4b:s12+s4], $0x80, $0x38;
	[tilespmem:$0x1CD00] =	vst v63  }
0x72: {  	s8 =	sadd.s32 s8, s11;
	s12 =	simm.s32 $0x13C80  }
0x73: {  	[tilespmem:s17], [sflag:$0x3] =	stream.indirect.gather [hbm4b:s2+s1], $0x80, s12, s1, $0xb8;
	[tilespmem:$0x1CD00] =	vst v63  }
0x74: {  	s8 =	sadd.s32 $0x10, s8  }
0x75: {  	[tilespmem:s19], [sflag:$0x5] =	stream.linear.gather [hbm4b:s8+s4], $0x80, $0x38;
	[tilespmem:$0x1CD00] =	vst v63  }
0x76: {  	_ =	swait.ge [sflag:s23], $0x4000  }
0x77: {  	[sflag:s23] =	ssyncset.done $0x0  }
0x78: {  	[sflag:s23] =	ssyncadd.s32 $0xFFFFC000  }
0x79: {  	_ =	swait.ge [sflag:s24], $0x80  }
0x7a: {  	[sflag:s24] =	ssyncset.done $0x0  }
0x7b: {  	[sflag:s24] =	ssyncadd.s32 $0xFFFFFF80  }
0x7c: {  	[spmem:s3] =	stream.indirect.scatter.add.f32 [tilespmem:s13], [sflag:$0x6], $0x80, s14, s1, $0xb8;
	[tilespmem:$0x1CD00] =	vst v63  }
0x7d: {  	_ =	swait.ge [sflag:s30], $0x4000  }
0x7e: {  	[sflag:s30] =	ssyncset.done $0x0  }
0x7f: {  	s22 =	simm.s32 $0x13D00;
	[sflag:s30] =	ssyncadd.s32 $0xFFFFC000  }
0x80: {  	[tilespmem:s13], [sflag:$0x2] =	stream.indirect.gather [hbm4b:s2+s1], $0x80, s22, s1, $0xb8;
	[tilespmem:$0x1CD00] =	vst v63  }
0x81: {  	s31 =	sadd.s32 $0x0, s29  }
0x82: {  	[tilespmem:s14], [sflag:$0x4] =	stream.linear.gather [hbm4b:s31+s4], $0x80, $0x38;
	[tilespmem:$0x1CD00] =	vst v63  }
0x83: {  	_ =	swait.ge [sflag:s25], $0x4000  }
0x84: {  	[sflag:s25] =	ssyncset.done $0x0  }
0x85: {  	[sflag:s25] =	ssyncadd.s32 $0xFFFFC000  }
0x86: {  	s20 =	simm.s32 $0x40;
	_ =	swait.ge [sflag:s26], $0x80  }
0x87: {  	s21 =	simm.s32 $0x13F00;
	s11 =	simm.s32 $0x20;
	[sflag:s26] =	ssyncset.done $0x0  }
0x88: {  	s28 =	sadd.s32 $0x20, s9;
	s12 =	simm.s32 $0x13E00;
	[sflag:s26] =	ssyncadd.s32 $0xFFFFFF80  }
0x89: {  	[spmem:s3] =	stream.indirect.scatter.add.f32 [tilespmem:s17], [sflag:$0x6], $0x80, s19, s1, $0xb8;
	[tilespmem:$0x1CD00] =	vst v63  }
0x8a: {  	s8 =	sand.u32 $0x60, s11;
	s22 =	simm.s32 $0x13D80;
	_ =	swait.ge [sflag:s30], $0x4000  }
.LBB2_2:
0x8b: {  	s28 =	sand.u32 $0xFFFFF80, s28  }
0x8c: {  	s8 =	sadd.s32 s8, s5;
	[sflag:s30] =	ssyncset.done $0x0;
	s31 =	smov.u32 s20  }
0x8d: {  	s7 =	sadd.s32 $0xFFFFFF80, s21;
	s8 =	sadd.s32 s28, s8;
	[sflag:s30] =	ssyncadd.s32 $0xFFFFC000  }
0x8e: {  	[tilespmem:s17], [sflag:$0x3] =	stream.indirect.gather [hbm4b:s2+s1], $0x80, s22, s1, $0xb8;
	[tilespmem:$0x1CD00] =	vst v63  }
0x8f: {  	p1 =	sne.s32 s20, $0x1C0;
	s20 =	sadd.s32 $0x20, s20;
	s8 =	sadd.s32 $0x10, s8  }
0x90: {  	[tilespmem:s19], [sflag:$0x5] =	stream.linear.gather [hbm4b:s8+s4], $0x80, $0x38;
	[tilespmem:$0x1CD00] =	vst v63  }
0x91: {  	s22 =	smov.u32 s7;
	_ =	swait.ge [sflag:s23], $0x4000  }
0x92: {  	[sflag:s23] =	ssyncset.done $0x0  }
0x93: {  	[sflag:s23] =	ssyncadd.s32 $0xFFFFC000  }
0x94: {  	_ =	swait.ge [sflag:s24], $0x80  }
0x95: {  	[sflag:s24] =	ssyncset.done $0x0  }
0x96: {  	[sflag:s24] =	ssyncadd.s32 $0xFFFFFF80  }
0x97: {  	[spmem:s3] =	stream.indirect.scatter.add.f32 [tilespmem:s13], [sflag:$0x6], $0x80, s14, s1, $0xb8;
	[tilespmem:$0x1CD00] =	vst v63  }
0x98: {  	_ =	swait.ge [sflag:s30], $0x4000  }
0x99: {  	[sflag:s30] =	ssyncset.done $0x0  }
0x9a: {  	s7 =	sadd.s32 s11, s29;
	s11 =	smov.u32 s31;
	[sflag:s30] =	ssyncadd.s32 $0xFFFFC000  }
0x9b: {  	[tilespmem:s13], [sflag:$0x2] =	stream.indirect.gather [hbm4b:s2+s1], $0x80, s12, s1, $0xb8;
	[tilespmem:$0x1CD00] =	vst v63  }
0x9c: {  	s12 =	smov.u32 s21  }
0x9d: {  	[tilespmem:s14], [sflag:$0x4] =	stream.linear.gather [hbm4b:s7+s4], $0x80, $0x38;
	[tilespmem:$0x1CD00] =	vst v63  }
0x9e: {  	_ =	swait.ge [sflag:s25], $0x4000  }
0x9f: {  	[sflag:s25] =	ssyncset.done $0x0  }
0xa0: {  	[sflag:s25] =	ssyncadd.s32 $0xFFFFC000  }
.Ltmp2:
0xa1: {  	_ =	swait.ge [sflag:s26], $0x80;
	(pc) =	sbr.rel @p1 .LBB2_2-.Ltmp2, $4  }
0xa2: {  	[sflag:s26] =	ssyncset.done $0x0  }
0xa3: {  	s21 =	sadd.s32 $0x100, s21;
	[sflag:s26] =	ssyncadd.s32 $0xFFFFFF80  }
0xa4: {  	[spmem:s3] =	stream.indirect.scatter.add.f32 [tilespmem:s17], [sflag:$0x6], $0x80, s19, s1, $0xb8;
	[tilespmem:$0x1CD00] =	vst v63  }
0xa5: {  	s28 =	sadd.s32 s11, s9;
	s8 =	sand.u32 $0x60, s11;
	_ =	swait.ge [sflag:s30], $0x4000  }
0xa6: {  	s7 =	sand.u32 $0xFFFFF80, s28;
	s8 =	sadd.s32 s8, s5;
	[sflag:s30] =	ssyncset.done $0x0  }
0xa7: {  	s7 =	sadd.s32 s7, s8;
	[sflag:s30] =	ssyncadd.s32 $0xFFFFC000  }
0xa8: {  	[tilespmem:s17], [sflag:$0x3] =	stream.indirect.gather [hbm4b:s2+s1], $0x80, s22, s1, $0xb8;
	[tilespmem:$0x1CD00] =	vst v63  }
0xa9: {  	s7 =	sadd.s32 $0x10, s7  }
0xaa: {  	[tilespmem:s19], [sflag:$0x5] =	stream.linear.gather [hbm4b:s7+s4], $0x80, $0x38;
	[tilespmem:$0x1CD00] =	vst v63  }
0xab: {  	_ =	swait.ge [sflag:s23], $0x4000  }
0xac: {  	[sflag:s23] =	ssyncset.done $0x0  }
0xad: {  	[sflag:s23] =	ssyncadd.s32 $0xFFFFC000  }
0xae: {  	_ =	swait.ge [sflag:s24], $0x80  }
0xaf: {  	[sflag:s24] =	ssyncset.done $0x0  }
0xb0: {  	[sflag:s24] =	ssyncadd.s32 $0xFFFFFF80  }
0xb1: {  	[spmem:s3] =	stream.indirect.scatter.add.f32 [tilespmem:s13], [sflag:$0x6], $0x80, s14, s1, $0xb8;
	[tilespmem:$0x1CD00] =	vst v63  }
0xb2: {  	_ =	swait.ge [sflag:s30], $0x4000  }
0xb3: {  	[sflag:s30] =	ssyncset.done $0x0  }
0xb4: {  	[sflag:s30] =	ssyncadd.s32 $0xFFFFC000  }
0xb5: {  	[tilespmem:s13], [sflag:$0x2] =	stream.indirect.gather [hbm4b:s2+s1], $0x80, s12, s1, $0xb8;
	[tilespmem:$0x1CD00] =	vst v63  }
0xb6: {  	s21 =	sadd.s32 s11, s29  }
0xb7: {  	[tilespmem:s14], [sflag:$0x4] =	stream.linear.gather [hbm4b:s21+s4], $0x80, $0x38;
	[tilespmem:$0x1CD00] =	vst v63  }
0xb8: {  	_ =	swait.ge [sflag:s25], $0x4000  }
0xb9: {  	[sflag:s25] =	ssyncset.done $0x0  }
0xba: {  	[sflag:s25] =	ssyncadd.s32 $0xFFFFC000  }
0xbb: {  	_ =	swait.ge [sflag:s26], $0x80  }
0xbc: {  	[sflag:s26] =	ssyncset.done $0x0  }
0xbd: {  	[sflag:s26] =	ssyncadd.s32 $0xFFFFFF80  }
0xbe: {  	[spmem:s3] =	stream.indirect.scatter.add.f32 [tilespmem:s17], [sflag:$0x6], $0x80, s19, s1, $0xb8;
	[tilespmem:$0x1CD00] =	vst v63  }
0xbf: {  	_ =	swait.ge [sflag:s30], $0x4000  }
0xc0: {  	[sflag:s30] =	ssyncset.done $0x0  }
0xc1: {  	s31 =	simm.s32 $0x14B80;
	[sflag:s30] =	ssyncadd.s32 $0xFFFFC000  }
0xc2: {  	[tilespmem:s17], [sflag:$0x3] =	stream.indirect.gather [hbm4b:s2+s1], $0x80, s31, s1, $0xb8;
	[tilespmem:$0x1CD00] =	vst v63  }
0xc3: {  	s22 =	rddreg [dreg:$0xf]  }
0xc4: {  	[tilespmem:s19], [sflag:$0x5] =	stream.linear.gather [hbm4b:s22+s4], $0x80, $0x38;
	[tilespmem:$0x1CD00] =	vst v63  }
0xc5: {  	_ =	swait.ge [sflag:s23], $0x4000  }
0xc6: {  	[sflag:s23] =	ssyncset.done $0x0  }
0xc7: {  	[sflag:s23] =	ssyncadd.s32 $0xFFFFC000  }
0xc8: {  	_ =	swait.ge [sflag:s24], $0x80  }
0xc9: {  	[sflag:s24] =	ssyncset.done $0x0  }
0xca: {  	[sflag:s24] =	ssyncadd.s32 $0xFFFFFF80  }
0xcb: {  	[spmem:s3] =	stream.indirect.scatter.add.f32 [tilespmem:s13], [sflag:$0x6], $0x80, s14, s1, $0xb8;
	[tilespmem:$0x1CD00] =	vst v63  }
0xcc: {  	_ =	swait.ge [sflag:s30], $0x4000  }
0xcd: {  	[sflag:s30] =	ssyncset.done $0x0  }
0xce: {  	[sflag:s30] =	ssyncadd.s32 $0xFFFFC000  }
0xcf: {  	_ =	swait.ge [sflag:s25], $0x4000  }
0xd0: {  	[sflag:s25] =	ssyncset.done $0x0  }
0xd1: {  	[sflag:s25] =	ssyncadd.s32 $0xFFFFC000  }
0xd2: {  	_ =	swait.ge [sflag:s26], $0x80  }
0xd3: {  	[sflag:s26] =	ssyncset.done $0x0  }
.Ltmp3:
0xd4: {  	[sflag:s26] =	ssyncadd.s32 $0xFFFFFF80;
	(pc) =	sbr.rel @p0 .LBB2_11-.Ltmp3, $4  }
0xd5: {  	[spmem:s3] =	stream.indirect.scatter.add.f32 [tilespmem:s17], [sflag:$0x6], $0x80, s19, s1, $0xb8;
	[tilespmem:$0x1CD00] =	vst v63  }
0xd6: {  	_ =	swait.ge [sflag:s30], $0x4000  }
0xd7: {  	[sflag:s30] =	ssyncset.done $0x0  }
0xd8: {  	s28 =	simm.s32 $0x13C00;
	[sflag:s30] =	ssyncadd.s32 $0xFFFFC000  }
0xd9: {  	s7 =	simm.s32 $0x0;
	s8 =	rddreg [dreg:$0x9]  }
0xda: {  	[tilespmem:s28], [sflag:$0x1] =	stream.linear.gather [hbm4b:s8+s7], $0x1000, $0x38;
	[tilespmem:$0x1CD00] =	vst v63  }
0xdb: {  	_ =	swait.ge [sflag:s0], $0x1000  }
0xdc: {  	[sflag:s0] =	ssyncset.done $0x0  }
0xdd: {  	[sflag:s0] =	ssyncadd.s32 $0xFFFFF000  }
0xde: {  	[tilespmem:s13], [sflag:$0x2] =	stream.indirect.gather [hbm4b:s2+s1], $0x80, s28, s1, $0xb8;
	[tilespmem:$0x1CD00] =	vst v63  }
0xdf: {  	s20 =	simm.s32 $0x0;
	s12 =	rddreg [dreg:$0xa]  }
0xe0: {  	[tilespmem:s14], [sflag:$0x4] =	stream.linear.gather [hbm4b:s12+s7], $0x80, $0x38;
	[tilespmem:$0x1CD00] =	vst v63  }
0xe1: {  	s21 =	simm.s32 $0x0;
	s11 =	sadd.s32 $0x0, s10;
	s7 =	sand.u32 $0x60, s20  }
0xe2: {  	s8 =	sand.u32 $0x3FFFFF00, s21;
	s12 =	sand.u32 $0x7B80, s11;
	s7 =	sadd.s32 s7, s5  }
0xe3: {  	s22 =	sadd.s32 $0x13C80, s8;
	s7 =	sadd.s32 s12, s7  }
0xe4: {  	[tilespmem:s17], [sflag:$0x3] =	stream.indirect.gather [hbm4b:s2+s1], $0x80, s22, s1, $0xb8;
	[tilespmem:$0x1CD00] =	vst v63  }
0xe5: {  	s7 =	sadd.s32 $0x10, s7  }
0xe6: {  	[tilespmem:s19], [sflag:$0x5] =	stream.linear.gather [hbm4b:s7+s4], $0x80, $0x38;
	[tilespmem:$0x1CD00] =	vst v63  }
0xe7: {  	_ =	swait.ge [sflag:s23], $0x4000  }
0xe8: {  	[sflag:s23] =	ssyncset.done $0x0  }
0xe9: {  	[sflag:s23] =	ssyncadd.s32 $0xFFFFC000  }
0xea: {  	_ =	swait.ge [sflag:s24], $0x80  }
0xeb: {  	[sflag:s24] =	ssyncset.done $0x0  }
0xec: {  	[sflag:s24] =	ssyncadd.s32 $0xFFFFFF80  }
0xed: {  	[spmem:s3] =	stream.indirect.scatter.add.f32 [tilespmem:s13], [sflag:$0x6], $0x80, s14, s1, $0xb8;
	[tilespmem:$0x1CD00] =	vst v63  }
0xee: {  	_ =	swait.ge [sflag:s30], $0x4000  }
0xef: {  	[sflag:s30] =	ssyncset.done $0x0  }
0xf0: {  	s20 =	sadd.s32 $0x13D00, s8;
	[sflag:s30] =	ssyncadd.s32 $0xFFFFC000  }
0xf1: {  	[tilespmem:s13], [sflag:$0x2] =	stream.indirect.gather [hbm4b:s2+s1], $0x80, s20, s1, $0xb8;
	[tilespmem:$0x1CD00] =	vst v63  }
0xf2: {  	s21 =	sadd.s32 s11, s15  }
0xf3: {  	[tilespmem:s14], [sflag:$0x4] =	stream.linear.gather [hbm4b:s21+s4], $0x80, $0x38;
	[tilespmem:$0x1CD00] =	vst v63  }
0xf4: {  	_ =	swait.ge [sflag:s25], $0x4000  }
0xf5: {  	[sflag:s25] =	ssyncset.done $0x0  }
0xf6: {  	s11 =	sadd.s32 $0x20, s10;
	[sflag:s25] =	ssyncadd.s32 $0xFFFFC000  }
0xf7: {  	s12 =	simm.s32 $0x100;
	s22 =	simm.s32 $0x20;
	_ =	swait.ge [sflag:s26], $0x80  }
0xf8: {  	s20 =	simm.s32 $0x2;
	s21 =	sand.u32 $0x60, s22;
	[sflag:s26] =	ssyncset.done $0x0  }
.LBB2_5:
0xf9: {  	s7 =	sand.u32 $0x7B80, s11  }
0xfa: {  	s8 =	sadd.s32 s21, s5;
	[sflag:s26] =	ssyncadd.s32 $0xFFFFFF80;
	s21 =	smov.u32 s20  }
0xfb: {  	[spmem:s3] =	stream.indirect.scatter.add.f32 [tilespmem:s17], [sflag:$0x6], $0x80, s19, s1, $0xb8;
	[tilespmem:$0x1CD00] =	vst v63  }
0xfc: {  	s12 =	sand.u32 $0x3FFFFF00, s12;
	s7 =	sadd.s32 s7, s8;
	_ =	swait.ge [sflag:s30], $0x4000  }
0xfd: {  	s8 =	sadd.s32 $0x1, s20;
	s22 =	sadd.s32 $0x13C80, s12;
	[sflag:s30] =	ssyncset.done $0x0  }
0xfe: {  	p1 =	sne.s32 s20, $0xE;
	s7 =	sadd.s32 $0x10, s7;
	[sflag:s30] =	ssyncadd.s32 $0xFFFFC000  }
0xff: {  	[tilespmem:s17], [sflag:$0x3] =	stream.indirect.gather [hbm4b:s2+s1], $0x80, s22, s1, $0xb8;
	[tilespmem:$0x1CD00] =	vst v63  }
0x100: {  	_ = 	snop  }
0x101: {  	[tilespmem:s19], [sflag:$0x5] =	stream.linear.gather [hbm4b:s7+s4], $0x80, $0x38;
	[tilespmem:$0x1CD00] =	vst v63  }
0x102: {  	_ =	swait.ge [sflag:s23], $0x4000  }
0x103: {  	[sflag:s23] =	ssyncset.done $0x0  }
0x104: {  	[sflag:s23] =	ssyncadd.s32 $0xFFFFC000  }
0x105: {  	_ =	swait.ge [sflag:s24], $0x80  }
0x106: {  	[sflag:s24] =	ssyncset.done $0x0  }
0x107: {  	[sflag:s24] =	ssyncadd.s32 $0xFFFFFF80  }
0x108: {  	[spmem:s3] =	stream.indirect.scatter.add.f32 [tilespmem:s13], [sflag:$0x6], $0x80, s14, s1, $0xb8;
	[tilespmem:$0x1CD00] =	vst v63  }
0x109: {  	_ =	swait.ge [sflag:s30], $0x4000  }
0x10a: {  	[sflag:s30] =	ssyncset.done $0x0  }
0x10b: {  	s7 =	sadd.s32 $0x13D00, s12;
	[sflag:s30] =	ssyncadd.s32 $0xFFFFC000  }
0x10c: {  	[tilespmem:s13], [sflag:$0x2] =	stream.indirect.gather [hbm4b:s2+s1], $0x80, s7, s1, $0xb8;
	[tilespmem:$0x1CD00] =	vst v63  }
0x10d: {  	s7 =	sadd.s32 s11, s15  }
0x10e: {  	[tilespmem:s14], [sflag:$0x4] =	stream.linear.gather [hbm4b:s7+s4], $0x80, $0x38;
	[tilespmem:$0x1CD00] =	vst v63  }
.Ltmp4:
0x10f: {  	_ =	swait.ge [sflag:s25], $0x4000;
	(pc) =	sbr.rel @p1 .LBB2_5-.Ltmp4, $4  }
0x110: {  	[sflag:s25] =	ssyncset.done $0x0  }
0x111: {  	s20 =	smov.u32 s8;
	[sflag:s25] =	ssyncadd.s32 $0xFFFFC000  }
0x112: {  	s12 =	sshll.u32 s21, $0x8;
	s7 =	sshll.u32 s21, $0x5;
	_ =	swait.ge [sflag:s26], $0x80  }
0x113: {  	s11 =	sadd.s32 s10, s7;
	s21 =	sand.u32 $0x60, s7;
	[sflag:s26] =	ssyncset.done $0x0  }
0x114: {  	[sflag:s26] =	ssyncadd.s32 $0xFFFFFF80  }
0x115: {  	[spmem:s3] =	stream.indirect.scatter.add.f32 [tilespmem:s17], [sflag:$0x6], $0x80, s19, s1, $0xb8;
	[tilespmem:$0x1CD00] =	vst v63  }
0x116: {  	s7 =	sand.u32 $0x7B80, s11;
	_ =	swait.ge [sflag:s30], $0x4000  }
0x117: {  	s8 =	sadd.s32 s21, s5;
	s12 =	sand.u32 $0x3FFFFF00, s12;
	[sflag:s30] =	ssyncset.done $0x0  }
0x118: {  	s7 =	sadd.s32 s7, s8;
	s22 =	sadd.s32 $0x13C80, s12;
	[sflag:s30] =	ssyncadd.s32 $0xFFFFC000  }
0x119: {  	[tilespmem:s17], [sflag:$0x3] =	stream.indirect.gather [hbm4b:s2+s1], $0x80, s22, s1, $0xb8;
	[tilespmem:$0x1CD00] =	vst v63  }
0x11a: {  	s7 =	sadd.s32 $0x10, s7  }
0x11b: {  	[tilespmem:s19], [sflag:$0x5] =	stream.linear.gather [hbm4b:s7+s4], $0x80, $0x38;
	[tilespmem:$0x1CD00] =	vst v63  }
0x11c: {  	_ =	swait.ge [sflag:s23], $0x4000  }
0x11d: {  	[sflag:s23] =	ssyncset.done $0x0  }
0x11e: {  	[sflag:s23] =	ssyncadd.s32 $0xFFFFC000  }
0x11f: {  	_ =	swait.ge [sflag:s24], $0x80  }
0x120: {  	[sflag:s24] =	ssyncset.done $0x0  }
0x121: {  	[sflag:s24] =	ssyncadd.s32 $0xFFFFFF80  }
0x122: {  	[spmem:s3] =	stream.indirect.scatter.add.f32 [tilespmem:s13], [sflag:$0x6], $0x80, s14, s1, $0xb8;
	[tilespmem:$0x1CD00] =	vst v63  }
0x123: {  	_ =	swait.ge [sflag:s30], $0x4000  }
0x124: {  	[sflag:s30] =	ssyncset.done $0x0  }
0x125: {  	s8 =	sadd.s32 $0x13D00, s12;
	[sflag:s30] =	ssyncadd.s32 $0xFFFFC000  }
0x126: {  	[tilespmem:s13], [sflag:$0x2] =	stream.indirect.gather [hbm4b:s2+s1], $0x80, s8, s1, $0xb8;
	[tilespmem:$0x1CD00] =	vst v63  }
0x127: {  	s12 =	sadd.s32 s11, s15  }
0x128: {  	[tilespmem:s14], [sflag:$0x4] =	stream.linear.gather [hbm4b:s12+s4], $0x80, $0x38;
	[tilespmem:$0x1CD00] =	vst v63  }
0x129: {  	_ =	swait.ge [sflag:s25], $0x4000  }
0x12a: {  	[sflag:s25] =	ssyncset.done $0x0  }
0x12b: {  	[sflag:s25] =	ssyncadd.s32 $0xFFFFC000  }
0x12c: {  	_ =	swait.ge [sflag:s26], $0x80  }
0x12d: {  	[sflag:s26] =	ssyncset.done $0x0  }
0x12e: {  	[sflag:s26] =	ssyncadd.s32 $0xFFFFFF80  }
0x12f: {  	[spmem:s3] =	stream.indirect.scatter.add.f32 [tilespmem:s17], [sflag:$0x6], $0x80, s19, s1, $0xb8;
	[tilespmem:$0x1CD00] =	vst v63  }
0x130: {  	_ =	swait.ge [sflag:s30], $0x4000  }
0x131: {  	[sflag:s30] =	ssyncset.done $0x0  }
0x132: {  	[sflag:s30] =	ssyncadd.s32 $0xFFFFC000  }
0x133: {  	[tilespmem:s17], [sflag:$0x3] =	stream.indirect.gather [hbm4b:s2+s1], $0x80, s31, s1, $0xb8;
	[tilespmem:$0x1CD00] =	vst v63  }
0x134: {  	s20 =	simm.s32 $0x0;
	s21 =	rddreg [dreg:$0x10]  }
0x135: {  	[tilespmem:s19], [sflag:$0x5] =	stream.linear.gather [hbm4b:s21+s20], $0x80, $0x38;
	[tilespmem:$0x1CD00] =	vst v63  }
0x136: {  	_ =	swait.ge [sflag:s23], $0x4000  }
0x137: {  	[sflag:s23] =	ssyncset.done $0x0  }
0x138: {  	[sflag:s23] =	ssyncadd.s32 $0xFFFFC000  }
0x139: {  	_ =	swait.ge [sflag:s24], $0x80  }
0x13a: {  	[sflag:s24] =	ssyncset.done $0x0  }
0x13b: {  	[sflag:s24] =	ssyncadd.s32 $0xFFFFFF80  }
0x13c: {  	[spmem:s3] =	stream.indirect.scatter.add.f32 [tilespmem:s13], [sflag:$0x6], $0x80, s14, s1, $0xb8;
	[tilespmem:$0x1CD00] =	vst v63  }
0x13d: {  	_ =	swait.ge [sflag:s30], $0x4000  }
0x13e: {  	[sflag:s30] =	ssyncset.done $0x0  }
0x13f: {  	[sflag:s30] =	ssyncadd.s32 $0xFFFFC000  }
0x140: {  	_ =	swait.ge [sflag:s25], $0x4000  }
0x141: {  	[sflag:s25] =	ssyncset.done $0x0  }
0x142: {  	[sflag:s25] =	ssyncadd.s32 $0xFFFFC000  }
0x143: {  	_ =	swait.ge [sflag:s26], $0x80  }
0x144: {  	[sflag:s26] =	ssyncset.done $0x0  }
0x145: {  	[sflag:s26] =	ssyncadd.s32 $0xFFFFFF80  }
0x146: {  	[spmem:s3] =	stream.indirect.scatter.add.f32 [tilespmem:s17], [sflag:$0x6], $0x80, s19, s1, $0xb8;
	[tilespmem:$0x1CD00] =	vst v63  }
0x147: {  	_ =	swait.ge [sflag:s30], $0x4000  }
0x148: {  	[sflag:s30] =	ssyncset.done $0x0  }
0x149: {  	s22 =	rddreg [dreg:$0xb];
	[sflag:s30] =	ssyncadd.s32 $0xFFFFC000  }
0x14a: {  	[tilespmem:s28], [sflag:$0x1] =	stream.linear.gather [hbm4b:s22+s20], $0x1000, $0x38;
	[tilespmem:$0x1CD00] =	vst v63  }
0x14b: {  	_ =	swait.ge [sflag:s0], $0x1000  }
0x14c: {  	[sflag:s0] =	ssyncset.done $0x0  }
0x14d: {  	[sflag:s0] =	ssyncadd.s32 $0xFFFFF000  }
0x14e: {  	[tilespmem:s13], [sflag:$0x2] =	stream.indirect.gather [hbm4b:s2+s1], $0x80, s28, s1, $0xb8;
	[tilespmem:$0x1CD00] =	vst v63  }
0x14f: {  	s12 =	simm.s32 $0x0;
	s11 =	rddreg [dreg:$0x13]  }
0x150: {  	[tilespmem:s14], [sflag:$0x4] =	stream.linear.gather [hbm4b:s11+s20], $0x80, $0x38;
	[tilespmem:$0x1CD00] =	vst v63  }
0x151: {  	s7 =	sand.u32 $0x60, s12;
	s20 =	simm.s32 $0x0;
	s11 =	sadd.s32 $0x0, s16  }
0x152: {  	s7 =	sadd.s32 s7, s5;
	s21 =	sand.u32 $0xFFFFF80, s11;
	s8 =	sand.u32 $0x3FFFFF00, s20  }
0x153: {  	s7 =	sadd.s32 s21, s7;
	s22 =	sadd.s32 $0x13C80, s8  }
0x154: {  	[tilespmem:s17], [sflag:$0x3] =	stream.indirect.gather [hbm4b:s2+s1], $0x80, s22, s1, $0xb8;
	[tilespmem:$0x1CD00] =	vst v63  }
0x155: {  	s7 =	sadd.s32 $0x10, s7  }
0x156: {  	[tilespmem:s19], [sflag:$0x5] =	stream.linear.gather [hbm4b:s7+s4], $0x80, $0x38;
	[tilespmem:$0x1CD00] =	vst v63  }
0x157: {  	_ =	swait.ge [sflag:s23], $0x4000  }
0x158: {  	[sflag:s23] =	ssyncset.done $0x0  }
0x159: {  	[sflag:s23] =	ssyncadd.s32 $0xFFFFC000  }
0x15a: {  	_ =	swait.ge [sflag:s24], $0x80  }
0x15b: {  	[sflag:s24] =	ssyncset.done $0x0  }
0x15c: {  	[sflag:s24] =	ssyncadd.s32 $0xFFFFFF80  }
0x15d: {  	[spmem:s3] =	stream.indirect.scatter.add.f32 [tilespmem:s13], [sflag:$0x6], $0x80, s14, s1, $0xb8;
	[tilespmem:$0x1CD00] =	vst v63  }
0x15e: {  	_ =	swait.ge [sflag:s30], $0x4000  }
0x15f: {  	[sflag:s30] =	ssyncset.done $0x0  }
0x160: {  	s20 =	sadd.s32 $0x13D00, s8;
	[sflag:s30] =	ssyncadd.s32 $0xFFFFC000  }
0x161: {  	[tilespmem:s13], [sflag:$0x2] =	stream.indirect.gather [hbm4b:s2+s1], $0x80, s20, s1, $0xb8;
	[tilespmem:$0x1CD00] =	vst v63  }
0x162: {  	s21 =	sadd.s32 s11, s15  }
0x163: {  	[tilespmem:s14], [sflag:$0x4] =	stream.linear.gather [hbm4b:s21+s4], $0x80, $0x38;
	[tilespmem:$0x1CD00] =	vst v63  }
0x164: {  	_ =	swait.ge [sflag:s25], $0x4000  }
0x165: {  	[sflag:s25] =	ssyncset.done $0x0  }
0x166: {  	s12 =	simm.s32 $0x100;
	[sflag:s25] =	ssyncadd.s32 $0xFFFFC000  }
0x167: {  	s11 =	sadd.s32 $0x20, s16;
	s22 =	simm.s32 $0x20;
	_ =	swait.ge [sflag:s26], $0x80  }
0x168: {  	s20 =	simm.s32 $0x2;
	s21 =	sand.u32 $0x60, s22;
	[sflag:s26] =	ssyncset.done $0x0  }
.LBB2_7:
0x169: {  	s7 =	sand.u32 $0xFFFFF80, s11  }
0x16a: {  	s8 =	sadd.s32 s21, s5;
	[sflag:s26] =	ssyncadd.s32 $0xFFFFFF80;
	s21 =	smov.u32 s20  }
0x16b: {  	[spmem:s3] =	stream.indirect.scatter.add.f32 [tilespmem:s17], [sflag:$0x6], $0x80, s19, s1, $0xb8;
	[tilespmem:$0x1CD00] =	vst v63  }
0x16c: {  	s12 =	sand.u32 $0x3FFFFF00, s12;
	s7 =	sadd.s32 s7, s8;
	_ =	swait.ge [sflag:s30], $0x4000  }
0x16d: {  	s8 =	sadd.s32 $0x1, s20;
	s22 =	sadd.s32 $0x13C80, s12;
	[sflag:s30] =	ssyncset.done $0x0  }
0x16e: {  	p1 =	sne.s32 s20, $0xE;
	s7 =	sadd.s32 $0x10, s7;
	[sflag:s30] =	ssyncadd.s32 $0xFFFFC000  }
0x16f: {  	[tilespmem:s17], [sflag:$0x3] =	stream.indirect.gather [hbm4b:s2+s1], $0x80, s22, s1, $0xb8;
	[tilespmem:$0x1CD00] =	vst v63  }
0x170: {  	_ = 	snop  }
0x171: {  	[tilespmem:s19], [sflag:$0x5] =	stream.linear.gather [hbm4b:s7+s4], $0x80, $0x38;
	[tilespmem:$0x1CD00] =	vst v63  }
0x172: {  	_ =	swait.ge [sflag:s23], $0x4000  }
0x173: {  	[sflag:s23] =	ssyncset.done $0x0  }
0x174: {  	[sflag:s23] =	ssyncadd.s32 $0xFFFFC000  }
0x175: {  	_ =	swait.ge [sflag:s24], $0x80  }
0x176: {  	[sflag:s24] =	ssyncset.done $0x0  }
0x177: {  	[sflag:s24] =	ssyncadd.s32 $0xFFFFFF80  }
0x178: {  	[spmem:s3] =	stream.indirect.scatter.add.f32 [tilespmem:s13], [sflag:$0x6], $0x80, s14, s1, $0xb8;
	[tilespmem:$0x1CD00] =	vst v63  }
0x179: {  	_ =	swait.ge [sflag:s30], $0x4000  }
0x17a: {  	[sflag:s30] =	ssyncset.done $0x0  }
0x17b: {  	s7 =	sadd.s32 $0x13D00, s12;
	[sflag:s30] =	ssyncadd.s32 $0xFFFFC000  }
0x17c: {  	[tilespmem:s13], [sflag:$0x2] =	stream.indirect.gather [hbm4b:s2+s1], $0x80, s7, s1, $0xb8;
	[tilespmem:$0x1CD00] =	vst v63  }
0x17d: {  	s7 =	sadd.s32 s11, s15  }
0x17e: {  	[tilespmem:s14], [sflag:$0x4] =	stream.linear.gather [hbm4b:s7+s4], $0x80, $0x38;
	[tilespmem:$0x1CD00] =	vst v63  }
.Ltmp5:
0x17f: {  	_ =	swait.ge [sflag:s25], $0x4000;
	(pc) =	sbr.rel @p1 .LBB2_7-.Ltmp5, $4  }
0x180: {  	[sflag:s25] =	ssyncset.done $0x0  }
0x181: {  	s20 =	smov.u32 s8;
	[sflag:s25] =	ssyncadd.s32 $0xFFFFC000  }
0x182: {  	s12 =	sshll.u32 s21, $0x8;
	s7 =	sshll.u32 s21, $0x5;
	_ =	swait.ge [sflag:s26], $0x80  }
0x183: {  	s11 =	sadd.s32 s16, s7;
	s21 =	sand.u32 $0x60, s7;
	[sflag:s26] =	ssyncset.done $0x0  }
0x184: {  	[sflag:s26] =	ssyncadd.s32 $0xFFFFFF80  }
0x185: {  	[spmem:s3] =	stream.indirect.scatter.add.f32 [tilespmem:s17], [sflag:$0x6], $0x80, s19, s1, $0xb8;
	[tilespmem:$0x1CD00] =	vst v63  }
0x186: {  	s7 =	sand.u32 $0xFFFFF80, s11;
	_ =	swait.ge [sflag:s30], $0x4000  }
0x187: {  	s8 =	sadd.s32 s21, s5;
	s12 =	sand.u32 $0x3FFFFF00, s12;
	[sflag:s30] =	ssyncset.done $0x0  }
0x188: {  	s7 =	sadd.s32 s7, s8;
	s22 =	sadd.s32 $0x13C80, s12;
	[sflag:s30] =	ssyncadd.s32 $0xFFFFC000  }
0x189: {  	[tilespmem:s17], [sflag:$0x3] =	stream.indirect.gather [hbm4b:s2+s1], $0x80, s22, s1, $0xb8;
	[tilespmem:$0x1CD00] =	vst v63  }
0x18a: {  	s7 =	sadd.s32 $0x10, s7  }
0x18b: {  	[tilespmem:s19], [sflag:$0x5] =	stream.linear.gather [hbm4b:s7+s4], $0x80, $0x38;
	[tilespmem:$0x1CD00] =	vst v63  }
0x18c: {  	_ =	swait.ge [sflag:s23], $0x4000  }
0x18d: {  	[sflag:s23] =	ssyncset.done $0x0  }
0x18e: {  	[sflag:s23] =	ssyncadd.s32 $0xFFFFC000  }
0x18f: {  	_ =	swait.ge [sflag:s24], $0x80  }
0x190: {  	[sflag:s24] =	ssyncset.done $0x0  }
0x191: {  	[sflag:s24] =	ssyncadd.s32 $0xFFFFFF80  }
0x192: {  	[spmem:s3] =	stream.indirect.scatter.add.f32 [tilespmem:s13], [sflag:$0x6], $0x80, s14, s1, $0xb8;
	[tilespmem:$0x1CD00] =	vst v63  }
0x193: {  	_ =	swait.ge [sflag:s30], $0x4000  }
0x194: {  	[sflag:s30] =	ssyncset.done $0x0  }
0x195: {  	s8 =	sadd.s32 $0x13D00, s12;
	[sflag:s30] =	ssyncadd.s32 $0xFFFFC000  }
0x196: {  	[tilespmem:s13], [sflag:$0x2] =	stream.indirect.gather [hbm4b:s2+s1], $0x80, s8, s1, $0xb8;
	[tilespmem:$0x1CD00] =	vst v63  }
0x197: {  	s12 =	sadd.s32 s11, s15  }
0x198: {  	[tilespmem:s14], [sflag:$0x4] =	stream.linear.gather [hbm4b:s12+s4], $0x80, $0x38;
	[tilespmem:$0x1CD00] =	vst v63  }
0x199: {  	_ =	swait.ge [sflag:s25], $0x4000  }
0x19a: {  	[sflag:s25] =	ssyncset.done $0x0  }
0x19b: {  	[sflag:s25] =	ssyncadd.s32 $0xFFFFC000  }
0x19c: {  	_ =	swait.ge [sflag:s26], $0x80  }
0x19d: {  	[sflag:s26] =	ssyncset.done $0x0  }
0x19e: {  	[sflag:s26] =	ssyncadd.s32 $0xFFFFFF80  }
0x19f: {  	[spmem:s3] =	stream.indirect.scatter.add.f32 [tilespmem:s17], [sflag:$0x6], $0x80, s19, s1, $0xb8;
	[tilespmem:$0x1CD00] =	vst v63  }
0x1a0: {  	_ =	swait.ge [sflag:s30], $0x4000  }
0x1a1: {  	[sflag:s30] =	ssyncset.done $0x0  }
0x1a2: {  	[sflag:s30] =	ssyncadd.s32 $0xFFFFC000  }
0x1a3: {  	[tilespmem:s17], [sflag:$0x3] =	stream.indirect.gather [hbm4b:s2+s1], $0x80, s31, s1, $0xb8;
	[tilespmem:$0x1CD00] =	vst v63  }
0x1a4: {  	s20 =	simm.s32 $0x0;
	s21 =	rddreg [dreg:$0x11]  }
0x1a5: {  	[tilespmem:s19], [sflag:$0x5] =	stream.linear.gather [hbm4b:s21+s20], $0x80, $0x38;
	[tilespmem:$0x1CD00] =	vst v63  }
0x1a6: {  	_ =	swait.ge [sflag:s23], $0x4000  }
0x1a7: {  	[sflag:s23] =	ssyncset.done $0x0  }
0x1a8: {  	[sflag:s23] =	ssyncadd.s32 $0xFFFFC000  }
0x1a9: {  	_ =	swait.ge [sflag:s24], $0x80  }
0x1aa: {  	[sflag:s24] =	ssyncset.done $0x0  }
0x1ab: {  	[sflag:s24] =	ssyncadd.s32 $0xFFFFFF80  }
0x1ac: {  	[spmem:s3] =	stream.indirect.scatter.add.f32 [tilespmem:s13], [sflag:$0x6], $0x80, s14, s1, $0xb8;
	[tilespmem:$0x1CD00] =	vst v63  }
0x1ad: {  	_ =	swait.ge [sflag:s30], $0x4000  }
0x1ae: {  	[sflag:s30] =	ssyncset.done $0x0  }
0x1af: {  	[sflag:s30] =	ssyncadd.s32 $0xFFFFC000  }
0x1b0: {  	_ =	swait.ge [sflag:s25], $0x4000  }
0x1b1: {  	[sflag:s25] =	ssyncset.done $0x0  }
0x1b2: {  	[sflag:s25] =	ssyncadd.s32 $0xFFFFC000  }
0x1b3: {  	_ =	swait.ge [sflag:s26], $0x80  }
0x1b4: {  	[sflag:s26] =	ssyncset.done $0x0  }
0x1b5: {  	[sflag:s26] =	ssyncadd.s32 $0xFFFFFF80  }
0x1b6: {  	[spmem:s3] =	stream.indirect.scatter.add.f32 [tilespmem:s17], [sflag:$0x6], $0x80, s19, s1, $0xb8;
	[tilespmem:$0x1CD00] =	vst v63  }
0x1b7: {  	_ =	swait.ge [sflag:s30], $0x4000  }
0x1b8: {  	[sflag:s30] =	ssyncset.done $0x0  }
0x1b9: {  	s22 =	rddreg [dreg:$0xc];
	[sflag:s30] =	ssyncadd.s32 $0xFFFFC000  }
0x1ba: {  	[tilespmem:s28], [sflag:$0x1] =	stream.linear.gather [hbm4b:s22+s20], $0x1000, $0x38;
	[tilespmem:$0x1CD00] =	vst v63  }
0x1bb: {  	_ =	swait.ge [sflag:s0], $0x1000  }
0x1bc: {  	[sflag:s0] =	ssyncset.done $0x0  }
0x1bd: {  	[sflag:s0] =	ssyncadd.s32 $0xFFFFF000  }
0x1be: {  	[tilespmem:s13], [sflag:$0x2] =	stream.indirect.gather [hbm4b:s2+s1], $0x80, s28, s1, $0xb8;
	[tilespmem:$0x1CD00] =	vst v63  }
0x1bf: {  	s12 =	simm.s32 $0x0;
	s11 =	rddreg [dreg:$0x14]  }
0x1c0: {  	[tilespmem:s14], [sflag:$0x4] =	stream.linear.gather [hbm4b:s11+s20], $0x80, $0x38;
	[tilespmem:$0x1CD00] =	vst v63  }
0x1c1: {  	s7 =	sand.u32 $0x60, s12;
	s20 =	simm.s32 $0x0;
	s11 =	sadd.s32 $0x0, s18  }
0x1c2: {  	s7 =	sadd.s32 s7, s5;
	s21 =	sand.u32 $0xFFFFF80, s11;
	s8 =	sand.u32 $0x3FFFFF00, s20  }
0x1c3: {  	s7 =	sadd.s32 s21, s7;
	s22 =	sadd.s32 $0x13C80, s8  }
0x1c4: {  	[tilespmem:s17], [sflag:$0x3] =	stream.indirect.gather [hbm4b:s2+s1], $0x80, s22, s1, $0xb8;
	[tilespmem:$0x1CD00] =	vst v63  }
0x1c5: {  	s7 =	sadd.s32 $0x10, s7  }
0x1c6: {  	[tilespmem:s19], [sflag:$0x5] =	stream.linear.gather [hbm4b:s7+s4], $0x80, $0x38;
	[tilespmem:$0x1CD00] =	vst v63  }
0x1c7: {  	_ =	swait.ge [sflag:s23], $0x4000  }
0x1c8: {  	[sflag:s23] =	ssyncset.done $0x0  }
0x1c9: {  	[sflag:s23] =	ssyncadd.s32 $0xFFFFC000  }
0x1ca: {  	_ =	swait.ge [sflag:s24], $0x80  }
0x1cb: {  	[sflag:s24] =	ssyncset.done $0x0  }
0x1cc: {  	[sflag:s24] =	ssyncadd.s32 $0xFFFFFF80  }
0x1cd: {  	[spmem:s3] =	stream.indirect.scatter.add.f32 [tilespmem:s13], [sflag:$0x6], $0x80, s14, s1, $0xb8;
	[tilespmem:$0x1CD00] =	vst v63  }
0x1ce: {  	_ =	swait.ge [sflag:s30], $0x4000  }
0x1cf: {  	[sflag:s30] =	ssyncset.done $0x0  }
0x1d0: {  	s20 =	sadd.s32 $0x13D00, s8;
	[sflag:s30] =	ssyncadd.s32 $0xFFFFC000  }
0x1d1: {  	[tilespmem:s13], [sflag:$0x2] =	stream.indirect.gather [hbm4b:s2+s1], $0x80, s20, s1, $0xb8;
	[tilespmem:$0x1CD00] =	vst v63  }
0x1d2: {  	s21 =	sadd.s32 s11, s15  }
0x1d3: {  	[tilespmem:s14], [sflag:$0x4] =	stream.linear.gather [hbm4b:s21+s4], $0x80, $0x38;
	[tilespmem:$0x1CD00] =	vst v63  }
0x1d4: {  	_ =	swait.ge [sflag:s25], $0x4000  }
0x1d5: {  	[sflag:s25] =	ssyncset.done $0x0  }
0x1d6: {  	s12 =	simm.s32 $0x100;
	[sflag:s25] =	ssyncadd.s32 $0xFFFFC000  }
0x1d7: {  	s11 =	sadd.s32 $0x20, s18;
	s22 =	simm.s32 $0x20;
	_ =	swait.ge [sflag:s26], $0x80  }
0x1d8: {  	s20 =	simm.s32 $0x2;
	s21 =	sand.u32 $0x60, s22;
	[sflag:s26] =	ssyncset.done $0x0  }
.LBB2_9:
0x1d9: {  	s7 =	sand.u32 $0xFFFFF80, s11  }
0x1da: {  	s8 =	sadd.s32 s21, s5;
	[sflag:s26] =	ssyncadd.s32 $0xFFFFFF80;
	s21 =	smov.u32 s20  }
0x1db: {  	[spmem:s3] =	stream.indirect.scatter.add.f32 [tilespmem:s17], [sflag:$0x6], $0x80, s19, s1, $0xb8;
	[tilespmem:$0x1CD00] =	vst v63  }
0x1dc: {  	s12 =	sand.u32 $0x3FFFFF00, s12;
	s7 =	sadd.s32 s7, s8;
	_ =	swait.ge [sflag:s30], $0x4000  }
0x1dd: {  	s8 =	sadd.s32 $0x1, s20;
	s22 =	sadd.s32 $0x13C80, s12;
	[sflag:s30] =	ssyncset.done $0x0  }
0x1de: {  	p1 =	sne.s32 s20, $0xE;
	s7 =	sadd.s32 $0x10, s7;
	[sflag:s30] =	ssyncadd.s32 $0xFFFFC000  }
0x1df: {  	[tilespmem:s17], [sflag:$0x3] =	stream.indirect.gather [hbm4b:s2+s1], $0x80, s22, s1, $0xb8;
	[tilespmem:$0x1CD00] =	vst v63  }
0x1e0: {  	_ = 	snop  }
0x1e1: {  	[tilespmem:s19], [sflag:$0x5] =	stream.linear.gather [hbm4b:s7+s4], $0x80, $0x38;
	[tilespmem:$0x1CD00] =	vst v63  }
0x1e2: {  	_ =	swait.ge [sflag:s23], $0x4000  }
0x1e3: {  	[sflag:s23] =	ssyncset.done $0x0  }
0x1e4: {  	[sflag:s23] =	ssyncadd.s32 $0xFFFFC000  }
0x1e5: {  	_ =	swait.ge [sflag:s24], $0x80  }
0x1e6: {  	[sflag:s24] =	ssyncset.done $0x0  }
0x1e7: {  	[sflag:s24] =	ssyncadd.s32 $0xFFFFFF80  }
0x1e8: {  	[spmem:s3] =	stream.indirect.scatter.add.f32 [tilespmem:s13], [sflag:$0x6], $0x80, s14, s1, $0xb8;
	[tilespmem:$0x1CD00] =	vst v63  }
0x1e9: {  	_ =	swait.ge [sflag:s30], $0x4000  }
0x1ea: {  	[sflag:s30] =	ssyncset.done $0x0  }
0x1eb: {  	s7 =	sadd.s32 $0x13D00, s12;
	[sflag:s30] =	ssyncadd.s32 $0xFFFFC000  }
0x1ec: {  	[tilespmem:s13], [sflag:$0x2] =	stream.indirect.gather [hbm4b:s2+s1], $0x80, s7, s1, $0xb8;
	[tilespmem:$0x1CD00] =	vst v63  }
0x1ed: {  	s7 =	sadd.s32 s11, s15  }
0x1ee: {  	[tilespmem:s14], [sflag:$0x4] =	stream.linear.gather [hbm4b:s7+s4], $0x80, $0x38;
	[tilespmem:$0x1CD00] =	vst v63  }
.Ltmp6:
0x1ef: {  	_ =	swait.ge [sflag:s25], $0x4000;
	(pc) =	sbr.rel @p1 .LBB2_9-.Ltmp6, $4  }
0x1f0: {  	[sflag:s25] =	ssyncset.done $0x0  }
0x1f1: {  	s20 =	smov.u32 s8;
	[sflag:s25] =	ssyncadd.s32 $0xFFFFC000  }
0x1f2: {  	s12 =	sshll.u32 s21, $0x8;
	s7 =	sshll.u32 s21, $0x5;
	_ =	swait.ge [sflag:s26], $0x80  }
0x1f3: {  	s11 =	sadd.s32 s18, s7;
	s21 =	sand.u32 $0x60, s7;
	[sflag:s26] =	ssyncset.done $0x0  }
.Ltmp7:
0x1f4: {  	_ = 	snop;
	(pc) =	sbr.rel .LBB2_10-.Ltmp7, $1  }
0x1f5: {  	_ =	sdelay $0x3  }
.LBB2_12:
0x1f6: {  	_ =	sfence.sel $0x180000  }
0x1f7: {  	[bflag:$0x0] =	sbarrier.arrive $0xFFFF  }
0x1f8: {  	_ =	strace $0x90000047  }
0x1f9: {  	s0 =	stileid.u32;
	[bflag:$0x2] =	sbarrier.arrive $0xFFFF  }
0x1fa: {  	p0 =	sne.s32 s0, $0x0;
	s0 =	rddreg [dreg:$0x3]  }
0x1fb: {  	s0 =	sadd.s32 @!p0 $0x100000, s0  }
0x1fc: {  	[sflag:s0] =	ssyncadd.tile.s32 @!p0 $0x1;
	_ =	shalt  }
.Lfunc_end2:
_tile_overlayer_lowered:
.L_overlay_start_2:
0x1fd: {  	(tag) =	ssettag $0x2  }
0x1fe: {  	s0 =	rddreg [dreg:$0x0];
	s2 =	stileid.u32  }
0x1ff: {  	s1 =	rddreg [dreg:$0x1];
	p0 =	sne.s32 s2, $0x0  }
0x200: {  	s3 =	rddreg [dreg:$0x2];
	[bflag:$0x3] =	sbarrier.arrive $0xFFFF;
	s2 =	simm.s32 @!p0 $0x1C06  }
0x201: {  	[timem:s3], [sflag:s2] =	dma.local @!p0 [hbm:s0], s1  }
0x202: {  	s0 =	simm.s32 @!p0 $0x6  }
0x203: {  	_ =	swait.ge @!p0 [sflag:s0], s1  }
0x204: {  	s1 =	ssub.s32 @!p0 $0x0, s1;
	[sflag:s0] =	ssyncset.done @!p0 $0x0  }
0x205: {  	[sflag:s0] =	ssyncadd.s32 @!p0 s1  }
0x206: {  	[bflag:$0x3] =	sbarrier.arrive $0xFFFF  }
0x207: {  	_ =	shalt  }

</sc_bundles>
